<compile_context>
chip_gen: v7x
topology: tpu7x:2x2x1
jax: 0.10.2.dev20260603
libtpu: 0.0.44.dev20260713+nightly
codegen_flags: <defaults>
</compile_context>

<pallas_src>
import functools
import numpy as np
import jax
import jax.numpy as jnp
from jax import lax
from jax.experimental import pallas as pl
from jax.experimental.pallas import tpu as pltpu
from jax.experimental.pallas import tpu_sc as plsc

B = 8192
N_T = 10
N_R = 16
E = 64
D = 64
H = 64
N_PAIR = 45

_PAIR_I = tuple(int(i) for i in range(N_T) for j in range(i + 1, N_T))
_PAIR_J = tuple(int(j) for i in range(N_T) for j in range(i + 1, N_T))

NT2 = N_T * N_T
NR2 = N_R * N_R
BB = 64
NW = 32
GPW = B // NW
CH = 16



NGRP = B // CH
GRP_PW = NGRP // NW


def _sc_hist(task_edge2, res_edge2):
    tt = task_edge2.reshape(NGRP, CH, 2 * E).transpose(0, 2, 1)
    rt = res_edge2.reshape(NGRP, CH, 2 * E).transpose(0, 2, 1)
    mesh = plsc.VectorSubcoreMesh(core_axis_name="c", subcore_axis_name="s")

    @functools.partial(
        pl.kernel,
        mesh=mesh,
        out_type=(
            jax.ShapeDtypeStruct((B * NT2,), jnp.float32),
            jax.ShapeDtypeStruct((B * NR2,), jnp.float32),
        ),
        scratch_types=[
            pltpu.VMEM((2 * E, CH), jnp.int32),
            pltpu.VMEM((2 * E, CH), jnp.int32),
            pltpu.VMEM((CH * NT2,), jnp.float32),
            pltpu.VMEM((CH * NR2,), jnp.float32),
        ],
        compiler_params=pltpu.CompilerParams(needs_layout_passes=False),
    )
    def k(te_hbm, re_hbm, at_hbm, ar_hbm, tev, rev, acct, accr):
        wid = lax.axis_index("s") * 2 + lax.axis_index("c")
        ones = jnp.full((16,), 1.0, jnp.float32)
        zeros = jnp.zeros((16,), jnp.float32)
        lane = lax.iota(jnp.int32, 16)

        def chunk(ci, carry):
            grp = wid * GRP_PW + ci
            pltpu.sync_copy(te_hbm.at[grp], tev)
            pltpu.sync_copy(re_hbm.at[grp], rev)
            for z in range(CH * NT2 // 16):
                acct[pl.ds(z * 16, 16)] = zeros
            for z in range(CH * NR2 // 16):
                accr[pl.ds(z * 16, 16)] = zeros
            for e in range(E):
                st = tev[e]
                dt = tev[e + E]
                plsc.addupdate_scatter(acct, [lane * NT2 + dt * N_T + st], ones)
                sr = rev[e]
                dr = rev[e + E]
                plsc.addupdate_scatter(accr, [lane * NR2 + dr * N_R + sr], ones)
            pltpu.sync_copy(acct, at_hbm.at[pl.ds(grp * CH * NT2, CH * NT2)])
            pltpu.sync_copy(accr, ar_hbm.at[pl.ds(grp * CH * NR2, CH * NR2)])
            return carry

        lax.fori_loop(0, GRP_PW, chunk, 0)

    return k(tt, rt)


def _layer_norm(z, g, b):
    m = z.mean(-1, keepdims=True)
    v = ((z - m) * (z - m)).mean(-1, keepdims=True)
    return (z - m) * lax.rsqrt(v + 1e-5) * g + b


def _tree_sum(terms):
    while len(terms) > 1:
        nxt = [terms[i] + terms[i + 1] for i in range(0, len(terms) - 1, 2)]
        if len(terms) % 2:
            nxt.append(terms[-1])
        terms = nxt
    return terms[0]


def _agg(An3, x3, n):
    return jax.lax.dot_general(An3, x3, (((2,), (1,)), ((0,), (0,))),
                               preferred_element_type=jnp.float32)


def _gnn_block(x3, n, f_in, A_ref,
               Wl1, bl1, Wr1, Wl2, bl2, Wr2, g1, b1, g2, b2, Wp, bp):
    A3 = A_ref[...].reshape(BB, n, n)
    cnt3 = A3.sum(-1, keepdims=True)
    An3 = A3 * (1.0 / jnp.maximum(cnt3, 1.0))

    xf = x3.reshape(BB * n, f_in)
    xl = jnp.dot(xf, Wl1, preferred_element_type=jnp.float32).reshape(BB, n, H)
    xr = jnp.dot(xf, Wr1, preferred_element_type=jnp.float32).reshape(BB, n, H)
    z1 = _agg(An3, xl, n) + bl1 + xr
    h1 = jnp.maximum(_layer_norm(z1, g1, b1), 0.0)

    h1f = h1.reshape(BB * n, H)
    hl = jnp.dot(h1f, Wl2, preferred_element_type=jnp.float32).reshape(BB, n, H)
    hr = jnp.dot(h1f, Wr2, preferred_element_type=jnp.float32).reshape(BB, n, H)
    z2 = _agg(An3, hl, n) + bl2 + hr
    h2 = jnp.maximum(_layer_norm(z2, g2, b2), 0.0)
    node = jnp.dot(h2.reshape(BB * n, H), Wp,
                   preferred_element_type=jnp.float32) + bp
    return node.reshape(BB, n, D)


def _fwd_kernel(tx_ref, at_ref, rx_ref, ar_ref, fb_ref,
                tWl1, tbl1, tWr1, tWl2, tbl2, tWr2, tg1, tb1, tg2, tb2, tWp, tbp,
                rWl1, rbl1, rWr1, rWl2, rbl2, rWr2, rg1, rb1, rg2, rb2, rWp, rbp,
                Wq, Wk, Wv, Wo, bo,
                wnoop_t, wnoop_r, wnoop_rb, wnoop_fb, bnoop,
                wval_t, wval_r, wval_rb, wval_fb, bval,
                wsplit, bsplit, Wm1, bm1, wm2, bm2, si_ref, sj_ref,
                logits_ref, value_ref):
    tx = tx_ref[...]
    rx = rx_ref[...]
    fb = fb_ref[...]

    task_node = _gnn_block(tx, N_T, 2, at_ref,
                           tWl1[...], tbl1[...], tWr1[...], tWl2[...], tbl2[...],
                           tWr2[...], tg1[...], tb1[...], tg2[...], tb2[...],
                           tWp[...], tbp[...])
    res_node = _gnn_block(rx, N_R, 3, ar_ref,
                          rWl1[...], rbl1[...], rWr1[...], rWl2[...], rbl2[...],
                          rWr2[...], rg1[...], rb1[...], rg2[...], rb2[...],
                          rWp[...], rbp[...])

    mask = (jnp.abs(tx).sum(-1, keepdims=True) > 0).astype(jnp.float32)
    task_node = task_node * mask

    tnf = task_node.reshape(BB * N_T, D)
    rnf = res_node.reshape(BB * N_R, D)
    Q = jnp.dot(tnf, Wq[...], preferred_element_type=jnp.float32).reshape(BB, N_T, D)
    K = jnp.dot(rnf, Wk[...], preferred_element_type=jnp.float32).reshape(BB, N_R, D)
    V = jnp.dot(rnf, Wv[...], preferred_element_type=jnp.float32).reshape(BB, N_R, D)

    inv_sqrt_d = 1.0 / (D ** 0.5)
    lg3 = jax.lax.dot_general(Q, K, (((2,), (2,)), ((0,), (0,))),
                              preferred_element_type=jnp.float32) * inv_sqrt_d
    mx = lg3.max(-1, keepdims=True)
    ex = jnp.exp(lg3 - mx)
    P3 = ex / ex.sum(-1, keepdims=True)
    ctx3 = jax.lax.dot_general(P3, V, (((2,), (1,)), ((0,), (0,))),
                               preferred_element_type=jnp.float32)
    te3 = task_node + jnp.dot(ctx3.reshape(BB * N_T, D), Wo[...],
                              preferred_element_type=jnp.float32
                              ).reshape(BB, N_T, D) + bo[...]

    n_real = jnp.maximum(mask.sum(axis=1), 1.0)
    tmean = te3.sum(axis=1) / n_real
    rmean = res_node.sum(axis=1) * (1.0 / N_R)
    rmin = rx.min(axis=1)
    rxmean = rx.sum(axis=1) * (1.0 / N_R)

    noop = ((tmean * wnoop_t[...]).sum(-1, keepdims=True)
            + (rmean * wnoop_r[...]).sum(-1, keepdims=True)
            + (rmin * wnoop_rb[...][:, 0:3]).sum(-1, keepdims=True)
            + (rxmean * wnoop_rb[...][:, 3:6]).sum(-1, keepdims=True)
            + (fb * wnoop_fb[...]).sum(-1, keepdims=True) + bnoop[...])
    val = ((tmean * wval_t[...]).sum(-1, keepdims=True)
           + (rmean * wval_r[...]).sum(-1, keepdims=True)
           + (rmin * wval_rb[...][:, 0:3]).sum(-1, keepdims=True)
           + (rxmean * wval_rb[...][:, 3:6]).sum(-1, keepdims=True)
           + (fb * wval_fb[...]).sum(-1, keepdims=True) + bval[...])
    value_ref[...] = val
    logits_ref[:, 0:1] = noop

    split = (te3 * wsplit[...][:, None, :]).sum(-1)
    logits_ref[:, 1:1 + N_T] = split + bsplit[...]

    W1 = Wm1[...]
    te_f = te3.reshape(BB * N_T, D)
    T1 = jnp.dot(te_f, W1[0:D, :], preferred_element_type=jnp.float32
                 ).reshape(BB, N_T, H)
    T2 = jnp.dot(te_f, W1[D:2 * D, :], preferred_element_type=jnp.float32
                 ).reshape(BB, N_T, H)
    wlq = W1[2 * D:2 * D + 1, :]
    SI = jnp.broadcast_to(si_ref[...][None], (BB, N_PAIR, N_T))
    SJ = jnp.broadcast_to(sj_ref[...][None], (BB, N_PAIR, N_T))

    def sel(S, x):
        return jax.lax.dot_general(S, x, (((2,), (1,)), ((0,), (0,))),
                                   preferred_element_type=jnp.float32)

    Pi3 = sel(SI, P3)
    Pj3 = sel(SJ, P3)
    lq3 = (Pi3 * Pj3).sum(-1, keepdims=True)
    T1p = sel(SI, T1)
    T2p = sel(SJ, T2)
    m3 = jnp.maximum(T1p + T2p + lq3 * wlq + bm1[...], 0.0)
    merge = (m3 * wm2[...]).sum(-1)
    logits_ref[:, 11:11 + N_PAIR] = merge + bm2[...]


def kernel(task_x, task_edge, res_x, res_edge, feedback, params):
    t = params['task']
    r = params['res']
    a = params['attn']
    h = params['heads']

    A_t, A_r = _sc_hist(task_edge.reshape(B, 2 * E), res_edge.reshape(B, 2 * E))
    A_t = A_t.reshape(B, NT2)
    A_r = A_r.reshape(B, NR2)

    def row(v):
        return v.reshape(1, -1)

    wnoop = h['Wnoop']
    wval = h['Wval']
    weights = (
        t['Wl1'], row(t['bl1']), t['Wr1'], t['Wl2'], row(t['bl2']), t['Wr2'],
        row(t['g1']), row(t['b1']), row(t['g2']), row(t['b2']), t['Wp'], row(t['bp']),
        r['Wl1'], row(r['bl1']), r['Wr1'], r['Wl2'], row(r['bl2']), r['Wr2'],
        row(r['g1']), row(r['b1']), row(r['g2']), row(r['b2']), r['Wp'], row(r['bp']),
        a['Wq'], a['Wk'], a['Wv'], a['Wo'], row(a['bo']),
        row(wnoop[0:D, 0]), row(wnoop[D:2 * D, 0]), row(wnoop[2 * D:2 * D + 6, 0][0:6]),
        row(wnoop[2 * D + 6:2 * D + 12, 0]), row(h['bnoop']),
        row(wval[0:D, 0]), row(wval[D:2 * D, 0]), row(wval[2 * D:2 * D + 6, 0][0:6]),
        row(wval[2 * D + 6:2 * D + 12, 0]), row(h['bval']),
        row(h['Wsplit'][:, 0]), row(h['bsplit']),
        h['Wm1'], row(h['bm1']), row(h['Wm2'][:, 0]), row(h['bm2']),
        jnp.asarray(np.eye(N_T, dtype=np.float32)[list(_PAIR_I)]),
        jnp.asarray(np.eye(N_T, dtype=np.float32)[list(_PAIR_J)]),
    )

    grid = (B // BB,)

    def bspec(shape, blk):
        nd = len(shape)
        return pl.BlockSpec(blk, lambda i: (i,) + (0,) * (nd - 1))

    def wspec(w):
        nd = w.ndim
        return pl.BlockSpec(w.shape, lambda i, _n=nd: (0,) * _n)

    in_specs = [
        bspec((B, N_T, 2), (BB, N_T, 2)),
        bspec((B, NT2), (BB, NT2)),
        bspec((B, N_R, 3), (BB, N_R, 3)),
        bspec((B, NR2), (BB, NR2)),
        bspec((B, 6), (BB, 6)),
    ] + [wspec(w) for w in weights]

    out_shape = (
        jax.ShapeDtypeStruct((B, 56), jnp.float32),
        jax.ShapeDtypeStruct((B, 1), jnp.float32),
    )
    out_specs = (
        pl.BlockSpec((BB, 56), lambda i: (i, 0)),
        pl.BlockSpec((BB, 1), lambda i: (i, 0)),
    )

    logits, value = pl.pallas_call(
        _fwd_kernel,
        grid=grid,
        in_specs=in_specs,
        out_specs=out_specs,
        out_shape=out_shape,
        compiler_params=pltpu.CompilerParams(
            dimension_semantics=("arbitrary",),
        ),
    )(task_x, A_t, res_x, A_r, feedback, *weights)
    return (logits, value)

# --- scband reference (transcript-rebuilt; emitter-appended) ---
"""Pipeline reference for scband-node-level-actor-critic-36721970381076 (READ-ONLY COPY).

The authoritative reference and input builder live on the scoring server;
editing this copy changes nothing except your own understanding.
"""

import jax, jax.numpy as jnp
import numpy as np

B = 8192
N_T = 10
N_R = 16
E_T = 64
E_R = 64
D = 64
H = 64

PAIR_I = np.array([i for i in range(N_T) for j in range(i + 1, N_T)], dtype=np.int32)
PAIR_J = np.array([j for i in range(N_T) for j in range(i + 1, N_T)], dtype=np.int32)


def _init_params():
    key = jax.random.key(42)

    def p(shape, i):
        return jax.random.normal(jax.random.fold_in(key, i), shape, dtype=jnp.float32) * 0.05

    def gnn_params(in_ch, base):
        return {
            'Wl1': p((in_ch, H), base + 0), 'bl1': jnp.zeros((H,), jnp.float32), 'Wr1': p((in_ch, H), base + 1),
            'Wl2': p((H, H), base + 2), 'bl2': jnp.zeros((H,), jnp.float32), 'Wr2': p((H, H), base + 3),
            'g1': jnp.ones((H,), jnp.float32), 'b1': jnp.zeros((H,), jnp.float32),
            'g2': jnp.ones((H,), jnp.float32), 'b2': jnp.zeros((H,), jnp.float32),
            'Wp': p((H, D), base + 4), 'bp': jnp.zeros((D,), jnp.float32),
        }

    gdim = 2 * D + 6 + 6
    return {
        'task': gnn_params(2, 0),
        'res': gnn_params(3, 10),
        'attn': {'Wq': p((D, D), 20), 'Wk': p((D, D), 21), 'Wv': p((D, D), 22), 'Wo': p((D, D), 23), 'bo': jnp.zeros((D,), jnp.float32)},
        'heads': {'Wnoop': p((gdim, 1), 30), 'bnoop': jnp.zeros((1,), jnp.float32),
                  'Wval': p((gdim, 1), 31), 'bval': jnp.zeros((1,), jnp.float32),
                  'Wsplit': p((D, 1), 32), 'bsplit': jnp.zeros((1,), jnp.float32),
                  'Wm1': p((2 * D + 1, H), 33), 'bm1': jnp.zeros((H,), jnp.float32),
                  'Wm2': p((H, 1), 34), 'bm2': jnp.zeros((1,), jnp.float32)},
    }


def setup_inputs(seed: int = 0) -> dict:
    key = jax.random.key(seed)
    k1, k2, k3, k4, k5 = jax.random.split(key, 5)
    return {
        'task_x': jax.random.normal(k1, (B, N_T, 2), dtype=jnp.float32),
        'task_edge': jax.random.randint(k2, (B, 2, E_T), 0, N_T).astype(jnp.int32),
        'res_x': jax.random.normal(k3, (B, N_R, 3), dtype=jnp.float32),
        'res_edge': jax.random.randint(k4, (B, 2, E_R), 0, N_R).astype(jnp.int32),
        'feedback': jax.random.normal(k5, (B, 6), dtype=jnp.float32),
        'params': _init_params(),
    }


def _layer_norm(x, g, b):
    m = x.mean(-1, keepdims=True)
    v = x.var(-1, keepdims=True)
    return (x - m) / jnp.sqrt(v + 1e-5) * g + b


def _sage(x, src, dst, Wl, bl, Wr):
    msg = x[src]
    agg = jax.ops.segment_sum(msg, dst, num_segments=x.shape[0])
    cnt = jax.ops.segment_sum(jnp.ones((src.shape[0], 1), x.dtype), dst, num_segments=x.shape[0])
    agg = agg / jnp.maximum(cnt, 1.0)
    return agg @ Wl + bl + x @ Wr


def _gnn(x, edge_index, p):
    Bb, Nn, _ = x.shape
    xf = x.reshape(Bb * Nn, -1)
    offs = jnp.arange(Bb, dtype=edge_index.dtype).reshape(Bb, 1, 1) * Nn
    ei = jnp.transpose(edge_index + offs, (1, 0, 2)).reshape(2, -1)
    src, dst = ei[0], ei[1]
    h = jax.nn.relu(_layer_norm(_sage(xf, src, dst, p['Wl1'], p['bl1'], p['Wr1']), p['g1'], p['b1']))
    h = jax.nn.relu(_layer_norm(_sage(h, src, dst, p['Wl2'], p['bl2'], p['Wr2']), p['g2'], p['b2']))
    h = h.reshape(Bb, Nn, -1)
    return h @ p['Wp'] + p['bp']


def _forward(task_x, task_edge, res_x, res_edge, feedback, params):
    task_node = _gnn(task_x, task_edge, params['task'])
    res_node = _gnn(res_x, res_edge, params['res'])
    task_real = (jnp.abs(task_x).sum(-1, keepdims=True) > 0)
    task_node = task_node * task_real.astype(task_node.dtype)
    a = params['attn']
    Q = task_node @ a['Wq']
    K = res_node @ a['Wk']
    V = res_node @ a['Wv']
    attn = jax.nn.softmax(Q @ jnp.swapaxes(K, -1, -2) / (D ** 0.5), axis=-1)
    ctx = attn @ V
    task_enriched = task_node + (ctx @ a['Wo'] + a['bo'])
    res_bottleneck = jnp.concatenate([res_x.min(axis=1), res_x.mean(axis=1)], axis=-1)
    n_real = jnp.maximum(task_real.astype(jnp.float32).sum(axis=1), 1.0)
    task_mean = task_enriched.sum(axis=1) / n_real
    gs = jnp.concatenate([task_mean, res_node.mean(axis=1), res_bottleneck, feedback], axis=-1)
    hh = params['heads']
    noop = gs @ hh['Wnoop'] + hh['bnoop']
    split = (task_enriched @ hh['Wsplit'] + hh['bsplit']).squeeze(-1)
    emb_i = task_enriched[:, PAIR_I, :]
    emb_j = task_enriched[:, PAIR_J, :]
    attn_i = attn[:, PAIR_I, :]
    attn_j = attn[:, PAIR_J, :]
    lq = (attn_i * attn_j).sum(-1, keepdims=True)
    m = jax.nn.relu(jnp.concatenate([emb_i, emb_j, lq], axis=-1) @ hh['Wm1'] + hh['bm1'])
    merge = (m @ hh['Wm2'] + hh['bm2']).squeeze(-1)
    all_logits = jnp.concatenate([noop, split, merge], axis=-1)
    value = gs @ hh['Wval'] + hh['bval']
    return (all_logits, value)


def reference(task_x, task_edge, res_x, res_edge, feedback, params):
    return _forward(task_x, task_edge, res_x, res_edge, feedback, params)

if __name__ == "__main__":
    import jax
    _d = setup_inputs()
    print(jax.jit(kernel)(*tuple(_d.values())))

</pallas_src>

<mosaic_0001>
#map = affine_map<(d0, d1) -> (0, 0, 0)>
#map1 = affine_map<(d0, d1) -> (0)>
module attributes {stable_mosaic.version = 14 : i64} {
  func.func @k(%arg0: i32, %arg1: i32, %arg2: memref<512x128x16xi32, #tpu.memory_space<hbm>>, %arg3: memref<512x128x16xi32, #tpu.memory_space<hbm>>, %arg4: memref<819200xf32, #tpu.memory_space<hbm>>, %arg5: memref<2097152xf32, #tpu.memory_space<hbm>>, %arg6: memref<128x16xi32, #tpu.memory_space<vmem>>, %arg7: memref<128x16xi32, #tpu.memory_space<vmem>>, %arg8: memref<1600xf32, #tpu.memory_space<vmem>>, %arg9: memref<4096xf32, #tpu.memory_space<vmem>>) attributes {dimension_semantics = [#tpu.dimension_semantics<core_parallel>, #tpu.dimension_semantics<subcore_parallel>], iteration_bounds = array<i64: 2, 16>, scalar_prefetch = 0 : i64, scratch_operands = 4 : i64, tpu.core_type = #tpu.core_type<sc_vector_subcore>, window_params = [{transform_indices = #map}, {transform_indices = #map}, {transform_indices = #map1}, {transform_indices = #map1}]} {
    %mul3A = arith.constant 2 : i32
    %mul3A_0 = arith.muli %arg1, %mul3A : i32
    %add3A = arith.addi %mul3A_0, %arg0 : i32
    %broadcast_in_dim3A = arith.constant 1.000000e+00 : f32
    %broadcast_in_dim3A_1 = vector.broadcast %broadcast_in_dim3A : f32 to vector<16xf32>
    %broadcast_in_dim3A_2 = arith.constant 0.000000e+00 : f32
    %broadcast_in_dim3A_3 = vector.broadcast %broadcast_in_dim3A_2 : f32 to vector<16xf32>
    %iota3A = tpu.iota {dimensions = array<i32: 0>} : vector<16xi32>
    %scan3A = arith.constant 0 : i32
    %scan3A_4 = arith.constant 0 : i32
    %scan3A_5 = arith.constant 16 : i32
    %scan3A_6 = arith.addi %scan3A_4, %scan3A_5 : i32
    %scan3A_7 = arith.constant 1 : i32
    scf.for %scan3A_9 = %scan3A_4 to %scan3A_6 step %scan3A_7  : i32 {
      %mul3A_10 = arith.constant 16 : i32
      %mul3A_11 = arith.muli %add3A, %mul3A_10 : i32
      %add3A_12 = arith.addi %mul3A_11, %scan3A_9 : i32
      "tpu.region"() ({
        %run_scoped3A = tpu.sem_alloc : memref<!tpu.dma_semaphore, #tpu.memory_space<semaphore_mem>>
        %dma_start3A = arith.constant 0 : i32
        %dma_start3A_2779 = arith.constant 0 : i32
        %dma_start3A_2780 = tpu.memref_slice %arg2[%add3A_12, %dma_start3A, %dma_start3A_2779] : memref<512x128x16xi32, #tpu.memory_space<hbm>> -> memref<1x128x16xi32, #tpu.memory_space<hbm>>
        %dma_start3A_2781 = tpu.memref_squeeze %dma_start3A_2780 : memref<1x128x16xi32, #tpu.memory_space<hbm>> -> memref<128x16xi32, #tpu.memory_space<hbm>>
        %dma_start3A_2782 = arith.constant 0 : i32
        %dma_start3A_2783 = arith.constant 0 : i32
        %dma_start3A_2784 = tpu.memref_slice %arg2[%add3A_12, %dma_start3A_2782, %dma_start3A_2783] : memref<512x128x16xi32, #tpu.memory_space<hbm>> -> memref<1x128x16xi32, #tpu.memory_space<hbm>>
        %dma_start3A_2785 = tpu.memref_squeeze %dma_start3A_2784 : memref<1x128x16xi32, #tpu.memory_space<hbm>> -> memref<128x16xi32, #tpu.memory_space<hbm>>
        tpu.enqueue_dma source(%dma_start3A_2785 : memref<128x16xi32, #tpu.memory_space<hbm>>) target(%arg6 : memref<128x16xi32, #tpu.memory_space<vmem>>) target_semaphore(%run_scoped3A : memref<!tpu.dma_semaphore, #tpu.memory_space<semaphore_mem>>)
        %dma_wait3A = arith.constant 0 : i32
        %dma_wait3A_2786 = arith.constant 0 : i32
        %dma_wait3A_2787 = tpu.memref_slice %arg2[%add3A_12, %dma_wait3A, %dma_wait3A_2786] : memref<512x128x16xi32, #tpu.memory_space<hbm>> -> memref<1x128x16xi32, #tpu.memory_space<hbm>>
        %dma_wait3A_2788 = tpu.memref_squeeze %dma_wait3A_2787 : memref<1x128x16xi32, #tpu.memory_space<hbm>> -> memref<128x16xi32, #tpu.memory_space<hbm>>
        %dma_wait3A_2789 = arith.constant 0 : i32
        %dma_wait3A_2790 = arith.constant 0 : i32
        %dma_wait3A_2791 = tpu.memref_slice %arg2[%add3A_12, %dma_wait3A_2789, %dma_wait3A_2790] : memref<512x128x16xi32, #tpu.memory_space<hbm>> -> memref<1x128x16xi32, #tpu.memory_space<hbm>>
        %dma_wait3A_2792 = tpu.memref_squeeze %dma_wait3A_2791 : memref<1x128x16xi32, #tpu.memory_space<hbm>> -> memref<128x16xi32, #tpu.memory_space<hbm>>
        tpu.wait_dma2 semaphore(%run_scoped3A : memref<!tpu.dma_semaphore, #tpu.memory_space<semaphore_mem>>) src(%dma_wait3A_2792 : memref<128x16xi32, #tpu.memory_space<hbm>>) dst(%arg6 : memref<128x16xi32, #tpu.memory_space<vmem>>)
        tpu.yield
      }) : () -> ()
      "tpu.region"() ({
        %run_scoped3A = tpu.sem_alloc : memref<!tpu.dma_semaphore, #tpu.memory_space<semaphore_mem>>
        %dma_start3A = arith.constant 0 : i32
        %dma_start3A_2779 = arith.constant 0 : i32
        %dma_start3A_2780 = tpu.memref_slice %arg3[%add3A_12, %dma_start3A, %dma_start3A_2779] : memref<512x128x16xi32, #tpu.memory_space<hbm>> -> memref<1x128x16xi32, #tpu.memory_space<hbm>>
        %dma_start3A_2781 = tpu.memref_squeeze %dma_start3A_2780 : memref<1x128x16xi32, #tpu.memory_space<hbm>> -> memref<128x16xi32, #tpu.memory_space<hbm>>
        %dma_start3A_2782 = arith.constant 0 : i32
        %dma_start3A_2783 = arith.constant 0 : i32
        %dma_start3A_2784 = tpu.memref_slice %arg3[%add3A_12, %dma_start3A_2782, %dma_start3A_2783] : memref<512x128x16xi32, #tpu.memory_space<hbm>> -> memref<1x128x16xi32, #tpu.memory_space<hbm>>
        %dma_start3A_2785 = tpu.memref_squeeze %dma_start3A_2784 : memref<1x128x16xi32, #tpu.memory_space<hbm>> -> memref<128x16xi32, #tpu.memory_space<hbm>>
        tpu.enqueue_dma source(%dma_start3A_2785 : memref<128x16xi32, #tpu.memory_space<hbm>>) target(%arg7 : memref<128x16xi32, #tpu.memory_space<vmem>>) target_semaphore(%run_scoped3A : memref<!tpu.dma_semaphore, #tpu.memory_space<semaphore_mem>>)
        %dma_wait3A = arith.constant 0 : i32
        %dma_wait3A_2786 = arith.constant 0 : i32
        %dma_wait3A_2787 = tpu.memref_slice %arg3[%add3A_12, %dma_wait3A, %dma_wait3A_2786] : memref<512x128x16xi32, #tpu.memory_space<hbm>> -> memref<1x128x16xi32, #tpu.memory_space<hbm>>
        %dma_wait3A_2788 = tpu.memref_squeeze %dma_wait3A_2787 : memref<1x128x16xi32, #tpu.memory_space<hbm>> -> memref<128x16xi32, #tpu.memory_space<hbm>>
        %dma_wait3A_2789 = arith.constant 0 : i32
        %dma_wait3A_2790 = arith.constant 0 : i32
        %dma_wait3A_2791 = tpu.memref_slice %arg3[%add3A_12, %dma_wait3A_2789, %dma_wait3A_2790] : memref<512x128x16xi32, #tpu.memory_space<hbm>> -> memref<1x128x16xi32, #tpu.memory_space<hbm>>
        %dma_wait3A_2792 = tpu.memref_squeeze %dma_wait3A_2791 : memref<1x128x16xi32, #tpu.memory_space<hbm>> -> memref<128x16xi32, #tpu.memory_space<hbm>>
        tpu.wait_dma2 semaphore(%run_scoped3A : memref<!tpu.dma_semaphore, #tpu.memory_space<semaphore_mem>>) src(%dma_wait3A_2792 : memref<128x16xi32, #tpu.memory_space<hbm>>) dst(%arg7 : memref<128x16xi32, #tpu.memory_space<vmem>>)
        tpu.yield
      }) : () -> ()
      %swap3A = arith.constant 0 : index
      %swap3A_13 = tpu.vector_load %arg8[%swap3A] {strides = array<i32>} : memref<1600xf32, #tpu.memory_space<vmem>>, vector<16xf32>,
      tpu.vector_store %arg8[%swap3A], %broadcast_in_dim3A_3 {strides = array<i32>} : memref<1600xf32, #tpu.memory_space<vmem>>, vector<16xf32>,
      %swap3A_14 = arith.constant 16 : index
      %swap3A_15 = tpu.vector_load %arg8[%swap3A_14] {strides = array<i32>} : memref<1600xf32, #tpu.memory_space<vmem>>, vector<16xf32>,
      tpu.vector_store %arg8[%swap3A_14], %broadcast_in_dim3A_3 {strides = array<i32>} : memref<1600xf32, #tpu.memory_space<vmem>>, vector<16xf32>,
      %swap3A_16 = arith.constant 32 : index
      %swap3A_17 = tpu.vector_load %arg8[%swap3A_16] {strides = array<i32>} : memref<1600xf32, #tpu.memory_space<vmem>>, vector<16xf32>,
      tpu.vector_store %arg8[%swap3A_16], %broadcast_in_dim3A_3 {strides = array<i32>} : memref<1600xf32, #tpu.memory_space<vmem>>, vector<16xf32>,
      %swap3A_18 = arith.constant 48 : index
      %swap3A_19 = tpu.vector_load %arg8[%swap3A_18] {strides = array<i32>} : memref<1600xf32, #tpu.memory_space<vmem>>, vector<16xf32>,
      tpu.vector_store %arg8[%swap3A_18], %broadcast_in_dim3A_3 {strides = array<i32>} : memref<1600xf32, #tpu.memory_space<vmem>>, vector<16xf32>,
      %swap3A_20 = arith.constant 64 : index
      %swap3A_21 = tpu.vector_load %arg8[%swap3A_20] {strides = array<i32>} : memref<1600xf32, #tpu.memory_space<vmem>>, vector<16xf32>,
      tpu.vector_store %arg8[%swap3A_20], %broadcast_in_dim3A_3 {strides = array<i32>} : memref<1600xf32, #tpu.memory_space<vmem>>, vector<16xf32>,
      %swap3A_22 = arith.constant 80 : index
      %swap3A_23 = tpu.vector_load %arg8[%swap3A_22] {strides = array<i32>} : memref<1600xf32, #tpu.memory_space<vmem>>, vector<16xf32>,
      tpu.vector_store %arg8[%swap3A_22], %broadcast_in_dim3A_3 {strides = array<i32>} : memref<1600xf32, #tpu.memory_space<vmem>>, vector<16xf32>,
      %swap3A_24 = arith.constant 96 : index
      %swap3A_25 = tpu.vector_load %arg8[%swap3A_24] {strides = array<i32>} : memref<1600xf32, #tpu.memory_space<vmem>>, vector<16xf32>,
      tpu.vector_store %arg8[%swap3A_24], %broadcast_in_dim3A_3 {strides = array<i32>} : memref<1600xf32, #tpu.memory_space<vmem>>, vector<16xf32>,
      %swap3A_26 = arith.constant 112 : index
      %swap3A_27 = tpu.vector_load %arg8[%swap3A_26] {strides = array<i32>} : memref<1600xf32, #tpu.memory_space<vmem>>, vector<16xf32>,
      tpu.vector_store %arg8[%swap3A_26], %broadcast_in_dim3A_3 {strides = array<i32>} : memref<1600xf32, #tpu.memory_space<vmem>>, vector<16xf32>,
      %swap3A_28 = arith.constant 128 : index
      %swap3A_29 = tpu.vector_load %arg8[%swap3A_28] {strides = array<i32>} : memref<1600xf32, #tpu.memory_space<vmem>>, vector<16xf32>,
      tpu.vector_store %arg8[%swap3A_28], %broadcast_in_dim3A_3 {strides = array<i32>} : memref<1600xf32, #tpu.memory_space<vmem>>, vector<16xf32>,
      %swap3A_30 = arith.constant 144 : index
      %swap3A_31 = tpu.vector_load %arg8[%swap3A_30] {strides = array<i32>} : memref<1600xf32, #tpu.memory_space<vmem>>, vector<16xf32>,
      tpu.vector_store %arg8[%swap3A_30], %broadcast_in_dim3A_3 {strides = array<i32>} : memref<1600xf32, #tpu.memory_space<vmem>>, vector<16xf32>,
      %swap3A_32 = arith.constant 160 : index
      %swap3A_33 = tpu.vector_load %arg8[%swap3A_32] {strides = array<i32>} : memref<1600xf32, #tpu.memory_space<vmem>>, vector<16xf32>,
      tpu.vector_store %arg8[%swap3A_32], %broadcast_in_dim3A_3 {strides = array<i32>} : memref<1600xf32, #tpu.memory_space<vmem>>, vector<16xf32>,
      %swap3A_34 = arith.constant 176 : index
      %swap3A_35 = tpu.vector_load %arg8[%swap3A_34] {strides = array<i32>} : memref<1600xf32, #tpu.memory_space<vmem>>, vector<16xf32>,
      tpu.vector_store %arg8[%swap3A_34], %broadcast_in_dim3A_3 {strides = array<i32>} : memref<1600xf32, #tpu.memory_space<vmem>>, vector<16xf32>,
      %swap3A_36 = arith.constant 192 : index
      %swap3A_37 = tpu.vector_load %arg8[%swap3A_36] {strides = array<i32>} : memref<1600xf32, #tpu.memory_space<vmem>>, vector<16xf32>,
      tpu.vector_store %arg8[%swap3A_36], %broadcast_in_dim3A_3 {strides = array<i32>} : memref<1600xf32, #tpu.memory_space<vmem>>, vector<16xf32>,
      %swap3A_38 = arith.constant 208 : index
      %swap3A_39 = tpu.vector_load %arg8[%swap3A_38] {strides = array<i32>} : memref<1600xf32, #tpu.memory_space<vmem>>, vector<16xf32>,
      tpu.vector_store %arg8[%swap3A_38], %broadcast_in_dim3A_3 {strides = array<i32>} : memref<1600xf32, #tpu.memory_space<vmem>>, vector<16xf32>,
      %swap3A_40 = arith.constant 224 : index
      %swap3A_41 = tpu.vector_load %arg8[%swap3A_40] {strides = array<i32>} : memref<1600xf32, #tpu.memory_space<vmem>>, vector<16xf32>,
      tpu.vector_store %arg8[%swap3A_40], %broadcast_in_dim3A_3 {strides = array<i32>} : memref<1600xf32, #tpu.memory_space<vmem>>, vector<16xf32>,
      %swap3A_42 = arith.constant 240 : index
      %swap3A_43 = tpu.vector_load %arg8[%swap3A_42] {strides = array<i32>} : memref<1600xf32, #tpu.memory_space<vmem>>, vector<16xf32>,
      tpu.vector_store %arg8[%swap3A_42], %broadcast_in_dim3A_3 {strides = array<i32>} : memref<1600xf32, #tpu.memory_space<vmem>>, vector<16xf32>,
      %swap3A_44 = arith.constant 256 : index
      %swap3A_45 = tpu.vector_load %arg8[%swap3A_44] {strides = array<i32>} : memref<1600xf32, #tpu.memory_space<vmem>>, vector<16xf32>,
      tpu.vector_store %arg8[%swap3A_44], %broadcast_in_dim3A_3 {strides = array<i32>} : memref<1600xf32, #tpu.memory_space<vmem>>, vector<16xf32>,
      %swap3A_46 = arith.constant 272 : index
      %swap3A_47 = tpu.vector_load %arg8[%swap3A_46] {strides = array<i32>} : memref<1600xf32, #tpu.memory_space<vmem>>, vector<16xf32>,
      tpu.vector_store %arg8[%swap3A_46], %broadcast_in_dim3A_3 {strides = array<i32>} : memref<1600xf32, #tpu.memory_space<vmem>>, vector<16xf32>,
      %swap3A_48 = arith.constant 288 : index
      %swap3A_49 = tpu.vector_load %arg8[%swap3A_48] {strides = array<i32>} : memref<1600xf32, #tpu.memory_space<vmem>>, vector<16xf32>,
      tpu.vector_store %arg8[%swap3A_48], %broadcast_in_dim3A_3 {strides = array<i32>} : memref<1600xf32, #tpu.memory_space<vmem>>, vector<16xf32>,
      %swap3A_50 = arith.constant 304 : index
      %swap3A_51 = tpu.vector_load %arg8[%swap3A_50] {strides = array<i32>} : memref<1600xf32, #tpu.memory_space<vmem>>, vector<16xf32>,
      tpu.vector_store %arg8[%swap3A_50], %broadcast_in_dim3A_3 {strides = array<i32>} : memref<1600xf32, #tpu.memory_space<vmem>>, vector<16xf32>,
      %swap3A_52 = arith.constant 320 : index
      %swap3A_53 = tpu.vector_load %arg8[%swap3A_52] {strides = array<i32>} : memref<1600xf32, #tpu.memory_space<vmem>>, vector<16xf32>,
      tpu.vector_store %arg8[%swap3A_52], %broadcast_in_dim3A_3 {strides = array<i32>} : memref<1600xf32, #tpu.memory_space<vmem>>, vector<16xf32>,
      %swap3A_54 = arith.constant 336 : index
      %swap3A_55 = tpu.vector_load %arg8[%swap3A_54] {strides = array<i32>} : memref<1600xf32, #tpu.memory_space<vmem>>, vector<16xf32>,
      tpu.vector_store %arg8[%swap3A_54], %broadcast_in_dim3A_3 {strides = array<i32>} : memref<1600xf32, #tpu.memory_space<vmem>>, vector<16xf32>,
      %swap3A_56 = arith.constant 352 : index
      %swap3A_57 = tpu.vector_load %arg8[%swap3A_56] {strides = array<i32>} : memref<1600xf32, #tpu.memory_space<vmem>>, vector<16xf32>,
      tpu.vector_store %arg8[%swap3A_56], %broadcast_in_dim3A_3 {strides = array<i32>} : memref<1600xf32, #tpu.memory_space<vmem>>, vector<16xf32>,
      %swap3A_58 = arith.constant 368 : index
      %swap3A_59 = tpu.vector_load %arg8[%swap3A_58] {strides = array<i32>} : memref<1600xf32, #tpu.memory_space<vmem>>, vector<16xf32>,
      tpu.vector_store %arg8[%swap3A_58], %broadcast_in_dim3A_3 {strides = array<i32>} : memref<1600xf32, #tpu.memory_space<vmem>>, vector<16xf32>,
      %swap3A_60 = arith.constant 384 : index
      %swap3A_61 = tpu.vector_load %arg8[%swap3A_60] {strides = array<i32>} : memref<1600xf32, #tpu.memory_space<vmem>>, vector<16xf32>,
      tpu.vector_store %arg8[%swap3A_60], %broadcast_in_dim3A_3 {strides = array<i32>} : memref<1600xf32, #tpu.memory_space<vmem>>, vector<16xf32>,
      %swap3A_62 = arith.constant 400 : index
      %swap3A_63 = tpu.vector_load %arg8[%swap3A_62] {strides = array<i32>} : memref<1600xf32, #tpu.memory_space<vmem>>, vector<16xf32>,
      tpu.vector_store %arg8[%swap3A_62], %broadcast_in_dim3A_3 {strides = array<i32>} : memref<1600xf32, #tpu.memory_space<vmem>>, vector<16xf32>,
      %swap3A_64 = arith.constant 416 : index
      %swap3A_65 = tpu.vector_load %arg8[%swap3A_64] {strides = array<i32>} : memref<1600xf32, #tpu.memory_space<vmem>>, vector<16xf32>,
      tpu.vector_store %arg8[%swap3A_64], %broadcast_in_dim3A_3 {strides = array<i32>} : memref<1600xf32, #tpu.memory_space<vmem>>, vector<16xf32>,
      %swap3A_66 = arith.constant 432 : index
      %swap3A_67 = tpu.vector_load %arg8[%swap3A_66] {strides = array<i32>} : memref<1600xf32, #tpu.memory_space<vmem>>, vector<16xf32>,
      tpu.vector_store %arg8[%swap3A_66], %broadcast_in_dim3A_3 {strides = array<i32>} : memref<1600xf32, #tpu.memory_space<vmem>>, vector<16xf32>,
      %swap3A_68 = arith.constant 448 : index
      %swap3A_69 = tpu.vector_load %arg8[%swap3A_68] {strides = array<i32>} : memref<1600xf32, #tpu.memory_space<vmem>>, vector<16xf32>,
      tpu.vector_store %arg8[%swap3A_68], %broadcast_in_dim3A_3 {strides = array<i32>} : memref<1600xf32, #tpu.memory_space<vmem>>, vector<16xf32>,
      %swap3A_70 = arith.constant 464 : index
      %swap3A_71 = tpu.vector_load %arg8[%swap3A_70] {strides = array<i32>} : memref<1600xf32, #tpu.memory_space<vmem>>, vector<16xf32>,
      tpu.vector_store %arg8[%swap3A_70], %broadcast_in_dim3A_3 {strides = array<i32>} : memref<1600xf32, #tpu.memory_space<vmem>>, vector<16xf32>,
      %swap3A_72 = arith.constant 480 : index
      %swap3A_73 = tpu.vector_load %arg8[%swap3A_72] {strides = array<i32>} : memref<1600xf32, #tpu.memory_space<vmem>>, vector<16xf32>,
      tpu.vector_store %arg8[%swap3A_72], %broadcast_in_dim3A_3 {strides = array<i32>} : memref<1600xf32, #tpu.memory_space<vmem>>, vector<16xf32>,
      %swap3A_74 = arith.constant 496 : index
      %swap3A_75 = tpu.vector_load %arg8[%swap3A_74] {strides = array<i32>} : memref<1600xf32, #tpu.memory_space<vmem>>, vector<16xf32>,
      tpu.vector_store %arg8[%swap3A_74], %broadcast_in_dim3A_3 {strides = array<i32>} : memref<1600xf32, #tpu.memory_space<vmem>>, vector<16xf32>,
      %swap3A_76 = arith.constant 512 : index
      %swap3A_77 = tpu.vector_load %arg8[%swap3A_76] {strides = array<i32>} : memref<1600xf32, #tpu.memory_space<vmem>>, vector<16xf32>,
      tpu.vector_store %arg8[%swap3A_76], %broadcast_in_dim3A_3 {strides = array<i32>} : memref<1600xf32, #tpu.memory_space<vmem>>, vector<16xf32>,
      %swap3A_78 = arith.constant 528 : index
      %swap3A_79 = tpu.vector_load %arg8[%swap3A_78] {strides = array<i32>} : memref<1600xf32, #tpu.memory_space<vmem>>, vector<16xf32>,
      tpu.vector_store %arg8[%swap3A_78], %broadcast_in_dim3A_3 {strides = array<i32>} : memref<1600xf32, #tpu.memory_space<vmem>>, vector<16xf32>,
      %swap3A_80 = arith.constant 544 : index
      %swap3A_81 = tpu.vector_load %arg8[%swap3A_80] {strides = array<i32>} : memref<1600xf32, #tpu.memory_space<vmem>>, vector<16xf32>,
      tpu.vector_store %arg8[%swap3A_80], %broadcast_in_dim3A_3 {strides = array<i32>} : memref<1600xf32, #tpu.memory_space<vmem>>, vector<16xf32>,
      %swap3A_82 = arith.constant 560 : index
      %swap3A_83 = tpu.vector_load %arg8[%swap3A_82] {strides = array<i32>} : memref<1600xf32, #tpu.memory_space<vmem>>, vector<16xf32>,
      tpu.vector_store %arg8[%swap3A_82], %broadcast_in_dim3A_3 {strides = array<i32>} : memref<1600xf32, #tpu.memory_space<vmem>>, vector<16xf32>,
      %swap3A_84 = arith.constant 576 : index
      %swap3A_85 = tpu.vector_load %arg8[%swap3A_84] {strides = array<i32>} : memref<1600xf32, #tpu.memory_space<vmem>>, vector<16xf32>,
      tpu.vector_store %arg8[%swap3A_84], %broadcast_in_dim3A_3 {strides = array<i32>} : memref<1600xf32, #tpu.memory_space<vmem>>, vector<16xf32>,
      %swap3A_86 = arith.constant 592 : index
      %swap3A_87 = tpu.vector_load %arg8[%swap3A_86] {strides = array<i32>} : memref<1600xf32, #tpu.memory_space<vmem>>, vector<16xf32>,
      tpu.vector_store %arg8[%swap3A_86], %broadcast_in_dim3A_3 {strides = array<i32>} : memref<1600xf32, #tpu.memory_space<vmem>>, vector<16xf32>,
      %swap3A_88 = arith.constant 608 : index
      %swap3A_89 = tpu.vector_load %arg8[%swap3A_88] {strides = array<i32>} : memref<1600xf32, #tpu.memory_space<vmem>>, vector<16xf32>,
      tpu.vector_store %arg8[%swap3A_88], %broadcast_in_dim3A_3 {strides = array<i32>} : memref<1600xf32, #tpu.memory_space<vmem>>, vector<16xf32>,
      %swap3A_90 = arith.constant 624 : index
      %swap3A_91 = tpu.vector_load %arg8[%swap3A_90] {strides = array<i32>} : memref<1600xf32, #tpu.memory_space<vmem>>, vector<16xf32>,
      tpu.vector_store %arg8[%swap3A_90], %broadcast_in_dim3A_3 {strides = array<i32>} : memref<1600xf32, #tpu.memory_space<vmem>>, vector<16xf32>,
      %swap3A_92 = arith.constant 640 : index
      %swap3A_93 = tpu.vector_load %arg8[%swap3A_92] {strides = array<i32>} : memref<1600xf32, #tpu.memory_space<vmem>>, vector<16xf32>,
      tpu.vector_store %arg8[%swap3A_92], %broadcast_in_dim3A_3 {strides = array<i32>} : memref<1600xf32, #tpu.memory_space<vmem>>, vector<16xf32>,
      %swap3A_94 = arith.constant 656 : index
      %swap3A_95 = tpu.vector_load %arg8[%swap3A_94] {strides = array<i32>} : memref<1600xf32, #tpu.memory_space<vmem>>, vector<16xf32>,
      tpu.vector_store %arg8[%swap3A_94], %broadcast_in_dim3A_3 {strides = array<i32>} : memref<1600xf32, #tpu.memory_space<vmem>>, vector<16xf32>,
      %swap3A_96 = arith.constant 672 : index
      %swap3A_97 = tpu.vector_load %arg8[%swap3A_96] {strides = array<i32>} : memref<1600xf32, #tpu.memory_space<vmem>>, vector<16xf32>,
      tpu.vector_store %arg8[%swap3A_96], %broadcast_in_dim3A_3 {strides = array<i32>} : memref<1600xf32, #tpu.memory_space<vmem>>, vector<16xf32>,
      %swap3A_98 = arith.constant 688 : index
      %swap3A_99 = tpu.vector_load %arg8[%swap3A_98] {strides = array<i32>} : memref<1600xf32, #tpu.memory_space<vmem>>, vector<16xf32>,
      tpu.vector_store %arg8[%swap3A_98], %broadcast_in_dim3A_3 {strides = array<i32>} : memref<1600xf32, #tpu.memory_space<vmem>>, vector<16xf32>,
      %swap3A_100 = arith.constant 704 : index
      %swap3A_101 = tpu.vector_load %arg8[%swap3A_100] {strides = array<i32>} : memref<1600xf32, #tpu.memory_space<vmem>>, vector<16xf32>,
      tpu.vector_store %arg8[%swap3A_100], %broadcast_in_dim3A_3 {strides = array<i32>} : memref<1600xf32, #tpu.memory_space<vmem>>, vector<16xf32>,
      %swap3A_102 = arith.constant 720 : index
      %swap3A_103 = tpu.vector_load %arg8[%swap3A_102] {strides = array<i32>} : memref<1600xf32, #tpu.memory_space<vmem>>, vector<16xf32>,
      tpu.vector_store %arg8[%swap3A_102], %broadcast_in_dim3A_3 {strides = array<i32>} : memref<1600xf32, #tpu.memory_space<vmem>>, vector<16xf32>,
      %swap3A_104 = arith.constant 736 : index
      %swap3A_105 = tpu.vector_load %arg8[%swap3A_104] {strides = array<i32>} : memref<1600xf32, #tpu.memory_space<vmem>>, vector<16xf32>,
      tpu.vector_store %arg8[%swap3A_104], %broadcast_in_dim3A_3 {strides = array<i32>} : memref<1600xf32, #tpu.memory_space<vmem>>, vector<16xf32>,
      %swap3A_106 = arith.constant 752 : index
      %swap3A_107 = tpu.vector_load %arg8[%swap3A_106] {strides = array<i32>} : memref<1600xf32, #tpu.memory_space<vmem>>, vector<16xf32>,
      tpu.vector_store %arg8[%swap3A_106], %broadcast_in_dim3A_3 {strides = array<i32>} : memref<1600xf32, #tpu.memory_space<vmem>>, vector<16xf32>,
      %swap3A_108 = arith.constant 768 : index
      %swap3A_109 = tpu.vector_load %arg8[%swap3A_108] {strides = array<i32>} : memref<1600xf32, #tpu.memory_space<vmem>>, vector<16xf32>,
      tpu.vector_store %arg8[%swap3A_108], %broadcast_in_dim3A_3 {strides = array<i32>} : memref<1600xf32, #tpu.memory_space<vmem>>, vector<16xf32>,
      %swap3A_110 = arith.constant 784 : index
      %swap3A_111 = tpu.vector_load %arg8[%swap3A_110] {strides = array<i32>} : memref<1600xf32, #tpu.memory_space<vmem>>, vector<16xf32>,
      tpu.vector_store %arg8[%swap3A_110], %broadcast_in_dim3A_3 {strides = array<i32>} : memref<1600xf32, #tpu.memory_space<vmem>>, vector<16xf32>,
      %swap3A_112 = arith.constant 800 : index
      %swap3A_113 = tpu.vector_load %arg8[%swap3A_112] {strides = array<i32>} : memref<1600xf32, #tpu.memory_space<vmem>>, vector<16xf32>,
      tpu.vector_store %arg8[%swap3A_112], %broadcast_in_dim3A_3 {strides = array<i32>} : memref<1600xf32, #tpu.memory_space<vmem>>, vector<16xf32>,
      %swap3A_114 = arith.constant 816 : index
      %swap3A_115 = tpu.vector_load %arg8[%swap3A_114] {strides = array<i32>} : memref<1600xf32, #tpu.memory_space<vmem>>, vector<16xf32>,
      tpu.vector_store %arg8[%swap3A_114], %broadcast_in_dim3A_3 {strides = array<i32>} : memref<1600xf32, #tpu.memory_space<vmem>>, vector<16xf32>,
      %swap3A_116 = arith.constant 832 : index
      %swap3A_117 = tpu.vector_load %arg8[%swap3A_116] {strides = array<i32>} : memref<1600xf32, #tpu.memory_space<vmem>>, vector<16xf32>,
      tpu.vector_store %arg8[%swap3A_116], %broadcast_in_dim3A_3 {strides = array<i32>} : memref<1600xf32, #tpu.memory_space<vmem>>, vector<16xf32>,
      %swap3A_118 = arith.constant 848 : index
      %swap3A_119 = tpu.vector_load %arg8[%swap3A_118] {strides = array<i32>} : memref<1600xf32, #tpu.memory_space<vmem>>, vector<16xf32>,
      tpu.vector_store %arg8[%swap3A_118], %broadcast_in_dim3A_3 {strides = array<i32>} : memref<1600xf32, #tpu.memory_space<vmem>>, vector<16xf32>,
      %swap3A_120 = arith.constant 864 : index
      %swap3A_121 = tpu.vector_load %arg8[%swap3A_120] {strides = array<i32>} : memref<1600xf32, #tpu.memory_space<vmem>>, vector<16xf32>,
      tpu.vector_store %arg8[%swap3A_120], %broadcast_in_dim3A_3 {strides = array<i32>} : memref<1600xf32, #tpu.memory_space<vmem>>, vector<16xf32>,
      %swap3A_122 = arith.constant 880 : index
      %swap3A_123 = tpu.vector_load %arg8[%swap3A_122] {strides = array<i32>} : memref<1600xf32, #tpu.memory_space<vmem>>, vector<16xf32>,
      tpu.vector_store %arg8[%swap3A_122], %broadcast_in_dim3A_3 {strides = array<i32>} : memref<1600xf32, #tpu.memory_space<vmem>>, vector<16xf32>,
      %swap3A_124 = arith.constant 896 : index
      %swap3A_125 = tpu.vector_load %arg8[%swap3A_124] {strides = array<i32>} : memref<1600xf32, #tpu.memory_space<vmem>>, vector<16xf32>,
      tpu.vector_store %arg8[%swap3A_124], %broadcast_in_dim3A_3 {strides = array<i32>} : memref<1600xf32, #tpu.memory_space<vmem>>, vector<16xf32>,
      %swap3A_126 = arith.constant 912 : index
      %swap3A_127 = tpu.vector_load %arg8[%swap3A_126] {strides = array<i32>} : memref<1600xf32, #tpu.memory_space<vmem>>, vector<16xf32>,
      tpu.vector_store %arg8[%swap3A_126], %broadcast_in_dim3A_3 {strides = array<i32>} : memref<1600xf32, #tpu.memory_space<vmem>>, vector<16xf32>,
      %swap3A_128 = arith.constant 928 : index
      %swap3A_129 = tpu.vector_load %arg8[%swap3A_128] {strides = array<i32>} : memref<1600xf32, #tpu.memory_space<vmem>>, vector<16xf32>,
      tpu.vector_store %arg8[%swap3A_128], %broadcast_in_dim3A_3 {strides = array<i32>} : memref<1600xf32, #tpu.memory_space<vmem>>, vector<16xf32>,
      %swap3A_130 = arith.constant 944 : index
      %swap3A_131 = tpu.vector_load %arg8[%swap3A_130] {strides = array<i32>} : memref<1600xf32, #tpu.memory_space<vmem>>, vector<16xf32>,
      tpu.vector_store %arg8[%swap3A_130], %broadcast_in_dim3A_3 {strides = array<i32>} : memref<1600xf32, #tpu.memory_space<vmem>>, vector<16xf32>,
      %swap3A_132 = arith.constant 960 : index
      %swap3A_133 = tpu.vector_load %arg8[%swap3A_132] {strides = array<i32>} : memref<1600xf32, #tpu.memory_space<vmem>>, vector<16xf32>,
      tpu.vector_store %arg8[%swap3A_132], %broadcast_in_dim3A_3 {strides = array<i32>} : memref<1600xf32, #tpu.memory_space<vmem>>, vector<16xf32>,
      %swap3A_134 = arith.constant 976 : index
      %swap3A_135 = tpu.vector_load %arg8[%swap3A_134] {strides = array<i32>} : memref<1600xf32, #tpu.memory_space<vmem>>, vector<16xf32>,
      tpu.vector_store %arg8[%swap3A_134], %broadcast_in_dim3A_3 {strides = array<i32>} : memref<1600xf32, #tpu.memory_space<vmem>>, vector<16xf32>,
      %swap3A_136 = arith.constant 992 : index
      %swap3A_137 = tpu.vector_load %arg8[%swap3A_136] {strides = array<i32>} : memref<1600xf32, #tpu.memory_space<vmem>>, vector<16xf32>,
      tpu.vector_store %arg8[%swap3A_136], %broadcast_in_dim3A_3 {strides = array<i32>} : memref<1600xf32, #tpu.memory_space<vmem>>, vector<16xf32>,
      %swap3A_138 = arith.constant 1008 : index
      %swap3A_139 = tpu.vector_load %arg8[%swap3A_138] {strides = array<i32>} : memref<1600xf32, #tpu.memory_space<vmem>>, vector<16xf32>,
      tpu.vector_store %arg8[%swap3A_138], %broadcast_in_dim3A_3 {strides = array<i32>} : memref<1600xf32, #tpu.memory_space<vmem>>, vector<16xf32>,
      %swap3A_140 = arith.constant 1024 : index
      %swap3A_141 = tpu.vector_load %arg8[%swap3A_140] {strides = array<i32>} : memref<1600xf32, #tpu.memory_space<vmem>>, vector<16xf32>,
      tpu.vector_store %arg8[%swap3A_140], %broadcast_in_dim3A_3 {strides = array<i32>} : memref<1600xf32, #tpu.memory_space<vmem>>, vector<16xf32>,
      %swap3A_142 = arith.constant 1040 : index
      %swap3A_143 = tpu.vector_load %arg8[%swap3A_142] {strides = array<i32>} : memref<1600xf32, #tpu.memory_space<vmem>>, vector<16xf32>,
      tpu.vector_store %arg8[%swap3A_142], %broadcast_in_dim3A_3 {strides = array<i32>} : memref<1600xf32, #tpu.memory_space<vmem>>, vector<16xf32>,
      %swap3A_144 = arith.constant 1056 : index
      %swap3A_145 = tpu.vector_load %arg8[%swap3A_144] {strides = array<i32>} : memref<1600xf32, #tpu.memory_space<vmem>>, vector<16xf32>,
      tpu.vector_store %arg8[%swap3A_144], %broadcast_in_dim3A_3 {strides = array<i32>} : memref<1600xf32, #tpu.memory_space<vmem>>, vector<16xf32>,
      %swap3A_146 = arith.constant 1072 : index
      %swap3A_147 = tpu.vector_load %arg8[%swap3A_146] {strides = array<i32>} : memref<1600xf32, #tpu.memory_space<vmem>>, vector<16xf32>,
      tpu.vector_store %arg8[%swap3A_146], %broadcast_in_dim3A_3 {strides = array<i32>} : memref<1600xf32, #tpu.memory_space<vmem>>, vector<16xf32>,
      %swap3A_148 = arith.constant 1088 : index
      %swap3A_149 = tpu.vector_load %arg8[%swap3A_148] {strides = array<i32>} : memref<1600xf32, #tpu.memory_space<vmem>>, vector<16xf32>,
      tpu.vector_store %arg8[%swap3A_148], %broadcast_in_dim3A_3 {strides = array<i32>} : memref<1600xf32, #tpu.memory_space<vmem>>, vector<16xf32>,
      %swap3A_150 = arith.constant 1104 : index
      %swap3A_151 = tpu.vector_load %arg8[%swap3A_150] {strides = array<i32>} : memref<1600xf32, #tpu.memory_space<vmem>>, vector<16xf32>,
      tpu.vector_store %arg8[%swap3A_150], %broadcast_in_dim3A_3 {strides = array<i32>} : memref<1600xf32, #tpu.memory_space<vmem>>, vector<16xf32>,
      %swap3A_152 = arith.constant 1120 : index
      %swap3A_153 = tpu.vector_load %arg8[%swap3A_152] {strides = array<i32>} : memref<1600xf32, #tpu.memory_space<vmem>>, vector<16xf32>,
      tpu.vector_store %arg8[%swap3A_152], %broadcast_in_dim3A_3 {strides = array<i32>} : memref<1600xf32, #tpu.memory_space<vmem>>, vector<16xf32>,
      %swap3A_154 = arith.constant 1136 : index
      %swap3A_155 = tpu.vector_load %arg8[%swap3A_154] {strides = array<i32>} : memref<1600xf32, #tpu.memory_space<vmem>>, vector<16xf32>,
      tpu.vector_store %arg8[%swap3A_154], %broadcast_in_dim3A_3 {strides = array<i32>} : memref<1600xf32, #tpu.memory_space<vmem>>, vector<16xf32>,
      %swap3A_156 = arith.constant 1152 : index
      %swap3A_157 = tpu.vector_load %arg8[%swap3A_156] {strides = array<i32>} : memref<1600xf32, #tpu.memory_space<vmem>>, vector<16xf32>,
      tpu.vector_store %arg8[%swap3A_156], %broadcast_in_dim3A_3 {strides = array<i32>} : memref<1600xf32, #tpu.memory_space<vmem>>, vector<16xf32>,
      %swap3A_158 = arith.constant 1168 : index
      %swap3A_159 = tpu.vector_load %arg8[%swap3A_158] {strides = array<i32>} : memref<1600xf32, #tpu.memory_space<vmem>>, vector<16xf32>,
      tpu.vector_store %arg8[%swap3A_158], %broadcast_in_dim3A_3 {strides = array<i32>} : memref<1600xf32, #tpu.memory_space<vmem>>, vector<16xf32>,
      %swap3A_160 = arith.constant 1184 : index
      %swap3A_161 = tpu.vector_load %arg8[%swap3A_160] {strides = array<i32>} : memref<1600xf32, #tpu.memory_space<vmem>>, vector<16xf32>,
      tpu.vector_store %arg8[%swap3A_160], %broadcast_in_dim3A_3 {strides = array<i32>} : memref<1600xf32, #tpu.memory_space<vmem>>, vector<16xf32>,
      %swap3A_162 = arith.constant 1200 : index
      %swap3A_163 = tpu.vector_load %arg8[%swap3A_162] {strides = array<i32>} : memref<1600xf32, #tpu.memory_space<vmem>>, vector<16xf32>,
      tpu.vector_store %arg8[%swap3A_162], %broadcast_in_dim3A_3 {strides = array<i32>} : memref<1600xf32, #tpu.memory_space<vmem>>, vector<16xf32>,
      %swap3A_164 = arith.constant 1216 : index
      %swap3A_165 = tpu.vector_load %arg8[%swap3A_164] {strides = array<i32>} : memref<1600xf32, #tpu.memory_space<vmem>>, vector<16xf32>,
      tpu.vector_store %arg8[%swap3A_164], %broadcast_in_dim3A_3 {strides = array<i32>} : memref<1600xf32, #tpu.memory_space<vmem>>, vector<16xf32>,
      %swap3A_166 = arith.constant 1232 : index
      %swap3A_167 = tpu.vector_load %arg8[%swap3A_166] {strides = array<i32>} : memref<1600xf32, #tpu.memory_space<vmem>>, vector<16xf32>,
      tpu.vector_store %arg8[%swap3A_166], %broadcast_in_dim3A_3 {strides = array<i32>} : memref<1600xf32, #tpu.memory_space<vmem>>, vector<16xf32>,
      %swap3A_168 = arith.constant 1248 : index
      %swap3A_169 = tpu.vector_load %arg8[%swap3A_168] {strides = array<i32>} : memref<1600xf32, #tpu.memory_space<vmem>>, vector<16xf32>,
      tpu.vector_store %arg8[%swap3A_168], %broadcast_in_dim3A_3 {strides = array<i32>} : memref<1600xf32, #tpu.memory_space<vmem>>, vector<16xf32>,
      %swap3A_170 = arith.constant 1264 : index
      %swap3A_171 = tpu.vector_load %arg8[%swap3A_170] {strides = array<i32>} : memref<1600xf32, #tpu.memory_space<vmem>>, vector<16xf32>,
      tpu.vector_store %arg8[%swap3A_170], %broadcast_in_dim3A_3 {strides = array<i32>} : memref<1600xf32, #tpu.memory_space<vmem>>, vector<16xf32>,
      %swap3A_172 = arith.constant 1280 : index
      %swap3A_173 = tpu.vector_load %arg8[%swap3A_172] {strides = array<i32>} : memref<1600xf32, #tpu.memory_space<vmem>>, vector<16xf32>,
      tpu.vector_store %arg8[%swap3A_172], %broadcast_in_dim3A_3 {strides = array<i32>} : memref<1600xf32, #tpu.memory_space<vmem>>, vector<16xf32>,
      %swap3A_174 = arith.constant 1296 : index
      %swap3A_175 = tpu.vector_load %arg8[%swap3A_174] {strides = array<i32>} : memref<1600xf32, #tpu.memory_space<vmem>>, vector<16xf32>,
      tpu.vector_store %arg8[%swap3A_174], %broadcast_in_dim3A_3 {strides = array<i32>} : memref<1600xf32, #tpu.memory_space<vmem>>, vector<16xf32>,
      %swap3A_176 = arith.constant 1312 : index
      %swap3A_177 = tpu.vector_load %arg8[%swap3A_176] {strides = array<i32>} : memref<1600xf32, #tpu.memory_space<vmem>>, vector<16xf32>,
      tpu.vector_store %arg8[%swap3A_176], %broadcast_in_dim3A_3 {strides = array<i32>} : memref<1600xf32, #tpu.memory_space<vmem>>, vector<16xf32>,
      %swap3A_178 = arith.constant 1328 : index
      %swap3A_179 = tpu.vector_load %arg8[%swap3A_178] {strides = array<i32>} : memref<1600xf32, #tpu.memory_space<vmem>>, vector<16xf32>,
      tpu.vector_store %arg8[%swap3A_178], %broadcast_in_dim3A_3 {strides = array<i32>} : memref<1600xf32, #tpu.memory_space<vmem>>, vector<16xf32>,
      %swap3A_180 = arith.constant 1344 : index
      %swap3A_181 = tpu.vector_load %arg8[%swap3A_180] {strides = array<i32>} : memref<1600xf32, #tpu.memory_space<vmem>>, vector<16xf32>,
      tpu.vector_store %arg8[%swap3A_180], %broadcast_in_dim3A_3 {strides = array<i32>} : memref<1600xf32, #tpu.memory_space<vmem>>, vector<16xf32>,
      %swap3A_182 = arith.constant 1360 : index
      %swap3A_183 = tpu.vector_load %arg8[%swap3A_182] {strides = array<i32>} : memref<1600xf32, #tpu.memory_space<vmem>>, vector<16xf32>,
      tpu.vector_store %arg8[%swap3A_182], %broadcast_in_dim3A_3 {strides = array<i32>} : memref<1600xf32, #tpu.memory_space<vmem>>, vector<16xf32>,
      %swap3A_184 = arith.constant 1376 : index
      %swap3A_185 = tpu.vector_load %arg8[%swap3A_184] {strides = array<i32>} : memref<1600xf32, #tpu.memory_space<vmem>>, vector<16xf32>,
      tpu.vector_store %arg8[%swap3A_184], %broadcast_in_dim3A_3 {strides = array<i32>} : memref<1600xf32, #tpu.memory_space<vmem>>, vector<16xf32>,
      %swap3A_186 = arith.constant 1392 : index
      %swap3A_187 = tpu.vector_load %arg8[%swap3A_186] {strides = array<i32>} : memref<1600xf32, #tpu.memory_space<vmem>>, vector<16xf32>,
      tpu.vector_store %arg8[%swap3A_186], %broadcast_in_dim3A_3 {strides = array<i32>} : memref<1600xf32, #tpu.memory_space<vmem>>, vector<16xf32>,
      %swap3A_188 = arith.constant 1408 : index
      %swap3A_189 = tpu.vector_load %arg8[%swap3A_188] {strides = array<i32>} : memref<1600xf32, #tpu.memory_space<vmem>>, vector<16xf32>,
      tpu.vector_store %arg8[%swap3A_188], %broadcast_in_dim3A_3 {strides = array<i32>} : memref<1600xf32, #tpu.memory_space<vmem>>, vector<16xf32>,
      %swap3A_190 = arith.constant 1424 : index
      %swap3A_191 = tpu.vector_load %arg8[%swap3A_190] {strides = array<i32>} : memref<1600xf32, #tpu.memory_space<vmem>>, vector<16xf32>,
      tpu.vector_store %arg8[%swap3A_190], %broadcast_in_dim3A_3 {strides = array<i32>} : memref<1600xf32, #tpu.memory_space<vmem>>, vector<16xf32>,
      %swap3A_192 = arith.constant 1440 : index
      %swap3A_193 = tpu.vector_load %arg8[%swap3A_192] {strides = array<i32>} : memref<1600xf32, #tpu.memory_space<vmem>>, vector<16xf32>,
      tpu.vector_store %arg8[%swap3A_192], %broadcast_in_dim3A_3 {strides = array<i32>} : memref<1600xf32, #tpu.memory_space<vmem>>, vector<16xf32>,
      %swap3A_194 = arith.constant 1456 : index
      %swap3A_195 = tpu.vector_load %arg8[%swap3A_194] {strides = array<i32>} : memref<1600xf32, #tpu.memory_space<vmem>>, vector<16xf32>,
      tpu.vector_store %arg8[%swap3A_194], %broadcast_in_dim3A_3 {strides = array<i32>} : memref<1600xf32, #tpu.memory_space<vmem>>, vector<16xf32>,
      %swap3A_196 = arith.constant 1472 : index
      %swap3A_197 = tpu.vector_load %arg8[%swap3A_196] {strides = array<i32>} : memref<1600xf32, #tpu.memory_space<vmem>>, vector<16xf32>,
      tpu.vector_store %arg8[%swap3A_196], %broadcast_in_dim3A_3 {strides = array<i32>} : memref<1600xf32, #tpu.memory_space<vmem>>, vector<16xf32>,
      %swap3A_198 = arith.constant 1488 : index
      %swap3A_199 = tpu.vector_load %arg8[%swap3A_198] {strides = array<i32>} : memref<1600xf32, #tpu.memory_space<vmem>>, vector<16xf32>,
      tpu.vector_store %arg8[%swap3A_198], %broadcast_in_dim3A_3 {strides = array<i32>} : memref<1600xf32, #tpu.memory_space<vmem>>, vector<16xf32>,
      %swap3A_200 = arith.constant 1504 : index
      %swap3A_201 = tpu.vector_load %arg8[%swap3A_200] {strides = array<i32>} : memref<1600xf32, #tpu.memory_space<vmem>>, vector<16xf32>,
      tpu.vector_store %arg8[%swap3A_200], %broadcast_in_dim3A_3 {strides = array<i32>} : memref<1600xf32, #tpu.memory_space<vmem>>, vector<16xf32>,
      %swap3A_202 = arith.constant 1520 : index
      %swap3A_203 = tpu.vector_load %arg8[%swap3A_202] {strides = array<i32>} : memref<1600xf32, #tpu.memory_space<vmem>>, vector<16xf32>,
      tpu.vector_store %arg8[%swap3A_202], %broadcast_in_dim3A_3 {strides = array<i32>} : memref<1600xf32, #tpu.memory_space<vmem>>, vector<16xf32>,
      %swap3A_204 = arith.constant 1536 : index
      %swap3A_205 = tpu.vector_load %arg8[%swap3A_204] {strides = array<i32>} : memref<1600xf32, #tpu.memory_space<vmem>>, vector<16xf32>,
      tpu.vector_store %arg8[%swap3A_204], %broadcast_in_dim3A_3 {strides = array<i32>} : memref<1600xf32, #tpu.memory_space<vmem>>, vector<16xf32>,
      %swap3A_206 = arith.constant 1552 : index
      %swap3A_207 = tpu.vector_load %arg8[%swap3A_206] {strides = array<i32>} : memref<1600xf32, #tpu.memory_space<vmem>>, vector<16xf32>,
      tpu.vector_store %arg8[%swap3A_206], %broadcast_in_dim3A_3 {strides = array<i32>} : memref<1600xf32, #tpu.memory_space<vmem>>, vector<16xf32>,
      %swap3A_208 = arith.constant 1568 : index
      %swap3A_209 = tpu.vector_load %arg8[%swap3A_208] {strides = array<i32>} : memref<1600xf32, #tpu.memory_space<vmem>>, vector<16xf32>,
      tpu.vector_store %arg8[%swap3A_208], %broadcast_in_dim3A_3 {strides = array<i32>} : memref<1600xf32, #tpu.memory_space<vmem>>, vector<16xf32>,
      %swap3A_210 = arith.constant 1584 : index
      %swap3A_211 = tpu.vector_load %arg8[%swap3A_210] {strides = array<i32>} : memref<1600xf32, #tpu.memory_space<vmem>>, vector<16xf32>,
      tpu.vector_store %arg8[%swap3A_210], %broadcast_in_dim3A_3 {strides = array<i32>} : memref<1600xf32, #tpu.memory_space<vmem>>, vector<16xf32>,
      %swap3A_212 = arith.constant 0 : index
      %swap3A_213 = tpu.vector_load %arg9[%swap3A_212] {strides = array<i32>} : memref<4096xf32, #tpu.memory_space<vmem>>, vector<16xf32>,
      tpu.vector_store %arg9[%swap3A_212], %broadcast_in_dim3A_3 {strides = array<i32>} : memref<4096xf32, #tpu.memory_space<vmem>>, vector<16xf32>,
      %swap3A_214 = arith.constant 16 : index
      %swap3A_215 = tpu.vector_load %arg9[%swap3A_214] {strides = array<i32>} : memref<4096xf32, #tpu.memory_space<vmem>>, vector<16xf32>,
      tpu.vector_store %arg9[%swap3A_214], %broadcast_in_dim3A_3 {strides = array<i32>} : memref<4096xf32, #tpu.memory_space<vmem>>, vector<16xf32>,
      %swap3A_216 = arith.constant 32 : index
      %swap3A_217 = tpu.vector_load %arg9[%swap3A_216] {strides = array<i32>} : memref<4096xf32, #tpu.memory_space<vmem>>, vector<16xf32>,
      tpu.vector_store %arg9[%swap3A_216], %broadcast_in_dim3A_3 {strides = array<i32>} : memref<4096xf32, #tpu.memory_space<vmem>>, vector<16xf32>,
      %swap3A_218 = arith.constant 48 : index
      %swap3A_219 = tpu.vector_load %arg9[%swap3A_218] {strides = array<i32>} : memref<4096xf32, #tpu.memory_space<vmem>>, vector<16xf32>,
      tpu.vector_store %arg9[%swap3A_218], %broadcast_in_dim3A_3 {strides = array<i32>} : memref<4096xf32, #tpu.memory_space<vmem>>, vector<16xf32>,
      %swap3A_220 = arith.constant 64 : index
      %swap3A_221 = tpu.vector_load %arg9[%swap3A_220] {strides = array<i32>} : memref<4096xf32, #tpu.memory_space<vmem>>, vector<16xf32>,
      tpu.vector_store %arg9[%swap3A_220], %broadcast_in_dim3A_3 {strides = array<i32>} : memref<4096xf32, #tpu.memory_space<vmem>>, vector<16xf32>,
      %swap3A_222 = arith.constant 80 : index
      %swap3A_223 = tpu.vector_load %arg9[%swap3A_222] {strides = array<i32>} : memref<4096xf32, #tpu.memory_space<vmem>>, vector<16xf32>,
      tpu.vector_store %arg9[%swap3A_222], %broadcast_in_dim3A_3 {strides = array<i32>} : memref<4096xf32, #tpu.memory_space<vmem>>, vector<16xf32>,
      %swap3A_224 = arith.constant 96 : index
      %swap3A_225 = tpu.vector_load %arg9[%swap3A_224] {strides = array<i32>} : memref<4096xf32, #tpu.memory_space<vmem>>, vector<16xf32>,
      tpu.vector_store %arg9[%swap3A_224], %broadcast_in_dim3A_3 {strides = array<i32>} : memref<4096xf32, #tpu.memory_space<vmem>>, vector<16xf32>,
      %swap3A_226 = arith.constant 112 : index
      %swap3A_227 = tpu.vector_load %arg9[%swap3A_226] {strides = array<i32>} : memref<4096xf32, #tpu.memory_space<vmem>>, vector<16xf32>,
      tpu.vector_store %arg9[%swap3A_226], %broadcast_in_dim3A_3 {strides = array<i32>} : memref<4096xf32, #tpu.memory_space<vmem>>, vector<16xf32>,
      %swap3A_228 = arith.constant 128 : index
      %swap3A_229 = tpu.vector_load %arg9[%swap3A_228] {strides = array<i32>} : memref<4096xf32, #tpu.memory_space<vmem>>, vector<16xf32>,
      tpu.vector_store %arg9[%swap3A_228], %broadcast_in_dim3A_3 {strides = array<i32>} : memref<4096xf32, #tpu.memory_space<vmem>>, vector<16xf32>,
      %swap3A_230 = arith.constant 144 : index
      %swap3A_231 = tpu.vector_load %arg9[%swap3A_230] {strides = array<i32>} : memref<4096xf32, #tpu.memory_space<vmem>>, vector<16xf32>,
      tpu.vector_store %arg9[%swap3A_230], %broadcast_in_dim3A_3 {strides = array<i32>} : memref<4096xf32, #tpu.memory_space<vmem>>, vector<16xf32>,
      %swap3A_232 = arith.constant 160 : index
      %swap3A_233 = tpu.vector_load %arg9[%swap3A_232] {strides = array<i32>} : memref<4096xf32, #tpu.memory_space<vmem>>, vector<16xf32>,
      tpu.vector_store %arg9[%swap3A_232], %broadcast_in_dim3A_3 {strides = array<i32>} : memref<4096xf32, #tpu.memory_space<vmem>>, vector<16xf32>,
      %swap3A_234 = arith.constant 176 : index
      %swap3A_235 = tpu.vector_load %arg9[%swap3A_234] {strides = array<i32>} : memref<4096xf32, #tpu.memory_space<vmem>>, vector<16xf32>,
      tpu.vector_store %arg9[%swap3A_234], %broadcast_in_dim3A_3 {strides = array<i32>} : memref<4096xf32, #tpu.memory_space<vmem>>, vector<16xf32>,
      %swap3A_236 = arith.constant 192 : index
      %swap3A_237 = tpu.vector_load %arg9[%swap3A_236] {strides = array<i32>} : memref<4096xf32, #tpu.memory_space<vmem>>, vector<16xf32>,
      tpu.vector_store %arg9[%swap3A_236], %broadcast_in_dim3A_3 {strides = array<i32>} : memref<4096xf32, #tpu.memory_space<vmem>>, vector<16xf32>,
      %swap3A_238 = arith.constant 208 : index
      %swap3A_239 = tpu.vector_load %arg9[%swap3A_238] {strides = array<i32>} : memref<4096xf32, #tpu.memory_space<vmem>>, vector<16xf32>,
      tpu.vector_store %arg9[%swap3A_238], %broadcast_in_dim3A_3 {strides = array<i32>} : memref<4096xf32, #tpu.memory_space<vmem>>, vector<16xf32>,
      %swap3A_240 = arith.constant 224 : index
      %swap3A_241 = tpu.vector_load %arg9[%swap3A_240] {strides = array<i32>} : memref<4096xf32, #tpu.memory_space<vmem>>, vector<16xf32>,
      tpu.vector_store %arg9[%swap3A_240], %broadcast_in_dim3A_3 {strides = array<i32>} : memref<4096xf32, #tpu.memory_space<vmem>>, vector<16xf32>,
      %swap3A_242 = arith.constant 240 : index
      %swap3A_243 = tpu.vector_load %arg9[%swap3A_242] {strides = array<i32>} : memref<4096xf32, #tpu.memory_space<vmem>>, vector<16xf32>,
      tpu.vector_store %arg9[%swap3A_242], %broadcast_in_dim3A_3 {strides = array<i32>} : memref<4096xf32, #tpu.memory_space<vmem>>, vector<16xf32>,
      %swap3A_244 = arith.constant 256 : index
      %swap3A_245 = tpu.vector_load %arg9[%swap3A_244] {strides = array<i32>} : memref<4096xf32, #tpu.memory_space<vmem>>, vector<16xf32>,
      tpu.vector_store %arg9[%swap3A_244], %broadcast_in_dim3A_3 {strides = array<i32>} : memref<4096xf32, #tpu.memory_space<vmem>>, vector<16xf32>,
      %swap3A_246 = arith.constant 272 : index
      %swap3A_247 = tpu.vector_load %arg9[%swap3A_246] {strides = array<i32>} : memref<4096xf32, #tpu.memory_space<vmem>>, vector<16xf32>,
      tpu.vector_store %arg9[%swap3A_246], %broadcast_in_dim3A_3 {strides = array<i32>} : memref<4096xf32, #tpu.memory_space<vmem>>, vector<16xf32>,
      %swap3A_248 = arith.constant 288 : index
      %swap3A_249 = tpu.vector_load %arg9[%swap3A_248] {strides = array<i32>} : memref<4096xf32, #tpu.memory_space<vmem>>, vector<16xf32>,
      tpu.vector_store %arg9[%swap3A_248], %broadcast_in_dim3A_3 {strides = array<i32>} : memref<4096xf32, #tpu.memory_space<vmem>>, vector<16xf32>,
      %swap3A_250 = arith.constant 304 : index
      %swap3A_251 = tpu.vector_load %arg9[%swap3A_250] {strides = array<i32>} : memref<4096xf32, #tpu.memory_space<vmem>>, vector<16xf32>,
      tpu.vector_store %arg9[%swap3A_250], %broadcast_in_dim3A_3 {strides = array<i32>} : memref<4096xf32, #tpu.memory_space<vmem>>, vector<16xf32>,
      %swap3A_252 = arith.constant 320 : index
      %swap3A_253 = tpu.vector_load %arg9[%swap3A_252] {strides = array<i32>} : memref<4096xf32, #tpu.memory_space<vmem>>, vector<16xf32>,
      tpu.vector_store %arg9[%swap3A_252], %broadcast_in_dim3A_3 {strides = array<i32>} : memref<4096xf32, #tpu.memory_space<vmem>>, vector<16xf32>,
      %swap3A_254 = arith.constant 336 : index
      %swap3A_255 = tpu.vector_load %arg9[%swap3A_254] {strides = array<i32>} : memref<4096xf32, #tpu.memory_space<vmem>>, vector<16xf32>,
      tpu.vector_store %arg9[%swap3A_254], %broadcast_in_dim3A_3 {strides = array<i32>} : memref<4096xf32, #tpu.memory_space<vmem>>, vector<16xf32>,
      %swap3A_256 = arith.constant 352 : index
      %swap3A_257 = tpu.vector_load %arg9[%swap3A_256] {strides = array<i32>} : memref<4096xf32, #tpu.memory_space<vmem>>, vector<16xf32>,
      tpu.vector_store %arg9[%swap3A_256], %broadcast_in_dim3A_3 {strides = array<i32>} : memref<4096xf32, #tpu.memory_space<vmem>>, vector<16xf32>,
      %swap3A_258 = arith.constant 368 : index
      %swap3A_259 = tpu.vector_load %arg9[%swap3A_258] {strides = array<i32>} : memref<4096xf32, #tpu.memory_space<vmem>>, vector<16xf32>,
      tpu.vector_store %arg9[%swap3A_258], %broadcast_in_dim3A_3 {strides = array<i32>} : memref<4096xf32, #tpu.memory_space<vmem>>, vector<16xf32>,
      %swap3A_260 = arith.constant 384 : index
      %swap3A_261 = tpu.vector_load %arg9[%swap3A_260] {strides = array<i32>} : memref<4096xf32, #tpu.memory_space<vmem>>, vector<16xf32>,
      tpu.vector_store %arg9[%swap3A_260], %broadcast_in_dim3A_3 {strides = array<i32>} : memref<4096xf32, #tpu.memory_space<vmem>>, vector<16xf32>,
      %swap3A_262 = arith.constant 400 : index
      %swap3A_263 = tpu.vector_load %arg9[%swap3A_262] {strides = array<i32>} : memref<4096xf32, #tpu.memory_space<vmem>>, vector<16xf32>,
      tpu.vector_store %arg9[%swap3A_262], %broadcast_in_dim3A_3 {strides = array<i32>} : memref<4096xf32, #tpu.memory_space<vmem>>, vector<16xf32>,
      %swap3A_264 = arith.constant 416 : index
      %swap3A_265 = tpu.vector_load %arg9[%swap3A_264] {strides = array<i32>} : memref<4096xf32, #tpu.memory_space<vmem>>, vector<16xf32>,
      tpu.vector_store %arg9[%swap3A_264], %broadcast_in_dim3A_3 {strides = array<i32>} : memref<4096xf32, #tpu.memory_space<vmem>>, vector<16xf32>,
      %swap3A_266 = arith.constant 432 : index
      %swap3A_267 = tpu.vector_load %arg9[%swap3A_266] {strides = array<i32>} : memref<4096xf32, #tpu.memory_space<vmem>>, vector<16xf32>,
      tpu.vector_store %arg9[%swap3A_266], %broadcast_in_dim3A_3 {strides = array<i32>} : memref<4096xf32, #tpu.memory_space<vmem>>, vector<16xf32>,
      %swap3A_268 = arith.constant 448 : index
      %swap3A_269 = tpu.vector_load %arg9[%swap3A_268] {strides = array<i32>} : memref<4096xf32, #tpu.memory_space<vmem>>, vector<16xf32>,
      tpu.vector_store %arg9[%swap3A_268], %broadcast_in_dim3A_3 {strides = array<i32>} : memref<4096xf32, #tpu.memory_space<vmem>>, vector<16xf32>,
      %swap3A_270 = arith.constant 464 : index
      %swap3A_271 = tpu.vector_load %arg9[%swap3A_270] {strides = array<i32>} : memref<4096xf32, #tpu.memory_space<vmem>>, vector<16xf32>,
      tpu.vector_store %arg9[%swap3A_270], %broadcast_in_dim3A_3 {strides = array<i32>} : memref<4096xf32, #tpu.memory_space<vmem>>, vector<16xf32>,
      %swap3A_272 = arith.constant 480 : index
      %swap3A_273 = tpu.vector_load %arg9[%swap3A_272] {strides = array<i32>} : memref<4096xf32, #tpu.memory_space<vmem>>, vector<16xf32>,
      tpu.vector_store %arg9[%swap3A_272], %broadcast_in_dim3A_3 {strides = array<i32>} : memref<4096xf32, #tpu.memory_space<vmem>>, vector<16xf32>,
      %swap3A_274 = arith.constant 496 : index
      %swap3A_275 = tpu.vector_load %arg9[%swap3A_274] {strides = array<i32>} : memref<4096xf32, #tpu.memory_space<vmem>>, vector<16xf32>,
      tpu.vector_store %arg9[%swap3A_274], %broadcast_in_dim3A_3 {strides = array<i32>} : memref<4096xf32, #tpu.memory_space<vmem>>, vector<16xf32>,
      %swap3A_276 = arith.constant 512 : index
      %swap3A_277 = tpu.vector_load %arg9[%swap3A_276] {strides = array<i32>} : memref<4096xf32, #tpu.memory_space<vmem>>, vector<16xf32>,
      tpu.vector_store %arg9[%swap3A_276], %broadcast_in_dim3A_3 {strides = array<i32>} : memref<4096xf32, #tpu.memory_space<vmem>>, vector<16xf32>,
      %swap3A_278 = arith.constant 528 : index
      %swap3A_279 = tpu.vector_load %arg9[%swap3A_278] {strides = array<i32>} : memref<4096xf32, #tpu.memory_space<vmem>>, vector<16xf32>,
      tpu.vector_store %arg9[%swap3A_278], %broadcast_in_dim3A_3 {strides = array<i32>} : memref<4096xf32, #tpu.memory_space<vmem>>, vector<16xf32>,
      %swap3A_280 = arith.constant 544 : index
      %swap3A_281 = tpu.vector_load %arg9[%swap3A_280] {strides = array<i32>} : memref<4096xf32, #tpu.memory_space<vmem>>, vector<16xf32>,
      tpu.vector_store %arg9[%swap3A_280], %broadcast_in_dim3A_3 {strides = array<i32>} : memref<4096xf32, #tpu.memory_space<vmem>>, vector<16xf32>,
      %swap3A_282 = arith.constant 560 : index
      %swap3A_283 = tpu.vector_load %arg9[%swap3A_282] {strides = array<i32>} : memref<4096xf32, #tpu.memory_space<vmem>>, vector<16xf32>,
      tpu.vector_store %arg9[%swap3A_282], %broadcast_in_dim3A_3 {strides = array<i32>} : memref<4096xf32, #tpu.memory_space<vmem>>, vector<16xf32>,
      %swap3A_284 = arith.constant 576 : index
      %swap3A_285 = tpu.vector_load %arg9[%swap3A_284] {strides = array<i32>} : memref<4096xf32, #tpu.memory_space<vmem>>, vector<16xf32>,
      tpu.vector_store %arg9[%swap3A_284], %broadcast_in_dim3A_3 {strides = array<i32>} : memref<4096xf32, #tpu.memory_space<vmem>>, vector<16xf32>,
      %swap3A_286 = arith.constant 592 : index
      %swap3A_287 = tpu.vector_load %arg9[%swap3A_286] {strides = array<i32>} : memref<4096xf32, #tpu.memory_space<vmem>>, vector<16xf32>,
      tpu.vector_store %arg9[%swap3A_286], %broadcast_in_dim3A_3 {strides = array<i32>} : memref<4096xf32, #tpu.memory_space<vmem>>, vector<16xf32>,
      %swap3A_288 = arith.constant 608 : index
      %swap3A_289 = tpu.vector_load %arg9[%swap3A_288] {strides = array<i32>} : memref<4096xf32, #tpu.memory_space<vmem>>, vector<16xf32>,
      tpu.vector_store %arg9[%swap3A_288], %broadcast_in_dim3A_3 {strides = array<i32>} : memref<4096xf32, #tpu.memory_space<vmem>>, vector<16xf32>,
      %swap3A_290 = arith.constant 624 : index
      %swap3A_291 = tpu.vector_load %arg9[%swap3A_290] {strides = array<i32>} : memref<4096xf32, #tpu.memory_space<vmem>>, vector<16xf32>,
      tpu.vector_store %arg9[%swap3A_290], %broadcast_in_dim3A_3 {strides = array<i32>} : memref<4096xf32, #tpu.memory_space<vmem>>, vector<16xf32>,
      %swap3A_292 = arith.constant 640 : index
      %swap3A_293 = tpu.vector_load %arg9[%swap3A_292] {strides = array<i32>} : memref<4096xf32, #tpu.memory_space<vmem>>, vector<16xf32>,
      tpu.vector_store %arg9[%swap3A_292], %broadcast_in_dim3A_3 {strides = array<i32>} : memref<4096xf32, #tpu.memory_space<vmem>>, vector<16xf32>,
      %swap3A_294 = arith.constant 656 : index
      %swap3A_295 = tpu.vector_load %arg9[%swap3A_294] {strides = array<i32>} : memref<4096xf32, #tpu.memory_space<vmem>>, vector<16xf32>,
      tpu.vector_store %arg9[%swap3A_294], %broadcast_in_dim3A_3 {strides = array<i32>} : memref<4096xf32, #tpu.memory_space<vmem>>, vector<16xf32>,
      %swap3A_296 = arith.constant 672 : index
      %swap3A_297 = tpu.vector_load %arg9[%swap3A_296] {strides = array<i32>} : memref<4096xf32, #tpu.memory_space<vmem>>, vector<16xf32>,
      tpu.vector_store %arg9[%swap3A_296], %broadcast_in_dim3A_3 {strides = array<i32>} : memref<4096xf32, #tpu.memory_space<vmem>>, vector<16xf32>,
      %swap3A_298 = arith.constant 688 : index
      %swap3A_299 = tpu.vector_load %arg9[%swap3A_298] {strides = array<i32>} : memref<4096xf32, #tpu.memory_space<vmem>>, vector<16xf32>,
      tpu.vector_store %arg9[%swap3A_298], %broadcast_in_dim3A_3 {strides = array<i32>} : memref<4096xf32, #tpu.memory_space<vmem>>, vector<16xf32>,
      %swap3A_300 = arith.constant 704 : index
      %swap3A_301 = tpu.vector_load %arg9[%swap3A_300] {strides = array<i32>} : memref<4096xf32, #tpu.memory_space<vmem>>, vector<16xf32>,
      tpu.vector_store %arg9[%swap3A_300], %broadcast_in_dim3A_3 {strides = array<i32>} : memref<4096xf32, #tpu.memory_space<vmem>>, vector<16xf32>,
      %swap3A_302 = arith.constant 720 : index
      %swap3A_303 = tpu.vector_load %arg9[%swap3A_302] {strides = array<i32>} : memref<4096xf32, #tpu.memory_space<vmem>>, vector<16xf32>,
      tpu.vector_store %arg9[%swap3A_302], %broadcast_in_dim3A_3 {strides = array<i32>} : memref<4096xf32, #tpu.memory_space<vmem>>, vector<16xf32>,
      %swap3A_304 = arith.constant 736 : index
      %swap3A_305 = tpu.vector_load %arg9[%swap3A_304] {strides = array<i32>} : memref<4096xf32, #tpu.memory_space<vmem>>, vector<16xf32>,
      tpu.vector_store %arg9[%swap3A_304], %broadcast_in_dim3A_3 {strides = array<i32>} : memref<4096xf32, #tpu.memory_space<vmem>>, vector<16xf32>,
      %swap3A_306 = arith.constant 752 : index
      %swap3A_307 = tpu.vector_load %arg9[%swap3A_306] {strides = array<i32>} : memref<4096xf32, #tpu.memory_space<vmem>>, vector<16xf32>,
      tpu.vector_store %arg9[%swap3A_306], %broadcast_in_dim3A_3 {strides = array<i32>} : memref<4096xf32, #tpu.memory_space<vmem>>, vector<16xf32>,
      %swap3A_308 = arith.constant 768 : index
      %swap3A_309 = tpu.vector_load %arg9[%swap3A_308] {strides = array<i32>} : memref<4096xf32, #tpu.memory_space<vmem>>, vector<16xf32>,
      tpu.vector_store %arg9[%swap3A_308], %broadcast_in_dim3A_3 {strides = array<i32>} : memref<4096xf32, #tpu.memory_space<vmem>>, vector<16xf32>,
      %swap3A_310 = arith.constant 784 : index
      %swap3A_311 = tpu.vector_load %arg9[%swap3A_310] {strides = array<i32>} : memref<4096xf32, #tpu.memory_space<vmem>>, vector<16xf32>,
      tpu.vector_store %arg9[%swap3A_310], %broadcast_in_dim3A_3 {strides = array<i32>} : memref<4096xf32, #tpu.memory_space<vmem>>, vector<16xf32>,
      %swap3A_312 = arith.constant 800 : index
      %swap3A_313 = tpu.vector_load %arg9[%swap3A_312] {strides = array<i32>} : memref<4096xf32, #tpu.memory_space<vmem>>, vector<16xf32>,
      tpu.vector_store %arg9[%swap3A_312], %broadcast_in_dim3A_3 {strides = array<i32>} : memref<4096xf32, #tpu.memory_space<vmem>>, vector<16xf32>,
      %swap3A_314 = arith.constant 816 : index
      %swap3A_315 = tpu.vector_load %arg9[%swap3A_314] {strides = array<i32>} : memref<4096xf32, #tpu.memory_space<vmem>>, vector<16xf32>,
      tpu.vector_store %arg9[%swap3A_314], %broadcast_in_dim3A_3 {strides = array<i32>} : memref<4096xf32, #tpu.memory_space<vmem>>, vector<16xf32>,
      %swap3A_316 = arith.constant 832 : index
      %swap3A_317 = tpu.vector_load %arg9[%swap3A_316] {strides = array<i32>} : memref<4096xf32, #tpu.memory_space<vmem>>, vector<16xf32>,
      tpu.vector_store %arg9[%swap3A_316], %broadcast_in_dim3A_3 {strides = array<i32>} : memref<4096xf32, #tpu.memory_space<vmem>>, vector<16xf32>,
      %swap3A_318 = arith.constant 848 : index
      %swap3A_319 = tpu.vector_load %arg9[%swap3A_318] {strides = array<i32>} : memref<4096xf32, #tpu.memory_space<vmem>>, vector<16xf32>,
      tpu.vector_store %arg9[%swap3A_318], %broadcast_in_dim3A_3 {strides = array<i32>} : memref<4096xf32, #tpu.memory_space<vmem>>, vector<16xf32>,
      %swap3A_320 = arith.constant 864 : index
      %swap3A_321 = tpu.vector_load %arg9[%swap3A_320] {strides = array<i32>} : memref<4096xf32, #tpu.memory_space<vmem>>, vector<16xf32>,
      tpu.vector_store %arg9[%swap3A_320], %broadcast_in_dim3A_3 {strides = array<i32>} : memref<4096xf32, #tpu.memory_space<vmem>>, vector<16xf32>,
      %swap3A_322 = arith.constant 880 : index
      %swap3A_323 = tpu.vector_load %arg9[%swap3A_322] {strides = array<i32>} : memref<4096xf32, #tpu.memory_space<vmem>>, vector<16xf32>,
      tpu.vector_store %arg9[%swap3A_322], %broadcast_in_dim3A_3 {strides = array<i32>} : memref<4096xf32, #tpu.memory_space<vmem>>, vector<16xf32>,
      %swap3A_324 = arith.constant 896 : index
      %swap3A_325 = tpu.vector_load %arg9[%swap3A_324] {strides = array<i32>} : memref<4096xf32, #tpu.memory_space<vmem>>, vector<16xf32>,
      tpu.vector_store %arg9[%swap3A_324], %broadcast_in_dim3A_3 {strides = array<i32>} : memref<4096xf32, #tpu.memory_space<vmem>>, vector<16xf32>,
      %swap3A_326 = arith.constant 912 : index
      %swap3A_327 = tpu.vector_load %arg9[%swap3A_326] {strides = array<i32>} : memref<4096xf32, #tpu.memory_space<vmem>>, vector<16xf32>,
      tpu.vector_store %arg9[%swap3A_326], %broadcast_in_dim3A_3 {strides = array<i32>} : memref<4096xf32, #tpu.memory_space<vmem>>, vector<16xf32>,
      %swap3A_328 = arith.constant 928 : index
      %swap3A_329 = tpu.vector_load %arg9[%swap3A_328] {strides = array<i32>} : memref<4096xf32, #tpu.memory_space<vmem>>, vector<16xf32>,
      tpu.vector_store %arg9[%swap3A_328], %broadcast_in_dim3A_3 {strides = array<i32>} : memref<4096xf32, #tpu.memory_space<vmem>>, vector<16xf32>,
      %swap3A_330 = arith.constant 944 : index
      %swap3A_331 = tpu.vector_load %arg9[%swap3A_330] {strides = array<i32>} : memref<4096xf32, #tpu.memory_space<vmem>>, vector<16xf32>,
      tpu.vector_store %arg9[%swap3A_330], %broadcast_in_dim3A_3 {strides = array<i32>} : memref<4096xf32, #tpu.memory_space<vmem>>, vector<16xf32>,
      %swap3A_332 = arith.constant 960 : index
      %swap3A_333 = tpu.vector_load %arg9[%swap3A_332] {strides = array<i32>} : memref<4096xf32, #tpu.memory_space<vmem>>, vector<16xf32>,
      tpu.vector_store %arg9[%swap3A_332], %broadcast_in_dim3A_3 {strides = array<i32>} : memref<4096xf32, #tpu.memory_space<vmem>>, vector<16xf32>,
      %swap3A_334 = arith.constant 976 : index
      %swap3A_335 = tpu.vector_load %arg9[%swap3A_334] {strides = array<i32>} : memref<4096xf32, #tpu.memory_space<vmem>>, vector<16xf32>,
      tpu.vector_store %arg9[%swap3A_334], %broadcast_in_dim3A_3 {strides = array<i32>} : memref<4096xf32, #tpu.memory_space<vmem>>, vector<16xf32>,
      %swap3A_336 = arith.constant 992 : index
      %swap3A_337 = tpu.vector_load %arg9[%swap3A_336] {strides = array<i32>} : memref<4096xf32, #tpu.memory_space<vmem>>, vector<16xf32>,
      tpu.vector_store %arg9[%swap3A_336], %broadcast_in_dim3A_3 {strides = array<i32>} : memref<4096xf32, #tpu.memory_space<vmem>>, vector<16xf32>,
      %swap3A_338 = arith.constant 1008 : index
      %swap3A_339 = tpu.vector_load %arg9[%swap3A_338] {strides = array<i32>} : memref<4096xf32, #tpu.memory_space<vmem>>, vector<16xf32>,
      tpu.vector_store %arg9[%swap3A_338], %broadcast_in_dim3A_3 {strides = array<i32>} : memref<4096xf32, #tpu.memory_space<vmem>>, vector<16xf32>,
      %swap3A_340 = arith.constant 1024 : index
      %swap3A_341 = tpu.vector_load %arg9[%swap3A_340] {strides = array<i32>} : memref<4096xf32, #tpu.memory_space<vmem>>, vector<16xf32>,
      tpu.vector_store %arg9[%swap3A_340], %broadcast_in_dim3A_3 {strides = array<i32>} : memref<4096xf32, #tpu.memory_space<vmem>>, vector<16xf32>,
      %swap3A_342 = arith.constant 1040 : index
      %swap3A_343 = tpu.vector_load %arg9[%swap3A_342] {strides = array<i32>} : memref<4096xf32, #tpu.memory_space<vmem>>, vector<16xf32>,
      tpu.vector_store %arg9[%swap3A_342], %broadcast_in_dim3A_3 {strides = array<i32>} : memref<4096xf32, #tpu.memory_space<vmem>>, vector<16xf32>,
      %swap3A_344 = arith.constant 1056 : index
      %swap3A_345 = tpu.vector_load %arg9[%swap3A_344] {strides = array<i32>} : memref<4096xf32, #tpu.memory_space<vmem>>, vector<16xf32>,
      tpu.vector_store %arg9[%swap3A_344], %broadcast_in_dim3A_3 {strides = array<i32>} : memref<4096xf32, #tpu.memory_space<vmem>>, vector<16xf32>,
      %swap3A_346 = arith.constant 1072 : index
      %swap3A_347 = tpu.vector_load %arg9[%swap3A_346] {strides = array<i32>} : memref<4096xf32, #tpu.memory_space<vmem>>, vector<16xf32>,
      tpu.vector_store %arg9[%swap3A_346], %broadcast_in_dim3A_3 {strides = array<i32>} : memref<4096xf32, #tpu.memory_space<vmem>>, vector<16xf32>,
      %swap3A_348 = arith.constant 1088 : index
      %swap3A_349 = tpu.vector_load %arg9[%swap3A_348] {strides = array<i32>} : memref<4096xf32, #tpu.memory_space<vmem>>, vector<16xf32>,
      tpu.vector_store %arg9[%swap3A_348], %broadcast_in_dim3A_3 {strides = array<i32>} : memref<4096xf32, #tpu.memory_space<vmem>>, vector<16xf32>,
      %swap3A_350 = arith.constant 1104 : index
      %swap3A_351 = tpu.vector_load %arg9[%swap3A_350] {strides = array<i32>} : memref<4096xf32, #tpu.memory_space<vmem>>, vector<16xf32>,
      tpu.vector_store %arg9[%swap3A_350], %broadcast_in_dim3A_3 {strides = array<i32>} : memref<4096xf32, #tpu.memory_space<vmem>>, vector<16xf32>,
      %swap3A_352 = arith.constant 1120 : index
      %swap3A_353 = tpu.vector_load %arg9[%swap3A_352] {strides = array<i32>} : memref<4096xf32, #tpu.memory_space<vmem>>, vector<16xf32>,
      tpu.vector_store %arg9[%swap3A_352], %broadcast_in_dim3A_3 {strides = array<i32>} : memref<4096xf32, #tpu.memory_space<vmem>>, vector<16xf32>,
      %swap3A_354 = arith.constant 1136 : index
      %swap3A_355 = tpu.vector_load %arg9[%swap3A_354] {strides = array<i32>} : memref<4096xf32, #tpu.memory_space<vmem>>, vector<16xf32>,
      tpu.vector_store %arg9[%swap3A_354], %broadcast_in_dim3A_3 {strides = array<i32>} : memref<4096xf32, #tpu.memory_space<vmem>>, vector<16xf32>,
      %swap3A_356 = arith.constant 1152 : index
      %swap3A_357 = tpu.vector_load %arg9[%swap3A_356] {strides = array<i32>} : memref<4096xf32, #tpu.memory_space<vmem>>, vector<16xf32>,
      tpu.vector_store %arg9[%swap3A_356], %broadcast_in_dim3A_3 {strides = array<i32>} : memref<4096xf32, #tpu.memory_space<vmem>>, vector<16xf32>,
      %swap3A_358 = arith.constant 1168 : index
      %swap3A_359 = tpu.vector_load %arg9[%swap3A_358] {strides = array<i32>} : memref<4096xf32, #tpu.memory_space<vmem>>, vector<16xf32>,
      tpu.vector_store %arg9[%swap3A_358], %broadcast_in_dim3A_3 {strides = array<i32>} : memref<4096xf32, #tpu.memory_space<vmem>>, vector<16xf32>,
      %swap3A_360 = arith.constant 1184 : index
      %swap3A_361 = tpu.vector_load %arg9[%swap3A_360] {strides = array<i32>} : memref<4096xf32, #tpu.memory_space<vmem>>, vector<16xf32>,
      tpu.vector_store %arg9[%swap3A_360], %broadcast_in_dim3A_3 {strides = array<i32>} : memref<4096xf32, #tpu.memory_space<vmem>>, vector<16xf32>,
      %swap3A_362 = arith.constant 1200 : index
      %swap3A_363 = tpu.vector_load %arg9[%swap3A_362] {strides = array<i32>} : memref<4096xf32, #tpu.memory_space<vmem>>, vector<16xf32>,
      tpu.vector_store %arg9[%swap3A_362], %broadcast_in_dim3A_3 {strides = array<i32>} : memref<4096xf32, #tpu.memory_space<vmem>>, vector<16xf32>,
      %swap3A_364 = arith.constant 1216 : index
      %swap3A_365 = tpu.vector_load %arg9[%swap3A_364] {strides = array<i32>} : memref<4096xf32, #tpu.memory_space<vmem>>, vector<16xf32>,
      tpu.vector_store %arg9[%swap3A_364], %broadcast_in_dim3A_3 {strides = array<i32>} : memref<4096xf32, #tpu.memory_space<vmem>>, vector<16xf32>,
      %swap3A_366 = arith.constant 1232 : index
      %swap3A_367 = tpu.vector_load %arg9[%swap3A_366] {strides = array<i32>} : memref<4096xf32, #tpu.memory_space<vmem>>, vector<16xf32>,
      tpu.vector_store %arg9[%swap3A_366], %broadcast_in_dim3A_3 {strides = array<i32>} : memref<4096xf32, #tpu.memory_space<vmem>>, vector<16xf32>,
      %swap3A_368 = arith.constant 1248 : index
      %swap3A_369 = tpu.vector_load %arg9[%swap3A_368] {strides = array<i32>} : memref<4096xf32, #tpu.memory_space<vmem>>, vector<16xf32>,
      tpu.vector_store %arg9[%swap3A_368], %broadcast_in_dim3A_3 {strides = array<i32>} : memref<4096xf32, #tpu.memory_space<vmem>>, vector<16xf32>,
      %swap3A_370 = arith.constant 1264 : index
      %swap3A_371 = tpu.vector_load %arg9[%swap3A_370] {strides = array<i32>} : memref<4096xf32, #tpu.memory_space<vmem>>, vector<16xf32>,
      tpu.vector_store %arg9[%swap3A_370], %broadcast_in_dim3A_3 {strides = array<i32>} : memref<4096xf32, #tpu.memory_space<vmem>>, vector<16xf32>,
      %swap3A_372 = arith.constant 1280 : index
      %swap3A_373 = tpu.vector_load %arg9[%swap3A_372] {strides = array<i32>} : memref<4096xf32, #tpu.memory_space<vmem>>, vector<16xf32>,
      tpu.vector_store %arg9[%swap3A_372], %broadcast_in_dim3A_3 {strides = array<i32>} : memref<4096xf32, #tpu.memory_space<vmem>>, vector<16xf32>,
      %swap3A_374 = arith.constant 1296 : index
      %swap3A_375 = tpu.vector_load %arg9[%swap3A_374] {strides = array<i32>} : memref<4096xf32, #tpu.memory_space<vmem>>, vector<16xf32>,
      tpu.vector_store %arg9[%swap3A_374], %broadcast_in_dim3A_3 {strides = array<i32>} : memref<4096xf32, #tpu.memory_space<vmem>>, vector<16xf32>,
      %swap3A_376 = arith.constant 1312 : index
      %swap3A_377 = tpu.vector_load %arg9[%swap3A_376] {strides = array<i32>} : memref<4096xf32, #tpu.memory_space<vmem>>, vector<16xf32>,
      tpu.vector_store %arg9[%swap3A_376], %broadcast_in_dim3A_3 {strides = array<i32>} : memref<4096xf32, #tpu.memory_space<vmem>>, vector<16xf32>,
      %swap3A_378 = arith.constant 1328 : index
      %swap3A_379 = tpu.vector_load %arg9[%swap3A_378] {strides = array<i32>} : memref<4096xf32, #tpu.memory_space<vmem>>, vector<16xf32>,
      tpu.vector_store %arg9[%swap3A_378], %broadcast_in_dim3A_3 {strides = array<i32>} : memref<4096xf32, #tpu.memory_space<vmem>>, vector<16xf32>,
      %swap3A_380 = arith.constant 1344 : index
      %swap3A_381 = tpu.vector_load %arg9[%swap3A_380] {strides = array<i32>} : memref<4096xf32, #tpu.memory_space<vmem>>, vector<16xf32>,
      tpu.vector_store %arg9[%swap3A_380], %broadcast_in_dim3A_3 {strides = array<i32>} : memref<4096xf32, #tpu.memory_space<vmem>>, vector<16xf32>,
      %swap3A_382 = arith.constant 1360 : index
      %swap3A_383 = tpu.vector_load %arg9[%swap3A_382] {strides = array<i32>} : memref<4096xf32, #tpu.memory_space<vmem>>, vector<16xf32>,
      tpu.vector_store %arg9[%swap3A_382], %broadcast_in_dim3A_3 {strides = array<i32>} : memref<4096xf32, #tpu.memory_space<vmem>>, vector<16xf32>,
      %swap3A_384 = arith.constant 1376 : index
      %swap3A_385 = tpu.vector_load %arg9[%swap3A_384] {strides = array<i32>} : memref<4096xf32, #tpu.memory_space<vmem>>, vector<16xf32>,
      tpu.vector_store %arg9[%swap3A_384], %broadcast_in_dim3A_3 {strides = array<i32>} : memref<4096xf32, #tpu.memory_space<vmem>>, vector<16xf32>,
      %swap3A_386 = arith.constant 1392 : index
      %swap3A_387 = tpu.vector_load %arg9[%swap3A_386] {strides = array<i32>} : memref<4096xf32, #tpu.memory_space<vmem>>, vector<16xf32>,
      tpu.vector_store %arg9[%swap3A_386], %broadcast_in_dim3A_3 {strides = array<i32>} : memref<4096xf32, #tpu.memory_space<vmem>>, vector<16xf32>,
      %swap3A_388 = arith.constant 1408 : index
      %swap3A_389 = tpu.vector_load %arg9[%swap3A_388] {strides = array<i32>} : memref<4096xf32, #tpu.memory_space<vmem>>, vector<16xf32>,
      tpu.vector_store %arg9[%swap3A_388], %broadcast_in_dim3A_3 {strides = array<i32>} : memref<4096xf32, #tpu.memory_space<vmem>>, vector<16xf32>,
      %swap3A_390 = arith.constant 1424 : index
      %swap3A_391 = tpu.vector_load %arg9[%swap3A_390] {strides = array<i32>} : memref<4096xf32, #tpu.memory_space<vmem>>, vector<16xf32>,
      tpu.vector_store %arg9[%swap3A_390], %broadcast_in_dim3A_3 {strides = array<i32>} : memref<4096xf32, #tpu.memory_space<vmem>>, vector<16xf32>,
      %swap3A_392 = arith.constant 1440 : index
      %swap3A_393 = tpu.vector_load %arg9[%swap3A_392] {strides = array<i32>} : memref<4096xf32, #tpu.memory_space<vmem>>, vector<16xf32>,
      tpu.vector_store %arg9[%swap3A_392], %broadcast_in_dim3A_3 {strides = array<i32>} : memref<4096xf32, #tpu.memory_space<vmem>>, vector<16xf32>,
      %swap3A_394 = arith.constant 1456 : index
      %swap3A_395 = tpu.vector_load %arg9[%swap3A_394] {strides = array<i32>} : memref<4096xf32, #tpu.memory_space<vmem>>, vector<16xf32>,
      tpu.vector_store %arg9[%swap3A_394], %broadcast_in_dim3A_3 {strides = array<i32>} : memref<4096xf32, #tpu.memory_space<vmem>>, vector<16xf32>,
      %swap3A_396 = arith.constant 1472 : index
      %swap3A_397 = tpu.vector_load %arg9[%swap3A_396] {strides = array<i32>} : memref<4096xf32, #tpu.memory_space<vmem>>, vector<16xf32>,
      tpu.vector_store %arg9[%swap3A_396], %broadcast_in_dim3A_3 {strides = array<i32>} : memref<4096xf32, #tpu.memory_space<vmem>>, vector<16xf32>,
      %swap3A_398 = arith.constant 1488 : index
      %swap3A_399 = tpu.vector_load %arg9[%swap3A_398] {strides = array<i32>} : memref<4096xf32, #tpu.memory_space<vmem>>, vector<16xf32>,
      tpu.vector_store %arg9[%swap3A_398], %broadcast_in_dim3A_3 {strides = array<i32>} : memref<4096xf32, #tpu.memory_space<vmem>>, vector<16xf32>,
      %swap3A_400 = arith.constant 1504 : index
      %swap3A_401 = tpu.vector_load %arg9[%swap3A_400] {strides = array<i32>} : memref<4096xf32, #tpu.memory_space<vmem>>, vector<16xf32>,
      tpu.vector_store %arg9[%swap3A_400], %broadcast_in_dim3A_3 {strides = array<i32>} : memref<4096xf32, #tpu.memory_space<vmem>>, vector<16xf32>,
      %swap3A_402 = arith.constant 1520 : index
      %swap3A_403 = tpu.vector_load %arg9[%swap3A_402] {strides = array<i32>} : memref<4096xf32, #tpu.memory_space<vmem>>, vector<16xf32>,
      tpu.vector_store %arg9[%swap3A_402], %broadcast_in_dim3A_3 {strides = array<i32>} : memref<4096xf32, #tpu.memory_space<vmem>>, vector<16xf32>,
      %swap3A_404 = arith.constant 1536 : index
      %swap3A_405 = tpu.vector_load %arg9[%swap3A_404] {strides = array<i32>} : memref<4096xf32, #tpu.memory_space<vmem>>, vector<16xf32>,
      tpu.vector_store %arg9[%swap3A_404], %broadcast_in_dim3A_3 {strides = array<i32>} : memref<4096xf32, #tpu.memory_space<vmem>>, vector<16xf32>,
      %swap3A_406 = arith.constant 1552 : index
      %swap3A_407 = tpu.vector_load %arg9[%swap3A_406] {strides = array<i32>} : memref<4096xf32, #tpu.memory_space<vmem>>, vector<16xf32>,
      tpu.vector_store %arg9[%swap3A_406], %broadcast_in_dim3A_3 {strides = array<i32>} : memref<4096xf32, #tpu.memory_space<vmem>>, vector<16xf32>,
      %swap3A_408 = arith.constant 1568 : index
      %swap3A_409 = tpu.vector_load %arg9[%swap3A_408] {strides = array<i32>} : memref<4096xf32, #tpu.memory_space<vmem>>, vector<16xf32>,
      tpu.vector_store %arg9[%swap3A_408], %broadcast_in_dim3A_3 {strides = array<i32>} : memref<4096xf32, #tpu.memory_space<vmem>>, vector<16xf32>,
      %swap3A_410 = arith.constant 1584 : index
      %swap3A_411 = tpu.vector_load %arg9[%swap3A_410] {strides = array<i32>} : memref<4096xf32, #tpu.memory_space<vmem>>, vector<16xf32>,
      tpu.vector_store %arg9[%swap3A_410], %broadcast_in_dim3A_3 {strides = array<i32>} : memref<4096xf32, #tpu.memory_space<vmem>>, vector<16xf32>,
      %swap3A_412 = arith.constant 1600 : index
      %swap3A_413 = tpu.vector_load %arg9[%swap3A_412] {strides = array<i32>} : memref<4096xf32, #tpu.memory_space<vmem>>, vector<16xf32>,
      tpu.vector_store %arg9[%swap3A_412], %broadcast_in_dim3A_3 {strides = array<i32>} : memref<4096xf32, #tpu.memory_space<vmem>>, vector<16xf32>,
      %swap3A_414 = arith.constant 1616 : index
      %swap3A_415 = tpu.vector_load %arg9[%swap3A_414] {strides = array<i32>} : memref<4096xf32, #tpu.memory_space<vmem>>, vector<16xf32>,
      tpu.vector_store %arg9[%swap3A_414], %broadcast_in_dim3A_3 {strides = array<i32>} : memref<4096xf32, #tpu.memory_space<vmem>>, vector<16xf32>,
      %swap3A_416 = arith.constant 1632 : index
      %swap3A_417 = tpu.vector_load %arg9[%swap3A_416] {strides = array<i32>} : memref<4096xf32, #tpu.memory_space<vmem>>, vector<16xf32>,
      tpu.vector_store %arg9[%swap3A_416], %broadcast_in_dim3A_3 {strides = array<i32>} : memref<4096xf32, #tpu.memory_space<vmem>>, vector<16xf32>,
      %swap3A_418 = arith.constant 1648 : index
      %swap3A_419 = tpu.vector_load %arg9[%swap3A_418] {strides = array<i32>} : memref<4096xf32, #tpu.memory_space<vmem>>, vector<16xf32>,
      tpu.vector_store %arg9[%swap3A_418], %broadcast_in_dim3A_3 {strides = array<i32>} : memref<4096xf32, #tpu.memory_space<vmem>>, vector<16xf32>,
      %swap3A_420 = arith.constant 1664 : index
      %swap3A_421 = tpu.vector_load %arg9[%swap3A_420] {strides = array<i32>} : memref<4096xf32, #tpu.memory_space<vmem>>, vector<16xf32>,
      tpu.vector_store %arg9[%swap3A_420], %broadcast_in_dim3A_3 {strides = array<i32>} : memref<4096xf32, #tpu.memory_space<vmem>>, vector<16xf32>,
      %swap3A_422 = arith.constant 1680 : index
      %swap3A_423 = tpu.vector_load %arg9[%swap3A_422] {strides = array<i32>} : memref<4096xf32, #tpu.memory_space<vmem>>, vector<16xf32>,
      tpu.vector_store %arg9[%swap3A_422], %broadcast_in_dim3A_3 {strides = array<i32>} : memref<4096xf32, #tpu.memory_space<vmem>>, vector<16xf32>,
      %swap3A_424 = arith.constant 1696 : index
      %swap3A_425 = tpu.vector_load %arg9[%swap3A_424] {strides = array<i32>} : memref<4096xf32, #tpu.memory_space<vmem>>, vector<16xf32>,
      tpu.vector_store %arg9[%swap3A_424], %broadcast_in_dim3A_3 {strides = array<i32>} : memref<4096xf32, #tpu.memory_space<vmem>>, vector<16xf32>,
      %swap3A_426 = arith.constant 1712 : index
      %swap3A_427 = tpu.vector_load %arg9[%swap3A_426] {strides = array<i32>} : memref<4096xf32, #tpu.memory_space<vmem>>, vector<16xf32>,
      tpu.vector_store %arg9[%swap3A_426], %broadcast_in_dim3A_3 {strides = array<i32>} : memref<4096xf32, #tpu.memory_space<vmem>>, vector<16xf32>,
      %swap3A_428 = arith.constant 1728 : index
      %swap3A_429 = tpu.vector_load %arg9[%swap3A_428] {strides = array<i32>} : memref<4096xf32, #tpu.memory_space<vmem>>, vector<16xf32>,
      tpu.vector_store %arg9[%swap3A_428], %broadcast_in_dim3A_3 {strides = array<i32>} : memref<4096xf32, #tpu.memory_space<vmem>>, vector<16xf32>,
      %swap3A_430 = arith.constant 1744 : index
      %swap3A_431 = tpu.vector_load %arg9[%swap3A_430] {strides = array<i32>} : memref<4096xf32, #tpu.memory_space<vmem>>, vector<16xf32>,
      tpu.vector_store %arg9[%swap3A_430], %broadcast_in_dim3A_3 {strides = array<i32>} : memref<4096xf32, #tpu.memory_space<vmem>>, vector<16xf32>,
      %swap3A_432 = arith.constant 1760 : index
      %swap3A_433 = tpu.vector_load %arg9[%swap3A_432] {strides = array<i32>} : memref<4096xf32, #tpu.memory_space<vmem>>, vector<16xf32>,
      tpu.vector_store %arg9[%swap3A_432], %broadcast_in_dim3A_3 {strides = array<i32>} : memref<4096xf32, #tpu.memory_space<vmem>>, vector<16xf32>,
      %swap3A_434 = arith.constant 1776 : index
      %swap3A_435 = tpu.vector_load %arg9[%swap3A_434] {strides = array<i32>} : memref<4096xf32, #tpu.memory_space<vmem>>, vector<16xf32>,
      tpu.vector_store %arg9[%swap3A_434], %broadcast_in_dim3A_3 {strides = array<i32>} : memref<4096xf32, #tpu.memory_space<vmem>>, vector<16xf32>,
      %swap3A_436 = arith.constant 1792 : index
      %swap3A_437 = tpu.vector_load %arg9[%swap3A_436] {strides = array<i32>} : memref<4096xf32, #tpu.memory_space<vmem>>, vector<16xf32>,
      tpu.vector_store %arg9[%swap3A_436], %broadcast_in_dim3A_3 {strides = array<i32>} : memref<4096xf32, #tpu.memory_space<vmem>>, vector<16xf32>,
      %swap3A_438 = arith.constant 1808 : index
      %swap3A_439 = tpu.vector_load %arg9[%swap3A_438] {strides = array<i32>} : memref<4096xf32, #tpu.memory_space<vmem>>, vector<16xf32>,
      tpu.vector_store %arg9[%swap3A_438], %broadcast_in_dim3A_3 {strides = array<i32>} : memref<4096xf32, #tpu.memory_space<vmem>>, vector<16xf32>,
      %swap3A_440 = arith.constant 1824 : index
      %swap3A_441 = tpu.vector_load %arg9[%swap3A_440] {strides = array<i32>} : memref<4096xf32, #tpu.memory_space<vmem>>, vector<16xf32>,
      tpu.vector_store %arg9[%swap3A_440], %broadcast_in_dim3A_3 {strides = array<i32>} : memref<4096xf32, #tpu.memory_space<vmem>>, vector<16xf32>,
      %swap3A_442 = arith.constant 1840 : index
      %swap3A_443 = tpu.vector_load %arg9[%swap3A_442] {strides = array<i32>} : memref<4096xf32, #tpu.memory_space<vmem>>, vector<16xf32>,
      tpu.vector_store %arg9[%swap3A_442], %broadcast_in_dim3A_3 {strides = array<i32>} : memref<4096xf32, #tpu.memory_space<vmem>>, vector<16xf32>,
      %swap3A_444 = arith.constant 1856 : index
      %swap3A_445 = tpu.vector_load %arg9[%swap3A_444] {strides = array<i32>} : memref<4096xf32, #tpu.memory_space<vmem>>, vector<16xf32>,
      tpu.vector_store %arg9[%swap3A_444], %broadcast_in_dim3A_3 {strides = array<i32>} : memref<4096xf32, #tpu.memory_space<vmem>>, vector<16xf32>,
      %swap3A_446 = arith.constant 1872 : index
      %swap3A_447 = tpu.vector_load %arg9[%swap3A_446] {strides = array<i32>} : memref<4096xf32, #tpu.memory_space<vmem>>, vector<16xf32>,
      tpu.vector_store %arg9[%swap3A_446], %broadcast_in_dim3A_3 {strides = array<i32>} : memref<4096xf32, #tpu.memory_space<vmem>>, vector<16xf32>,
      %swap3A_448 = arith.constant 1888 : index
      %swap3A_449 = tpu.vector_load %arg9[%swap3A_448] {strides = array<i32>} : memref<4096xf32, #tpu.memory_space<vmem>>, vector<16xf32>,
      tpu.vector_store %arg9[%swap3A_448], %broadcast_in_dim3A_3 {strides = array<i32>} : memref<4096xf32, #tpu.memory_space<vmem>>, vector<16xf32>,
      %swap3A_450 = arith.constant 1904 : index
      %swap3A_451 = tpu.vector_load %arg9[%swap3A_450] {strides = array<i32>} : memref<4096xf32, #tpu.memory_space<vmem>>, vector<16xf32>,
      tpu.vector_store %arg9[%swap3A_450], %broadcast_in_dim3A_3 {strides = array<i32>} : memref<4096xf32, #tpu.memory_space<vmem>>, vector<16xf32>,
      %swap3A_452 = arith.constant 1920 : index
      %swap3A_453 = tpu.vector_load %arg9[%swap3A_452] {strides = array<i32>} : memref<4096xf32, #tpu.memory_space<vmem>>, vector<16xf32>,
      tpu.vector_store %arg9[%swap3A_452], %broadcast_in_dim3A_3 {strides = array<i32>} : memref<4096xf32, #tpu.memory_space<vmem>>, vector<16xf32>,
      %swap3A_454 = arith.constant 1936 : index
      %swap3A_455 = tpu.vector_load %arg9[%swap3A_454] {strides = array<i32>} : memref<4096xf32, #tpu.memory_space<vmem>>, vector<16xf32>,
      tpu.vector_store %arg9[%swap3A_454], %broadcast_in_dim3A_3 {strides = array<i32>} : memref<4096xf32, #tpu.memory_space<vmem>>, vector<16xf32>,
      %swap3A_456 = arith.constant 1952 : index
      %swap3A_457 = tpu.vector_load %arg9[%swap3A_456] {strides = array<i32>} : memref<4096xf32, #tpu.memory_space<vmem>>, vector<16xf32>,
      tpu.vector_store %arg9[%swap3A_456], %broadcast_in_dim3A_3 {strides = array<i32>} : memref<4096xf32, #tpu.memory_space<vmem>>, vector<16xf32>,
      %swap3A_458 = arith.constant 1968 : index
      %swap3A_459 = tpu.vector_load %arg9[%swap3A_458] {strides = array<i32>} : memref<4096xf32, #tpu.memory_space<vmem>>, vector<16xf32>,
      tpu.vector_store %arg9[%swap3A_458], %broadcast_in_dim3A_3 {strides = array<i32>} : memref<4096xf32, #tpu.memory_space<vmem>>, vector<16xf32>,
      %swap3A_460 = arith.constant 1984 : index
      %swap3A_461 = tpu.vector_load %arg9[%swap3A_460] {strides = array<i32>} : memref<4096xf32, #tpu.memory_space<vmem>>, vector<16xf32>,
      tpu.vector_store %arg9[%swap3A_460], %broadcast_in_dim3A_3 {strides = array<i32>} : memref<4096xf32, #tpu.memory_space<vmem>>, vector<16xf32>,
      %swap3A_462 = arith.constant 2000 : index
      %swap3A_463 = tpu.vector_load %arg9[%swap3A_462] {strides = array<i32>} : memref<4096xf32, #tpu.memory_space<vmem>>, vector<16xf32>,
      tpu.vector_store %arg9[%swap3A_462], %broadcast_in_dim3A_3 {strides = array<i32>} : memref<4096xf32, #tpu.memory_space<vmem>>, vector<16xf32>,
      %swap3A_464 = arith.constant 2016 : index
      %swap3A_465 = tpu.vector_load %arg9[%swap3A_464] {strides = array<i32>} : memref<4096xf32, #tpu.memory_space<vmem>>, vector<16xf32>,
      tpu.vector_store %arg9[%swap3A_464], %broadcast_in_dim3A_3 {strides = array<i32>} : memref<4096xf32, #tpu.memory_space<vmem>>, vector<16xf32>,
      %swap3A_466 = arith.constant 2032 : index
      %swap3A_467 = tpu.vector_load %arg9[%swap3A_466] {strides = array<i32>} : memref<4096xf32, #tpu.memory_space<vmem>>, vector<16xf32>,
      tpu.vector_store %arg9[%swap3A_466], %broadcast_in_dim3A_3 {strides = array<i32>} : memref<4096xf32, #tpu.memory_space<vmem>>, vector<16xf32>,
      %swap3A_468 = arith.constant 2048 : index
      %swap3A_469 = tpu.vector_load %arg9[%swap3A_468] {strides = array<i32>} : memref<4096xf32, #tpu.memory_space<vmem>>, vector<16xf32>,
      tpu.vector_store %arg9[%swap3A_468], %broadcast_in_dim3A_3 {strides = array<i32>} : memref<4096xf32, #tpu.memory_space<vmem>>, vector<16xf32>,
      %swap3A_470 = arith.constant 2064 : index
      %swap3A_471 = tpu.vector_load %arg9[%swap3A_470] {strides = array<i32>} : memref<4096xf32, #tpu.memory_space<vmem>>, vector<16xf32>,
      tpu.vector_store %arg9[%swap3A_470], %broadcast_in_dim3A_3 {strides = array<i32>} : memref<4096xf32, #tpu.memory_space<vmem>>, vector<16xf32>,
      %swap3A_472 = arith.constant 2080 : index
      %swap3A_473 = tpu.vector_load %arg9[%swap3A_472] {strides = array<i32>} : memref<4096xf32, #tpu.memory_space<vmem>>, vector<16xf32>,
      tpu.vector_store %arg9[%swap3A_472], %broadcast_in_dim3A_3 {strides = array<i32>} : memref<4096xf32, #tpu.memory_space<vmem>>, vector<16xf32>,
      %swap3A_474 = arith.constant 2096 : index
      %swap3A_475 = tpu.vector_load %arg9[%swap3A_474] {strides = array<i32>} : memref<4096xf32, #tpu.memory_space<vmem>>, vector<16xf32>,
      tpu.vector_store %arg9[%swap3A_474], %broadcast_in_dim3A_3 {strides = array<i32>} : memref<4096xf32, #tpu.memory_space<vmem>>, vector<16xf32>,
      %swap3A_476 = arith.constant 2112 : index
      %swap3A_477 = tpu.vector_load %arg9[%swap3A_476] {strides = array<i32>} : memref<4096xf32, #tpu.memory_space<vmem>>, vector<16xf32>,
      tpu.vector_store %arg9[%swap3A_476], %broadcast_in_dim3A_3 {strides = array<i32>} : memref<4096xf32, #tpu.memory_space<vmem>>, vector<16xf32>,
      %swap3A_478 = arith.constant 2128 : index
      %swap3A_479 = tpu.vector_load %arg9[%swap3A_478] {strides = array<i32>} : memref<4096xf32, #tpu.memory_space<vmem>>, vector<16xf32>,
      tpu.vector_store %arg9[%swap3A_478], %broadcast_in_dim3A_3 {strides = array<i32>} : memref<4096xf32, #tpu.memory_space<vmem>>, vector<16xf32>,
      %swap3A_480 = arith.constant 2144 : index
      %swap3A_481 = tpu.vector_load %arg9[%swap3A_480] {strides = array<i32>} : memref<4096xf32, #tpu.memory_space<vmem>>, vector<16xf32>,
      tpu.vector_store %arg9[%swap3A_480], %broadcast_in_dim3A_3 {strides = array<i32>} : memref<4096xf32, #tpu.memory_space<vmem>>, vector<16xf32>,
      %swap3A_482 = arith.constant 2160 : index
      %swap3A_483 = tpu.vector_load %arg9[%swap3A_482] {strides = array<i32>} : memref<4096xf32, #tpu.memory_space<vmem>>, vector<16xf32>,
      tpu.vector_store %arg9[%swap3A_482], %broadcast_in_dim3A_3 {strides = array<i32>} : memref<4096xf32, #tpu.memory_space<vmem>>, vector<16xf32>,
      %swap3A_484 = arith.constant 2176 : index
      %swap3A_485 = tpu.vector_load %arg9[%swap3A_484] {strides = array<i32>} : memref<4096xf32, #tpu.memory_space<vmem>>, vector<16xf32>,
      tpu.vector_store %arg9[%swap3A_484], %broadcast_in_dim3A_3 {strides = array<i32>} : memref<4096xf32, #tpu.memory_space<vmem>>, vector<16xf32>,
      %swap3A_486 = arith.constant 2192 : index
      %swap3A_487 = tpu.vector_load %arg9[%swap3A_486] {strides = array<i32>} : memref<4096xf32, #tpu.memory_space<vmem>>, vector<16xf32>,
      tpu.vector_store %arg9[%swap3A_486], %broadcast_in_dim3A_3 {strides = array<i32>} : memref<4096xf32, #tpu.memory_space<vmem>>, vector<16xf32>,
      %swap3A_488 = arith.constant 2208 : index
      %swap3A_489 = tpu.vector_load %arg9[%swap3A_488] {strides = array<i32>} : memref<4096xf32, #tpu.memory_space<vmem>>, vector<16xf32>,
      tpu.vector_store %arg9[%swap3A_488], %broadcast_in_dim3A_3 {strides = array<i32>} : memref<4096xf32, #tpu.memory_space<vmem>>, vector<16xf32>,
      %swap3A_490 = arith.constant 2224 : index
      %swap3A_491 = tpu.vector_load %arg9[%swap3A_490] {strides = array<i32>} : memref<4096xf32, #tpu.memory_space<vmem>>, vector<16xf32>,
      tpu.vector_store %arg9[%swap3A_490], %broadcast_in_dim3A_3 {strides = array<i32>} : memref<4096xf32, #tpu.memory_space<vmem>>, vector<16xf32>,
      %swap3A_492 = arith.constant 2240 : index
      %swap3A_493 = tpu.vector_load %arg9[%swap3A_492] {strides = array<i32>} : memref<4096xf32, #tpu.memory_space<vmem>>, vector<16xf32>,
      tpu.vector_store %arg9[%swap3A_492], %broadcast_in_dim3A_3 {strides = array<i32>} : memref<4096xf32, #tpu.memory_space<vmem>>, vector<16xf32>,
      %swap3A_494 = arith.constant 2256 : index
      %swap3A_495 = tpu.vector_load %arg9[%swap3A_494] {strides = array<i32>} : memref<4096xf32, #tpu.memory_space<vmem>>, vector<16xf32>,
      tpu.vector_store %arg9[%swap3A_494], %broadcast_in_dim3A_3 {strides = array<i32>} : memref<4096xf32, #tpu.memory_space<vmem>>, vector<16xf32>,
      %swap3A_496 = arith.constant 2272 : index
      %swap3A_497 = tpu.vector_load %arg9[%swap3A_496] {strides = array<i32>} : memref<4096xf32, #tpu.memory_space<vmem>>, vector<16xf32>,
      tpu.vector_store %arg9[%swap3A_496], %broadcast_in_dim3A_3 {strides = array<i32>} : memref<4096xf32, #tpu.memory_space<vmem>>, vector<16xf32>,
      %swap3A_498 = arith.constant 2288 : index
      %swap3A_499 = tpu.vector_load %arg9[%swap3A_498] {strides = array<i32>} : memref<4096xf32, #tpu.memory_space<vmem>>, vector<16xf32>,
      tpu.vector_store %arg9[%swap3A_498], %broadcast_in_dim3A_3 {strides = array<i32>} : memref<4096xf32, #tpu.memory_space<vmem>>, vector<16xf32>,
      %swap3A_500 = arith.constant 2304 : index
      %swap3A_501 = tpu.vector_load %arg9[%swap3A_500] {strides = array<i32>} : memref<4096xf32, #tpu.memory_space<vmem>>, vector<16xf32>,
      tpu.vector_store %arg9[%swap3A_500], %broadcast_in_dim3A_3 {strides = array<i32>} : memref<4096xf32, #tpu.memory_space<vmem>>, vector<16xf32>,
      %swap3A_502 = arith.constant 2320 : index
      %swap3A_503 = tpu.vector_load %arg9[%swap3A_502] {strides = array<i32>} : memref<4096xf32, #tpu.memory_space<vmem>>, vector<16xf32>,
      tpu.vector_store %arg9[%swap3A_502], %broadcast_in_dim3A_3 {strides = array<i32>} : memref<4096xf32, #tpu.memory_space<vmem>>, vector<16xf32>,
      %swap3A_504 = arith.constant 2336 : index
      %swap3A_505 = tpu.vector_load %arg9[%swap3A_504] {strides = array<i32>} : memref<4096xf32, #tpu.memory_space<vmem>>, vector<16xf32>,
      tpu.vector_store %arg9[%swap3A_504], %broadcast_in_dim3A_3 {strides = array<i32>} : memref<4096xf32, #tpu.memory_space<vmem>>, vector<16xf32>,
      %swap3A_506 = arith.constant 2352 : index
      %swap3A_507 = tpu.vector_load %arg9[%swap3A_506] {strides = array<i32>} : memref<4096xf32, #tpu.memory_space<vmem>>, vector<16xf32>,
      tpu.vector_store %arg9[%swap3A_506], %broadcast_in_dim3A_3 {strides = array<i32>} : memref<4096xf32, #tpu.memory_space<vmem>>, vector<16xf32>,
      %swap3A_508 = arith.constant 2368 : index
      %swap3A_509 = tpu.vector_load %arg9[%swap3A_508] {strides = array<i32>} : memref<4096xf32, #tpu.memory_space<vmem>>, vector<16xf32>,
      tpu.vector_store %arg9[%swap3A_508], %broadcast_in_dim3A_3 {strides = array<i32>} : memref<4096xf32, #tpu.memory_space<vmem>>, vector<16xf32>,
      %swap3A_510 = arith.constant 2384 : index
      %swap3A_511 = tpu.vector_load %arg9[%swap3A_510] {strides = array<i32>} : memref<4096xf32, #tpu.memory_space<vmem>>, vector<16xf32>,
      tpu.vector_store %arg9[%swap3A_510], %broadcast_in_dim3A_3 {strides = array<i32>} : memref<4096xf32, #tpu.memory_space<vmem>>, vector<16xf32>,
      %swap3A_512 = arith.constant 2400 : index
      %swap3A_513 = tpu.vector_load %arg9[%swap3A_512] {strides = array<i32>} : memref<4096xf32, #tpu.memory_space<vmem>>, vector<16xf32>,
      tpu.vector_store %arg9[%swap3A_512], %broadcast_in_dim3A_3 {strides = array<i32>} : memref<4096xf32, #tpu.memory_space<vmem>>, vector<16xf32>,
      %swap3A_514 = arith.constant 2416 : index
      %swap3A_515 = tpu.vector_load %arg9[%swap3A_514] {strides = array<i32>} : memref<4096xf32, #tpu.memory_space<vmem>>, vector<16xf32>,
      tpu.vector_store %arg9[%swap3A_514], %broadcast_in_dim3A_3 {strides = array<i32>} : memref<4096xf32, #tpu.memory_space<vmem>>, vector<16xf32>,
      %swap3A_516 = arith.constant 2432 : index
      %swap3A_517 = tpu.vector_load %arg9[%swap3A_516] {strides = array<i32>} : memref<4096xf32, #tpu.memory_space<vmem>>, vector<16xf32>,
      tpu.vector_store %arg9[%swap3A_516], %broadcast_in_dim3A_3 {strides = array<i32>} : memref<4096xf32, #tpu.memory_space<vmem>>, vector<16xf32>,
      %swap3A_518 = arith.constant 2448 : index
      %swap3A_519 = tpu.vector_load %arg9[%swap3A_518] {strides = array<i32>} : memref<4096xf32, #tpu.memory_space<vmem>>, vector<16xf32>,
      tpu.vector_store %arg9[%swap3A_518], %broadcast_in_dim3A_3 {strides = array<i32>} : memref<4096xf32, #tpu.memory_space<vmem>>, vector<16xf32>,
      %swap3A_520 = arith.constant 2464 : index
      %swap3A_521 = tpu.vector_load %arg9[%swap3A_520] {strides = array<i32>} : memref<4096xf32, #tpu.memory_space<vmem>>, vector<16xf32>,
      tpu.vector_store %arg9[%swap3A_520], %broadcast_in_dim3A_3 {strides = array<i32>} : memref<4096xf32, #tpu.memory_space<vmem>>, vector<16xf32>,
      %swap3A_522 = arith.constant 2480 : index
      %swap3A_523 = tpu.vector_load %arg9[%swap3A_522] {strides = array<i32>} : memref<4096xf32, #tpu.memory_space<vmem>>, vector<16xf32>,
      tpu.vector_store %arg9[%swap3A_522], %broadcast_in_dim3A_3 {strides = array<i32>} : memref<4096xf32, #tpu.memory_space<vmem>>, vector<16xf32>,
      %swap3A_524 = arith.constant 2496 : index
      %swap3A_525 = tpu.vector_load %arg9[%swap3A_524] {strides = array<i32>} : memref<4096xf32, #tpu.memory_space<vmem>>, vector<16xf32>,
      tpu.vector_store %arg9[%swap3A_524], %broadcast_in_dim3A_3 {strides = array<i32>} : memref<4096xf32, #tpu.memory_space<vmem>>, vector<16xf32>,
      %swap3A_526 = arith.constant 2512 : index
      %swap3A_527 = tpu.vector_load %arg9[%swap3A_526] {strides = array<i32>} : memref<4096xf32, #tpu.memory_space<vmem>>, vector<16xf32>,
      tpu.vector_store %arg9[%swap3A_526], %broadcast_in_dim3A_3 {strides = array<i32>} : memref<4096xf32, #tpu.memory_space<vmem>>, vector<16xf32>,
      %swap3A_528 = arith.constant 2528 : index
      %swap3A_529 = tpu.vector_load %arg9[%swap3A_528] {strides = array<i32>} : memref<4096xf32, #tpu.memory_space<vmem>>, vector<16xf32>,
      tpu.vector_store %arg9[%swap3A_528], %broadcast_in_dim3A_3 {strides = array<i32>} : memref<4096xf32, #tpu.memory_space<vmem>>, vector<16xf32>,
      %swap3A_530 = arith.constant 2544 : index
      %swap3A_531 = tpu.vector_load %arg9[%swap3A_530] {strides = array<i32>} : memref<4096xf32, #tpu.memory_space<vmem>>, vector<16xf32>,
      tpu.vector_store %arg9[%swap3A_530], %broadcast_in_dim3A_3 {strides = array<i32>} : memref<4096xf32, #tpu.memory_space<vmem>>, vector<16xf32>,
      %swap3A_532 = arith.constant 2560 : index
      %swap3A_533 = tpu.vector_load %arg9[%swap3A_532] {strides = array<i32>} : memref<4096xf32, #tpu.memory_space<vmem>>, vector<16xf32>,
      tpu.vector_store %arg9[%swap3A_532], %broadcast_in_dim3A_3 {strides = array<i32>} : memref<4096xf32, #tpu.memory_space<vmem>>, vector<16xf32>,
      %swap3A_534 = arith.constant 2576 : index
      %swap3A_535 = tpu.vector_load %arg9[%swap3A_534] {strides = array<i32>} : memref<4096xf32, #tpu.memory_space<vmem>>, vector<16xf32>,
      tpu.vector_store %arg9[%swap3A_534], %broadcast_in_dim3A_3 {strides = array<i32>} : memref<4096xf32, #tpu.memory_space<vmem>>, vector<16xf32>,
      %swap3A_536 = arith.constant 2592 : index
      %swap3A_537 = tpu.vector_load %arg9[%swap3A_536] {strides = array<i32>} : memref<4096xf32, #tpu.memory_space<vmem>>, vector<16xf32>,
      tpu.vector_store %arg9[%swap3A_536], %broadcast_in_dim3A_3 {strides = array<i32>} : memref<4096xf32, #tpu.memory_space<vmem>>, vector<16xf32>,
      %swap3A_538 = arith.constant 2608 : index
      %swap3A_539 = tpu.vector_load %arg9[%swap3A_538] {strides = array<i32>} : memref<4096xf32, #tpu.memory_space<vmem>>, vector<16xf32>,
      tpu.vector_store %arg9[%swap3A_538], %broadcast_in_dim3A_3 {strides = array<i32>} : memref<4096xf32, #tpu.memory_space<vmem>>, vector<16xf32>,
      %swap3A_540 = arith.constant 2624 : index
      %swap3A_541 = tpu.vector_load %arg9[%swap3A_540] {strides = array<i32>} : memref<4096xf32, #tpu.memory_space<vmem>>, vector<16xf32>,
      tpu.vector_store %arg9[%swap3A_540], %broadcast_in_dim3A_3 {strides = array<i32>} : memref<4096xf32, #tpu.memory_space<vmem>>, vector<16xf32>,
      %swap3A_542 = arith.constant 2640 : index
      %swap3A_543 = tpu.vector_load %arg9[%swap3A_542] {strides = array<i32>} : memref<4096xf32, #tpu.memory_space<vmem>>, vector<16xf32>,
      tpu.vector_store %arg9[%swap3A_542], %broadcast_in_dim3A_3 {strides = array<i32>} : memref<4096xf32, #tpu.memory_space<vmem>>, vector<16xf32>,
      %swap3A_544 = arith.constant 2656 : index
      %swap3A_545 = tpu.vector_load %arg9[%swap3A_544] {strides = array<i32>} : memref<4096xf32, #tpu.memory_space<vmem>>, vector<16xf32>,
      tpu.vector_store %arg9[%swap3A_544], %broadcast_in_dim3A_3 {strides = array<i32>} : memref<4096xf32, #tpu.memory_space<vmem>>, vector<16xf32>,
      %swap3A_546 = arith.constant 2672 : index
      %swap3A_547 = tpu.vector_load %arg9[%swap3A_546] {strides = array<i32>} : memref<4096xf32, #tpu.memory_space<vmem>>, vector<16xf32>,
      tpu.vector_store %arg9[%swap3A_546], %broadcast_in_dim3A_3 {strides = array<i32>} : memref<4096xf32, #tpu.memory_space<vmem>>, vector<16xf32>,
      %swap3A_548 = arith.constant 2688 : index
      %swap3A_549 = tpu.vector_load %arg9[%swap3A_548] {strides = array<i32>} : memref<4096xf32, #tpu.memory_space<vmem>>, vector<16xf32>,
      tpu.vector_store %arg9[%swap3A_548], %broadcast_in_dim3A_3 {strides = array<i32>} : memref<4096xf32, #tpu.memory_space<vmem>>, vector<16xf32>,
      %swap3A_550 = arith.constant 2704 : index
      %swap3A_551 = tpu.vector_load %arg9[%swap3A_550] {strides = array<i32>} : memref<4096xf32, #tpu.memory_space<vmem>>, vector<16xf32>,
      tpu.vector_store %arg9[%swap3A_550], %broadcast_in_dim3A_3 {strides = array<i32>} : memref<4096xf32, #tpu.memory_space<vmem>>, vector<16xf32>,
      %swap3A_552 = arith.constant 2720 : index
      %swap3A_553 = tpu.vector_load %arg9[%swap3A_552] {strides = array<i32>} : memref<4096xf32, #tpu.memory_space<vmem>>, vector<16xf32>,
      tpu.vector_store %arg9[%swap3A_552], %broadcast_in_dim3A_3 {strides = array<i32>} : memref<4096xf32, #tpu.memory_space<vmem>>, vector<16xf32>,
      %swap3A_554 = arith.constant 2736 : index
      %swap3A_555 = tpu.vector_load %arg9[%swap3A_554] {strides = array<i32>} : memref<4096xf32, #tpu.memory_space<vmem>>, vector<16xf32>,
      tpu.vector_store %arg9[%swap3A_554], %broadcast_in_dim3A_3 {strides = array<i32>} : memref<4096xf32, #tpu.memory_space<vmem>>, vector<16xf32>,
      %swap3A_556 = arith.constant 2752 : index
      %swap3A_557 = tpu.vector_load %arg9[%swap3A_556] {strides = array<i32>} : memref<4096xf32, #tpu.memory_space<vmem>>, vector<16xf32>,
      tpu.vector_store %arg9[%swap3A_556], %broadcast_in_dim3A_3 {strides = array<i32>} : memref<4096xf32, #tpu.memory_space<vmem>>, vector<16xf32>,
      %swap3A_558 = arith.constant 2768 : index
      %swap3A_559 = tpu.vector_load %arg9[%swap3A_558] {strides = array<i32>} : memref<4096xf32, #tpu.memory_space<vmem>>, vector<16xf32>,
      tpu.vector_store %arg9[%swap3A_558], %broadcast_in_dim3A_3 {strides = array<i32>} : memref<4096xf32, #tpu.memory_space<vmem>>, vector<16xf32>,
      %swap3A_560 = arith.constant 2784 : index
      %swap3A_561 = tpu.vector_load %arg9[%swap3A_560] {strides = array<i32>} : memref<4096xf32, #tpu.memory_space<vmem>>, vector<16xf32>,
      tpu.vector_store %arg9[%swap3A_560], %broadcast_in_dim3A_3 {strides = array<i32>} : memref<4096xf32, #tpu.memory_space<vmem>>, vector<16xf32>,
      %swap3A_562 = arith.constant 2800 : index
      %swap3A_563 = tpu.vector_load %arg9[%swap3A_562] {strides = array<i32>} : memref<4096xf32, #tpu.memory_space<vmem>>, vector<16xf32>,
      tpu.vector_store %arg9[%swap3A_562], %broadcast_in_dim3A_3 {strides = array<i32>} : memref<4096xf32, #tpu.memory_space<vmem>>, vector<16xf32>,
      %swap3A_564 = arith.constant 2816 : index
      %swap3A_565 = tpu.vector_load %arg9[%swap3A_564] {strides = array<i32>} : memref<4096xf32, #tpu.memory_space<vmem>>, vector<16xf32>,
      tpu.vector_store %arg9[%swap3A_564], %broadcast_in_dim3A_3 {strides = array<i32>} : memref<4096xf32, #tpu.memory_space<vmem>>, vector<16xf32>,
      %swap3A_566 = arith.constant 2832 : index
      %swap3A_567 = tpu.vector_load %arg9[%swap3A_566] {strides = array<i32>} : memref<4096xf32, #tpu.memory_space<vmem>>, vector<16xf32>,
      tpu.vector_store %arg9[%swap3A_566], %broadcast_in_dim3A_3 {strides = array<i32>} : memref<4096xf32, #tpu.memory_space<vmem>>, vector<16xf32>,
      %swap3A_568 = arith.constant 2848 : index
      %swap3A_569 = tpu.vector_load %arg9[%swap3A_568] {strides = array<i32>} : memref<4096xf32, #tpu.memory_space<vmem>>, vector<16xf32>,
      tpu.vector_store %arg9[%swap3A_568], %broadcast_in_dim3A_3 {strides = array<i32>} : memref<4096xf32, #tpu.memory_space<vmem>>, vector<16xf32>,
      %swap3A_570 = arith.constant 2864 : index
      %swap3A_571 = tpu.vector_load %arg9[%swap3A_570] {strides = array<i32>} : memref<4096xf32, #tpu.memory_space<vmem>>, vector<16xf32>,
      tpu.vector_store %arg9[%swap3A_570], %broadcast_in_dim3A_3 {strides = array<i32>} : memref<4096xf32, #tpu.memory_space<vmem>>, vector<16xf32>,
      %swap3A_572 = arith.constant 2880 : index
      %swap3A_573 = tpu.vector_load %arg9[%swap3A_572] {strides = array<i32>} : memref<4096xf32, #tpu.memory_space<vmem>>, vector<16xf32>,
      tpu.vector_store %arg9[%swap3A_572], %broadcast_in_dim3A_3 {strides = array<i32>} : memref<4096xf32, #tpu.memory_space<vmem>>, vector<16xf32>,
      %swap3A_574 = arith.constant 2896 : index
      %swap3A_575 = tpu.vector_load %arg9[%swap3A_574] {strides = array<i32>} : memref<4096xf32, #tpu.memory_space<vmem>>, vector<16xf32>,
      tpu.vector_store %arg9[%swap3A_574], %broadcast_in_dim3A_3 {strides = array<i32>} : memref<4096xf32, #tpu.memory_space<vmem>>, vector<16xf32>,
      %swap3A_576 = arith.constant 2912 : index
      %swap3A_577 = tpu.vector_load %arg9[%swap3A_576] {strides = array<i32>} : memref<4096xf32, #tpu.memory_space<vmem>>, vector<16xf32>,
      tpu.vector_store %arg9[%swap3A_576], %broadcast_in_dim3A_3 {strides = array<i32>} : memref<4096xf32, #tpu.memory_space<vmem>>, vector<16xf32>,
      %swap3A_578 = arith.constant 2928 : index
      %swap3A_579 = tpu.vector_load %arg9[%swap3A_578] {strides = array<i32>} : memref<4096xf32, #tpu.memory_space<vmem>>, vector<16xf32>,
      tpu.vector_store %arg9[%swap3A_578], %broadcast_in_dim3A_3 {strides = array<i32>} : memref<4096xf32, #tpu.memory_space<vmem>>, vector<16xf32>,
      %swap3A_580 = arith.constant 2944 : index
      %swap3A_581 = tpu.vector_load %arg9[%swap3A_580] {strides = array<i32>} : memref<4096xf32, #tpu.memory_space<vmem>>, vector<16xf32>,
      tpu.vector_store %arg9[%swap3A_580], %broadcast_in_dim3A_3 {strides = array<i32>} : memref<4096xf32, #tpu.memory_space<vmem>>, vector<16xf32>,
      %swap3A_582 = arith.constant 2960 : index
      %swap3A_583 = tpu.vector_load %arg9[%swap3A_582] {strides = array<i32>} : memref<4096xf32, #tpu.memory_space<vmem>>, vector<16xf32>,
      tpu.vector_store %arg9[%swap3A_582], %broadcast_in_dim3A_3 {strides = array<i32>} : memref<4096xf32, #tpu.memory_space<vmem>>, vector<16xf32>,
      %swap3A_584 = arith.constant 2976 : index
      %swap3A_585 = tpu.vector_load %arg9[%swap3A_584] {strides = array<i32>} : memref<4096xf32, #tpu.memory_space<vmem>>, vector<16xf32>,
      tpu.vector_store %arg9[%swap3A_584], %broadcast_in_dim3A_3 {strides = array<i32>} : memref<4096xf32, #tpu.memory_space<vmem>>, vector<16xf32>,
      %swap3A_586 = arith.constant 2992 : index
      %swap3A_587 = tpu.vector_load %arg9[%swap3A_586] {strides = array<i32>} : memref<4096xf32, #tpu.memory_space<vmem>>, vector<16xf32>,
      tpu.vector_store %arg9[%swap3A_586], %broadcast_in_dim3A_3 {strides = array<i32>} : memref<4096xf32, #tpu.memory_space<vmem>>, vector<16xf32>,
      %swap3A_588 = arith.constant 3008 : index
      %swap3A_589 = tpu.vector_load %arg9[%swap3A_588] {strides = array<i32>} : memref<4096xf32, #tpu.memory_space<vmem>>, vector<16xf32>,
      tpu.vector_store %arg9[%swap3A_588], %broadcast_in_dim3A_3 {strides = array<i32>} : memref<4096xf32, #tpu.memory_space<vmem>>, vector<16xf32>,
      %swap3A_590 = arith.constant 3024 : index
      %swap3A_591 = tpu.vector_load %arg9[%swap3A_590] {strides = array<i32>} : memref<4096xf32, #tpu.memory_space<vmem>>, vector<16xf32>,
      tpu.vector_store %arg9[%swap3A_590], %broadcast_in_dim3A_3 {strides = array<i32>} : memref<4096xf32, #tpu.memory_space<vmem>>, vector<16xf32>,
      %swap3A_592 = arith.constant 3040 : index
      %swap3A_593 = tpu.vector_load %arg9[%swap3A_592] {strides = array<i32>} : memref<4096xf32, #tpu.memory_space<vmem>>, vector<16xf32>,
      tpu.vector_store %arg9[%swap3A_592], %broadcast_in_dim3A_3 {strides = array<i32>} : memref<4096xf32, #tpu.memory_space<vmem>>, vector<16xf32>,
      %swap3A_594 = arith.constant 3056 : index
      %swap3A_595 = tpu.vector_load %arg9[%swap3A_594] {strides = array<i32>} : memref<4096xf32, #tpu.memory_space<vmem>>, vector<16xf32>,
      tpu.vector_store %arg9[%swap3A_594], %broadcast_in_dim3A_3 {strides = array<i32>} : memref<4096xf32, #tpu.memory_space<vmem>>, vector<16xf32>,
      %swap3A_596 = arith.constant 3072 : index
      %swap3A_597 = tpu.vector_load %arg9[%swap3A_596] {strides = array<i32>} : memref<4096xf32, #tpu.memory_space<vmem>>, vector<16xf32>,
      tpu.vector_store %arg9[%swap3A_596], %broadcast_in_dim3A_3 {strides = array<i32>} : memref<4096xf32, #tpu.memory_space<vmem>>, vector<16xf32>,
      %swap3A_598 = arith.constant 3088 : index
      %swap3A_599 = tpu.vector_load %arg9[%swap3A_598] {strides = array<i32>} : memref<4096xf32, #tpu.memory_space<vmem>>, vector<16xf32>,
      tpu.vector_store %arg9[%swap3A_598], %broadcast_in_dim3A_3 {strides = array<i32>} : memref<4096xf32, #tpu.memory_space<vmem>>, vector<16xf32>,
      %swap3A_600 = arith.constant 3104 : index
      %swap3A_601 = tpu.vector_load %arg9[%swap3A_600] {strides = array<i32>} : memref<4096xf32, #tpu.memory_space<vmem>>, vector<16xf32>,
      tpu.vector_store %arg9[%swap3A_600], %broadcast_in_dim3A_3 {strides = array<i32>} : memref<4096xf32, #tpu.memory_space<vmem>>, vector<16xf32>,
      %swap3A_602 = arith.constant 3120 : index
      %swap3A_603 = tpu.vector_load %arg9[%swap3A_602] {strides = array<i32>} : memref<4096xf32, #tpu.memory_space<vmem>>, vector<16xf32>,
      tpu.vector_store %arg9[%swap3A_602], %broadcast_in_dim3A_3 {strides = array<i32>} : memref<4096xf32, #tpu.memory_space<vmem>>, vector<16xf32>,
      %swap3A_604 = arith.constant 3136 : index
      %swap3A_605 = tpu.vector_load %arg9[%swap3A_604] {strides = array<i32>} : memref<4096xf32, #tpu.memory_space<vmem>>, vector<16xf32>,
      tpu.vector_store %arg9[%swap3A_604], %broadcast_in_dim3A_3 {strides = array<i32>} : memref<4096xf32, #tpu.memory_space<vmem>>, vector<16xf32>,
      %swap3A_606 = arith.constant 3152 : index
      %swap3A_607 = tpu.vector_load %arg9[%swap3A_606] {strides = array<i32>} : memref<4096xf32, #tpu.memory_space<vmem>>, vector<16xf32>,
      tpu.vector_store %arg9[%swap3A_606], %broadcast_in_dim3A_3 {strides = array<i32>} : memref<4096xf32, #tpu.memory_space<vmem>>, vector<16xf32>,
      %swap3A_608 = arith.constant 3168 : index
      %swap3A_609 = tpu.vector_load %arg9[%swap3A_608] {strides = array<i32>} : memref<4096xf32, #tpu.memory_space<vmem>>, vector<16xf32>,
      tpu.vector_store %arg9[%swap3A_608], %broadcast_in_dim3A_3 {strides = array<i32>} : memref<4096xf32, #tpu.memory_space<vmem>>, vector<16xf32>,
      %swap3A_610 = arith.constant 3184 : index
      %swap3A_611 = tpu.vector_load %arg9[%swap3A_610] {strides = array<i32>} : memref<4096xf32, #tpu.memory_space<vmem>>, vector<16xf32>,
      tpu.vector_store %arg9[%swap3A_610], %broadcast_in_dim3A_3 {strides = array<i32>} : memref<4096xf32, #tpu.memory_space<vmem>>, vector<16xf32>,
      %swap3A_612 = arith.constant 3200 : index
      %swap3A_613 = tpu.vector_load %arg9[%swap3A_612] {strides = array<i32>} : memref<4096xf32, #tpu.memory_space<vmem>>, vector<16xf32>,
      tpu.vector_store %arg9[%swap3A_612], %broadcast_in_dim3A_3 {strides = array<i32>} : memref<4096xf32, #tpu.memory_space<vmem>>, vector<16xf32>,
      %swap3A_614 = arith.constant 3216 : index
      %swap3A_615 = tpu.vector_load %arg9[%swap3A_614] {strides = array<i32>} : memref<4096xf32, #tpu.memory_space<vmem>>, vector<16xf32>,
      tpu.vector_store %arg9[%swap3A_614], %broadcast_in_dim3A_3 {strides = array<i32>} : memref<4096xf32, #tpu.memory_space<vmem>>, vector<16xf32>,
      %swap3A_616 = arith.constant 3232 : index
      %swap3A_617 = tpu.vector_load %arg9[%swap3A_616] {strides = array<i32>} : memref<4096xf32, #tpu.memory_space<vmem>>, vector<16xf32>,
      tpu.vector_store %arg9[%swap3A_616], %broadcast_in_dim3A_3 {strides = array<i32>} : memref<4096xf32, #tpu.memory_space<vmem>>, vector<16xf32>,
      %swap3A_618 = arith.constant 3248 : index
      %swap3A_619 = tpu.vector_load %arg9[%swap3A_618] {strides = array<i32>} : memref<4096xf32, #tpu.memory_space<vmem>>, vector<16xf32>,
      tpu.vector_store %arg9[%swap3A_618], %broadcast_in_dim3A_3 {strides = array<i32>} : memref<4096xf32, #tpu.memory_space<vmem>>, vector<16xf32>,
      %swap3A_620 = arith.constant 3264 : index
      %swap3A_621 = tpu.vector_load %arg9[%swap3A_620] {strides = array<i32>} : memref<4096xf32, #tpu.memory_space<vmem>>, vector<16xf32>,
      tpu.vector_store %arg9[%swap3A_620], %broadcast_in_dim3A_3 {strides = array<i32>} : memref<4096xf32, #tpu.memory_space<vmem>>, vector<16xf32>,
      %swap3A_622 = arith.constant 3280 : index
      %swap3A_623 = tpu.vector_load %arg9[%swap3A_622] {strides = array<i32>} : memref<4096xf32, #tpu.memory_space<vmem>>, vector<16xf32>,
      tpu.vector_store %arg9[%swap3A_622], %broadcast_in_dim3A_3 {strides = array<i32>} : memref<4096xf32, #tpu.memory_space<vmem>>, vector<16xf32>,
      %swap3A_624 = arith.constant 3296 : index
      %swap3A_625 = tpu.vector_load %arg9[%swap3A_624] {strides = array<i32>} : memref<4096xf32, #tpu.memory_space<vmem>>, vector<16xf32>,
      tpu.vector_store %arg9[%swap3A_624], %broadcast_in_dim3A_3 {strides = array<i32>} : memref<4096xf32, #tpu.memory_space<vmem>>, vector<16xf32>,
      %swap3A_626 = arith.constant 3312 : index
      %swap3A_627 = tpu.vector_load %arg9[%swap3A_626] {strides = array<i32>} : memref<4096xf32, #tpu.memory_space<vmem>>, vector<16xf32>,
      tpu.vector_store %arg9[%swap3A_626], %broadcast_in_dim3A_3 {strides = array<i32>} : memref<4096xf32, #tpu.memory_space<vmem>>, vector<16xf32>,
      %swap3A_628 = arith.constant 3328 : index
      %swap3A_629 = tpu.vector_load %arg9[%swap3A_628] {strides = array<i32>} : memref<4096xf32, #tpu.memory_space<vmem>>, vector<16xf32>,
      tpu.vector_store %arg9[%swap3A_628], %broadcast_in_dim3A_3 {strides = array<i32>} : memref<4096xf32, #tpu.memory_space<vmem>>, vector<16xf32>,
      %swap3A_630 = arith.constant 3344 : index
      %swap3A_631 = tpu.vector_load %arg9[%swap3A_630] {strides = array<i32>} : memref<4096xf32, #tpu.memory_space<vmem>>, vector<16xf32>,
      tpu.vector_store %arg9[%swap3A_630], %broadcast_in_dim3A_3 {strides = array<i32>} : memref<4096xf32, #tpu.memory_space<vmem>>, vector<16xf32>,
      %swap3A_632 = arith.constant 3360 : index
      %swap3A_633 = tpu.vector_load %arg9[%swap3A_632] {strides = array<i32>} : memref<4096xf32, #tpu.memory_space<vmem>>, vector<16xf32>,
      tpu.vector_store %arg9[%swap3A_632], %broadcast_in_dim3A_3 {strides = array<i32>} : memref<4096xf32, #tpu.memory_space<vmem>>, vector<16xf32>,
      %swap3A_634 = arith.constant 3376 : index
      %swap3A_635 = tpu.vector_load %arg9[%swap3A_634] {strides = array<i32>} : memref<4096xf32, #tpu.memory_space<vmem>>, vector<16xf32>,
      tpu.vector_store %arg9[%swap3A_634], %broadcast_in_dim3A_3 {strides = array<i32>} : memref<4096xf32, #tpu.memory_space<vmem>>, vector<16xf32>,
      %swap3A_636 = arith.constant 3392 : index
      %swap3A_637 = tpu.vector_load %arg9[%swap3A_636] {strides = array<i32>} : memref<4096xf32, #tpu.memory_space<vmem>>, vector<16xf32>,
      tpu.vector_store %arg9[%swap3A_636], %broadcast_in_dim3A_3 {strides = array<i32>} : memref<4096xf32, #tpu.memory_space<vmem>>, vector<16xf32>,
      %swap3A_638 = arith.constant 3408 : index
      %swap3A_639 = tpu.vector_load %arg9[%swap3A_638] {strides = array<i32>} : memref<4096xf32, #tpu.memory_space<vmem>>, vector<16xf32>,
      tpu.vector_store %arg9[%swap3A_638], %broadcast_in_dim3A_3 {strides = array<i32>} : memref<4096xf32, #tpu.memory_space<vmem>>, vector<16xf32>,
      %swap3A_640 = arith.constant 3424 : index
      %swap3A_641 = tpu.vector_load %arg9[%swap3A_640] {strides = array<i32>} : memref<4096xf32, #tpu.memory_space<vmem>>, vector<16xf32>,
      tpu.vector_store %arg9[%swap3A_640], %broadcast_in_dim3A_3 {strides = array<i32>} : memref<4096xf32, #tpu.memory_space<vmem>>, vector<16xf32>,
      %swap3A_642 = arith.constant 3440 : index
      %swap3A_643 = tpu.vector_load %arg9[%swap3A_642] {strides = array<i32>} : memref<4096xf32, #tpu.memory_space<vmem>>, vector<16xf32>,
      tpu.vector_store %arg9[%swap3A_642], %broadcast_in_dim3A_3 {strides = array<i32>} : memref<4096xf32, #tpu.memory_space<vmem>>, vector<16xf32>,
      %swap3A_644 = arith.constant 3456 : index
      %swap3A_645 = tpu.vector_load %arg9[%swap3A_644] {strides = array<i32>} : memref<4096xf32, #tpu.memory_space<vmem>>, vector<16xf32>,
      tpu.vector_store %arg9[%swap3A_644], %broadcast_in_dim3A_3 {strides = array<i32>} : memref<4096xf32, #tpu.memory_space<vmem>>, vector<16xf32>,
      %swap3A_646 = arith.constant 3472 : index
      %swap3A_647 = tpu.vector_load %arg9[%swap3A_646] {strides = array<i32>} : memref<4096xf32, #tpu.memory_space<vmem>>, vector<16xf32>,
      tpu.vector_store %arg9[%swap3A_646], %broadcast_in_dim3A_3 {strides = array<i32>} : memref<4096xf32, #tpu.memory_space<vmem>>, vector<16xf32>,
      %swap3A_648 = arith.constant 3488 : index
      %swap3A_649 = tpu.vector_load %arg9[%swap3A_648] {strides = array<i32>} : memref<4096xf32, #tpu.memory_space<vmem>>, vector<16xf32>,
      tpu.vector_store %arg9[%swap3A_648], %broadcast_in_dim3A_3 {strides = array<i32>} : memref<4096xf32, #tpu.memory_space<vmem>>, vector<16xf32>,
      %swap3A_650 = arith.constant 3504 : index
      %swap3A_651 = tpu.vector_load %arg9[%swap3A_650] {strides = array<i32>} : memref<4096xf32, #tpu.memory_space<vmem>>, vector<16xf32>,
      tpu.vector_store %arg9[%swap3A_650], %broadcast_in_dim3A_3 {strides = array<i32>} : memref<4096xf32, #tpu.memory_space<vmem>>, vector<16xf32>,
      %swap3A_652 = arith.constant 3520 : index
      %swap3A_653 = tpu.vector_load %arg9[%swap3A_652] {strides = array<i32>} : memref<4096xf32, #tpu.memory_space<vmem>>, vector<16xf32>,
      tpu.vector_store %arg9[%swap3A_652], %broadcast_in_dim3A_3 {strides = array<i32>} : memref<4096xf32, #tpu.memory_space<vmem>>, vector<16xf32>,
      %swap3A_654 = arith.constant 3536 : index
      %swap3A_655 = tpu.vector_load %arg9[%swap3A_654] {strides = array<i32>} : memref<4096xf32, #tpu.memory_space<vmem>>, vector<16xf32>,
      tpu.vector_store %arg9[%swap3A_654], %broadcast_in_dim3A_3 {strides = array<i32>} : memref<4096xf32, #tpu.memory_space<vmem>>, vector<16xf32>,
      %swap3A_656 = arith.constant 3552 : index
      %swap3A_657 = tpu.vector_load %arg9[%swap3A_656] {strides = array<i32>} : memref<4096xf32, #tpu.memory_space<vmem>>, vector<16xf32>,
      tpu.vector_store %arg9[%swap3A_656], %broadcast_in_dim3A_3 {strides = array<i32>} : memref<4096xf32, #tpu.memory_space<vmem>>, vector<16xf32>,
      %swap3A_658 = arith.constant 3568 : index
      %swap3A_659 = tpu.vector_load %arg9[%swap3A_658] {strides = array<i32>} : memref<4096xf32, #tpu.memory_space<vmem>>, vector<16xf32>,
      tpu.vector_store %arg9[%swap3A_658], %broadcast_in_dim3A_3 {strides = array<i32>} : memref<4096xf32, #tpu.memory_space<vmem>>, vector<16xf32>,
      %swap3A_660 = arith.constant 3584 : index
      %swap3A_661 = tpu.vector_load %arg9[%swap3A_660] {strides = array<i32>} : memref<4096xf32, #tpu.memory_space<vmem>>, vector<16xf32>,
      tpu.vector_store %arg9[%swap3A_660], %broadcast_in_dim3A_3 {strides = array<i32>} : memref<4096xf32, #tpu.memory_space<vmem>>, vector<16xf32>,
      %swap3A_662 = arith.constant 3600 : index
      %swap3A_663 = tpu.vector_load %arg9[%swap3A_662] {strides = array<i32>} : memref<4096xf32, #tpu.memory_space<vmem>>, vector<16xf32>,
      tpu.vector_store %arg9[%swap3A_662], %broadcast_in_dim3A_3 {strides = array<i32>} : memref<4096xf32, #tpu.memory_space<vmem>>, vector<16xf32>,
      %swap3A_664 = arith.constant 3616 : index
      %swap3A_665 = tpu.vector_load %arg9[%swap3A_664] {strides = array<i32>} : memref<4096xf32, #tpu.memory_space<vmem>>, vector<16xf32>,
      tpu.vector_store %arg9[%swap3A_664], %broadcast_in_dim3A_3 {strides = array<i32>} : memref<4096xf32, #tpu.memory_space<vmem>>, vector<16xf32>,
      %swap3A_666 = arith.constant 3632 : index
      %swap3A_667 = tpu.vector_load %arg9[%swap3A_666] {strides = array<i32>} : memref<4096xf32, #tpu.memory_space<vmem>>, vector<16xf32>,
      tpu.vector_store %arg9[%swap3A_666], %broadcast_in_dim3A_3 {strides = array<i32>} : memref<4096xf32, #tpu.memory_space<vmem>>, vector<16xf32>,
      %swap3A_668 = arith.constant 3648 : index
      %swap3A_669 = tpu.vector_load %arg9[%swap3A_668] {strides = array<i32>} : memref<4096xf32, #tpu.memory_space<vmem>>, vector<16xf32>,
      tpu.vector_store %arg9[%swap3A_668], %broadcast_in_dim3A_3 {strides = array<i32>} : memref<4096xf32, #tpu.memory_space<vmem>>, vector<16xf32>,
      %swap3A_670 = arith.constant 3664 : index
      %swap3A_671 = tpu.vector_load %arg9[%swap3A_670] {strides = array<i32>} : memref<4096xf32, #tpu.memory_space<vmem>>, vector<16xf32>,
      tpu.vector_store %arg9[%swap3A_670], %broadcast_in_dim3A_3 {strides = array<i32>} : memref<4096xf32, #tpu.memory_space<vmem>>, vector<16xf32>,
      %swap3A_672 = arith.constant 3680 : index
      %swap3A_673 = tpu.vector_load %arg9[%swap3A_672] {strides = array<i32>} : memref<4096xf32, #tpu.memory_space<vmem>>, vector<16xf32>,
      tpu.vector_store %arg9[%swap3A_672], %broadcast_in_dim3A_3 {strides = array<i32>} : memref<4096xf32, #tpu.memory_space<vmem>>, vector<16xf32>,
      %swap3A_674 = arith.constant 3696 : index
      %swap3A_675 = tpu.vector_load %arg9[%swap3A_674] {strides = array<i32>} : memref<4096xf32, #tpu.memory_space<vmem>>, vector<16xf32>,
      tpu.vector_store %arg9[%swap3A_674], %broadcast_in_dim3A_3 {strides = array<i32>} : memref<4096xf32, #tpu.memory_space<vmem>>, vector<16xf32>,
      %swap3A_676 = arith.constant 3712 : index
      %swap3A_677 = tpu.vector_load %arg9[%swap3A_676] {strides = array<i32>} : memref<4096xf32, #tpu.memory_space<vmem>>, vector<16xf32>,
      tpu.vector_store %arg9[%swap3A_676], %broadcast_in_dim3A_3 {strides = array<i32>} : memref<4096xf32, #tpu.memory_space<vmem>>, vector<16xf32>,
      %swap3A_678 = arith.constant 3728 : index
      %swap3A_679 = tpu.vector_load %arg9[%swap3A_678] {strides = array<i32>} : memref<4096xf32, #tpu.memory_space<vmem>>, vector<16xf32>,
      tpu.vector_store %arg9[%swap3A_678], %broadcast_in_dim3A_3 {strides = array<i32>} : memref<4096xf32, #tpu.memory_space<vmem>>, vector<16xf32>,
      %swap3A_680 = arith.constant 3744 : index
      %swap3A_681 = tpu.vector_load %arg9[%swap3A_680] {strides = array<i32>} : memref<4096xf32, #tpu.memory_space<vmem>>, vector<16xf32>,
      tpu.vector_store %arg9[%swap3A_680], %broadcast_in_dim3A_3 {strides = array<i32>} : memref<4096xf32, #tpu.memory_space<vmem>>, vector<16xf32>,
      %swap3A_682 = arith.constant 3760 : index
      %swap3A_683 = tpu.vector_load %arg9[%swap3A_682] {strides = array<i32>} : memref<4096xf32, #tpu.memory_space<vmem>>, vector<16xf32>,
      tpu.vector_store %arg9[%swap3A_682], %broadcast_in_dim3A_3 {strides = array<i32>} : memref<4096xf32, #tpu.memory_space<vmem>>, vector<16xf32>,
      %swap3A_684 = arith.constant 3776 : index
      %swap3A_685 = tpu.vector_load %arg9[%swap3A_684] {strides = array<i32>} : memref<4096xf32, #tpu.memory_space<vmem>>, vector<16xf32>,
      tpu.vector_store %arg9[%swap3A_684], %broadcast_in_dim3A_3 {strides = array<i32>} : memref<4096xf32, #tpu.memory_space<vmem>>, vector<16xf32>,
      %swap3A_686 = arith.constant 3792 : index
      %swap3A_687 = tpu.vector_load %arg9[%swap3A_686] {strides = array<i32>} : memref<4096xf32, #tpu.memory_space<vmem>>, vector<16xf32>,
      tpu.vector_store %arg9[%swap3A_686], %broadcast_in_dim3A_3 {strides = array<i32>} : memref<4096xf32, #tpu.memory_space<vmem>>, vector<16xf32>,
      %swap3A_688 = arith.constant 3808 : index
      %swap3A_689 = tpu.vector_load %arg9[%swap3A_688] {strides = array<i32>} : memref<4096xf32, #tpu.memory_space<vmem>>, vector<16xf32>,
      tpu.vector_store %arg9[%swap3A_688], %broadcast_in_dim3A_3 {strides = array<i32>} : memref<4096xf32, #tpu.memory_space<vmem>>, vector<16xf32>,
      %swap3A_690 = arith.constant 3824 : index
      %swap3A_691 = tpu.vector_load %arg9[%swap3A_690] {strides = array<i32>} : memref<4096xf32, #tpu.memory_space<vmem>>, vector<16xf32>,
      tpu.vector_store %arg9[%swap3A_690], %broadcast_in_dim3A_3 {strides = array<i32>} : memref<4096xf32, #tpu.memory_space<vmem>>, vector<16xf32>,
      %swap3A_692 = arith.constant 3840 : index
      %swap3A_693 = tpu.vector_load %arg9[%swap3A_692] {strides = array<i32>} : memref<4096xf32, #tpu.memory_space<vmem>>, vector<16xf32>,
      tpu.vector_store %arg9[%swap3A_692], %broadcast_in_dim3A_3 {strides = array<i32>} : memref<4096xf32, #tpu.memory_space<vmem>>, vector<16xf32>,
      %swap3A_694 = arith.constant 3856 : index
      %swap3A_695 = tpu.vector_load %arg9[%swap3A_694] {strides = array<i32>} : memref<4096xf32, #tpu.memory_space<vmem>>, vector<16xf32>,
      tpu.vector_store %arg9[%swap3A_694], %broadcast_in_dim3A_3 {strides = array<i32>} : memref<4096xf32, #tpu.memory_space<vmem>>, vector<16xf32>,
      %swap3A_696 = arith.constant 3872 : index
      %swap3A_697 = tpu.vector_load %arg9[%swap3A_696] {strides = array<i32>} : memref<4096xf32, #tpu.memory_space<vmem>>, vector<16xf32>,
      tpu.vector_store %arg9[%swap3A_696], %broadcast_in_dim3A_3 {strides = array<i32>} : memref<4096xf32, #tpu.memory_space<vmem>>, vector<16xf32>,
      %swap3A_698 = arith.constant 3888 : index
      %swap3A_699 = tpu.vector_load %arg9[%swap3A_698] {strides = array<i32>} : memref<4096xf32, #tpu.memory_space<vmem>>, vector<16xf32>,
      tpu.vector_store %arg9[%swap3A_698], %broadcast_in_dim3A_3 {strides = array<i32>} : memref<4096xf32, #tpu.memory_space<vmem>>, vector<16xf32>,
      %swap3A_700 = arith.constant 3904 : index
      %swap3A_701 = tpu.vector_load %arg9[%swap3A_700] {strides = array<i32>} : memref<4096xf32, #tpu.memory_space<vmem>>, vector<16xf32>,
      tpu.vector_store %arg9[%swap3A_700], %broadcast_in_dim3A_3 {strides = array<i32>} : memref<4096xf32, #tpu.memory_space<vmem>>, vector<16xf32>,
      %swap3A_702 = arith.constant 3920 : index
      %swap3A_703 = tpu.vector_load %arg9[%swap3A_702] {strides = array<i32>} : memref<4096xf32, #tpu.memory_space<vmem>>, vector<16xf32>,
      tpu.vector_store %arg9[%swap3A_702], %broadcast_in_dim3A_3 {strides = array<i32>} : memref<4096xf32, #tpu.memory_space<vmem>>, vector<16xf32>,
      %swap3A_704 = arith.constant 3936 : index
      %swap3A_705 = tpu.vector_load %arg9[%swap3A_704] {strides = array<i32>} : memref<4096xf32, #tpu.memory_space<vmem>>, vector<16xf32>,
      tpu.vector_store %arg9[%swap3A_704], %broadcast_in_dim3A_3 {strides = array<i32>} : memref<4096xf32, #tpu.memory_space<vmem>>, vector<16xf32>,
      %swap3A_706 = arith.constant 3952 : index
      %swap3A_707 = tpu.vector_load %arg9[%swap3A_706] {strides = array<i32>} : memref<4096xf32, #tpu.memory_space<vmem>>, vector<16xf32>,
      tpu.vector_store %arg9[%swap3A_706], %broadcast_in_dim3A_3 {strides = array<i32>} : memref<4096xf32, #tpu.memory_space<vmem>>, vector<16xf32>,
      %swap3A_708 = arith.constant 3968 : index
      %swap3A_709 = tpu.vector_load %arg9[%swap3A_708] {strides = array<i32>} : memref<4096xf32, #tpu.memory_space<vmem>>, vector<16xf32>,
      tpu.vector_store %arg9[%swap3A_708], %broadcast_in_dim3A_3 {strides = array<i32>} : memref<4096xf32, #tpu.memory_space<vmem>>, vector<16xf32>,
      %swap3A_710 = arith.constant 3984 : index
      %swap3A_711 = tpu.vector_load %arg9[%swap3A_710] {strides = array<i32>} : memref<4096xf32, #tpu.memory_space<vmem>>, vector<16xf32>,
      tpu.vector_store %arg9[%swap3A_710], %broadcast_in_dim3A_3 {strides = array<i32>} : memref<4096xf32, #tpu.memory_space<vmem>>, vector<16xf32>,
      %swap3A_712 = arith.constant 4000 : index
      %swap3A_713 = tpu.vector_load %arg9[%swap3A_712] {strides = array<i32>} : memref<4096xf32, #tpu.memory_space<vmem>>, vector<16xf32>,
      tpu.vector_store %arg9[%swap3A_712], %broadcast_in_dim3A_3 {strides = array<i32>} : memref<4096xf32, #tpu.memory_space<vmem>>, vector<16xf32>,
      %swap3A_714 = arith.constant 4016 : index
      %swap3A_715 = tpu.vector_load %arg9[%swap3A_714] {strides = array<i32>} : memref<4096xf32, #tpu.memory_space<vmem>>, vector<16xf32>,
      tpu.vector_store %arg9[%swap3A_714], %broadcast_in_dim3A_3 {strides = array<i32>} : memref<4096xf32, #tpu.memory_space<vmem>>, vector<16xf32>,
      %swap3A_716 = arith.constant 4032 : index
      %swap3A_717 = tpu.vector_load %arg9[%swap3A_716] {strides = array<i32>} : memref<4096xf32, #tpu.memory_space<vmem>>, vector<16xf32>,
      tpu.vector_store %arg9[%swap3A_716], %broadcast_in_dim3A_3 {strides = array<i32>} : memref<4096xf32, #tpu.memory_space<vmem>>, vector<16xf32>,
      %swap3A_718 = arith.constant 4048 : index
      %swap3A_719 = tpu.vector_load %arg9[%swap3A_718] {strides = array<i32>} : memref<4096xf32, #tpu.memory_space<vmem>>, vector<16xf32>,
      tpu.vector_store %arg9[%swap3A_718], %broadcast_in_dim3A_3 {strides = array<i32>} : memref<4096xf32, #tpu.memory_space<vmem>>, vector<16xf32>,
      %swap3A_720 = arith.constant 4064 : index
      %swap3A_721 = tpu.vector_load %arg9[%swap3A_720] {strides = array<i32>} : memref<4096xf32, #tpu.memory_space<vmem>>, vector<16xf32>,
      tpu.vector_store %arg9[%swap3A_720], %broadcast_in_dim3A_3 {strides = array<i32>} : memref<4096xf32, #tpu.memory_space<vmem>>, vector<16xf32>,
      %swap3A_722 = arith.constant 4080 : index
      %swap3A_723 = tpu.vector_load %arg9[%swap3A_722] {strides = array<i32>} : memref<4096xf32, #tpu.memory_space<vmem>>, vector<16xf32>,
      tpu.vector_store %arg9[%swap3A_722], %broadcast_in_dim3A_3 {strides = array<i32>} : memref<4096xf32, #tpu.memory_space<vmem>>, vector<16xf32>,
      %get3A = arith.constant 0 : i32
      %get3A_724 = arith.index_cast %get3A : i32 to index
      %get3A_725 = arith.constant 0 : index
      %get3A_726 = tpu.vector_load %arg6[%get3A_724, %get3A_725] {strides = array<i32>} : memref<128x16xi32, #tpu.memory_space<vmem>>, vector<16xi32>,
      %get3A_727 = arith.constant 64 : i32
      %get3A_728 = arith.index_cast %get3A_727 : i32 to index
      %get3A_729 = arith.constant 0 : index
      %get3A_730 = tpu.vector_load %arg6[%get3A_728, %get3A_729] {strides = array<i32>} : memref<128x16xi32, #tpu.memory_space<vmem>>, vector<16xi32>,
      %mul3A_731 = arith.constant 100 : i32
      %mul3A_732 = vector.broadcast %mul3A_731 : i32 to vector<16xi32>
      %mul3A_733 = arith.muli %iota3A, %mul3A_732 : vector<16xi32>
      %mul3A_734 = arith.constant 10 : i32
      %mul3A_735 = vector.broadcast %mul3A_734 : i32 to vector<16xi32>
      %mul3A_736 = arith.muli %get3A_730, %mul3A_735 : vector<16xi32>
      %add3A_737 = arith.addi %mul3A_733, %mul3A_736 : vector<16xi32>
      %add3A_738 = arith.addi %add3A_737, %get3A_726 : vector<16xi32>
      tpu.vector_store_idx %arg8[%add3A_738], %broadcast_in_dim3A_1 {add = true} : memref<1600xf32, #tpu.memory_space<vmem>>[vector<16xi32>], vector<16xf32>,
      %get3A_739 = arith.constant 0 : i32
      %get3A_740 = arith.index_cast %get3A_739 : i32 to index
      %get3A_741 = arith.constant 0 : index
      %get3A_742 = tpu.vector_load %arg7[%get3A_740, %get3A_741] {strides = array<i32>} : memref<128x16xi32, #tpu.memory_space<vmem>>, vector<16xi32>,
      %get3A_743 = arith.constant 64 : i32
      %get3A_744 = arith.index_cast %get3A_743 : i32 to index
      %get3A_745 = arith.constant 0 : index
      %get3A_746 = tpu.vector_load %arg7[%get3A_744, %get3A_745] {strides = array<i32>} : memref<128x16xi32, #tpu.memory_space<vmem>>, vector<16xi32>,
      %mul3A_747 = arith.constant 256 : i32
      %mul3A_748 = vector.broadcast %mul3A_747 : i32 to vector<16xi32>
      %mul3A_749 = arith.muli %iota3A, %mul3A_748 : vector<16xi32>
      %mul3A_750 = arith.constant 16 : i32
      %mul3A_751 = vector.broadcast %mul3A_750 : i32 to vector<16xi32>
      %mul3A_752 = arith.muli %get3A_746, %mul3A_751 : vector<16xi32>
      %add3A_753 = arith.addi %mul3A_749, %mul3A_752 : vector<16xi32>
      %add3A_754 = arith.addi %add3A_753, %get3A_742 : vector<16xi32>
      tpu.vector_store_idx %arg9[%add3A_754], %broadcast_in_dim3A_1 {add = true} : memref<4096xf32, #tpu.memory_space<vmem>>[vector<16xi32>], vector<16xf32>,
      %get3A_755 = arith.constant 1 : i32
      %get3A_756 = arith.index_cast %get3A_755 : i32 to index
      %get3A_757 = arith.constant 0 : index
      %get3A_758 = tpu.vector_load %arg6[%get3A_756, %get3A_757] {strides = array<i32>} : memref<128x16xi32, #tpu.memory_space<vmem>>, vector<16xi32>,
      %get3A_759 = arith.constant 65 : i32
      %get3A_760 = arith.index_cast %get3A_759 : i32 to index
      %get3A_761 = arith.constant 0 : index
      %get3A_762 = tpu.vector_load %arg6[%get3A_760, %get3A_761] {strides = array<i32>} : memref<128x16xi32, #tpu.memory_space<vmem>>, vector<16xi32>,
      %mul3A_763 = arith.constant 100 : i32
      %mul3A_764 = vector.broadcast %mul3A_763 : i32 to vector<16xi32>
      %mul3A_765 = arith.muli %iota3A, %mul3A_764 : vector<16xi32>
      %mul3A_766 = arith.constant 10 : i32
      %mul3A_767 = vector.broadcast %mul3A_766 : i32 to vector<16xi32>
      %mul3A_768 = arith.muli %get3A_762, %mul3A_767 : vector<16xi32>
      %add3A_769 = arith.addi %mul3A_765, %mul3A_768 : vector<16xi32>
      %add3A_770 = arith.addi %add3A_769, %get3A_758 : vector<16xi32>
      tpu.vector_store_idx %arg8[%add3A_770], %broadcast_in_dim3A_1 {add = true} : memref<1600xf32, #tpu.memory_space<vmem>>[vector<16xi32>], vector<16xf32>,
      %get3A_771 = arith.constant 1 : i32
      %get3A_772 = arith.index_cast %get3A_771 : i32 to index
      %get3A_773 = arith.constant 0 : index
      %get3A_774 = tpu.vector_load %arg7[%get3A_772, %get3A_773] {strides = array<i32>} : memref<128x16xi32, #tpu.memory_space<vmem>>, vector<16xi32>,
      %get3A_775 = arith.constant 65 : i32
      %get3A_776 = arith.index_cast %get3A_775 : i32 to index
      %get3A_777 = arith.constant 0 : index
      %get3A_778 = tpu.vector_load %arg7[%get3A_776, %get3A_777] {strides = array<i32>} : memref<128x16xi32, #tpu.memory_space<vmem>>, vector<16xi32>,
      %mul3A_779 = arith.constant 256 : i32
      %mul3A_780 = vector.broadcast %mul3A_779 : i32 to vector<16xi32>
      %mul3A_781 = arith.muli %iota3A, %mul3A_780 : vector<16xi32>
      %mul3A_782 = arith.constant 16 : i32
      %mul3A_783 = vector.broadcast %mul3A_782 : i32 to vector<16xi32>
      %mul3A_784 = arith.muli %get3A_778, %mul3A_783 : vector<16xi32>
      %add3A_785 = arith.addi %mul3A_781, %mul3A_784 : vector<16xi32>
      %add3A_786 = arith.addi %add3A_785, %get3A_774 : vector<16xi32>
      tpu.vector_store_idx %arg9[%add3A_786], %broadcast_in_dim3A_1 {add = true} : memref<4096xf32, #tpu.memory_space<vmem>>[vector<16xi32>], vector<16xf32>,
      %get3A_787 = arith.constant 2 : i32
      %get3A_788 = arith.index_cast %get3A_787 : i32 to index
      %get3A_789 = arith.constant 0 : index
      %get3A_790 = tpu.vector_load %arg6[%get3A_788, %get3A_789] {strides = array<i32>} : memref<128x16xi32, #tpu.memory_space<vmem>>, vector<16xi32>,
      %get3A_791 = arith.constant 66 : i32
      %get3A_792 = arith.index_cast %get3A_791 : i32 to index
      %get3A_793 = arith.constant 0 : index
      %get3A_794 = tpu.vector_load %arg6[%get3A_792, %get3A_793] {strides = array<i32>} : memref<128x16xi32, #tpu.memory_space<vmem>>, vector<16xi32>,
      %mul3A_795 = arith.constant 100 : i32
      %mul3A_796 = vector.broadcast %mul3A_795 : i32 to vector<16xi32>
      %mul3A_797 = arith.muli %iota3A, %mul3A_796 : vector<16xi32>
      %mul3A_798 = arith.constant 10 : i32
      %mul3A_799 = vector.broadcast %mul3A_798 : i32 to vector<16xi32>
      %mul3A_800 = arith.muli %get3A_794, %mul3A_799 : vector<16xi32>
      %add3A_801 = arith.addi %mul3A_797, %mul3A_800 : vector<16xi32>
      %add3A_802 = arith.addi %add3A_801, %get3A_790 : vector<16xi32>
      tpu.vector_store_idx %arg8[%add3A_802], %broadcast_in_dim3A_1 {add = true} : memref<1600xf32, #tpu.memory_space<vmem>>[vector<16xi32>], vector<16xf32>,
      %get3A_803 = arith.constant 2 : i32
      %get3A_804 = arith.index_cast %get3A_803 : i32 to index
      %get3A_805 = arith.constant 0 : index
      %get3A_806 = tpu.vector_load %arg7[%get3A_804, %get3A_805] {strides = array<i32>} : memref<128x16xi32, #tpu.memory_space<vmem>>, vector<16xi32>,
      %get3A_807 = arith.constant 66 : i32
      %get3A_808 = arith.index_cast %get3A_807 : i32 to index
      %get3A_809 = arith.constant 0 : index
      %get3A_810 = tpu.vector_load %arg7[%get3A_808, %get3A_809] {strides = array<i32>} : memref<128x16xi32, #tpu.memory_space<vmem>>, vector<16xi32>,
      %mul3A_811 = arith.constant 256 : i32
      %mul3A_812 = vector.broadcast %mul3A_811 : i32 to vector<16xi32>
      %mul3A_813 = arith.muli %iota3A, %mul3A_812 : vector<16xi32>
      %mul3A_814 = arith.constant 16 : i32
      %mul3A_815 = vector.broadcast %mul3A_814 : i32 to vector<16xi32>
      %mul3A_816 = arith.muli %get3A_810, %mul3A_815 : vector<16xi32>
      %add3A_817 = arith.addi %mul3A_813, %mul3A_816 : vector<16xi32>
      %add3A_818 = arith.addi %add3A_817, %get3A_806 : vector<16xi32>
      tpu.vector_store_idx %arg9[%add3A_818], %broadcast_in_dim3A_1 {add = true} : memref<4096xf32, #tpu.memory_space<vmem>>[vector<16xi32>], vector<16xf32>,
      %get3A_819 = arith.constant 3 : i32
      %get3A_820 = arith.index_cast %get3A_819 : i32 to index
      %get3A_821 = arith.constant 0 : index
      %get3A_822 = tpu.vector_load %arg6[%get3A_820, %get3A_821] {strides = array<i32>} : memref<128x16xi32, #tpu.memory_space<vmem>>, vector<16xi32>,
      %get3A_823 = arith.constant 67 : i32
      %get3A_824 = arith.index_cast %get3A_823 : i32 to index
      %get3A_825 = arith.constant 0 : index
      %get3A_826 = tpu.vector_load %arg6[%get3A_824, %get3A_825] {strides = array<i32>} : memref<128x16xi32, #tpu.memory_space<vmem>>, vector<16xi32>,
      %mul3A_827 = arith.constant 100 : i32
      %mul3A_828 = vector.broadcast %mul3A_827 : i32 to vector<16xi32>
      %mul3A_829 = arith.muli %iota3A, %mul3A_828 : vector<16xi32>
      %mul3A_830 = arith.constant 10 : i32
      %mul3A_831 = vector.broadcast %mul3A_830 : i32 to vector<16xi32>
      %mul3A_832 = arith.muli %get3A_826, %mul3A_831 : vector<16xi32>
      %add3A_833 = arith.addi %mul3A_829, %mul3A_832 : vector<16xi32>
      %add3A_834 = arith.addi %add3A_833, %get3A_822 : vector<16xi32>
      tpu.vector_store_idx %arg8[%add3A_834], %broadcast_in_dim3A_1 {add = true} : memref<1600xf32, #tpu.memory_space<vmem>>[vector<16xi32>], vector<16xf32>,
      %get3A_835 = arith.constant 3 : i32
      %get3A_836 = arith.index_cast %get3A_835 : i32 to index
      %get3A_837 = arith.constant 0 : index
      %get3A_838 = tpu.vector_load %arg7[%get3A_836, %get3A_837] {strides = array<i32>} : memref<128x16xi32, #tpu.memory_space<vmem>>, vector<16xi32>,
      %get3A_839 = arith.constant 67 : i32
      %get3A_840 = arith.index_cast %get3A_839 : i32 to index
      %get3A_841 = arith.constant 0 : index
      %get3A_842 = tpu.vector_load %arg7[%get3A_840, %get3A_841] {strides = array<i32>} : memref<128x16xi32, #tpu.memory_space<vmem>>, vector<16xi32>,
      %mul3A_843 = arith.constant 256 : i32
      %mul3A_844 = vector.broadcast %mul3A_843 : i32 to vector<16xi32>
      %mul3A_845 = arith.muli %iota3A, %mul3A_844 : vector<16xi32>
      %mul3A_846 = arith.constant 16 : i32
      %mul3A_847 = vector.broadcast %mul3A_846 : i32 to vector<16xi32>
      %mul3A_848 = arith.muli %get3A_842, %mul3A_847 : vector<16xi32>
      %add3A_849 = arith.addi %mul3A_845, %mul3A_848 : vector<16xi32>
      %add3A_850 = arith.addi %add3A_849, %get3A_838 : vector<16xi32>
      tpu.vector_store_idx %arg9[%add3A_850], %broadcast_in_dim3A_1 {add = true} : memref<4096xf32, #tpu.memory_space<vmem>>[vector<16xi32>], vector<16xf32>,
      %get3A_851 = arith.constant 4 : i32
      %get3A_852 = arith.index_cast %get3A_851 : i32 to index
      %get3A_853 = arith.constant 0 : index
      %get3A_854 = tpu.vector_load %arg6[%get3A_852, %get3A_853] {strides = array<i32>} : memref<128x16xi32, #tpu.memory_space<vmem>>, vector<16xi32>,
      %get3A_855 = arith.constant 68 : i32
      %get3A_856 = arith.index_cast %get3A_855 : i32 to index
      %get3A_857 = arith.constant 0 : index
      %get3A_858 = tpu.vector_load %arg6[%get3A_856, %get3A_857] {strides = array<i32>} : memref<128x16xi32, #tpu.memory_space<vmem>>, vector<16xi32>,
      %mul3A_859 = arith.constant 100 : i32
      %mul3A_860 = vector.broadcast %mul3A_859 : i32 to vector<16xi32>
      %mul3A_861 = arith.muli %iota3A, %mul3A_860 : vector<16xi32>
      %mul3A_862 = arith.constant 10 : i32
      %mul3A_863 = vector.broadcast %mul3A_862 : i32 to vector<16xi32>
      %mul3A_864 = arith.muli %get3A_858, %mul3A_863 : vector<16xi32>
      %add3A_865 = arith.addi %mul3A_861, %mul3A_864 : vector<16xi32>
      %add3A_866 = arith.addi %add3A_865, %get3A_854 : vector<16xi32>
      tpu.vector_store_idx %arg8[%add3A_866], %broadcast_in_dim3A_1 {add = true} : memref<1600xf32, #tpu.memory_space<vmem>>[vector<16xi32>], vector<16xf32>,
      %get3A_867 = arith.constant 4 : i32
      %get3A_868 = arith.index_cast %get3A_867 : i32 to index
      %get3A_869 = arith.constant 0 : index
      %get3A_870 = tpu.vector_load %arg7[%get3A_868, %get3A_869] {strides = array<i32>} : memref<128x16xi32, #tpu.memory_space<vmem>>, vector<16xi32>,
      %get3A_871 = arith.constant 68 : i32
      %get3A_872 = arith.index_cast %get3A_871 : i32 to index
      %get3A_873 = arith.constant 0 : index
      %get3A_874 = tpu.vector_load %arg7[%get3A_872, %get3A_873] {strides = array<i32>} : memref<128x16xi32, #tpu.memory_space<vmem>>, vector<16xi32>,
      %mul3A_875 = arith.constant 256 : i32
      %mul3A_876 = vector.broadcast %mul3A_875 : i32 to vector<16xi32>
      %mul3A_877 = arith.muli %iota3A, %mul3A_876 : vector<16xi32>
      %mul3A_878 = arith.constant 16 : i32
      %mul3A_879 = vector.broadcast %mul3A_878 : i32 to vector<16xi32>
      %mul3A_880 = arith.muli %get3A_874, %mul3A_879 : vector<16xi32>
      %add3A_881 = arith.addi %mul3A_877, %mul3A_880 : vector<16xi32>
      %add3A_882 = arith.addi %add3A_881, %get3A_870 : vector<16xi32>
      tpu.vector_store_idx %arg9[%add3A_882], %broadcast_in_dim3A_1 {add = true} : memref<4096xf32, #tpu.memory_space<vmem>>[vector<16xi32>], vector<16xf32>,
      %get3A_883 = arith.constant 5 : i32
      %get3A_884 = arith.index_cast %get3A_883 : i32 to index
      %get3A_885 = arith.constant 0 : index
      %get3A_886 = tpu.vector_load %arg6[%get3A_884, %get3A_885] {strides = array<i32>} : memref<128x16xi32, #tpu.memory_space<vmem>>, vector<16xi32>,
      %get3A_887 = arith.constant 69 : i32
      %get3A_888 = arith.index_cast %get3A_887 : i32 to index
      %get3A_889 = arith.constant 0 : index
      %get3A_890 = tpu.vector_load %arg6[%get3A_888, %get3A_889] {strides = array<i32>} : memref<128x16xi32, #tpu.memory_space<vmem>>, vector<16xi32>,
      %mul3A_891 = arith.constant 100 : i32
      %mul3A_892 = vector.broadcast %mul3A_891 : i32 to vector<16xi32>
      %mul3A_893 = arith.muli %iota3A, %mul3A_892 : vector<16xi32>
      %mul3A_894 = arith.constant 10 : i32
      %mul3A_895 = vector.broadcast %mul3A_894 : i32 to vector<16xi32>
      %mul3A_896 = arith.muli %get3A_890, %mul3A_895 : vector<16xi32>
      %add3A_897 = arith.addi %mul3A_893, %mul3A_896 : vector<16xi32>
      %add3A_898 = arith.addi %add3A_897, %get3A_886 : vector<16xi32>
      tpu.vector_store_idx %arg8[%add3A_898], %broadcast_in_dim3A_1 {add = true} : memref<1600xf32, #tpu.memory_space<vmem>>[vector<16xi32>], vector<16xf32>,
      %get3A_899 = arith.constant 5 : i32
      %get3A_900 = arith.index_cast %get3A_899 : i32 to index
      %get3A_901 = arith.constant 0 : index
      %get3A_902 = tpu.vector_load %arg7[%get3A_900, %get3A_901] {strides = array<i32>} : memref<128x16xi32, #tpu.memory_space<vmem>>, vector<16xi32>,
      %get3A_903 = arith.constant 69 : i32
      %get3A_904 = arith.index_cast %get3A_903 : i32 to index
      %get3A_905 = arith.constant 0 : index
      %get3A_906 = tpu.vector_load %arg7[%get3A_904, %get3A_905] {strides = array<i32>} : memref<128x16xi32, #tpu.memory_space<vmem>>, vector<16xi32>,
      %mul3A_907 = arith.constant 256 : i32
      %mul3A_908 = vector.broadcast %mul3A_907 : i32 to vector<16xi32>
      %mul3A_909 = arith.muli %iota3A, %mul3A_908 : vector<16xi32>
      %mul3A_910 = arith.constant 16 : i32
      %mul3A_911 = vector.broadcast %mul3A_910 : i32 to vector<16xi32>
      %mul3A_912 = arith.muli %get3A_906, %mul3A_911 : vector<16xi32>
      %add3A_913 = arith.addi %mul3A_909, %mul3A_912 : vector<16xi32>
      %add3A_914 = arith.addi %add3A_913, %get3A_902 : vector<16xi32>
      tpu.vector_store_idx %arg9[%add3A_914], %broadcast_in_dim3A_1 {add = true} : memref<4096xf32, #tpu.memory_space<vmem>>[vector<16xi32>], vector<16xf32>,
      %get3A_915 = arith.constant 6 : i32
      %get3A_916 = arith.index_cast %get3A_915 : i32 to index
      %get3A_917 = arith.constant 0 : index
      %get3A_918 = tpu.vector_load %arg6[%get3A_916, %get3A_917] {strides = array<i32>} : memref<128x16xi32, #tpu.memory_space<vmem>>, vector<16xi32>,
      %get3A_919 = arith.constant 70 : i32
      %get3A_920 = arith.index_cast %get3A_919 : i32 to index
      %get3A_921 = arith.constant 0 : index
      %get3A_922 = tpu.vector_load %arg6[%get3A_920, %get3A_921] {strides = array<i32>} : memref<128x16xi32, #tpu.memory_space<vmem>>, vector<16xi32>,
      %mul3A_923 = arith.constant 100 : i32
      %mul3A_924 = vector.broadcast %mul3A_923 : i32 to vector<16xi32>
      %mul3A_925 = arith.muli %iota3A, %mul3A_924 : vector<16xi32>
      %mul3A_926 = arith.constant 10 : i32
      %mul3A_927 = vector.broadcast %mul3A_926 : i32 to vector<16xi32>
      %mul3A_928 = arith.muli %get3A_922, %mul3A_927 : vector<16xi32>
      %add3A_929 = arith.addi %mul3A_925, %mul3A_928 : vector<16xi32>
      %add3A_930 = arith.addi %add3A_929, %get3A_918 : vector<16xi32>
      tpu.vector_store_idx %arg8[%add3A_930], %broadcast_in_dim3A_1 {add = true} : memref<1600xf32, #tpu.memory_space<vmem>>[vector<16xi32>], vector<16xf32>,
      %get3A_931 = arith.constant 6 : i32
      %get3A_932 = arith.index_cast %get3A_931 : i32 to index
      %get3A_933 = arith.constant 0 : index
      %get3A_934 = tpu.vector_load %arg7[%get3A_932, %get3A_933] {strides = array<i32>} : memref<128x16xi32, #tpu.memory_space<vmem>>, vector<16xi32>,
      %get3A_935 = arith.constant 70 : i32
      %get3A_936 = arith.index_cast %get3A_935 : i32 to index
      %get3A_937 = arith.constant 0 : index
      %get3A_938 = tpu.vector_load %arg7[%get3A_936, %get3A_937] {strides = array<i32>} : memref<128x16xi32, #tpu.memory_space<vmem>>, vector<16xi32>,
      %mul3A_939 = arith.constant 256 : i32
      %mul3A_940 = vector.broadcast %mul3A_939 : i32 to vector<16xi32>
      %mul3A_941 = arith.muli %iota3A, %mul3A_940 : vector<16xi32>
      %mul3A_942 = arith.constant 16 : i32
      %mul3A_943 = vector.broadcast %mul3A_942 : i32 to vector<16xi32>
      %mul3A_944 = arith.muli %get3A_938, %mul3A_943 : vector<16xi32>
      %add3A_945 = arith.addi %mul3A_941, %mul3A_944 : vector<16xi32>
      %add3A_946 = arith.addi %add3A_945, %get3A_934 : vector<16xi32>
      tpu.vector_store_idx %arg9[%add3A_946], %broadcast_in_dim3A_1 {add = true} : memref<4096xf32, #tpu.memory_space<vmem>>[vector<16xi32>], vector<16xf32>,
      %get3A_947 = arith.constant 7 : i32
      %get3A_948 = arith.index_cast %get3A_947 : i32 to index
      %get3A_949 = arith.constant 0 : index
      %get3A_950 = tpu.vector_load %arg6[%get3A_948, %get3A_949] {strides = array<i32>} : memref<128x16xi32, #tpu.memory_space<vmem>>, vector<16xi32>,
      %get3A_951 = arith.constant 71 : i32
      %get3A_952 = arith.index_cast %get3A_951 : i32 to index
      %get3A_953 = arith.constant 0 : index
      %get3A_954 = tpu.vector_load %arg6[%get3A_952, %get3A_953] {strides = array<i32>} : memref<128x16xi32, #tpu.memory_space<vmem>>, vector<16xi32>,
      %mul3A_955 = arith.constant 100 : i32
      %mul3A_956 = vector.broadcast %mul3A_955 : i32 to vector<16xi32>
      %mul3A_957 = arith.muli %iota3A, %mul3A_956 : vector<16xi32>
      %mul3A_958 = arith.constant 10 : i32
      %mul3A_959 = vector.broadcast %mul3A_958 : i32 to vector<16xi32>
      %mul3A_960 = arith.muli %get3A_954, %mul3A_959 : vector<16xi32>
      %add3A_961 = arith.addi %mul3A_957, %mul3A_960 : vector<16xi32>
      %add3A_962 = arith.addi %add3A_961, %get3A_950 : vector<16xi32>
      tpu.vector_store_idx %arg8[%add3A_962], %broadcast_in_dim3A_1 {add = true} : memref<1600xf32, #tpu.memory_space<vmem>>[vector<16xi32>], vector<16xf32>,
      %get3A_963 = arith.constant 7 : i32
      %get3A_964 = arith.index_cast %get3A_963 : i32 to index
      %get3A_965 = arith.constant 0 : index
      %get3A_966 = tpu.vector_load %arg7[%get3A_964, %get3A_965] {strides = array<i32>} : memref<128x16xi32, #tpu.memory_space<vmem>>, vector<16xi32>,
      %get3A_967 = arith.constant 71 : i32
      %get3A_968 = arith.index_cast %get3A_967 : i32 to index
      %get3A_969 = arith.constant 0 : index
      %get3A_970 = tpu.vector_load %arg7[%get3A_968, %get3A_969] {strides = array<i32>} : memref<128x16xi32, #tpu.memory_space<vmem>>, vector<16xi32>,
      %mul3A_971 = arith.constant 256 : i32
      %mul3A_972 = vector.broadcast %mul3A_971 : i32 to vector<16xi32>
      %mul3A_973 = arith.muli %iota3A, %mul3A_972 : vector<16xi32>
      %mul3A_974 = arith.constant 16 : i32
      %mul3A_975 = vector.broadcast %mul3A_974 : i32 to vector<16xi32>
      %mul3A_976 = arith.muli %get3A_970, %mul3A_975 : vector<16xi32>
      %add3A_977 = arith.addi %mul3A_973, %mul3A_976 : vector<16xi32>
      %add3A_978 = arith.addi %add3A_977, %get3A_966 : vector<16xi32>
      tpu.vector_store_idx %arg9[%add3A_978], %broadcast_in_dim3A_1 {add = true} : memref<4096xf32, #tpu.memory_space<vmem>>[vector<16xi32>], vector<16xf32>,
      %get3A_979 = arith.constant 8 : i32
      %get3A_980 = arith.index_cast %get3A_979 : i32 to index
      %get3A_981 = arith.constant 0 : index
      %get3A_982 = tpu.vector_load %arg6[%get3A_980, %get3A_981] {strides = array<i32>} : memref<128x16xi32, #tpu.memory_space<vmem>>, vector<16xi32>,
      %get3A_983 = arith.constant 72 : i32
      %get3A_984 = arith.index_cast %get3A_983 : i32 to index
      %get3A_985 = arith.constant 0 : index
      %get3A_986 = tpu.vector_load %arg6[%get3A_984, %get3A_985] {strides = array<i32>} : memref<128x16xi32, #tpu.memory_space<vmem>>, vector<16xi32>,
      %mul3A_987 = arith.constant 100 : i32
      %mul3A_988 = vector.broadcast %mul3A_987 : i32 to vector<16xi32>
      %mul3A_989 = arith.muli %iota3A, %mul3A_988 : vector<16xi32>
      %mul3A_990 = arith.constant 10 : i32
      %mul3A_991 = vector.broadcast %mul3A_990 : i32 to vector<16xi32>
      %mul3A_992 = arith.muli %get3A_986, %mul3A_991 : vector<16xi32>
      %add3A_993 = arith.addi %mul3A_989, %mul3A_992 : vector<16xi32>
      %add3A_994 = arith.addi %add3A_993, %get3A_982 : vector<16xi32>
      tpu.vector_store_idx %arg8[%add3A_994], %broadcast_in_dim3A_1 {add = true} : memref<1600xf32, #tpu.memory_space<vmem>>[vector<16xi32>], vector<16xf32>,
      %get3A_995 = arith.constant 8 : i32
      %get3A_996 = arith.index_cast %get3A_995 : i32 to index
      %get3A_997 = arith.constant 0 : index
      %get3A_998 = tpu.vector_load %arg7[%get3A_996, %get3A_997] {strides = array<i32>} : memref<128x16xi32, #tpu.memory_space<vmem>>, vector<16xi32>,
      %get3A_999 = arith.constant 72 : i32
      %get3A_1000 = arith.index_cast %get3A_999 : i32 to index
      %get3A_1001 = arith.constant 0 : index
      %get3A_1002 = tpu.vector_load %arg7[%get3A_1000, %get3A_1001] {strides = array<i32>} : memref<128x16xi32, #tpu.memory_space<vmem>>, vector<16xi32>,
      %mul3A_1003 = arith.constant 256 : i32
      %mul3A_1004 = vector.broadcast %mul3A_1003 : i32 to vector<16xi32>
      %mul3A_1005 = arith.muli %iota3A, %mul3A_1004 : vector<16xi32>
      %mul3A_1006 = arith.constant 16 : i32
      %mul3A_1007 = vector.broadcast %mul3A_1006 : i32 to vector<16xi32>
      %mul3A_1008 = arith.muli %get3A_1002, %mul3A_1007 : vector<16xi32>
      %add3A_1009 = arith.addi %mul3A_1005, %mul3A_1008 : vector<16xi32>
      %add3A_1010 = arith.addi %add3A_1009, %get3A_998 : vector<16xi32>
      tpu.vector_store_idx %arg9[%add3A_1010], %broadcast_in_dim3A_1 {add = true} : memref<4096xf32, #tpu.memory_space<vmem>>[vector<16xi32>], vector<16xf32>,
      %get3A_1011 = arith.constant 9 : i32
      %get3A_1012 = arith.index_cast %get3A_1011 : i32 to index
      %get3A_1013 = arith.constant 0 : index
      %get3A_1014 = tpu.vector_load %arg6[%get3A_1012, %get3A_1013] {strides = array<i32>} : memref<128x16xi32, #tpu.memory_space<vmem>>, vector<16xi32>,
      %get3A_1015 = arith.constant 73 : i32
      %get3A_1016 = arith.index_cast %get3A_1015 : i32 to index
      %get3A_1017 = arith.constant 0 : index
      %get3A_1018 = tpu.vector_load %arg6[%get3A_1016, %get3A_1017] {strides = array<i32>} : memref<128x16xi32, #tpu.memory_space<vmem>>, vector<16xi32>,
      %mul3A_1019 = arith.constant 100 : i32
      %mul3A_1020 = vector.broadcast %mul3A_1019 : i32 to vector<16xi32>
      %mul3A_1021 = arith.muli %iota3A, %mul3A_1020 : vector<16xi32>
      %mul3A_1022 = arith.constant 10 : i32
      %mul3A_1023 = vector.broadcast %mul3A_1022 : i32 to vector<16xi32>
      %mul3A_1024 = arith.muli %get3A_1018, %mul3A_1023 : vector<16xi32>
      %add3A_1025 = arith.addi %mul3A_1021, %mul3A_1024 : vector<16xi32>
      %add3A_1026 = arith.addi %add3A_1025, %get3A_1014 : vector<16xi32>
      tpu.vector_store_idx %arg8[%add3A_1026], %broadcast_in_dim3A_1 {add = true} : memref<1600xf32, #tpu.memory_space<vmem>>[vector<16xi32>], vector<16xf32>,
      %get3A_1027 = arith.constant 9 : i32
      %get3A_1028 = arith.index_cast %get3A_1027 : i32 to index
      %get3A_1029 = arith.constant 0 : index
      %get3A_1030 = tpu.vector_load %arg7[%get3A_1028, %get3A_1029] {strides = array<i32>} : memref<128x16xi32, #tpu.memory_space<vmem>>, vector<16xi32>,
      %get3A_1031 = arith.constant 73 : i32
      %get3A_1032 = arith.index_cast %get3A_1031 : i32 to index
      %get3A_1033 = arith.constant 0 : index
      %get3A_1034 = tpu.vector_load %arg7[%get3A_1032, %get3A_1033] {strides = array<i32>} : memref<128x16xi32, #tpu.memory_space<vmem>>, vector<16xi32>,
      %mul3A_1035 = arith.constant 256 : i32
      %mul3A_1036 = vector.broadcast %mul3A_1035 : i32 to vector<16xi32>
      %mul3A_1037 = arith.muli %iota3A, %mul3A_1036 : vector<16xi32>
      %mul3A_1038 = arith.constant 16 : i32
      %mul3A_1039 = vector.broadcast %mul3A_1038 : i32 to vector<16xi32>
      %mul3A_1040 = arith.muli %get3A_1034, %mul3A_1039 : vector<16xi32>
      %add3A_1041 = arith.addi %mul3A_1037, %mul3A_1040 : vector<16xi32>
      %add3A_1042 = arith.addi %add3A_1041, %get3A_1030 : vector<16xi32>
      tpu.vector_store_idx %arg9[%add3A_1042], %broadcast_in_dim3A_1 {add = true} : memref<4096xf32, #tpu.memory_space<vmem>>[vector<16xi32>], vector<16xf32>,
      %get3A_1043 = arith.constant 10 : i32
      %get3A_1044 = arith.index_cast %get3A_1043 : i32 to index
      %get3A_1045 = arith.constant 0 : index
      %get3A_1046 = tpu.vector_load %arg6[%get3A_1044, %get3A_1045] {strides = array<i32>} : memref<128x16xi32, #tpu.memory_space<vmem>>, vector<16xi32>,
      %get3A_1047 = arith.constant 74 : i32
      %get3A_1048 = arith.index_cast %get3A_1047 : i32 to index
      %get3A_1049 = arith.constant 0 : index
      %get3A_1050 = tpu.vector_load %arg6[%get3A_1048, %get3A_1049] {strides = array<i32>} : memref<128x16xi32, #tpu.memory_space<vmem>>, vector<16xi32>,
      %mul3A_1051 = arith.constant 100 : i32
      %mul3A_1052 = vector.broadcast %mul3A_1051 : i32 to vector<16xi32>
      %mul3A_1053 = arith.muli %iota3A, %mul3A_1052 : vector<16xi32>
      %mul3A_1054 = arith.constant 10 : i32
      %mul3A_1055 = vector.broadcast %mul3A_1054 : i32 to vector<16xi32>
      %mul3A_1056 = arith.muli %get3A_1050, %mul3A_1055 : vector<16xi32>
      %add3A_1057 = arith.addi %mul3A_1053, %mul3A_1056 : vector<16xi32>
      %add3A_1058 = arith.addi %add3A_1057, %get3A_1046 : vector<16xi32>
      tpu.vector_store_idx %arg8[%add3A_1058], %broadcast_in_dim3A_1 {add = true} : memref<1600xf32, #tpu.memory_space<vmem>>[vector<16xi32>], vector<16xf32>,
      %get3A_1059 = arith.constant 10 : i32
      %get3A_1060 = arith.index_cast %get3A_1059 : i32 to index
      %get3A_1061 = arith.constant 0 : index
      %get3A_1062 = tpu.vector_load %arg7[%get3A_1060, %get3A_1061] {strides = array<i32>} : memref<128x16xi32, #tpu.memory_space<vmem>>, vector<16xi32>,
      %get3A_1063 = arith.constant 74 : i32
      %get3A_1064 = arith.index_cast %get3A_1063 : i32 to index
      %get3A_1065 = arith.constant 0 : index
      %get3A_1066 = tpu.vector_load %arg7[%get3A_1064, %get3A_1065] {strides = array<i32>} : memref<128x16xi32, #tpu.memory_space<vmem>>, vector<16xi32>,
      %mul3A_1067 = arith.constant 256 : i32
      %mul3A_1068 = vector.broadcast %mul3A_1067 : i32 to vector<16xi32>
      %mul3A_1069 = arith.muli %iota3A, %mul3A_1068 : vector<16xi32>
      %mul3A_1070 = arith.constant 16 : i32
      %mul3A_1071 = vector.broadcast %mul3A_1070 : i32 to vector<16xi32>
      %mul3A_1072 = arith.muli %get3A_1066, %mul3A_1071 : vector<16xi32>
      %add3A_1073 = arith.addi %mul3A_1069, %mul3A_1072 : vector<16xi32>
      %add3A_1074 = arith.addi %add3A_1073, %get3A_1062 : vector<16xi32>
      tpu.vector_store_idx %arg9[%add3A_1074], %broadcast_in_dim3A_1 {add = true} : memref<4096xf32, #tpu.memory_space<vmem>>[vector<16xi32>], vector<16xf32>,
      %get3A_1075 = arith.constant 11 : i32
      %get3A_1076 = arith.index_cast %get3A_1075 : i32 to index
      %get3A_1077 = arith.constant 0 : index
      %get3A_1078 = tpu.vector_load %arg6[%get3A_1076, %get3A_1077] {strides = array<i32>} : memref<128x16xi32, #tpu.memory_space<vmem>>, vector<16xi32>,
      %get3A_1079 = arith.constant 75 : i32
      %get3A_1080 = arith.index_cast %get3A_1079 : i32 to index
      %get3A_1081 = arith.constant 0 : index
      %get3A_1082 = tpu.vector_load %arg6[%get3A_1080, %get3A_1081] {strides = array<i32>} : memref<128x16xi32, #tpu.memory_space<vmem>>, vector<16xi32>,
      %mul3A_1083 = arith.constant 100 : i32
      %mul3A_1084 = vector.broadcast %mul3A_1083 : i32 to vector<16xi32>
      %mul3A_1085 = arith.muli %iota3A, %mul3A_1084 : vector<16xi32>
      %mul3A_1086 = arith.constant 10 : i32
      %mul3A_1087 = vector.broadcast %mul3A_1086 : i32 to vector<16xi32>
      %mul3A_1088 = arith.muli %get3A_1082, %mul3A_1087 : vector<16xi32>
      %add3A_1089 = arith.addi %mul3A_1085, %mul3A_1088 : vector<16xi32>
      %add3A_1090 = arith.addi %add3A_1089, %get3A_1078 : vector<16xi32>
      tpu.vector_store_idx %arg8[%add3A_1090], %broadcast_in_dim3A_1 {add = true} : memref<1600xf32, #tpu.memory_space<vmem>>[vector<16xi32>], vector<16xf32>,
      %get3A_1091 = arith.constant 11 : i32
      %get3A_1092 = arith.index_cast %get3A_1091 : i32 to index
      %get3A_1093 = arith.constant 0 : index
      %get3A_1094 = tpu.vector_load %arg7[%get3A_1092, %get3A_1093] {strides = array<i32>} : memref<128x16xi32, #tpu.memory_space<vmem>>, vector<16xi32>,
      %get3A_1095 = arith.constant 75 : i32
      %get3A_1096 = arith.index_cast %get3A_1095 : i32 to index
      %get3A_1097 = arith.constant 0 : index
      %get3A_1098 = tpu.vector_load %arg7[%get3A_1096, %get3A_1097] {strides = array<i32>} : memref<128x16xi32, #tpu.memory_space<vmem>>, vector<16xi32>,
      %mul3A_1099 = arith.constant 256 : i32
      %mul3A_1100 = vector.broadcast %mul3A_1099 : i32 to vector<16xi32>
      %mul3A_1101 = arith.muli %iota3A, %mul3A_1100 : vector<16xi32>
      %mul3A_1102 = arith.constant 16 : i32
      %mul3A_1103 = vector.broadcast %mul3A_1102 : i32 to vector<16xi32>
      %mul3A_1104 = arith.muli %get3A_1098, %mul3A_1103 : vector<16xi32>
      %add3A_1105 = arith.addi %mul3A_1101, %mul3A_1104 : vector<16xi32>
      %add3A_1106 = arith.addi %add3A_1105, %get3A_1094 : vector<16xi32>
      tpu.vector_store_idx %arg9[%add3A_1106], %broadcast_in_dim3A_1 {add = true} : memref<4096xf32, #tpu.memory_space<vmem>>[vector<16xi32>], vector<16xf32>,
      %get3A_1107 = arith.constant 12 : i32
      %get3A_1108 = arith.index_cast %get3A_1107 : i32 to index
      %get3A_1109 = arith.constant 0 : index
      %get3A_1110 = tpu.vector_load %arg6[%get3A_1108, %get3A_1109] {strides = array<i32>} : memref<128x16xi32, #tpu.memory_space<vmem>>, vector<16xi32>,
      %get3A_1111 = arith.constant 76 : i32
      %get3A_1112 = arith.index_cast %get3A_1111 : i32 to index
      %get3A_1113 = arith.constant 0 : index
      %get3A_1114 = tpu.vector_load %arg6[%get3A_1112, %get3A_1113] {strides = array<i32>} : memref<128x16xi32, #tpu.memory_space<vmem>>, vector<16xi32>,
      %mul3A_1115 = arith.constant 100 : i32
      %mul3A_1116 = vector.broadcast %mul3A_1115 : i32 to vector<16xi32>
      %mul3A_1117 = arith.muli %iota3A, %mul3A_1116 : vector<16xi32>
      %mul3A_1118 = arith.constant 10 : i32
      %mul3A_1119 = vector.broadcast %mul3A_1118 : i32 to vector<16xi32>
      %mul3A_1120 = arith.muli %get3A_1114, %mul3A_1119 : vector<16xi32>
      %add3A_1121 = arith.addi %mul3A_1117, %mul3A_1120 : vector<16xi32>
      %add3A_1122 = arith.addi %add3A_1121, %get3A_1110 : vector<16xi32>
      tpu.vector_store_idx %arg8[%add3A_1122], %broadcast_in_dim3A_1 {add = true} : memref<1600xf32, #tpu.memory_space<vmem>>[vector<16xi32>], vector<16xf32>,
      %get3A_1123 = arith.constant 12 : i32
      %get3A_1124 = arith.index_cast %get3A_1123 : i32 to index
      %get3A_1125 = arith.constant 0 : index
      %get3A_1126 = tpu.vector_load %arg7[%get3A_1124, %get3A_1125] {strides = array<i32>} : memref<128x16xi32, #tpu.memory_space<vmem>>, vector<16xi32>,
      %get3A_1127 = arith.constant 76 : i32
      %get3A_1128 = arith.index_cast %get3A_1127 : i32 to index
      %get3A_1129 = arith.constant 0 : index
      %get3A_1130 = tpu.vector_load %arg7[%get3A_1128, %get3A_1129] {strides = array<i32>} : memref<128x16xi32, #tpu.memory_space<vmem>>, vector<16xi32>,
      %mul3A_1131 = arith.constant 256 : i32
      %mul3A_1132 = vector.broadcast %mul3A_1131 : i32 to vector<16xi32>
      %mul3A_1133 = arith.muli %iota3A, %mul3A_1132 : vector<16xi32>
      %mul3A_1134 = arith.constant 16 : i32
      %mul3A_1135 = vector.broadcast %mul3A_1134 : i32 to vector<16xi32>
      %mul3A_1136 = arith.muli %get3A_1130, %mul3A_1135 : vector<16xi32>
      %add3A_1137 = arith.addi %mul3A_1133, %mul3A_1136 : vector<16xi32>
      %add3A_1138 = arith.addi %add3A_1137, %get3A_1126 : vector<16xi32>
      tpu.vector_store_idx %arg9[%add3A_1138], %broadcast_in_dim3A_1 {add = true} : memref<4096xf32, #tpu.memory_space<vmem>>[vector<16xi32>], vector<16xf32>,
      %get3A_1139 = arith.constant 13 : i32
      %get3A_1140 = arith.index_cast %get3A_1139 : i32 to index
      %get3A_1141 = arith.constant 0 : index
      %get3A_1142 = tpu.vector_load %arg6[%get3A_1140, %get3A_1141] {strides = array<i32>} : memref<128x16xi32, #tpu.memory_space<vmem>>, vector<16xi32>,
      %get3A_1143 = arith.constant 77 : i32
      %get3A_1144 = arith.index_cast %get3A_1143 : i32 to index
      %get3A_1145 = arith.constant 0 : index
      %get3A_1146 = tpu.vector_load %arg6[%get3A_1144, %get3A_1145] {strides = array<i32>} : memref<128x16xi32, #tpu.memory_space<vmem>>, vector<16xi32>,
      %mul3A_1147 = arith.constant 100 : i32
      %mul3A_1148 = vector.broadcast %mul3A_1147 : i32 to vector<16xi32>
      %mul3A_1149 = arith.muli %iota3A, %mul3A_1148 : vector<16xi32>
      %mul3A_1150 = arith.constant 10 : i32
      %mul3A_1151 = vector.broadcast %mul3A_1150 : i32 to vector<16xi32>
      %mul3A_1152 = arith.muli %get3A_1146, %mul3A_1151 : vector<16xi32>
      %add3A_1153 = arith.addi %mul3A_1149, %mul3A_1152 : vector<16xi32>
      %add3A_1154 = arith.addi %add3A_1153, %get3A_1142 : vector<16xi32>
      tpu.vector_store_idx %arg8[%add3A_1154], %broadcast_in_dim3A_1 {add = true} : memref<1600xf32, #tpu.memory_space<vmem>>[vector<16xi32>], vector<16xf32>,
      %get3A_1155 = arith.constant 13 : i32
      %get3A_1156 = arith.index_cast %get3A_1155 : i32 to index
      %get3A_1157 = arith.constant 0 : index
      %get3A_1158 = tpu.vector_load %arg7[%get3A_1156, %get3A_1157] {strides = array<i32>} : memref<128x16xi32, #tpu.memory_space<vmem>>, vector<16xi32>,
      %get3A_1159 = arith.constant 77 : i32
      %get3A_1160 = arith.index_cast %get3A_1159 : i32 to index
      %get3A_1161 = arith.constant 0 : index
      %get3A_1162 = tpu.vector_load %arg7[%get3A_1160, %get3A_1161] {strides = array<i32>} : memref<128x16xi32, #tpu.memory_space<vmem>>, vector<16xi32>,
      %mul3A_1163 = arith.constant 256 : i32
      %mul3A_1164 = vector.broadcast %mul3A_1163 : i32 to vector<16xi32>
      %mul3A_1165 = arith.muli %iota3A, %mul3A_1164 : vector<16xi32>
      %mul3A_1166 = arith.constant 16 : i32
      %mul3A_1167 = vector.broadcast %mul3A_1166 : i32 to vector<16xi32>
      %mul3A_1168 = arith.muli %get3A_1162, %mul3A_1167 : vector<16xi32>
      %add3A_1169 = arith.addi %mul3A_1165, %mul3A_1168 : vector<16xi32>
      %add3A_1170 = arith.addi %add3A_1169, %get3A_1158 : vector<16xi32>
      tpu.vector_store_idx %arg9[%add3A_1170], %broadcast_in_dim3A_1 {add = true} : memref<4096xf32, #tpu.memory_space<vmem>>[vector<16xi32>], vector<16xf32>,
      %get3A_1171 = arith.constant 14 : i32
      %get3A_1172 = arith.index_cast %get3A_1171 : i32 to index
      %get3A_1173 = arith.constant 0 : index
      %get3A_1174 = tpu.vector_load %arg6[%get3A_1172, %get3A_1173] {strides = array<i32>} : memref<128x16xi32, #tpu.memory_space<vmem>>, vector<16xi32>,
      %get3A_1175 = arith.constant 78 : i32
      %get3A_1176 = arith.index_cast %get3A_1175 : i32 to index
      %get3A_1177 = arith.constant 0 : index
      %get3A_1178 = tpu.vector_load %arg6[%get3A_1176, %get3A_1177] {strides = array<i32>} : memref<128x16xi32, #tpu.memory_space<vmem>>, vector<16xi32>,
      %mul3A_1179 = arith.constant 100 : i32
      %mul3A_1180 = vector.broadcast %mul3A_1179 : i32 to vector<16xi32>
      %mul3A_1181 = arith.muli %iota3A, %mul3A_1180 : vector<16xi32>
      %mul3A_1182 = arith.constant 10 : i32
      %mul3A_1183 = vector.broadcast %mul3A_1182 : i32 to vector<16xi32>
      %mul3A_1184 = arith.muli %get3A_1178, %mul3A_1183 : vector<16xi32>
      %add3A_1185 = arith.addi %mul3A_1181, %mul3A_1184 : vector<16xi32>
      %add3A_1186 = arith.addi %add3A_1185, %get3A_1174 : vector<16xi32>
      tpu.vector_store_idx %arg8[%add3A_1186], %broadcast_in_dim3A_1 {add = true} : memref<1600xf32, #tpu.memory_space<vmem>>[vector<16xi32>], vector<16xf32>,
      %get3A_1187 = arith.constant 14 : i32
      %get3A_1188 = arith.index_cast %get3A_1187 : i32 to index
      %get3A_1189 = arith.constant 0 : index
      %get3A_1190 = tpu.vector_load %arg7[%get3A_1188, %get3A_1189] {strides = array<i32>} : memref<128x16xi32, #tpu.memory_space<vmem>>, vector<16xi32>,
      %get3A_1191 = arith.constant 78 : i32
      %get3A_1192 = arith.index_cast %get3A_1191 : i32 to index
      %get3A_1193 = arith.constant 0 : index
      %get3A_1194 = tpu.vector_load %arg7[%get3A_1192, %get3A_1193] {strides = array<i32>} : memref<128x16xi32, #tpu.memory_space<vmem>>, vector<16xi32>,
      %mul3A_1195 = arith.constant 256 : i32
      %mul3A_1196 = vector.broadcast %mul3A_1195 : i32 to vector<16xi32>
      %mul3A_1197 = arith.muli %iota3A, %mul3A_1196 : vector<16xi32>
      %mul3A_1198 = arith.constant 16 : i32
      %mul3A_1199 = vector.broadcast %mul3A_1198 : i32 to vector<16xi32>
      %mul3A_1200 = arith.muli %get3A_1194, %mul3A_1199 : vector<16xi32>
      %add3A_1201 = arith.addi %mul3A_1197, %mul3A_1200 : vector<16xi32>
      %add3A_1202 = arith.addi %add3A_1201, %get3A_1190 : vector<16xi32>
      tpu.vector_store_idx %arg9[%add3A_1202], %broadcast_in_dim3A_1 {add = true} : memref<4096xf32, #tpu.memory_space<vmem>>[vector<16xi32>], vector<16xf32>,
      %get3A_1203 = arith.constant 15 : i32
      %get3A_1204 = arith.index_cast %get3A_1203 : i32 to index
      %get3A_1205 = arith.constant 0 : index
      %get3A_1206 = tpu.vector_load %arg6[%get3A_1204, %get3A_1205] {strides = array<i32>} : memref<128x16xi32, #tpu.memory_space<vmem>>, vector<16xi32>,
      %get3A_1207 = arith.constant 79 : i32
      %get3A_1208 = arith.index_cast %get3A_1207 : i32 to index
      %get3A_1209 = arith.constant 0 : index
      %get3A_1210 = tpu.vector_load %arg6[%get3A_1208, %get3A_1209] {strides = array<i32>} : memref<128x16xi32, #tpu.memory_space<vmem>>, vector<16xi32>,
      %mul3A_1211 = arith.constant 100 : i32
      %mul3A_1212 = vector.broadcast %mul3A_1211 : i32 to vector<16xi32>
      %mul3A_1213 = arith.muli %iota3A, %mul3A_1212 : vector<16xi32>
      %mul3A_1214 = arith.constant 10 : i32
      %mul3A_1215 = vector.broadcast %mul3A_1214 : i32 to vector<16xi32>
      %mul3A_1216 = arith.muli %get3A_1210, %mul3A_1215 : vector<16xi32>
      %add3A_1217 = arith.addi %mul3A_1213, %mul3A_1216 : vector<16xi32>
      %add3A_1218 = arith.addi %add3A_1217, %get3A_1206 : vector<16xi32>
      tpu.vector_store_idx %arg8[%add3A_1218], %broadcast_in_dim3A_1 {add = true} : memref<1600xf32, #tpu.memory_space<vmem>>[vector<16xi32>], vector<16xf32>,
      %get3A_1219 = arith.constant 15 : i32
      %get3A_1220 = arith.index_cast %get3A_1219 : i32 to index
      %get3A_1221 = arith.constant 0 : index
      %get3A_1222 = tpu.vector_load %arg7[%get3A_1220, %get3A_1221] {strides = array<i32>} : memref<128x16xi32, #tpu.memory_space<vmem>>, vector<16xi32>,
      %get3A_1223 = arith.constant 79 : i32
      %get3A_1224 = arith.index_cast %get3A_1223 : i32 to index
      %get3A_1225 = arith.constant 0 : index
      %get3A_1226 = tpu.vector_load %arg7[%get3A_1224, %get3A_1225] {strides = array<i32>} : memref<128x16xi32, #tpu.memory_space<vmem>>, vector<16xi32>,
      %mul3A_1227 = arith.constant 256 : i32
      %mul3A_1228 = vector.broadcast %mul3A_1227 : i32 to vector<16xi32>
      %mul3A_1229 = arith.muli %iota3A, %mul3A_1228 : vector<16xi32>
      %mul3A_1230 = arith.constant 16 : i32
      %mul3A_1231 = vector.broadcast %mul3A_1230 : i32 to vector<16xi32>
      %mul3A_1232 = arith.muli %get3A_1226, %mul3A_1231 : vector<16xi32>
      %add3A_1233 = arith.addi %mul3A_1229, %mul3A_1232 : vector<16xi32>
      %add3A_1234 = arith.addi %add3A_1233, %get3A_1222 : vector<16xi32>
      tpu.vector_store_idx %arg9[%add3A_1234], %broadcast_in_dim3A_1 {add = true} : memref<4096xf32, #tpu.memory_space<vmem>>[vector<16xi32>], vector<16xf32>,
      %get3A_1235 = arith.constant 16 : i32
      %get3A_1236 = arith.index_cast %get3A_1235 : i32 to index
      %get3A_1237 = arith.constant 0 : index
      %get3A_1238 = tpu.vector_load %arg6[%get3A_1236, %get3A_1237] {strides = array<i32>} : memref<128x16xi32, #tpu.memory_space<vmem>>, vector<16xi32>,
      %get3A_1239 = arith.constant 80 : i32
      %get3A_1240 = arith.index_cast %get3A_1239 : i32 to index
      %get3A_1241 = arith.constant 0 : index
      %get3A_1242 = tpu.vector_load %arg6[%get3A_1240, %get3A_1241] {strides = array<i32>} : memref<128x16xi32, #tpu.memory_space<vmem>>, vector<16xi32>,
      %mul3A_1243 = arith.constant 100 : i32
      %mul3A_1244 = vector.broadcast %mul3A_1243 : i32 to vector<16xi32>
      %mul3A_1245 = arith.muli %iota3A, %mul3A_1244 : vector<16xi32>
      %mul3A_1246 = arith.constant 10 : i32
      %mul3A_1247 = vector.broadcast %mul3A_1246 : i32 to vector<16xi32>
      %mul3A_1248 = arith.muli %get3A_1242, %mul3A_1247 : vector<16xi32>
      %add3A_1249 = arith.addi %mul3A_1245, %mul3A_1248 : vector<16xi32>
      %add3A_1250 = arith.addi %add3A_1249, %get3A_1238 : vector<16xi32>
      tpu.vector_store_idx %arg8[%add3A_1250], %broadcast_in_dim3A_1 {add = true} : memref<1600xf32, #tpu.memory_space<vmem>>[vector<16xi32>], vector<16xf32>,
      %get3A_1251 = arith.constant 16 : i32
      %get3A_1252 = arith.index_cast %get3A_1251 : i32 to index
      %get3A_1253 = arith.constant 0 : index
      %get3A_1254 = tpu.vector_load %arg7[%get3A_1252, %get3A_1253] {strides = array<i32>} : memref<128x16xi32, #tpu.memory_space<vmem>>, vector<16xi32>,
      %get3A_1255 = arith.constant 80 : i32
      %get3A_1256 = arith.index_cast %get3A_1255 : i32 to index
      %get3A_1257 = arith.constant 0 : index
      %get3A_1258 = tpu.vector_load %arg7[%get3A_1256, %get3A_1257] {strides = array<i32>} : memref<128x16xi32, #tpu.memory_space<vmem>>, vector<16xi32>,
      %mul3A_1259 = arith.constant 256 : i32
      %mul3A_1260 = vector.broadcast %mul3A_1259 : i32 to vector<16xi32>
      %mul3A_1261 = arith.muli %iota3A, %mul3A_1260 : vector<16xi32>
      %mul3A_1262 = arith.constant 16 : i32
      %mul3A_1263 = vector.broadcast %mul3A_1262 : i32 to vector<16xi32>
      %mul3A_1264 = arith.muli %get3A_1258, %mul3A_1263 : vector<16xi32>
      %add3A_1265 = arith.addi %mul3A_1261, %mul3A_1264 : vector<16xi32>
      %add3A_1266 = arith.addi %add3A_1265, %get3A_1254 : vector<16xi32>
      tpu.vector_store_idx %arg9[%add3A_1266], %broadcast_in_dim3A_1 {add = true} : memref<4096xf32, #tpu.memory_space<vmem>>[vector<16xi32>], vector<16xf32>,
      %get3A_1267 = arith.constant 17 : i32
      %get3A_1268 = arith.index_cast %get3A_1267 : i32 to index
      %get3A_1269 = arith.constant 0 : index
      %get3A_1270 = tpu.vector_load %arg6[%get3A_1268, %get3A_1269] {strides = array<i32>} : memref<128x16xi32, #tpu.memory_space<vmem>>, vector<16xi32>,
      %get3A_1271 = arith.constant 81 : i32
      %get3A_1272 = arith.index_cast %get3A_1271 : i32 to index
      %get3A_1273 = arith.constant 0 : index
      %get3A_1274 = tpu.vector_load %arg6[%get3A_1272, %get3A_1273] {strides = array<i32>} : memref<128x16xi32, #tpu.memory_space<vmem>>, vector<16xi32>,
      %mul3A_1275 = arith.constant 100 : i32
      %mul3A_1276 = vector.broadcast %mul3A_1275 : i32 to vector<16xi32>
      %mul3A_1277 = arith.muli %iota3A, %mul3A_1276 : vector<16xi32>
      %mul3A_1278 = arith.constant 10 : i32
      %mul3A_1279 = vector.broadcast %mul3A_1278 : i32 to vector<16xi32>
      %mul3A_1280 = arith.muli %get3A_1274, %mul3A_1279 : vector<16xi32>
      %add3A_1281 = arith.addi %mul3A_1277, %mul3A_1280 : vector<16xi32>
      %add3A_1282 = arith.addi %add3A_1281, %get3A_1270 : vector<16xi32>
      tpu.vector_store_idx %arg8[%add3A_1282], %broadcast_in_dim3A_1 {add = true} : memref<1600xf32, #tpu.memory_space<vmem>>[vector<16xi32>], vector<16xf32>,
      %get3A_1283 = arith.constant 17 : i32
      %get3A_1284 = arith.index_cast %get3A_1283 : i32 to index
      %get3A_1285 = arith.constant 0 : index
      %get3A_1286 = tpu.vector_load %arg7[%get3A_1284, %get3A_1285] {strides = array<i32>} : memref<128x16xi32, #tpu.memory_space<vmem>>, vector<16xi32>,
      %get3A_1287 = arith.constant 81 : i32
      %get3A_1288 = arith.index_cast %get3A_1287 : i32 to index
      %get3A_1289 = arith.constant 0 : index
      %get3A_1290 = tpu.vector_load %arg7[%get3A_1288, %get3A_1289] {strides = array<i32>} : memref<128x16xi32, #tpu.memory_space<vmem>>, vector<16xi32>,
      %mul3A_1291 = arith.constant 256 : i32
      %mul3A_1292 = vector.broadcast %mul3A_1291 : i32 to vector<16xi32>
      %mul3A_1293 = arith.muli %iota3A, %mul3A_1292 : vector<16xi32>
      %mul3A_1294 = arith.constant 16 : i32
      %mul3A_1295 = vector.broadcast %mul3A_1294 : i32 to vector<16xi32>
      %mul3A_1296 = arith.muli %get3A_1290, %mul3A_1295 : vector<16xi32>
      %add3A_1297 = arith.addi %mul3A_1293, %mul3A_1296 : vector<16xi32>
      %add3A_1298 = arith.addi %add3A_1297, %get3A_1286 : vector<16xi32>
      tpu.vector_store_idx %arg9[%add3A_1298], %broadcast_in_dim3A_1 {add = true} : memref<4096xf32, #tpu.memory_space<vmem>>[vector<16xi32>], vector<16xf32>,
      %get3A_1299 = arith.constant 18 : i32
      %get3A_1300 = arith.index_cast %get3A_1299 : i32 to index
      %get3A_1301 = arith.constant 0 : index
      %get3A_1302 = tpu.vector_load %arg6[%get3A_1300, %get3A_1301] {strides = array<i32>} : memref<128x16xi32, #tpu.memory_space<vmem>>, vector<16xi32>,
      %get3A_1303 = arith.constant 82 : i32
      %get3A_1304 = arith.index_cast %get3A_1303 : i32 to index
      %get3A_1305 = arith.constant 0 : index
      %get3A_1306 = tpu.vector_load %arg6[%get3A_1304, %get3A_1305] {strides = array<i32>} : memref<128x16xi32, #tpu.memory_space<vmem>>, vector<16xi32>,
      %mul3A_1307 = arith.constant 100 : i32
      %mul3A_1308 = vector.broadcast %mul3A_1307 : i32 to vector<16xi32>
      %mul3A_1309 = arith.muli %iota3A, %mul3A_1308 : vector<16xi32>
      %mul3A_1310 = arith.constant 10 : i32
      %mul3A_1311 = vector.broadcast %mul3A_1310 : i32 to vector<16xi32>
      %mul3A_1312 = arith.muli %get3A_1306, %mul3A_1311 : vector<16xi32>
      %add3A_1313 = arith.addi %mul3A_1309, %mul3A_1312 : vector<16xi32>
      %add3A_1314 = arith.addi %add3A_1313, %get3A_1302 : vector<16xi32>
      tpu.vector_store_idx %arg8[%add3A_1314], %broadcast_in_dim3A_1 {add = true} : memref<1600xf32, #tpu.memory_space<vmem>>[vector<16xi32>], vector<16xf32>,
      %get3A_1315 = arith.constant 18 : i32
      %get3A_1316 = arith.index_cast %get3A_1315 : i32 to index
      %get3A_1317 = arith.constant 0 : index
      %get3A_1318 = tpu.vector_load %arg7[%get3A_1316, %get3A_1317] {strides = array<i32>} : memref<128x16xi32, #tpu.memory_space<vmem>>, vector<16xi32>,
      %get3A_1319 = arith.constant 82 : i32
      %get3A_1320 = arith.index_cast %get3A_1319 : i32 to index
      %get3A_1321 = arith.constant 0 : index
      %get3A_1322 = tpu.vector_load %arg7[%get3A_1320, %get3A_1321] {strides = array<i32>} : memref<128x16xi32, #tpu.memory_space<vmem>>, vector<16xi32>,
      %mul3A_1323 = arith.constant 256 : i32
      %mul3A_1324 = vector.broadcast %mul3A_1323 : i32 to vector<16xi32>
      %mul3A_1325 = arith.muli %iota3A, %mul3A_1324 : vector<16xi32>
      %mul3A_1326 = arith.constant 16 : i32
      %mul3A_1327 = vector.broadcast %mul3A_1326 : i32 to vector<16xi32>
      %mul3A_1328 = arith.muli %get3A_1322, %mul3A_1327 : vector<16xi32>
      %add3A_1329 = arith.addi %mul3A_1325, %mul3A_1328 : vector<16xi32>
      %add3A_1330 = arith.addi %add3A_1329, %get3A_1318 : vector<16xi32>
      tpu.vector_store_idx %arg9[%add3A_1330], %broadcast_in_dim3A_1 {add = true} : memref<4096xf32, #tpu.memory_space<vmem>>[vector<16xi32>], vector<16xf32>,
      %get3A_1331 = arith.constant 19 : i32
      %get3A_1332 = arith.index_cast %get3A_1331 : i32 to index
      %get3A_1333 = arith.constant 0 : index
      %get3A_1334 = tpu.vector_load %arg6[%get3A_1332, %get3A_1333] {strides = array<i32>} : memref<128x16xi32, #tpu.memory_space<vmem>>, vector<16xi32>,
      %get3A_1335 = arith.constant 83 : i32
      %get3A_1336 = arith.index_cast %get3A_1335 : i32 to index
      %get3A_1337 = arith.constant 0 : index
      %get3A_1338 = tpu.vector_load %arg6[%get3A_1336, %get3A_1337] {strides = array<i32>} : memref<128x16xi32, #tpu.memory_space<vmem>>, vector<16xi32>,
      %mul3A_1339 = arith.constant 100 : i32
      %mul3A_1340 = vector.broadcast %mul3A_1339 : i32 to vector<16xi32>
      %mul3A_1341 = arith.muli %iota3A, %mul3A_1340 : vector<16xi32>
      %mul3A_1342 = arith.constant 10 : i32
      %mul3A_1343 = vector.broadcast %mul3A_1342 : i32 to vector<16xi32>
      %mul3A_1344 = arith.muli %get3A_1338, %mul3A_1343 : vector<16xi32>
      %add3A_1345 = arith.addi %mul3A_1341, %mul3A_1344 : vector<16xi32>
      %add3A_1346 = arith.addi %add3A_1345, %get3A_1334 : vector<16xi32>
      tpu.vector_store_idx %arg8[%add3A_1346], %broadcast_in_dim3A_1 {add = true} : memref<1600xf32, #tpu.memory_space<vmem>>[vector<16xi32>], vector<16xf32>,
      %get3A_1347 = arith.constant 19 : i32
      %get3A_1348 = arith.index_cast %get3A_1347 : i32 to index
      %get3A_1349 = arith.constant 0 : index
      %get3A_1350 = tpu.vector_load %arg7[%get3A_1348, %get3A_1349] {strides = array<i32>} : memref<128x16xi32, #tpu.memory_space<vmem>>, vector<16xi32>,
      %get3A_1351 = arith.constant 83 : i32
      %get3A_1352 = arith.index_cast %get3A_1351 : i32 to index
      %get3A_1353 = arith.constant 0 : index
      %get3A_1354 = tpu.vector_load %arg7[%get3A_1352, %get3A_1353] {strides = array<i32>} : memref<128x16xi32, #tpu.memory_space<vmem>>, vector<16xi32>,
      %mul3A_1355 = arith.constant 256 : i32
      %mul3A_1356 = vector.broadcast %mul3A_1355 : i32 to vector<16xi32>
      %mul3A_1357 = arith.muli %iota3A, %mul3A_1356 : vector<16xi32>
      %mul3A_1358 = arith.constant 16 : i32
      %mul3A_1359 = vector.broadcast %mul3A_1358 : i32 to vector<16xi32>
      %mul3A_1360 = arith.muli %get3A_1354, %mul3A_1359 : vector<16xi32>
      %add3A_1361 = arith.addi %mul3A_1357, %mul3A_1360 : vector<16xi32>
      %add3A_1362 = arith.addi %add3A_1361, %get3A_1350 : vector<16xi32>
      tpu.vector_store_idx %arg9[%add3A_1362], %broadcast_in_dim3A_1 {add = true} : memref<4096xf32, #tpu.memory_space<vmem>>[vector<16xi32>], vector<16xf32>,
      %get3A_1363 = arith.constant 20 : i32
      %get3A_1364 = arith.index_cast %get3A_1363 : i32 to index
      %get3A_1365 = arith.constant 0 : index
      %get3A_1366 = tpu.vector_load %arg6[%get3A_1364, %get3A_1365] {strides = array<i32>} : memref<128x16xi32, #tpu.memory_space<vmem>>, vector<16xi32>,
      %get3A_1367 = arith.constant 84 : i32
      %get3A_1368 = arith.index_cast %get3A_1367 : i32 to index
      %get3A_1369 = arith.constant 0 : index
      %get3A_1370 = tpu.vector_load %arg6[%get3A_1368, %get3A_1369] {strides = array<i32>} : memref<128x16xi32, #tpu.memory_space<vmem>>, vector<16xi32>,
      %mul3A_1371 = arith.constant 100 : i32
      %mul3A_1372 = vector.broadcast %mul3A_1371 : i32 to vector<16xi32>
      %mul3A_1373 = arith.muli %iota3A, %mul3A_1372 : vector<16xi32>
      %mul3A_1374 = arith.constant 10 : i32
      %mul3A_1375 = vector.broadcast %mul3A_1374 : i32 to vector<16xi32>
      %mul3A_1376 = arith.muli %get3A_1370, %mul3A_1375 : vector<16xi32>
      %add3A_1377 = arith.addi %mul3A_1373, %mul3A_1376 : vector<16xi32>
      %add3A_1378 = arith.addi %add3A_1377, %get3A_1366 : vector<16xi32>
      tpu.vector_store_idx %arg8[%add3A_1378], %broadcast_in_dim3A_1 {add = true} : memref<1600xf32, #tpu.memory_space<vmem>>[vector<16xi32>], vector<16xf32>,
      %get3A_1379 = arith.constant 20 : i32
      %get3A_1380 = arith.index_cast %get3A_1379 : i32 to index
      %get3A_1381 = arith.constant 0 : index
      %get3A_1382 = tpu.vector_load %arg7[%get3A_1380, %get3A_1381] {strides = array<i32>} : memref<128x16xi32, #tpu.memory_space<vmem>>, vector<16xi32>,
      %get3A_1383 = arith.constant 84 : i32
      %get3A_1384 = arith.index_cast %get3A_1383 : i32 to index
      %get3A_1385 = arith.constant 0 : index
      %get3A_1386 = tpu.vector_load %arg7[%get3A_1384, %get3A_1385] {strides = array<i32>} : memref<128x16xi32, #tpu.memory_space<vmem>>, vector<16xi32>,
      %mul3A_1387 = arith.constant 256 : i32
      %mul3A_1388 = vector.broadcast %mul3A_1387 : i32 to vector<16xi32>
      %mul3A_1389 = arith.muli %iota3A, %mul3A_1388 : vector<16xi32>
      %mul3A_1390 = arith.constant 16 : i32
      %mul3A_1391 = vector.broadcast %mul3A_1390 : i32 to vector<16xi32>
      %mul3A_1392 = arith.muli %get3A_1386, %mul3A_1391 : vector<16xi32>
      %add3A_1393 = arith.addi %mul3A_1389, %mul3A_1392 : vector<16xi32>
      %add3A_1394 = arith.addi %add3A_1393, %get3A_1382 : vector<16xi32>
      tpu.vector_store_idx %arg9[%add3A_1394], %broadcast_in_dim3A_1 {add = true} : memref<4096xf32, #tpu.memory_space<vmem>>[vector<16xi32>], vector<16xf32>,
      %get3A_1395 = arith.constant 21 : i32
      %get3A_1396 = arith.index_cast %get3A_1395 : i32 to index
      %get3A_1397 = arith.constant 0 : index
      %get3A_1398 = tpu.vector_load %arg6[%get3A_1396, %get3A_1397] {strides = array<i32>} : memref<128x16xi32, #tpu.memory_space<vmem>>, vector<16xi32>,
      %get3A_1399 = arith.constant 85 : i32
      %get3A_1400 = arith.index_cast %get3A_1399 : i32 to index
      %get3A_1401 = arith.constant 0 : index
      %get3A_1402 = tpu.vector_load %arg6[%get3A_1400, %get3A_1401] {strides = array<i32>} : memref<128x16xi32, #tpu.memory_space<vmem>>, vector<16xi32>,
      %mul3A_1403 = arith.constant 100 : i32
      %mul3A_1404 = vector.broadcast %mul3A_1403 : i32 to vector<16xi32>
      %mul3A_1405 = arith.muli %iota3A, %mul3A_1404 : vector<16xi32>
      %mul3A_1406 = arith.constant 10 : i32
      %mul3A_1407 = vector.broadcast %mul3A_1406 : i32 to vector<16xi32>
      %mul3A_1408 = arith.muli %get3A_1402, %mul3A_1407 : vector<16xi32>
      %add3A_1409 = arith.addi %mul3A_1405, %mul3A_1408 : vector<16xi32>
      %add3A_1410 = arith.addi %add3A_1409, %get3A_1398 : vector<16xi32>
      tpu.vector_store_idx %arg8[%add3A_1410], %broadcast_in_dim3A_1 {add = true} : memref<1600xf32, #tpu.memory_space<vmem>>[vector<16xi32>], vector<16xf32>,
      %get3A_1411 = arith.constant 21 : i32
      %get3A_1412 = arith.index_cast %get3A_1411 : i32 to index
      %get3A_1413 = arith.constant 0 : index
      %get3A_1414 = tpu.vector_load %arg7[%get3A_1412, %get3A_1413] {strides = array<i32>} : memref<128x16xi32, #tpu.memory_space<vmem>>, vector<16xi32>,
      %get3A_1415 = arith.constant 85 : i32
      %get3A_1416 = arith.index_cast %get3A_1415 : i32 to index
      %get3A_1417 = arith.constant 0 : index
      %get3A_1418 = tpu.vector_load %arg7[%get3A_1416, %get3A_1417] {strides = array<i32>} : memref<128x16xi32, #tpu.memory_space<vmem>>, vector<16xi32>,
      %mul3A_1419 = arith.constant 256 : i32
      %mul3A_1420 = vector.broadcast %mul3A_1419 : i32 to vector<16xi32>
      %mul3A_1421 = arith.muli %iota3A, %mul3A_1420 : vector<16xi32>
      %mul3A_1422 = arith.constant 16 : i32
      %mul3A_1423 = vector.broadcast %mul3A_1422 : i32 to vector<16xi32>
      %mul3A_1424 = arith.muli %get3A_1418, %mul3A_1423 : vector<16xi32>
      %add3A_1425 = arith.addi %mul3A_1421, %mul3A_1424 : vector<16xi32>
      %add3A_1426 = arith.addi %add3A_1425, %get3A_1414 : vector<16xi32>
      tpu.vector_store_idx %arg9[%add3A_1426], %broadcast_in_dim3A_1 {add = true} : memref<4096xf32, #tpu.memory_space<vmem>>[vector<16xi32>], vector<16xf32>,
      %get3A_1427 = arith.constant 22 : i32
      %get3A_1428 = arith.index_cast %get3A_1427 : i32 to index
      %get3A_1429 = arith.constant 0 : index
      %get3A_1430 = tpu.vector_load %arg6[%get3A_1428, %get3A_1429] {strides = array<i32>} : memref<128x16xi32, #tpu.memory_space<vmem>>, vector<16xi32>,
      %get3A_1431 = arith.constant 86 : i32
      %get3A_1432 = arith.index_cast %get3A_1431 : i32 to index
      %get3A_1433 = arith.constant 0 : index
      %get3A_1434 = tpu.vector_load %arg6[%get3A_1432, %get3A_1433] {strides = array<i32>} : memref<128x16xi32, #tpu.memory_space<vmem>>, vector<16xi32>,
      %mul3A_1435 = arith.constant 100 : i32
      %mul3A_1436 = vector.broadcast %mul3A_1435 : i32 to vector<16xi32>
      %mul3A_1437 = arith.muli %iota3A, %mul3A_1436 : vector<16xi32>
      %mul3A_1438 = arith.constant 10 : i32
      %mul3A_1439 = vector.broadcast %mul3A_1438 : i32 to vector<16xi32>
      %mul3A_1440 = arith.muli %get3A_1434, %mul3A_1439 : vector<16xi32>
      %add3A_1441 = arith.addi %mul3A_1437, %mul3A_1440 : vector<16xi32>
      %add3A_1442 = arith.addi %add3A_1441, %get3A_1430 : vector<16xi32>
      tpu.vector_store_idx %arg8[%add3A_1442], %broadcast_in_dim3A_1 {add = true} : memref<1600xf32, #tpu.memory_space<vmem>>[vector<16xi32>], vector<16xf32>,
      %get3A_1443 = arith.constant 22 : i32
      %get3A_1444 = arith.index_cast %get3A_1443 : i32 to index
      %get3A_1445 = arith.constant 0 : index
      %get3A_1446 = tpu.vector_load %arg7[%get3A_1444, %get3A_1445] {strides = array<i32>} : memref<128x16xi32, #tpu.memory_space<vmem>>, vector<16xi32>,
      %get3A_1447 = arith.constant 86 : i32
      %get3A_1448 = arith.index_cast %get3A_1447 : i32 to index
      %get3A_1449 = arith.constant 0 : index
      %get3A_1450 = tpu.vector_load %arg7[%get3A_1448, %get3A_1449] {strides = array<i32>} : memref<128x16xi32, #tpu.memory_space<vmem>>, vector<16xi32>,
      %mul3A_1451 = arith.constant 256 : i32
      %mul3A_1452 = vector.broadcast %mul3A_1451 : i32 to vector<16xi32>
      %mul3A_1453 = arith.muli %iota3A, %mul3A_1452 : vector<16xi32>
      %mul3A_1454 = arith.constant 16 : i32
      %mul3A_1455 = vector.broadcast %mul3A_1454 : i32 to vector<16xi32>
      %mul3A_1456 = arith.muli %get3A_1450, %mul3A_1455 : vector<16xi32>
      %add3A_1457 = arith.addi %mul3A_1453, %mul3A_1456 : vector<16xi32>
      %add3A_1458 = arith.addi %add3A_1457, %get3A_1446 : vector<16xi32>
      tpu.vector_store_idx %arg9[%add3A_1458], %broadcast_in_dim3A_1 {add = true} : memref<4096xf32, #tpu.memory_space<vmem>>[vector<16xi32>], vector<16xf32>,
      %get3A_1459 = arith.constant 23 : i32
      %get3A_1460 = arith.index_cast %get3A_1459 : i32 to index
      %get3A_1461 = arith.constant 0 : index
      %get3A_1462 = tpu.vector_load %arg6[%get3A_1460, %get3A_1461] {strides = array<i32>} : memref<128x16xi32, #tpu.memory_space<vmem>>, vector<16xi32>,
      %get3A_1463 = arith.constant 87 : i32
      %get3A_1464 = arith.index_cast %get3A_1463 : i32 to index
      %get3A_1465 = arith.constant 0 : index
      %get3A_1466 = tpu.vector_load %arg6[%get3A_1464, %get3A_1465] {strides = array<i32>} : memref<128x16xi32, #tpu.memory_space<vmem>>, vector<16xi32>,
      %mul3A_1467 = arith.constant 100 : i32
      %mul3A_1468 = vector.broadcast %mul3A_1467 : i32 to vector<16xi32>
      %mul3A_1469 = arith.muli %iota3A, %mul3A_1468 : vector<16xi32>
      %mul3A_1470 = arith.constant 10 : i32
      %mul3A_1471 = vector.broadcast %mul3A_1470 : i32 to vector<16xi32>
      %mul3A_1472 = arith.muli %get3A_1466, %mul3A_1471 : vector<16xi32>
      %add3A_1473 = arith.addi %mul3A_1469, %mul3A_1472 : vector<16xi32>
      %add3A_1474 = arith.addi %add3A_1473, %get3A_1462 : vector<16xi32>
      tpu.vector_store_idx %arg8[%add3A_1474], %broadcast_in_dim3A_1 {add = true} : memref<1600xf32, #tpu.memory_space<vmem>>[vector<16xi32>], vector<16xf32>,
      %get3A_1475 = arith.constant 23 : i32
      %get3A_1476 = arith.index_cast %get3A_1475 : i32 to index
      %get3A_1477 = arith.constant 0 : index
      %get3A_1478 = tpu.vector_load %arg7[%get3A_1476, %get3A_1477] {strides = array<i32>} : memref<128x16xi32, #tpu.memory_space<vmem>>, vector<16xi32>,
      %get3A_1479 = arith.constant 87 : i32
      %get3A_1480 = arith.index_cast %get3A_1479 : i32 to index
      %get3A_1481 = arith.constant 0 : index
      %get3A_1482 = tpu.vector_load %arg7[%get3A_1480, %get3A_1481] {strides = array<i32>} : memref<128x16xi32, #tpu.memory_space<vmem>>, vector<16xi32>,
      %mul3A_1483 = arith.constant 256 : i32
      %mul3A_1484 = vector.broadcast %mul3A_1483 : i32 to vector<16xi32>
      %mul3A_1485 = arith.muli %iota3A, %mul3A_1484 : vector<16xi32>
      %mul3A_1486 = arith.constant 16 : i32
      %mul3A_1487 = vector.broadcast %mul3A_1486 : i32 to vector<16xi32>
      %mul3A_1488 = arith.muli %get3A_1482, %mul3A_1487 : vector<16xi32>
      %add3A_1489 = arith.addi %mul3A_1485, %mul3A_1488 : vector<16xi32>
      %add3A_1490 = arith.addi %add3A_1489, %get3A_1478 : vector<16xi32>
      tpu.vector_store_idx %arg9[%add3A_1490], %broadcast_in_dim3A_1 {add = true} : memref<4096xf32, #tpu.memory_space<vmem>>[vector<16xi32>], vector<16xf32>,
      %get3A_1491 = arith.constant 24 : i32
      %get3A_1492 = arith.index_cast %get3A_1491 : i32 to index
      %get3A_1493 = arith.constant 0 : index
      %get3A_1494 = tpu.vector_load %arg6[%get3A_1492, %get3A_1493] {strides = array<i32>} : memref<128x16xi32, #tpu.memory_space<vmem>>, vector<16xi32>,
      %get3A_1495 = arith.constant 88 : i32
      %get3A_1496 = arith.index_cast %get3A_1495 : i32 to index
      %get3A_1497 = arith.constant 0 : index
      %get3A_1498 = tpu.vector_load %arg6[%get3A_1496, %get3A_1497] {strides = array<i32>} : memref<128x16xi32, #tpu.memory_space<vmem>>, vector<16xi32>,
      %mul3A_1499 = arith.constant 100 : i32
      %mul3A_1500 = vector.broadcast %mul3A_1499 : i32 to vector<16xi32>
      %mul3A_1501 = arith.muli %iota3A, %mul3A_1500 : vector<16xi32>
      %mul3A_1502 = arith.constant 10 : i32
      %mul3A_1503 = vector.broadcast %mul3A_1502 : i32 to vector<16xi32>
      %mul3A_1504 = arith.muli %get3A_1498, %mul3A_1503 : vector<16xi32>
      %add3A_1505 = arith.addi %mul3A_1501, %mul3A_1504 : vector<16xi32>
      %add3A_1506 = arith.addi %add3A_1505, %get3A_1494 : vector<16xi32>
      tpu.vector_store_idx %arg8[%add3A_1506], %broadcast_in_dim3A_1 {add = true} : memref<1600xf32, #tpu.memory_space<vmem>>[vector<16xi32>], vector<16xf32>,
      %get3A_1507 = arith.constant 24 : i32
      %get3A_1508 = arith.index_cast %get3A_1507 : i32 to index
      %get3A_1509 = arith.constant 0 : index
      %get3A_1510 = tpu.vector_load %arg7[%get3A_1508, %get3A_1509] {strides = array<i32>} : memref<128x16xi32, #tpu.memory_space<vmem>>, vector<16xi32>,
      %get3A_1511 = arith.constant 88 : i32
      %get3A_1512 = arith.index_cast %get3A_1511 : i32 to index
      %get3A_1513 = arith.constant 0 : index
      %get3A_1514 = tpu.vector_load %arg7[%get3A_1512, %get3A_1513] {strides = array<i32>} : memref<128x16xi32, #tpu.memory_space<vmem>>, vector<16xi32>,
      %mul3A_1515 = arith.constant 256 : i32
      %mul3A_1516 = vector.broadcast %mul3A_1515 : i32 to vector<16xi32>
      %mul3A_1517 = arith.muli %iota3A, %mul3A_1516 : vector<16xi32>
      %mul3A_1518 = arith.constant 16 : i32
      %mul3A_1519 = vector.broadcast %mul3A_1518 : i32 to vector<16xi32>
      %mul3A_1520 = arith.muli %get3A_1514, %mul3A_1519 : vector<16xi32>
      %add3A_1521 = arith.addi %mul3A_1517, %mul3A_1520 : vector<16xi32>
      %add3A_1522 = arith.addi %add3A_1521, %get3A_1510 : vector<16xi32>
      tpu.vector_store_idx %arg9[%add3A_1522], %broadcast_in_dim3A_1 {add = true} : memref<4096xf32, #tpu.memory_space<vmem>>[vector<16xi32>], vector<16xf32>,
      %get3A_1523 = arith.constant 25 : i32
      %get3A_1524 = arith.index_cast %get3A_1523 : i32 to index
      %get3A_1525 = arith.constant 0 : index
      %get3A_1526 = tpu.vector_load %arg6[%get3A_1524, %get3A_1525] {strides = array<i32>} : memref<128x16xi32, #tpu.memory_space<vmem>>, vector<16xi32>,
      %get3A_1527 = arith.constant 89 : i32
      %get3A_1528 = arith.index_cast %get3A_1527 : i32 to index
      %get3A_1529 = arith.constant 0 : index
      %get3A_1530 = tpu.vector_load %arg6[%get3A_1528, %get3A_1529] {strides = array<i32>} : memref<128x16xi32, #tpu.memory_space<vmem>>, vector<16xi32>,
      %mul3A_1531 = arith.constant 100 : i32
      %mul3A_1532 = vector.broadcast %mul3A_1531 : i32 to vector<16xi32>
      %mul3A_1533 = arith.muli %iota3A, %mul3A_1532 : vector<16xi32>
      %mul3A_1534 = arith.constant 10 : i32
      %mul3A_1535 = vector.broadcast %mul3A_1534 : i32 to vector<16xi32>
      %mul3A_1536 = arith.muli %get3A_1530, %mul3A_1535 : vector<16xi32>
      %add3A_1537 = arith.addi %mul3A_1533, %mul3A_1536 : vector<16xi32>
      %add3A_1538 = arith.addi %add3A_1537, %get3A_1526 : vector<16xi32>
      tpu.vector_store_idx %arg8[%add3A_1538], %broadcast_in_dim3A_1 {add = true} : memref<1600xf32, #tpu.memory_space<vmem>>[vector<16xi32>], vector<16xf32>,
      %get3A_1539 = arith.constant 25 : i32
      %get3A_1540 = arith.index_cast %get3A_1539 : i32 to index
      %get3A_1541 = arith.constant 0 : index
      %get3A_1542 = tpu.vector_load %arg7[%get3A_1540, %get3A_1541] {strides = array<i32>} : memref<128x16xi32, #tpu.memory_space<vmem>>, vector<16xi32>,
      %get3A_1543 = arith.constant 89 : i32
      %get3A_1544 = arith.index_cast %get3A_1543 : i32 to index
      %get3A_1545 = arith.constant 0 : index
      %get3A_1546 = tpu.vector_load %arg7[%get3A_1544, %get3A_1545] {strides = array<i32>} : memref<128x16xi32, #tpu.memory_space<vmem>>, vector<16xi32>,
      %mul3A_1547 = arith.constant 256 : i32
      %mul3A_1548 = vector.broadcast %mul3A_1547 : i32 to vector<16xi32>
      %mul3A_1549 = arith.muli %iota3A, %mul3A_1548 : vector<16xi32>
      %mul3A_1550 = arith.constant 16 : i32
      %mul3A_1551 = vector.broadcast %mul3A_1550 : i32 to vector<16xi32>
      %mul3A_1552 = arith.muli %get3A_1546, %mul3A_1551 : vector<16xi32>
      %add3A_1553 = arith.addi %mul3A_1549, %mul3A_1552 : vector<16xi32>
      %add3A_1554 = arith.addi %add3A_1553, %get3A_1542 : vector<16xi32>
      tpu.vector_store_idx %arg9[%add3A_1554], %broadcast_in_dim3A_1 {add = true} : memref<4096xf32, #tpu.memory_space<vmem>>[vector<16xi32>], vector<16xf32>,
      %get3A_1555 = arith.constant 26 : i32
      %get3A_1556 = arith.index_cast %get3A_1555 : i32 to index
      %get3A_1557 = arith.constant 0 : index
      %get3A_1558 = tpu.vector_load %arg6[%get3A_1556, %get3A_1557] {strides = array<i32>} : memref<128x16xi32, #tpu.memory_space<vmem>>, vector<16xi32>,
      %get3A_1559 = arith.constant 90 : i32
      %get3A_1560 = arith.index_cast %get3A_1559 : i32 to index
      %get3A_1561 = arith.constant 0 : index
      %get3A_1562 = tpu.vector_load %arg6[%get3A_1560, %get3A_1561] {strides = array<i32>} : memref<128x16xi32, #tpu.memory_space<vmem>>, vector<16xi32>,
      %mul3A_1563 = arith.constant 100 : i32
      %mul3A_1564 = vector.broadcast %mul3A_1563 : i32 to vector<16xi32>
      %mul3A_1565 = arith.muli %iota3A, %mul3A_1564 : vector<16xi32>
      %mul3A_1566 = arith.constant 10 : i32
      %mul3A_1567 = vector.broadcast %mul3A_1566 : i32 to vector<16xi32>
      %mul3A_1568 = arith.muli %get3A_1562, %mul3A_1567 : vector<16xi32>
      %add3A_1569 = arith.addi %mul3A_1565, %mul3A_1568 : vector<16xi32>
      %add3A_1570 = arith.addi %add3A_1569, %get3A_1558 : vector<16xi32>
      tpu.vector_store_idx %arg8[%add3A_1570], %broadcast_in_dim3A_1 {add = true} : memref<1600xf32, #tpu.memory_space<vmem>>[vector<16xi32>], vector<16xf32>,
      %get3A_1571 = arith.constant 26 : i32
      %get3A_1572 = arith.index_cast %get3A_1571 : i32 to index
      %get3A_1573 = arith.constant 0 : index
      %get3A_1574 = tpu.vector_load %arg7[%get3A_1572, %get3A_1573] {strides = array<i32>} : memref<128x16xi32, #tpu.memory_space<vmem>>, vector<16xi32>,
      %get3A_1575 = arith.constant 90 : i32
      %get3A_1576 = arith.index_cast %get3A_1575 : i32 to index
      %get3A_1577 = arith.constant 0 : index
      %get3A_1578 = tpu.vector_load %arg7[%get3A_1576, %get3A_1577] {strides = array<i32>} : memref<128x16xi32, #tpu.memory_space<vmem>>, vector<16xi32>,
      %mul3A_1579 = arith.constant 256 : i32
      %mul3A_1580 = vector.broadcast %mul3A_1579 : i32 to vector<16xi32>
      %mul3A_1581 = arith.muli %iota3A, %mul3A_1580 : vector<16xi32>
      %mul3A_1582 = arith.constant 16 : i32
      %mul3A_1583 = vector.broadcast %mul3A_1582 : i32 to vector<16xi32>
      %mul3A_1584 = arith.muli %get3A_1578, %mul3A_1583 : vector<16xi32>
      %add3A_1585 = arith.addi %mul3A_1581, %mul3A_1584 : vector<16xi32>
      %add3A_1586 = arith.addi %add3A_1585, %get3A_1574 : vector<16xi32>
      tpu.vector_store_idx %arg9[%add3A_1586], %broadcast_in_dim3A_1 {add = true} : memref<4096xf32, #tpu.memory_space<vmem>>[vector<16xi32>], vector<16xf32>,
      %get3A_1587 = arith.constant 27 : i32
      %get3A_1588 = arith.index_cast %get3A_1587 : i32 to index
      %get3A_1589 = arith.constant 0 : index
      %get3A_1590 = tpu.vector_load %arg6[%get3A_1588, %get3A_1589] {strides = array<i32>} : memref<128x16xi32, #tpu.memory_space<vmem>>, vector<16xi32>,
      %get3A_1591 = arith.constant 91 : i32
      %get3A_1592 = arith.index_cast %get3A_1591 : i32 to index
      %get3A_1593 = arith.constant 0 : index
      %get3A_1594 = tpu.vector_load %arg6[%get3A_1592, %get3A_1593] {strides = array<i32>} : memref<128x16xi32, #tpu.memory_space<vmem>>, vector<16xi32>,
      %mul3A_1595 = arith.constant 100 : i32
      %mul3A_1596 = vector.broadcast %mul3A_1595 : i32 to vector<16xi32>
      %mul3A_1597 = arith.muli %iota3A, %mul3A_1596 : vector<16xi32>
      %mul3A_1598 = arith.constant 10 : i32
      %mul3A_1599 = vector.broadcast %mul3A_1598 : i32 to vector<16xi32>
      %mul3A_1600 = arith.muli %get3A_1594, %mul3A_1599 : vector<16xi32>
      %add3A_1601 = arith.addi %mul3A_1597, %mul3A_1600 : vector<16xi32>
      %add3A_1602 = arith.addi %add3A_1601, %get3A_1590 : vector<16xi32>
      tpu.vector_store_idx %arg8[%add3A_1602], %broadcast_in_dim3A_1 {add = true} : memref<1600xf32, #tpu.memory_space<vmem>>[vector<16xi32>], vector<16xf32>,
      %get3A_1603 = arith.constant 27 : i32
      %get3A_1604 = arith.index_cast %get3A_1603 : i32 to index
      %get3A_1605 = arith.constant 0 : index
      %get3A_1606 = tpu.vector_load %arg7[%get3A_1604, %get3A_1605] {strides = array<i32>} : memref<128x16xi32, #tpu.memory_space<vmem>>, vector<16xi32>,
      %get3A_1607 = arith.constant 91 : i32
      %get3A_1608 = arith.index_cast %get3A_1607 : i32 to index
      %get3A_1609 = arith.constant 0 : index
      %get3A_1610 = tpu.vector_load %arg7[%get3A_1608, %get3A_1609] {strides = array<i32>} : memref<128x16xi32, #tpu.memory_space<vmem>>, vector<16xi32>,
      %mul3A_1611 = arith.constant 256 : i32
      %mul3A_1612 = vector.broadcast %mul3A_1611 : i32 to vector<16xi32>
      %mul3A_1613 = arith.muli %iota3A, %mul3A_1612 : vector<16xi32>
      %mul3A_1614 = arith.constant 16 : i32
      %mul3A_1615 = vector.broadcast %mul3A_1614 : i32 to vector<16xi32>
      %mul3A_1616 = arith.muli %get3A_1610, %mul3A_1615 : vector<16xi32>
      %add3A_1617 = arith.addi %mul3A_1613, %mul3A_1616 : vector<16xi32>
      %add3A_1618 = arith.addi %add3A_1617, %get3A_1606 : vector<16xi32>
      tpu.vector_store_idx %arg9[%add3A_1618], %broadcast_in_dim3A_1 {add = true} : memref<4096xf32, #tpu.memory_space<vmem>>[vector<16xi32>], vector<16xf32>,
      %get3A_1619 = arith.constant 28 : i32
      %get3A_1620 = arith.index_cast %get3A_1619 : i32 to index
      %get3A_1621 = arith.constant 0 : index
      %get3A_1622 = tpu.vector_load %arg6[%get3A_1620, %get3A_1621] {strides = array<i32>} : memref<128x16xi32, #tpu.memory_space<vmem>>, vector<16xi32>,
      %get3A_1623 = arith.constant 92 : i32
      %get3A_1624 = arith.index_cast %get3A_1623 : i32 to index
      %get3A_1625 = arith.constant 0 : index
      %get3A_1626 = tpu.vector_load %arg6[%get3A_1624, %get3A_1625] {strides = array<i32>} : memref<128x16xi32, #tpu.memory_space<vmem>>, vector<16xi32>,
      %mul3A_1627 = arith.constant 100 : i32
      %mul3A_1628 = vector.broadcast %mul3A_1627 : i32 to vector<16xi32>
      %mul3A_1629 = arith.muli %iota3A, %mul3A_1628 : vector<16xi32>
      %mul3A_1630 = arith.constant 10 : i32
      %mul3A_1631 = vector.broadcast %mul3A_1630 : i32 to vector<16xi32>
      %mul3A_1632 = arith.muli %get3A_1626, %mul3A_1631 : vector<16xi32>
      %add3A_1633 = arith.addi %mul3A_1629, %mul3A_1632 : vector<16xi32>
      %add3A_1634 = arith.addi %add3A_1633, %get3A_1622 : vector<16xi32>
      tpu.vector_store_idx %arg8[%add3A_1634], %broadcast_in_dim3A_1 {add = true} : memref<1600xf32, #tpu.memory_space<vmem>>[vector<16xi32>], vector<16xf32>,
      %get3A_1635 = arith.constant 28 : i32
      %get3A_1636 = arith.index_cast %get3A_1635 : i32 to index
      %get3A_1637 = arith.constant 0 : index
      %get3A_1638 = tpu.vector_load %arg7[%get3A_1636, %get3A_1637] {strides = array<i32>} : memref<128x16xi32, #tpu.memory_space<vmem>>, vector<16xi32>,
      %get3A_1639 = arith.constant 92 : i32
      %get3A_1640 = arith.index_cast %get3A_1639 : i32 to index
      %get3A_1641 = arith.constant 0 : index
      %get3A_1642 = tpu.vector_load %arg7[%get3A_1640, %get3A_1641] {strides = array<i32>} : memref<128x16xi32, #tpu.memory_space<vmem>>, vector<16xi32>,
      %mul3A_1643 = arith.constant 256 : i32
      %mul3A_1644 = vector.broadcast %mul3A_1643 : i32 to vector<16xi32>
      %mul3A_1645 = arith.muli %iota3A, %mul3A_1644 : vector<16xi32>
      %mul3A_1646 = arith.constant 16 : i32
      %mul3A_1647 = vector.broadcast %mul3A_1646 : i32 to vector<16xi32>
      %mul3A_1648 = arith.muli %get3A_1642, %mul3A_1647 : vector<16xi32>
      %add3A_1649 = arith.addi %mul3A_1645, %mul3A_1648 : vector<16xi32>
      %add3A_1650 = arith.addi %add3A_1649, %get3A_1638 : vector<16xi32>
      tpu.vector_store_idx %arg9[%add3A_1650], %broadcast_in_dim3A_1 {add = true} : memref<4096xf32, #tpu.memory_space<vmem>>[vector<16xi32>], vector<16xf32>,
      %get3A_1651 = arith.constant 29 : i32
      %get3A_1652 = arith.index_cast %get3A_1651 : i32 to index
      %get3A_1653 = arith.constant 0 : index
      %get3A_1654 = tpu.vector_load %arg6[%get3A_1652, %get3A_1653] {strides = array<i32>} : memref<128x16xi32, #tpu.memory_space<vmem>>, vector<16xi32>,
      %get3A_1655 = arith.constant 93 : i32
      %get3A_1656 = arith.index_cast %get3A_1655 : i32 to index
      %get3A_1657 = arith.constant 0 : index
      %get3A_1658 = tpu.vector_load %arg6[%get3A_1656, %get3A_1657] {strides = array<i32>} : memref<128x16xi32, #tpu.memory_space<vmem>>, vector<16xi32>,
      %mul3A_1659 = arith.constant 100 : i32
      %mul3A_1660 = vector.broadcast %mul3A_1659 : i32 to vector<16xi32>
      %mul3A_1661 = arith.muli %iota3A, %mul3A_1660 : vector<16xi32>
      %mul3A_1662 = arith.constant 10 : i32
      %mul3A_1663 = vector.broadcast %mul3A_1662 : i32 to vector<16xi32>
      %mul3A_1664 = arith.muli %get3A_1658, %mul3A_1663 : vector<16xi32>
      %add3A_1665 = arith.addi %mul3A_1661, %mul3A_1664 : vector<16xi32>
      %add3A_1666 = arith.addi %add3A_1665, %get3A_1654 : vector<16xi32>
      tpu.vector_store_idx %arg8[%add3A_1666], %broadcast_in_dim3A_1 {add = true} : memref<1600xf32, #tpu.memory_space<vmem>>[vector<16xi32>], vector<16xf32>,
      %get3A_1667 = arith.constant 29 : i32
      %get3A_1668 = arith.index_cast %get3A_1667 : i32 to index
      %get3A_1669 = arith.constant 0 : index
      %get3A_1670 = tpu.vector_load %arg7[%get3A_1668, %get3A_1669] {strides = array<i32>} : memref<128x16xi32, #tpu.memory_space<vmem>>, vector<16xi32>,
      %get3A_1671 = arith.constant 93 : i32
      %get3A_1672 = arith.index_cast %get3A_1671 : i32 to index
      %get3A_1673 = arith.constant 0 : index
      %get3A_1674 = tpu.vector_load %arg7[%get3A_1672, %get3A_1673] {strides = array<i32>} : memref<128x16xi32, #tpu.memory_space<vmem>>, vector<16xi32>,
      %mul3A_1675 = arith.constant 256 : i32
      %mul3A_1676 = vector.broadcast %mul3A_1675 : i32 to vector<16xi32>
      %mul3A_1677 = arith.muli %iota3A, %mul3A_1676 : vector<16xi32>
      %mul3A_1678 = arith.constant 16 : i32
      %mul3A_1679 = vector.broadcast %mul3A_1678 : i32 to vector<16xi32>
      %mul3A_1680 = arith.muli %get3A_1674, %mul3A_1679 : vector<16xi32>
      %add3A_1681 = arith.addi %mul3A_1677, %mul3A_1680 : vector<16xi32>
      %add3A_1682 = arith.addi %add3A_1681, %get3A_1670 : vector<16xi32>
      tpu.vector_store_idx %arg9[%add3A_1682], %broadcast_in_dim3A_1 {add = true} : memref<4096xf32, #tpu.memory_space<vmem>>[vector<16xi32>], vector<16xf32>,
      %get3A_1683 = arith.constant 30 : i32
      %get3A_1684 = arith.index_cast %get3A_1683 : i32 to index
      %get3A_1685 = arith.constant 0 : index
      %get3A_1686 = tpu.vector_load %arg6[%get3A_1684, %get3A_1685] {strides = array<i32>} : memref<128x16xi32, #tpu.memory_space<vmem>>, vector<16xi32>,
      %get3A_1687 = arith.constant 94 : i32
      %get3A_1688 = arith.index_cast %get3A_1687 : i32 to index
      %get3A_1689 = arith.constant 0 : index
      %get3A_1690 = tpu.vector_load %arg6[%get3A_1688, %get3A_1689] {strides = array<i32>} : memref<128x16xi32, #tpu.memory_space<vmem>>, vector<16xi32>,
      %mul3A_1691 = arith.constant 100 : i32
      %mul3A_1692 = vector.broadcast %mul3A_1691 : i32 to vector<16xi32>
      %mul3A_1693 = arith.muli %iota3A, %mul3A_1692 : vector<16xi32>
      %mul3A_1694 = arith.constant 10 : i32
      %mul3A_1695 = vector.broadcast %mul3A_1694 : i32 to vector<16xi32>
      %mul3A_1696 = arith.muli %get3A_1690, %mul3A_1695 : vector<16xi32>
      %add3A_1697 = arith.addi %mul3A_1693, %mul3A_1696 : vector<16xi32>
      %add3A_1698 = arith.addi %add3A_1697, %get3A_1686 : vector<16xi32>
      tpu.vector_store_idx %arg8[%add3A_1698], %broadcast_in_dim3A_1 {add = true} : memref<1600xf32, #tpu.memory_space<vmem>>[vector<16xi32>], vector<16xf32>,
      %get3A_1699 = arith.constant 30 : i32
      %get3A_1700 = arith.index_cast %get3A_1699 : i32 to index
      %get3A_1701 = arith.constant 0 : index
      %get3A_1702 = tpu.vector_load %arg7[%get3A_1700, %get3A_1701] {strides = array<i32>} : memref<128x16xi32, #tpu.memory_space<vmem>>, vector<16xi32>,
      %get3A_1703 = arith.constant 94 : i32
      %get3A_1704 = arith.index_cast %get3A_1703 : i32 to index
      %get3A_1705 = arith.constant 0 : index
      %get3A_1706 = tpu.vector_load %arg7[%get3A_1704, %get3A_1705] {strides = array<i32>} : memref<128x16xi32, #tpu.memory_space<vmem>>, vector<16xi32>,
      %mul3A_1707 = arith.constant 256 : i32
      %mul3A_1708 = vector.broadcast %mul3A_1707 : i32 to vector<16xi32>
      %mul3A_1709 = arith.muli %iota3A, %mul3A_1708 : vector<16xi32>
      %mul3A_1710 = arith.constant 16 : i32
      %mul3A_1711 = vector.broadcast %mul3A_1710 : i32 to vector<16xi32>
      %mul3A_1712 = arith.muli %get3A_1706, %mul3A_1711 : vector<16xi32>
      %add3A_1713 = arith.addi %mul3A_1709, %mul3A_1712 : vector<16xi32>
      %add3A_1714 = arith.addi %add3A_1713, %get3A_1702 : vector<16xi32>
      tpu.vector_store_idx %arg9[%add3A_1714], %broadcast_in_dim3A_1 {add = true} : memref<4096xf32, #tpu.memory_space<vmem>>[vector<16xi32>], vector<16xf32>,
      %get3A_1715 = arith.constant 31 : i32
      %get3A_1716 = arith.index_cast %get3A_1715 : i32 to index
      %get3A_1717 = arith.constant 0 : index
      %get3A_1718 = tpu.vector_load %arg6[%get3A_1716, %get3A_1717] {strides = array<i32>} : memref<128x16xi32, #tpu.memory_space<vmem>>, vector<16xi32>,
      %get3A_1719 = arith.constant 95 : i32
      %get3A_1720 = arith.index_cast %get3A_1719 : i32 to index
      %get3A_1721 = arith.constant 0 : index
      %get3A_1722 = tpu.vector_load %arg6[%get3A_1720, %get3A_1721] {strides = array<i32>} : memref<128x16xi32, #tpu.memory_space<vmem>>, vector<16xi32>,
      %mul3A_1723 = arith.constant 100 : i32
      %mul3A_1724 = vector.broadcast %mul3A_1723 : i32 to vector<16xi32>
      %mul3A_1725 = arith.muli %iota3A, %mul3A_1724 : vector<16xi32>
      %mul3A_1726 = arith.constant 10 : i32
      %mul3A_1727 = vector.broadcast %mul3A_1726 : i32 to vector<16xi32>
      %mul3A_1728 = arith.muli %get3A_1722, %mul3A_1727 : vector<16xi32>
      %add3A_1729 = arith.addi %mul3A_1725, %mul3A_1728 : vector<16xi32>
      %add3A_1730 = arith.addi %add3A_1729, %get3A_1718 : vector<16xi32>
      tpu.vector_store_idx %arg8[%add3A_1730], %broadcast_in_dim3A_1 {add = true} : memref<1600xf32, #tpu.memory_space<vmem>>[vector<16xi32>], vector<16xf32>,
      %get3A_1731 = arith.constant 31 : i32
      %get3A_1732 = arith.index_cast %get3A_1731 : i32 to index
      %get3A_1733 = arith.constant 0 : index
      %get3A_1734 = tpu.vector_load %arg7[%get3A_1732, %get3A_1733] {strides = array<i32>} : memref<128x16xi32, #tpu.memory_space<vmem>>, vector<16xi32>,
      %get3A_1735 = arith.constant 95 : i32
      %get3A_1736 = arith.index_cast %get3A_1735 : i32 to index
      %get3A_1737 = arith.constant 0 : index
      %get3A_1738 = tpu.vector_load %arg7[%get3A_1736, %get3A_1737] {strides = array<i32>} : memref<128x16xi32, #tpu.memory_space<vmem>>, vector<16xi32>,
      %mul3A_1739 = arith.constant 256 : i32
      %mul3A_1740 = vector.broadcast %mul3A_1739 : i32 to vector<16xi32>
      %mul3A_1741 = arith.muli %iota3A, %mul3A_1740 : vector<16xi32>
      %mul3A_1742 = arith.constant 16 : i32
      %mul3A_1743 = vector.broadcast %mul3A_1742 : i32 to vector<16xi32>
      %mul3A_1744 = arith.muli %get3A_1738, %mul3A_1743 : vector<16xi32>
      %add3A_1745 = arith.addi %mul3A_1741, %mul3A_1744 : vector<16xi32>
      %add3A_1746 = arith.addi %add3A_1745, %get3A_1734 : vector<16xi32>
      tpu.vector_store_idx %arg9[%add3A_1746], %broadcast_in_dim3A_1 {add = true} : memref<4096xf32, #tpu.memory_space<vmem>>[vector<16xi32>], vector<16xf32>,
      %get3A_1747 = arith.constant 32 : i32
      %get3A_1748 = arith.index_cast %get3A_1747 : i32 to index
      %get3A_1749 = arith.constant 0 : index
      %get3A_1750 = tpu.vector_load %arg6[%get3A_1748, %get3A_1749] {strides = array<i32>} : memref<128x16xi32, #tpu.memory_space<vmem>>, vector<16xi32>,
      %get3A_1751 = arith.constant 96 : i32
      %get3A_1752 = arith.index_cast %get3A_1751 : i32 to index
      %get3A_1753 = arith.constant 0 : index
      %get3A_1754 = tpu.vector_load %arg6[%get3A_1752, %get3A_1753] {strides = array<i32>} : memref<128x16xi32, #tpu.memory_space<vmem>>, vector<16xi32>,
      %mul3A_1755 = arith.constant 100 : i32
      %mul3A_1756 = vector.broadcast %mul3A_1755 : i32 to vector<16xi32>
      %mul3A_1757 = arith.muli %iota3A, %mul3A_1756 : vector<16xi32>
      %mul3A_1758 = arith.constant 10 : i32
      %mul3A_1759 = vector.broadcast %mul3A_1758 : i32 to vector<16xi32>
      %mul3A_1760 = arith.muli %get3A_1754, %mul3A_1759 : vector<16xi32>
      %add3A_1761 = arith.addi %mul3A_1757, %mul3A_1760 : vector<16xi32>
      %add3A_1762 = arith.addi %add3A_1761, %get3A_1750 : vector<16xi32>
      tpu.vector_store_idx %arg8[%add3A_1762], %broadcast_in_dim3A_1 {add = true} : memref<1600xf32, #tpu.memory_space<vmem>>[vector<16xi32>], vector<16xf32>,
      %get3A_1763 = arith.constant 32 : i32
      %get3A_1764 = arith.index_cast %get3A_1763 : i32 to index
      %get3A_1765 = arith.constant 0 : index
      %get3A_1766 = tpu.vector_load %arg7[%get3A_1764, %get3A_1765] {strides = array<i32>} : memref<128x16xi32, #tpu.memory_space<vmem>>, vector<16xi32>,
      %get3A_1767 = arith.constant 96 : i32
      %get3A_1768 = arith.index_cast %get3A_1767 : i32 to index
      %get3A_1769 = arith.constant 0 : index
      %get3A_1770 = tpu.vector_load %arg7[%get3A_1768, %get3A_1769] {strides = array<i32>} : memref<128x16xi32, #tpu.memory_space<vmem>>, vector<16xi32>,
      %mul3A_1771 = arith.constant 256 : i32
      %mul3A_1772 = vector.broadcast %mul3A_1771 : i32 to vector<16xi32>
      %mul3A_1773 = arith.muli %iota3A, %mul3A_1772 : vector<16xi32>
      %mul3A_1774 = arith.constant 16 : i32
      %mul3A_1775 = vector.broadcast %mul3A_1774 : i32 to vector<16xi32>
      %mul3A_1776 = arith.muli %get3A_1770, %mul3A_1775 : vector<16xi32>
      %add3A_1777 = arith.addi %mul3A_1773, %mul3A_1776 : vector<16xi32>
      %add3A_1778 = arith.addi %add3A_1777, %get3A_1766 : vector<16xi32>
      tpu.vector_store_idx %arg9[%add3A_1778], %broadcast_in_dim3A_1 {add = true} : memref<4096xf32, #tpu.memory_space<vmem>>[vector<16xi32>], vector<16xf32>,
      %get3A_1779 = arith.constant 33 : i32
      %get3A_1780 = arith.index_cast %get3A_1779 : i32 to index
      %get3A_1781 = arith.constant 0 : index
      %get3A_1782 = tpu.vector_load %arg6[%get3A_1780, %get3A_1781] {strides = array<i32>} : memref<128x16xi32, #tpu.memory_space<vmem>>, vector<16xi32>,
      %get3A_1783 = arith.constant 97 : i32
      %get3A_1784 = arith.index_cast %get3A_1783 : i32 to index
      %get3A_1785 = arith.constant 0 : index
      %get3A_1786 = tpu.vector_load %arg6[%get3A_1784, %get3A_1785] {strides = array<i32>} : memref<128x16xi32, #tpu.memory_space<vmem>>, vector<16xi32>,
      %mul3A_1787 = arith.constant 100 : i32
      %mul3A_1788 = vector.broadcast %mul3A_1787 : i32 to vector<16xi32>
      %mul3A_1789 = arith.muli %iota3A, %mul3A_1788 : vector<16xi32>
      %mul3A_1790 = arith.constant 10 : i32
      %mul3A_1791 = vector.broadcast %mul3A_1790 : i32 to vector<16xi32>
      %mul3A_1792 = arith.muli %get3A_1786, %mul3A_1791 : vector<16xi32>
      %add3A_1793 = arith.addi %mul3A_1789, %mul3A_1792 : vector<16xi32>
      %add3A_1794 = arith.addi %add3A_1793, %get3A_1782 : vector<16xi32>
      tpu.vector_store_idx %arg8[%add3A_1794], %broadcast_in_dim3A_1 {add = true} : memref<1600xf32, #tpu.memory_space<vmem>>[vector<16xi32>], vector<16xf32>,
      %get3A_1795 = arith.constant 33 : i32
      %get3A_1796 = arith.index_cast %get3A_1795 : i32 to index
      %get3A_1797 = arith.constant 0 : index
      %get3A_1798 = tpu.vector_load %arg7[%get3A_1796, %get3A_1797] {strides = array<i32>} : memref<128x16xi32, #tpu.memory_space<vmem>>, vector<16xi32>,
      %get3A_1799 = arith.constant 97 : i32
      %get3A_1800 = arith.index_cast %get3A_1799 : i32 to index
      %get3A_1801 = arith.constant 0 : index
      %get3A_1802 = tpu.vector_load %arg7[%get3A_1800, %get3A_1801] {strides = array<i32>} : memref<128x16xi32, #tpu.memory_space<vmem>>, vector<16xi32>,
      %mul3A_1803 = arith.constant 256 : i32
      %mul3A_1804 = vector.broadcast %mul3A_1803 : i32 to vector<16xi32>
      %mul3A_1805 = arith.muli %iota3A, %mul3A_1804 : vector<16xi32>
      %mul3A_1806 = arith.constant 16 : i32
      %mul3A_1807 = vector.broadcast %mul3A_1806 : i32 to vector<16xi32>
      %mul3A_1808 = arith.muli %get3A_1802, %mul3A_1807 : vector<16xi32>
      %add3A_1809 = arith.addi %mul3A_1805, %mul3A_1808 : vector<16xi32>
      %add3A_1810 = arith.addi %add3A_1809, %get3A_1798 : vector<16xi32>
      tpu.vector_store_idx %arg9[%add3A_1810], %broadcast_in_dim3A_1 {add = true} : memref<4096xf32, #tpu.memory_space<vmem>>[vector<16xi32>], vector<16xf32>,
      %get3A_1811 = arith.constant 34 : i32
      %get3A_1812 = arith.index_cast %get3A_1811 : i32 to index
      %get3A_1813 = arith.constant 0 : index
      %get3A_1814 = tpu.vector_load %arg6[%get3A_1812, %get3A_1813] {strides = array<i32>} : memref<128x16xi32, #tpu.memory_space<vmem>>, vector<16xi32>,
      %get3A_1815 = arith.constant 98 : i32
      %get3A_1816 = arith.index_cast %get3A_1815 : i32 to index
      %get3A_1817 = arith.constant 0 : index
      %get3A_1818 = tpu.vector_load %arg6[%get3A_1816, %get3A_1817] {strides = array<i32>} : memref<128x16xi32, #tpu.memory_space<vmem>>, vector<16xi32>,
      %mul3A_1819 = arith.constant 100 : i32
      %mul3A_1820 = vector.broadcast %mul3A_1819 : i32 to vector<16xi32>
      %mul3A_1821 = arith.muli %iota3A, %mul3A_1820 : vector<16xi32>
      %mul3A_1822 = arith.constant 10 : i32
      %mul3A_1823 = vector.broadcast %mul3A_1822 : i32 to vector<16xi32>
      %mul3A_1824 = arith.muli %get3A_1818, %mul3A_1823 : vector<16xi32>
      %add3A_1825 = arith.addi %mul3A_1821, %mul3A_1824 : vector<16xi32>
      %add3A_1826 = arith.addi %add3A_1825, %get3A_1814 : vector<16xi32>
      tpu.vector_store_idx %arg8[%add3A_1826], %broadcast_in_dim3A_1 {add = true} : memref<1600xf32, #tpu.memory_space<vmem>>[vector<16xi32>], vector<16xf32>,
      %get3A_1827 = arith.constant 34 : i32
      %get3A_1828 = arith.index_cast %get3A_1827 : i32 to index
      %get3A_1829 = arith.constant 0 : index
      %get3A_1830 = tpu.vector_load %arg7[%get3A_1828, %get3A_1829] {strides = array<i32>} : memref<128x16xi32, #tpu.memory_space<vmem>>, vector<16xi32>,
      %get3A_1831 = arith.constant 98 : i32
      %get3A_1832 = arith.index_cast %get3A_1831 : i32 to index
      %get3A_1833 = arith.constant 0 : index
      %get3A_1834 = tpu.vector_load %arg7[%get3A_1832, %get3A_1833] {strides = array<i32>} : memref<128x16xi32, #tpu.memory_space<vmem>>, vector<16xi32>,
      %mul3A_1835 = arith.constant 256 : i32
      %mul3A_1836 = vector.broadcast %mul3A_1835 : i32 to vector<16xi32>
      %mul3A_1837 = arith.muli %iota3A, %mul3A_1836 : vector<16xi32>
      %mul3A_1838 = arith.constant 16 : i32
      %mul3A_1839 = vector.broadcast %mul3A_1838 : i32 to vector<16xi32>
      %mul3A_1840 = arith.muli %get3A_1834, %mul3A_1839 : vector<16xi32>
      %add3A_1841 = arith.addi %mul3A_1837, %mul3A_1840 : vector<16xi32>
      %add3A_1842 = arith.addi %add3A_1841, %get3A_1830 : vector<16xi32>
      tpu.vector_store_idx %arg9[%add3A_1842], %broadcast_in_dim3A_1 {add = true} : memref<4096xf32, #tpu.memory_space<vmem>>[vector<16xi32>], vector<16xf32>,
      %get3A_1843 = arith.constant 35 : i32
      %get3A_1844 = arith.index_cast %get3A_1843 : i32 to index
      %get3A_1845 = arith.constant 0 : index
      %get3A_1846 = tpu.vector_load %arg6[%get3A_1844, %get3A_1845] {strides = array<i32>} : memref<128x16xi32, #tpu.memory_space<vmem>>, vector<16xi32>,
      %get3A_1847 = arith.constant 99 : i32
      %get3A_1848 = arith.index_cast %get3A_1847 : i32 to index
      %get3A_1849 = arith.constant 0 : index
      %get3A_1850 = tpu.vector_load %arg6[%get3A_1848, %get3A_1849] {strides = array<i32>} : memref<128x16xi32, #tpu.memory_space<vmem>>, vector<16xi32>,
      %mul3A_1851 = arith.constant 100 : i32
      %mul3A_1852 = vector.broadcast %mul3A_1851 : i32 to vector<16xi32>
      %mul3A_1853 = arith.muli %iota3A, %mul3A_1852 : vector<16xi32>
      %mul3A_1854 = arith.constant 10 : i32
      %mul3A_1855 = vector.broadcast %mul3A_1854 : i32 to vector<16xi32>
      %mul3A_1856 = arith.muli %get3A_1850, %mul3A_1855 : vector<16xi32>
      %add3A_1857 = arith.addi %mul3A_1853, %mul3A_1856 : vector<16xi32>
      %add3A_1858 = arith.addi %add3A_1857, %get3A_1846 : vector<16xi32>
      tpu.vector_store_idx %arg8[%add3A_1858], %broadcast_in_dim3A_1 {add = true} : memref<1600xf32, #tpu.memory_space<vmem>>[vector<16xi32>], vector<16xf32>,
      %get3A_1859 = arith.constant 35 : i32
      %get3A_1860 = arith.index_cast %get3A_1859 : i32 to index
      %get3A_1861 = arith.constant 0 : index
      %get3A_1862 = tpu.vector_load %arg7[%get3A_1860, %get3A_1861] {strides = array<i32>} : memref<128x16xi32, #tpu.memory_space<vmem>>, vector<16xi32>,
      %get3A_1863 = arith.constant 99 : i32
      %get3A_1864 = arith.index_cast %get3A_1863 : i32 to index
      %get3A_1865 = arith.constant 0 : index
      %get3A_1866 = tpu.vector_load %arg7[%get3A_1864, %get3A_1865] {strides = array<i32>} : memref<128x16xi32, #tpu.memory_space<vmem>>, vector<16xi32>,
      %mul3A_1867 = arith.constant 256 : i32
      %mul3A_1868 = vector.broadcast %mul3A_1867 : i32 to vector<16xi32>
      %mul3A_1869 = arith.muli %iota3A, %mul3A_1868 : vector<16xi32>
      %mul3A_1870 = arith.constant 16 : i32
      %mul3A_1871 = vector.broadcast %mul3A_1870 : i32 to vector<16xi32>
      %mul3A_1872 = arith.muli %get3A_1866, %mul3A_1871 : vector<16xi32>
      %add3A_1873 = arith.addi %mul3A_1869, %mul3A_1872 : vector<16xi32>
      %add3A_1874 = arith.addi %add3A_1873, %get3A_1862 : vector<16xi32>
      tpu.vector_store_idx %arg9[%add3A_1874], %broadcast_in_dim3A_1 {add = true} : memref<4096xf32, #tpu.memory_space<vmem>>[vector<16xi32>], vector<16xf32>,
      %get3A_1875 = arith.constant 36 : i32
      %get3A_1876 = arith.index_cast %get3A_1875 : i32 to index
      %get3A_1877 = arith.constant 0 : index
      %get3A_1878 = tpu.vector_load %arg6[%get3A_1876, %get3A_1877] {strides = array<i32>} : memref<128x16xi32, #tpu.memory_space<vmem>>, vector<16xi32>,
      %get3A_1879 = arith.constant 100 : i32
      %get3A_1880 = arith.index_cast %get3A_1879 : i32 to index
      %get3A_1881 = arith.constant 0 : index
      %get3A_1882 = tpu.vector_load %arg6[%get3A_1880, %get3A_1881] {strides = array<i32>} : memref<128x16xi32, #tpu.memory_space<vmem>>, vector<16xi32>,
      %mul3A_1883 = arith.constant 100 : i32
      %mul3A_1884 = vector.broadcast %mul3A_1883 : i32 to vector<16xi32>
      %mul3A_1885 = arith.muli %iota3A, %mul3A_1884 : vector<16xi32>
      %mul3A_1886 = arith.constant 10 : i32
      %mul3A_1887 = vector.broadcast %mul3A_1886 : i32 to vector<16xi32>
      %mul3A_1888 = arith.muli %get3A_1882, %mul3A_1887 : vector<16xi32>
      %add3A_1889 = arith.addi %mul3A_1885, %mul3A_1888 : vector<16xi32>
      %add3A_1890 = arith.addi %add3A_1889, %get3A_1878 : vector<16xi32>
      tpu.vector_store_idx %arg8[%add3A_1890], %broadcast_in_dim3A_1 {add = true} : memref<1600xf32, #tpu.memory_space<vmem>>[vector<16xi32>], vector<16xf32>,
      %get3A_1891 = arith.constant 36 : i32
      %get3A_1892 = arith.index_cast %get3A_1891 : i32 to index
      %get3A_1893 = arith.constant 0 : index
      %get3A_1894 = tpu.vector_load %arg7[%get3A_1892, %get3A_1893] {strides = array<i32>} : memref<128x16xi32, #tpu.memory_space<vmem>>, vector<16xi32>,
      %get3A_1895 = arith.constant 100 : i32
      %get3A_1896 = arith.index_cast %get3A_1895 : i32 to index
      %get3A_1897 = arith.constant 0 : index
      %get3A_1898 = tpu.vector_load %arg7[%get3A_1896, %get3A_1897] {strides = array<i32>} : memref<128x16xi32, #tpu.memory_space<vmem>>, vector<16xi32>,
      %mul3A_1899 = arith.constant 256 : i32
      %mul3A_1900 = vector.broadcast %mul3A_1899 : i32 to vector<16xi32>
      %mul3A_1901 = arith.muli %iota3A, %mul3A_1900 : vector<16xi32>
      %mul3A_1902 = arith.constant 16 : i32
      %mul3A_1903 = vector.broadcast %mul3A_1902 : i32 to vector<16xi32>
      %mul3A_1904 = arith.muli %get3A_1898, %mul3A_1903 : vector<16xi32>
      %add3A_1905 = arith.addi %mul3A_1901, %mul3A_1904 : vector<16xi32>
      %add3A_1906 = arith.addi %add3A_1905, %get3A_1894 : vector<16xi32>
      tpu.vector_store_idx %arg9[%add3A_1906], %broadcast_in_dim3A_1 {add = true} : memref<4096xf32, #tpu.memory_space<vmem>>[vector<16xi32>], vector<16xf32>,
      %get3A_1907 = arith.constant 37 : i32
      %get3A_1908 = arith.index_cast %get3A_1907 : i32 to index
      %get3A_1909 = arith.constant 0 : index
      %get3A_1910 = tpu.vector_load %arg6[%get3A_1908, %get3A_1909] {strides = array<i32>} : memref<128x16xi32, #tpu.memory_space<vmem>>, vector<16xi32>,
      %get3A_1911 = arith.constant 101 : i32
      %get3A_1912 = arith.index_cast %get3A_1911 : i32 to index
      %get3A_1913 = arith.constant 0 : index
      %get3A_1914 = tpu.vector_load %arg6[%get3A_1912, %get3A_1913] {strides = array<i32>} : memref<128x16xi32, #tpu.memory_space<vmem>>, vector<16xi32>,
      %mul3A_1915 = arith.constant 100 : i32
      %mul3A_1916 = vector.broadcast %mul3A_1915 : i32 to vector<16xi32>
      %mul3A_1917 = arith.muli %iota3A, %mul3A_1916 : vector<16xi32>
      %mul3A_1918 = arith.constant 10 : i32
      %mul3A_1919 = vector.broadcast %mul3A_1918 : i32 to vector<16xi32>
      %mul3A_1920 = arith.muli %get3A_1914, %mul3A_1919 : vector<16xi32>
      %add3A_1921 = arith.addi %mul3A_1917, %mul3A_1920 : vector<16xi32>
      %add3A_1922 = arith.addi %add3A_1921, %get3A_1910 : vector<16xi32>
      tpu.vector_store_idx %arg8[%add3A_1922], %broadcast_in_dim3A_1 {add = true} : memref<1600xf32, #tpu.memory_space<vmem>>[vector<16xi32>], vector<16xf32>,
      %get3A_1923 = arith.constant 37 : i32
      %get3A_1924 = arith.index_cast %get3A_1923 : i32 to index
      %get3A_1925 = arith.constant 0 : index
      %get3A_1926 = tpu.vector_load %arg7[%get3A_1924, %get3A_1925] {strides = array<i32>} : memref<128x16xi32, #tpu.memory_space<vmem>>, vector<16xi32>,
      %get3A_1927 = arith.constant 101 : i32
      %get3A_1928 = arith.index_cast %get3A_1927 : i32 to index
      %get3A_1929 = arith.constant 0 : index
      %get3A_1930 = tpu.vector_load %arg7[%get3A_1928, %get3A_1929] {strides = array<i32>} : memref<128x16xi32, #tpu.memory_space<vmem>>, vector<16xi32>,
      %mul3A_1931 = arith.constant 256 : i32
      %mul3A_1932 = vector.broadcast %mul3A_1931 : i32 to vector<16xi32>
      %mul3A_1933 = arith.muli %iota3A, %mul3A_1932 : vector<16xi32>
      %mul3A_1934 = arith.constant 16 : i32
      %mul3A_1935 = vector.broadcast %mul3A_1934 : i32 to vector<16xi32>
      %mul3A_1936 = arith.muli %get3A_1930, %mul3A_1935 : vector<16xi32>
      %add3A_1937 = arith.addi %mul3A_1933, %mul3A_1936 : vector<16xi32>
      %add3A_1938 = arith.addi %add3A_1937, %get3A_1926 : vector<16xi32>
      tpu.vector_store_idx %arg9[%add3A_1938], %broadcast_in_dim3A_1 {add = true} : memref<4096xf32, #tpu.memory_space<vmem>>[vector<16xi32>], vector<16xf32>,
      %get3A_1939 = arith.constant 38 : i32
      %get3A_1940 = arith.index_cast %get3A_1939 : i32 to index
      %get3A_1941 = arith.constant 0 : index
      %get3A_1942 = tpu.vector_load %arg6[%get3A_1940, %get3A_1941] {strides = array<i32>} : memref<128x16xi32, #tpu.memory_space<vmem>>, vector<16xi32>,
      %get3A_1943 = arith.constant 102 : i32
      %get3A_1944 = arith.index_cast %get3A_1943 : i32 to index
      %get3A_1945 = arith.constant 0 : index
      %get3A_1946 = tpu.vector_load %arg6[%get3A_1944, %get3A_1945] {strides = array<i32>} : memref<128x16xi32, #tpu.memory_space<vmem>>, vector<16xi32>,
      %mul3A_1947 = arith.constant 100 : i32
      %mul3A_1948 = vector.broadcast %mul3A_1947 : i32 to vector<16xi32>
      %mul3A_1949 = arith.muli %iota3A, %mul3A_1948 : vector<16xi32>
      %mul3A_1950 = arith.constant 10 : i32
      %mul3A_1951 = vector.broadcast %mul3A_1950 : i32 to vector<16xi32>
      %mul3A_1952 = arith.muli %get3A_1946, %mul3A_1951 : vector<16xi32>
      %add3A_1953 = arith.addi %mul3A_1949, %mul3A_1952 : vector<16xi32>
      %add3A_1954 = arith.addi %add3A_1953, %get3A_1942 : vector<16xi32>
      tpu.vector_store_idx %arg8[%add3A_1954], %broadcast_in_dim3A_1 {add = true} : memref<1600xf32, #tpu.memory_space<vmem>>[vector<16xi32>], vector<16xf32>,
      %get3A_1955 = arith.constant 38 : i32
      %get3A_1956 = arith.index_cast %get3A_1955 : i32 to index
      %get3A_1957 = arith.constant 0 : index
      %get3A_1958 = tpu.vector_load %arg7[%get3A_1956, %get3A_1957] {strides = array<i32>} : memref<128x16xi32, #tpu.memory_space<vmem>>, vector<16xi32>,
      %get3A_1959 = arith.constant 102 : i32
      %get3A_1960 = arith.index_cast %get3A_1959 : i32 to index
      %get3A_1961 = arith.constant 0 : index
      %get3A_1962 = tpu.vector_load %arg7[%get3A_1960, %get3A_1961] {strides = array<i32>} : memref<128x16xi32, #tpu.memory_space<vmem>>, vector<16xi32>,
      %mul3A_1963 = arith.constant 256 : i32
      %mul3A_1964 = vector.broadcast %mul3A_1963 : i32 to vector<16xi32>
      %mul3A_1965 = arith.muli %iota3A, %mul3A_1964 : vector<16xi32>
      %mul3A_1966 = arith.constant 16 : i32
      %mul3A_1967 = vector.broadcast %mul3A_1966 : i32 to vector<16xi32>
      %mul3A_1968 = arith.muli %get3A_1962, %mul3A_1967 : vector<16xi32>
      %add3A_1969 = arith.addi %mul3A_1965, %mul3A_1968 : vector<16xi32>
      %add3A_1970 = arith.addi %add3A_1969, %get3A_1958 : vector<16xi32>
      tpu.vector_store_idx %arg9[%add3A_1970], %broadcast_in_dim3A_1 {add = true} : memref<4096xf32, #tpu.memory_space<vmem>>[vector<16xi32>], vector<16xf32>,
      %get3A_1971 = arith.constant 39 : i32
      %get3A_1972 = arith.index_cast %get3A_1971 : i32 to index
      %get3A_1973 = arith.constant 0 : index
      %get3A_1974 = tpu.vector_load %arg6[%get3A_1972, %get3A_1973] {strides = array<i32>} : memref<128x16xi32, #tpu.memory_space<vmem>>, vector<16xi32>,
      %get3A_1975 = arith.constant 103 : i32
      %get3A_1976 = arith.index_cast %get3A_1975 : i32 to index
      %get3A_1977 = arith.constant 0 : index
      %get3A_1978 = tpu.vector_load %arg6[%get3A_1976, %get3A_1977] {strides = array<i32>} : memref<128x16xi32, #tpu.memory_space<vmem>>, vector<16xi32>,
      %mul3A_1979 = arith.constant 100 : i32
      %mul3A_1980 = vector.broadcast %mul3A_1979 : i32 to vector<16xi32>
      %mul3A_1981 = arith.muli %iota3A, %mul3A_1980 : vector<16xi32>
      %mul3A_1982 = arith.constant 10 : i32
      %mul3A_1983 = vector.broadcast %mul3A_1982 : i32 to vector<16xi32>
      %mul3A_1984 = arith.muli %get3A_1978, %mul3A_1983 : vector<16xi32>
      %add3A_1985 = arith.addi %mul3A_1981, %mul3A_1984 : vector<16xi32>
      %add3A_1986 = arith.addi %add3A_1985, %get3A_1974 : vector<16xi32>
      tpu.vector_store_idx %arg8[%add3A_1986], %broadcast_in_dim3A_1 {add = true} : memref<1600xf32, #tpu.memory_space<vmem>>[vector<16xi32>], vector<16xf32>,
      %get3A_1987 = arith.constant 39 : i32
      %get3A_1988 = arith.index_cast %get3A_1987 : i32 to index
      %get3A_1989 = arith.constant 0 : index
      %get3A_1990 = tpu.vector_load %arg7[%get3A_1988, %get3A_1989] {strides = array<i32>} : memref<128x16xi32, #tpu.memory_space<vmem>>, vector<16xi32>,
      %get3A_1991 = arith.constant 103 : i32
      %get3A_1992 = arith.index_cast %get3A_1991 : i32 to index
      %get3A_1993 = arith.constant 0 : index
      %get3A_1994 = tpu.vector_load %arg7[%get3A_1992, %get3A_1993] {strides = array<i32>} : memref<128x16xi32, #tpu.memory_space<vmem>>, vector<16xi32>,
      %mul3A_1995 = arith.constant 256 : i32
      %mul3A_1996 = vector.broadcast %mul3A_1995 : i32 to vector<16xi32>
      %mul3A_1997 = arith.muli %iota3A, %mul3A_1996 : vector<16xi32>
      %mul3A_1998 = arith.constant 16 : i32
      %mul3A_1999 = vector.broadcast %mul3A_1998 : i32 to vector<16xi32>
      %mul3A_2000 = arith.muli %get3A_1994, %mul3A_1999 : vector<16xi32>
      %add3A_2001 = arith.addi %mul3A_1997, %mul3A_2000 : vector<16xi32>
      %add3A_2002 = arith.addi %add3A_2001, %get3A_1990 : vector<16xi32>
      tpu.vector_store_idx %arg9[%add3A_2002], %broadcast_in_dim3A_1 {add = true} : memref<4096xf32, #tpu.memory_space<vmem>>[vector<16xi32>], vector<16xf32>,
      %get3A_2003 = arith.constant 40 : i32
      %get3A_2004 = arith.index_cast %get3A_2003 : i32 to index
      %get3A_2005 = arith.constant 0 : index
      %get3A_2006 = tpu.vector_load %arg6[%get3A_2004, %get3A_2005] {strides = array<i32>} : memref<128x16xi32, #tpu.memory_space<vmem>>, vector<16xi32>,
      %get3A_2007 = arith.constant 104 : i32
      %get3A_2008 = arith.index_cast %get3A_2007 : i32 to index
      %get3A_2009 = arith.constant 0 : index
      %get3A_2010 = tpu.vector_load %arg6[%get3A_2008, %get3A_2009] {strides = array<i32>} : memref<128x16xi32, #tpu.memory_space<vmem>>, vector<16xi32>,
      %mul3A_2011 = arith.constant 100 : i32
      %mul3A_2012 = vector.broadcast %mul3A_2011 : i32 to vector<16xi32>
      %mul3A_2013 = arith.muli %iota3A, %mul3A_2012 : vector<16xi32>
      %mul3A_2014 = arith.constant 10 : i32
      %mul3A_2015 = vector.broadcast %mul3A_2014 : i32 to vector<16xi32>
      %mul3A_2016 = arith.muli %get3A_2010, %mul3A_2015 : vector<16xi32>
      %add3A_2017 = arith.addi %mul3A_2013, %mul3A_2016 : vector<16xi32>
      %add3A_2018 = arith.addi %add3A_2017, %get3A_2006 : vector<16xi32>
      tpu.vector_store_idx %arg8[%add3A_2018], %broadcast_in_dim3A_1 {add = true} : memref<1600xf32, #tpu.memory_space<vmem>>[vector<16xi32>], vector<16xf32>,
      %get3A_2019 = arith.constant 40 : i32
      %get3A_2020 = arith.index_cast %get3A_2019 : i32 to index
      %get3A_2021 = arith.constant 0 : index
      %get3A_2022 = tpu.vector_load %arg7[%get3A_2020, %get3A_2021] {strides = array<i32>} : memref<128x16xi32, #tpu.memory_space<vmem>>, vector<16xi32>,
      %get3A_2023 = arith.constant 104 : i32
      %get3A_2024 = arith.index_cast %get3A_2023 : i32 to index
      %get3A_2025 = arith.constant 0 : index
      %get3A_2026 = tpu.vector_load %arg7[%get3A_2024, %get3A_2025] {strides = array<i32>} : memref<128x16xi32, #tpu.memory_space<vmem>>, vector<16xi32>,
      %mul3A_2027 = arith.constant 256 : i32
      %mul3A_2028 = vector.broadcast %mul3A_2027 : i32 to vector<16xi32>
      %mul3A_2029 = arith.muli %iota3A, %mul3A_2028 : vector<16xi32>
      %mul3A_2030 = arith.constant 16 : i32
      %mul3A_2031 = vector.broadcast %mul3A_2030 : i32 to vector<16xi32>
      %mul3A_2032 = arith.muli %get3A_2026, %mul3A_2031 : vector<16xi32>
      %add3A_2033 = arith.addi %mul3A_2029, %mul3A_2032 : vector<16xi32>
      %add3A_2034 = arith.addi %add3A_2033, %get3A_2022 : vector<16xi32>
      tpu.vector_store_idx %arg9[%add3A_2034], %broadcast_in_dim3A_1 {add = true} : memref<4096xf32, #tpu.memory_space<vmem>>[vector<16xi32>], vector<16xf32>,
      %get3A_2035 = arith.constant 41 : i32
      %get3A_2036 = arith.index_cast %get3A_2035 : i32 to index
      %get3A_2037 = arith.constant 0 : index
      %get3A_2038 = tpu.vector_load %arg6[%get3A_2036, %get3A_2037] {strides = array<i32>} : memref<128x16xi32, #tpu.memory_space<vmem>>, vector<16xi32>,
      %get3A_2039 = arith.constant 105 : i32
      %get3A_2040 = arith.index_cast %get3A_2039 : i32 to index
      %get3A_2041 = arith.constant 0 : index
      %get3A_2042 = tpu.vector_load %arg6[%get3A_2040, %get3A_2041] {strides = array<i32>} : memref<128x16xi32, #tpu.memory_space<vmem>>, vector<16xi32>,
      %mul3A_2043 = arith.constant 100 : i32
      %mul3A_2044 = vector.broadcast %mul3A_2043 : i32 to vector<16xi32>
      %mul3A_2045 = arith.muli %iota3A, %mul3A_2044 : vector<16xi32>
      %mul3A_2046 = arith.constant 10 : i32
      %mul3A_2047 = vector.broadcast %mul3A_2046 : i32 to vector<16xi32>
      %mul3A_2048 = arith.muli %get3A_2042, %mul3A_2047 : vector<16xi32>
      %add3A_2049 = arith.addi %mul3A_2045, %mul3A_2048 : vector<16xi32>
      %add3A_2050 = arith.addi %add3A_2049, %get3A_2038 : vector<16xi32>
      tpu.vector_store_idx %arg8[%add3A_2050], %broadcast_in_dim3A_1 {add = true} : memref<1600xf32, #tpu.memory_space<vmem>>[vector<16xi32>], vector<16xf32>,
      %get3A_2051 = arith.constant 41 : i32
      %get3A_2052 = arith.index_cast %get3A_2051 : i32 to index
      %get3A_2053 = arith.constant 0 : index
      %get3A_2054 = tpu.vector_load %arg7[%get3A_2052, %get3A_2053] {strides = array<i32>} : memref<128x16xi32, #tpu.memory_space<vmem>>, vector<16xi32>,
      %get3A_2055 = arith.constant 105 : i32
      %get3A_2056 = arith.index_cast %get3A_2055 : i32 to index
      %get3A_2057 = arith.constant 0 : index
      %get3A_2058 = tpu.vector_load %arg7[%get3A_2056, %get3A_2057] {strides = array<i32>} : memref<128x16xi32, #tpu.memory_space<vmem>>, vector<16xi32>,
      %mul3A_2059 = arith.constant 256 : i32
      %mul3A_2060 = vector.broadcast %mul3A_2059 : i32 to vector<16xi32>
      %mul3A_2061 = arith.muli %iota3A, %mul3A_2060 : vector<16xi32>
      %mul3A_2062 = arith.constant 16 : i32
      %mul3A_2063 = vector.broadcast %mul3A_2062 : i32 to vector<16xi32>
      %mul3A_2064 = arith.muli %get3A_2058, %mul3A_2063 : vector<16xi32>
      %add3A_2065 = arith.addi %mul3A_2061, %mul3A_2064 : vector<16xi32>
      %add3A_2066 = arith.addi %add3A_2065, %get3A_2054 : vector<16xi32>
      tpu.vector_store_idx %arg9[%add3A_2066], %broadcast_in_dim3A_1 {add = true} : memref<4096xf32, #tpu.memory_space<vmem>>[vector<16xi32>], vector<16xf32>,
      %get3A_2067 = arith.constant 42 : i32
      %get3A_2068 = arith.index_cast %get3A_2067 : i32 to index
      %get3A_2069 = arith.constant 0 : index
      %get3A_2070 = tpu.vector_load %arg6[%get3A_2068, %get3A_2069] {strides = array<i32>} : memref<128x16xi32, #tpu.memory_space<vmem>>, vector<16xi32>,
      %get3A_2071 = arith.constant 106 : i32
      %get3A_2072 = arith.index_cast %get3A_2071 : i32 to index
      %get3A_2073 = arith.constant 0 : index
      %get3A_2074 = tpu.vector_load %arg6[%get3A_2072, %get3A_2073] {strides = array<i32>} : memref<128x16xi32, #tpu.memory_space<vmem>>, vector<16xi32>,
      %mul3A_2075 = arith.constant 100 : i32
      %mul3A_2076 = vector.broadcast %mul3A_2075 : i32 to vector<16xi32>
      %mul3A_2077 = arith.muli %iota3A, %mul3A_2076 : vector<16xi32>
      %mul3A_2078 = arith.constant 10 : i32
      %mul3A_2079 = vector.broadcast %mul3A_2078 : i32 to vector<16xi32>
      %mul3A_2080 = arith.muli %get3A_2074, %mul3A_2079 : vector<16xi32>
      %add3A_2081 = arith.addi %mul3A_2077, %mul3A_2080 : vector<16xi32>
      %add3A_2082 = arith.addi %add3A_2081, %get3A_2070 : vector<16xi32>
      tpu.vector_store_idx %arg8[%add3A_2082], %broadcast_in_dim3A_1 {add = true} : memref<1600xf32, #tpu.memory_space<vmem>>[vector<16xi32>], vector<16xf32>,
      %get3A_2083 = arith.constant 42 : i32
      %get3A_2084 = arith.index_cast %get3A_2083 : i32 to index
      %get3A_2085 = arith.constant 0 : index
      %get3A_2086 = tpu.vector_load %arg7[%get3A_2084, %get3A_2085] {strides = array<i32>} : memref<128x16xi32, #tpu.memory_space<vmem>>, vector<16xi32>,
      %get3A_2087 = arith.constant 106 : i32
      %get3A_2088 = arith.index_cast %get3A_2087 : i32 to index
      %get3A_2089 = arith.constant 0 : index
      %get3A_2090 = tpu.vector_load %arg7[%get3A_2088, %get3A_2089] {strides = array<i32>} : memref<128x16xi32, #tpu.memory_space<vmem>>, vector<16xi32>,
      %mul3A_2091 = arith.constant 256 : i32
      %mul3A_2092 = vector.broadcast %mul3A_2091 : i32 to vector<16xi32>
      %mul3A_2093 = arith.muli %iota3A, %mul3A_2092 : vector<16xi32>
      %mul3A_2094 = arith.constant 16 : i32
      %mul3A_2095 = vector.broadcast %mul3A_2094 : i32 to vector<16xi32>
      %mul3A_2096 = arith.muli %get3A_2090, %mul3A_2095 : vector<16xi32>
      %add3A_2097 = arith.addi %mul3A_2093, %mul3A_2096 : vector<16xi32>
      %add3A_2098 = arith.addi %add3A_2097, %get3A_2086 : vector<16xi32>
      tpu.vector_store_idx %arg9[%add3A_2098], %broadcast_in_dim3A_1 {add = true} : memref<4096xf32, #tpu.memory_space<vmem>>[vector<16xi32>], vector<16xf32>,
      %get3A_2099 = arith.constant 43 : i32
      %get3A_2100 = arith.index_cast %get3A_2099 : i32 to index
      %get3A_2101 = arith.constant 0 : index
      %get3A_2102 = tpu.vector_load %arg6[%get3A_2100, %get3A_2101] {strides = array<i32>} : memref<128x16xi32, #tpu.memory_space<vmem>>, vector<16xi32>,
      %get3A_2103 = arith.constant 107 : i32
      %get3A_2104 = arith.index_cast %get3A_2103 : i32 to index
      %get3A_2105 = arith.constant 0 : index
      %get3A_2106 = tpu.vector_load %arg6[%get3A_2104, %get3A_2105] {strides = array<i32>} : memref<128x16xi32, #tpu.memory_space<vmem>>, vector<16xi32>,
      %mul3A_2107 = arith.constant 100 : i32
      %mul3A_2108 = vector.broadcast %mul3A_2107 : i32 to vector<16xi32>
      %mul3A_2109 = arith.muli %iota3A, %mul3A_2108 : vector<16xi32>
      %mul3A_2110 = arith.constant 10 : i32
      %mul3A_2111 = vector.broadcast %mul3A_2110 : i32 to vector<16xi32>
      %mul3A_2112 = arith.muli %get3A_2106, %mul3A_2111 : vector<16xi32>
      %add3A_2113 = arith.addi %mul3A_2109, %mul3A_2112 : vector<16xi32>
      %add3A_2114 = arith.addi %add3A_2113, %get3A_2102 : vector<16xi32>
      tpu.vector_store_idx %arg8[%add3A_2114], %broadcast_in_dim3A_1 {add = true} : memref<1600xf32, #tpu.memory_space<vmem>>[vector<16xi32>], vector<16xf32>,
      %get3A_2115 = arith.constant 43 : i32
      %get3A_2116 = arith.index_cast %get3A_2115 : i32 to index
      %get3A_2117 = arith.constant 0 : index
      %get3A_2118 = tpu.vector_load %arg7[%get3A_2116, %get3A_2117] {strides = array<i32>} : memref<128x16xi32, #tpu.memory_space<vmem>>, vector<16xi32>,
      %get3A_2119 = arith.constant 107 : i32
      %get3A_2120 = arith.index_cast %get3A_2119 : i32 to index
      %get3A_2121 = arith.constant 0 : index
      %get3A_2122 = tpu.vector_load %arg7[%get3A_2120, %get3A_2121] {strides = array<i32>} : memref<128x16xi32, #tpu.memory_space<vmem>>, vector<16xi32>,
      %mul3A_2123 = arith.constant 256 : i32
      %mul3A_2124 = vector.broadcast %mul3A_2123 : i32 to vector<16xi32>
      %mul3A_2125 = arith.muli %iota3A, %mul3A_2124 : vector<16xi32>
      %mul3A_2126 = arith.constant 16 : i32
      %mul3A_2127 = vector.broadcast %mul3A_2126 : i32 to vector<16xi32>
      %mul3A_2128 = arith.muli %get3A_2122, %mul3A_2127 : vector<16xi32>
      %add3A_2129 = arith.addi %mul3A_2125, %mul3A_2128 : vector<16xi32>
      %add3A_2130 = arith.addi %add3A_2129, %get3A_2118 : vector<16xi32>
      tpu.vector_store_idx %arg9[%add3A_2130], %broadcast_in_dim3A_1 {add = true} : memref<4096xf32, #tpu.memory_space<vmem>>[vector<16xi32>], vector<16xf32>,
      %get3A_2131 = arith.constant 44 : i32
      %get3A_2132 = arith.index_cast %get3A_2131 : i32 to index
      %get3A_2133 = arith.constant 0 : index
      %get3A_2134 = tpu.vector_load %arg6[%get3A_2132, %get3A_2133] {strides = array<i32>} : memref<128x16xi32, #tpu.memory_space<vmem>>, vector<16xi32>,
      %get3A_2135 = arith.constant 108 : i32
      %get3A_2136 = arith.index_cast %get3A_2135 : i32 to index
      %get3A_2137 = arith.constant 0 : index
      %get3A_2138 = tpu.vector_load %arg6[%get3A_2136, %get3A_2137] {strides = array<i32>} : memref<128x16xi32, #tpu.memory_space<vmem>>, vector<16xi32>,
      %mul3A_2139 = arith.constant 100 : i32
      %mul3A_2140 = vector.broadcast %mul3A_2139 : i32 to vector<16xi32>
      %mul3A_2141 = arith.muli %iota3A, %mul3A_2140 : vector<16xi32>
      %mul3A_2142 = arith.constant 10 : i32
      %mul3A_2143 = vector.broadcast %mul3A_2142 : i32 to vector<16xi32>
      %mul3A_2144 = arith.muli %get3A_2138, %mul3A_2143 : vector<16xi32>
      %add3A_2145 = arith.addi %mul3A_2141, %mul3A_2144 : vector<16xi32>
      %add3A_2146 = arith.addi %add3A_2145, %get3A_2134 : vector<16xi32>
      tpu.vector_store_idx %arg8[%add3A_2146], %broadcast_in_dim3A_1 {add = true} : memref<1600xf32, #tpu.memory_space<vmem>>[vector<16xi32>], vector<16xf32>,
      %get3A_2147 = arith.constant 44 : i32
      %get3A_2148 = arith.index_cast %get3A_2147 : i32 to index
      %get3A_2149 = arith.constant 0 : index
      %get3A_2150 = tpu.vector_load %arg7[%get3A_2148, %get3A_2149] {strides = array<i32>} : memref<128x16xi32, #tpu.memory_space<vmem>>, vector<16xi32>,
      %get3A_2151 = arith.constant 108 : i32
      %get3A_2152 = arith.index_cast %get3A_2151 : i32 to index
      %get3A_2153 = arith.constant 0 : index
      %get3A_2154 = tpu.vector_load %arg7[%get3A_2152, %get3A_2153] {strides = array<i32>} : memref<128x16xi32, #tpu.memory_space<vmem>>, vector<16xi32>,
      %mul3A_2155 = arith.constant 256 : i32
      %mul3A_2156 = vector.broadcast %mul3A_2155 : i32 to vector<16xi32>
      %mul3A_2157 = arith.muli %iota3A, %mul3A_2156 : vector<16xi32>
      %mul3A_2158 = arith.constant 16 : i32
      %mul3A_2159 = vector.broadcast %mul3A_2158 : i32 to vector<16xi32>
      %mul3A_2160 = arith.muli %get3A_2154, %mul3A_2159 : vector<16xi32>
      %add3A_2161 = arith.addi %mul3A_2157, %mul3A_2160 : vector<16xi32>
      %add3A_2162 = arith.addi %add3A_2161, %get3A_2150 : vector<16xi32>
      tpu.vector_store_idx %arg9[%add3A_2162], %broadcast_in_dim3A_1 {add = true} : memref<4096xf32, #tpu.memory_space<vmem>>[vector<16xi32>], vector<16xf32>,
      %get3A_2163 = arith.constant 45 : i32
      %get3A_2164 = arith.index_cast %get3A_2163 : i32 to index
      %get3A_2165 = arith.constant 0 : index
      %get3A_2166 = tpu.vector_load %arg6[%get3A_2164, %get3A_2165] {strides = array<i32>} : memref<128x16xi32, #tpu.memory_space<vmem>>, vector<16xi32>,
      %get3A_2167 = arith.constant 109 : i32
      %get3A_2168 = arith.index_cast %get3A_2167 : i32 to index
      %get3A_2169 = arith.constant 0 : index
      %get3A_2170 = tpu.vector_load %arg6[%get3A_2168, %get3A_2169] {strides = array<i32>} : memref<128x16xi32, #tpu.memory_space<vmem>>, vector<16xi32>,
      %mul3A_2171 = arith.constant 100 : i32
      %mul3A_2172 = vector.broadcast %mul3A_2171 : i32 to vector<16xi32>
      %mul3A_2173 = arith.muli %iota3A, %mul3A_2172 : vector<16xi32>
      %mul3A_2174 = arith.constant 10 : i32
      %mul3A_2175 = vector.broadcast %mul3A_2174 : i32 to vector<16xi32>
      %mul3A_2176 = arith.muli %get3A_2170, %mul3A_2175 : vector<16xi32>
      %add3A_2177 = arith.addi %mul3A_2173, %mul3A_2176 : vector<16xi32>
      %add3A_2178 = arith.addi %add3A_2177, %get3A_2166 : vector<16xi32>
      tpu.vector_store_idx %arg8[%add3A_2178], %broadcast_in_dim3A_1 {add = true} : memref<1600xf32, #tpu.memory_space<vmem>>[vector<16xi32>], vector<16xf32>,
      %get3A_2179 = arith.constant 45 : i32
      %get3A_2180 = arith.index_cast %get3A_2179 : i32 to index
      %get3A_2181 = arith.constant 0 : index
      %get3A_2182 = tpu.vector_load %arg7[%get3A_2180, %get3A_2181] {strides = array<i32>} : memref<128x16xi32, #tpu.memory_space<vmem>>, vector<16xi32>,
      %get3A_2183 = arith.constant 109 : i32
      %get3A_2184 = arith.index_cast %get3A_2183 : i32 to index
      %get3A_2185 = arith.constant 0 : index
      %get3A_2186 = tpu.vector_load %arg7[%get3A_2184, %get3A_2185] {strides = array<i32>} : memref<128x16xi32, #tpu.memory_space<vmem>>, vector<16xi32>,
      %mul3A_2187 = arith.constant 256 : i32
      %mul3A_2188 = vector.broadcast %mul3A_2187 : i32 to vector<16xi32>
      %mul3A_2189 = arith.muli %iota3A, %mul3A_2188 : vector<16xi32>
      %mul3A_2190 = arith.constant 16 : i32
      %mul3A_2191 = vector.broadcast %mul3A_2190 : i32 to vector<16xi32>
      %mul3A_2192 = arith.muli %get3A_2186, %mul3A_2191 : vector<16xi32>
      %add3A_2193 = arith.addi %mul3A_2189, %mul3A_2192 : vector<16xi32>
      %add3A_2194 = arith.addi %add3A_2193, %get3A_2182 : vector<16xi32>
      tpu.vector_store_idx %arg9[%add3A_2194], %broadcast_in_dim3A_1 {add = true} : memref<4096xf32, #tpu.memory_space<vmem>>[vector<16xi32>], vector<16xf32>,
      %get3A_2195 = arith.constant 46 : i32
      %get3A_2196 = arith.index_cast %get3A_2195 : i32 to index
      %get3A_2197 = arith.constant 0 : index
      %get3A_2198 = tpu.vector_load %arg6[%get3A_2196, %get3A_2197] {strides = array<i32>} : memref<128x16xi32, #tpu.memory_space<vmem>>, vector<16xi32>,
      %get3A_2199 = arith.constant 110 : i32
      %get3A_2200 = arith.index_cast %get3A_2199 : i32 to index
      %get3A_2201 = arith.constant 0 : index
      %get3A_2202 = tpu.vector_load %arg6[%get3A_2200, %get3A_2201] {strides = array<i32>} : memref<128x16xi32, #tpu.memory_space<vmem>>, vector<16xi32>,
      %mul3A_2203 = arith.constant 100 : i32
      %mul3A_2204 = vector.broadcast %mul3A_2203 : i32 to vector<16xi32>
      %mul3A_2205 = arith.muli %iota3A, %mul3A_2204 : vector<16xi32>
      %mul3A_2206 = arith.constant 10 : i32
      %mul3A_2207 = vector.broadcast %mul3A_2206 : i32 to vector<16xi32>
      %mul3A_2208 = arith.muli %get3A_2202, %mul3A_2207 : vector<16xi32>
      %add3A_2209 = arith.addi %mul3A_2205, %mul3A_2208 : vector<16xi32>
      %add3A_2210 = arith.addi %add3A_2209, %get3A_2198 : vector<16xi32>
      tpu.vector_store_idx %arg8[%add3A_2210], %broadcast_in_dim3A_1 {add = true} : memref<1600xf32, #tpu.memory_space<vmem>>[vector<16xi32>], vector<16xf32>,
      %get3A_2211 = arith.constant 46 : i32
      %get3A_2212 = arith.index_cast %get3A_2211 : i32 to index
      %get3A_2213 = arith.constant 0 : index
      %get3A_2214 = tpu.vector_load %arg7[%get3A_2212, %get3A_2213] {strides = array<i32>} : memref<128x16xi32, #tpu.memory_space<vmem>>, vector<16xi32>,
      %get3A_2215 = arith.constant 110 : i32
      %get3A_2216 = arith.index_cast %get3A_2215 : i32 to index
      %get3A_2217 = arith.constant 0 : index
      %get3A_2218 = tpu.vector_load %arg7[%get3A_2216, %get3A_2217] {strides = array<i32>} : memref<128x16xi32, #tpu.memory_space<vmem>>, vector<16xi32>,
      %mul3A_2219 = arith.constant 256 : i32
      %mul3A_2220 = vector.broadcast %mul3A_2219 : i32 to vector<16xi32>
      %mul3A_2221 = arith.muli %iota3A, %mul3A_2220 : vector<16xi32>
      %mul3A_2222 = arith.constant 16 : i32
      %mul3A_2223 = vector.broadcast %mul3A_2222 : i32 to vector<16xi32>
      %mul3A_2224 = arith.muli %get3A_2218, %mul3A_2223 : vector<16xi32>
      %add3A_2225 = arith.addi %mul3A_2221, %mul3A_2224 : vector<16xi32>
      %add3A_2226 = arith.addi %add3A_2225, %get3A_2214 : vector<16xi32>
      tpu.vector_store_idx %arg9[%add3A_2226], %broadcast_in_dim3A_1 {add = true} : memref<4096xf32, #tpu.memory_space<vmem>>[vector<16xi32>], vector<16xf32>,
      %get3A_2227 = arith.constant 47 : i32
      %get3A_2228 = arith.index_cast %get3A_2227 : i32 to index
      %get3A_2229 = arith.constant 0 : index
      %get3A_2230 = tpu.vector_load %arg6[%get3A_2228, %get3A_2229] {strides = array<i32>} : memref<128x16xi32, #tpu.memory_space<vmem>>, vector<16xi32>,
      %get3A_2231 = arith.constant 111 : i32
      %get3A_2232 = arith.index_cast %get3A_2231 : i32 to index
      %get3A_2233 = arith.constant 0 : index
      %get3A_2234 = tpu.vector_load %arg6[%get3A_2232, %get3A_2233] {strides = array<i32>} : memref<128x16xi32, #tpu.memory_space<vmem>>, vector<16xi32>,
      %mul3A_2235 = arith.constant 100 : i32
      %mul3A_2236 = vector.broadcast %mul3A_2235 : i32 to vector<16xi32>
      %mul3A_2237 = arith.muli %iota3A, %mul3A_2236 : vector<16xi32>
      %mul3A_2238 = arith.constant 10 : i32
      %mul3A_2239 = vector.broadcast %mul3A_2238 : i32 to vector<16xi32>
      %mul3A_2240 = arith.muli %get3A_2234, %mul3A_2239 : vector<16xi32>
      %add3A_2241 = arith.addi %mul3A_2237, %mul3A_2240 : vector<16xi32>
      %add3A_2242 = arith.addi %add3A_2241, %get3A_2230 : vector<16xi32>
      tpu.vector_store_idx %arg8[%add3A_2242], %broadcast_in_dim3A_1 {add = true} : memref<1600xf32, #tpu.memory_space<vmem>>[vector<16xi32>], vector<16xf32>,
      %get3A_2243 = arith.constant 47 : i32
      %get3A_2244 = arith.index_cast %get3A_2243 : i32 to index
      %get3A_2245 = arith.constant 0 : index
      %get3A_2246 = tpu.vector_load %arg7[%get3A_2244, %get3A_2245] {strides = array<i32>} : memref<128x16xi32, #tpu.memory_space<vmem>>, vector<16xi32>,
      %get3A_2247 = arith.constant 111 : i32
      %get3A_2248 = arith.index_cast %get3A_2247 : i32 to index
      %get3A_2249 = arith.constant 0 : index
      %get3A_2250 = tpu.vector_load %arg7[%get3A_2248, %get3A_2249] {strides = array<i32>} : memref<128x16xi32, #tpu.memory_space<vmem>>, vector<16xi32>,
      %mul3A_2251 = arith.constant 256 : i32
      %mul3A_2252 = vector.broadcast %mul3A_2251 : i32 to vector<16xi32>
      %mul3A_2253 = arith.muli %iota3A, %mul3A_2252 : vector<16xi32>
      %mul3A_2254 = arith.constant 16 : i32
      %mul3A_2255 = vector.broadcast %mul3A_2254 : i32 to vector<16xi32>
      %mul3A_2256 = arith.muli %get3A_2250, %mul3A_2255 : vector<16xi32>
      %add3A_2257 = arith.addi %mul3A_2253, %mul3A_2256 : vector<16xi32>
      %add3A_2258 = arith.addi %add3A_2257, %get3A_2246 : vector<16xi32>
      tpu.vector_store_idx %arg9[%add3A_2258], %broadcast_in_dim3A_1 {add = true} : memref<4096xf32, #tpu.memory_space<vmem>>[vector<16xi32>], vector<16xf32>,
      %get3A_2259 = arith.constant 48 : i32
      %get3A_2260 = arith.index_cast %get3A_2259 : i32 to index
      %get3A_2261 = arith.constant 0 : index
      %get3A_2262 = tpu.vector_load %arg6[%get3A_2260, %get3A_2261] {strides = array<i32>} : memref<128x16xi32, #tpu.memory_space<vmem>>, vector<16xi32>,
      %get3A_2263 = arith.constant 112 : i32
      %get3A_2264 = arith.index_cast %get3A_2263 : i32 to index
      %get3A_2265 = arith.constant 0 : index
      %get3A_2266 = tpu.vector_load %arg6[%get3A_2264, %get3A_2265] {strides = array<i32>} : memref<128x16xi32, #tpu.memory_space<vmem>>, vector<16xi32>,
      %mul3A_2267 = arith.constant 100 : i32
      %mul3A_2268 = vector.broadcast %mul3A_2267 : i32 to vector<16xi32>
      %mul3A_2269 = arith.muli %iota3A, %mul3A_2268 : vector<16xi32>
      %mul3A_2270 = arith.constant 10 : i32
      %mul3A_2271 = vector.broadcast %mul3A_2270 : i32 to vector<16xi32>
      %mul3A_2272 = arith.muli %get3A_2266, %mul3A_2271 : vector<16xi32>
      %add3A_2273 = arith.addi %mul3A_2269, %mul3A_2272 : vector<16xi32>
      %add3A_2274 = arith.addi %add3A_2273, %get3A_2262 : vector<16xi32>
      tpu.vector_store_idx %arg8[%add3A_2274], %broadcast_in_dim3A_1 {add = true} : memref<1600xf32, #tpu.memory_space<vmem>>[vector<16xi32>], vector<16xf32>,
      %get3A_2275 = arith.constant 48 : i32
      %get3A_2276 = arith.index_cast %get3A_2275 : i32 to index
      %get3A_2277 = arith.constant 0 : index
      %get3A_2278 = tpu.vector_load %arg7[%get3A_2276, %get3A_2277] {strides = array<i32>} : memref<128x16xi32, #tpu.memory_space<vmem>>, vector<16xi32>,
      %get3A_2279 = arith.constant 112 : i32
      %get3A_2280 = arith.index_cast %get3A_2279 : i32 to index
      %get3A_2281 = arith.constant 0 : index
      %get3A_2282 = tpu.vector_load %arg7[%get3A_2280, %get3A_2281] {strides = array<i32>} : memref<128x16xi32, #tpu.memory_space<vmem>>, vector<16xi32>,
      %mul3A_2283 = arith.constant 256 : i32
      %mul3A_2284 = vector.broadcast %mul3A_2283 : i32 to vector<16xi32>
      %mul3A_2285 = arith.muli %iota3A, %mul3A_2284 : vector<16xi32>
      %mul3A_2286 = arith.constant 16 : i32
      %mul3A_2287 = vector.broadcast %mul3A_2286 : i32 to vector<16xi32>
      %mul3A_2288 = arith.muli %get3A_2282, %mul3A_2287 : vector<16xi32>
      %add3A_2289 = arith.addi %mul3A_2285, %mul3A_2288 : vector<16xi32>
      %add3A_2290 = arith.addi %add3A_2289, %get3A_2278 : vector<16xi32>
      tpu.vector_store_idx %arg9[%add3A_2290], %broadcast_in_dim3A_1 {add = true} : memref<4096xf32, #tpu.memory_space<vmem>>[vector<16xi32>], vector<16xf32>,
      %get3A_2291 = arith.constant 49 : i32
      %get3A_2292 = arith.index_cast %get3A_2291 : i32 to index
      %get3A_2293 = arith.constant 0 : index
      %get3A_2294 = tpu.vector_load %arg6[%get3A_2292, %get3A_2293] {strides = array<i32>} : memref<128x16xi32, #tpu.memory_space<vmem>>, vector<16xi32>,
      %get3A_2295 = arith.constant 113 : i32
      %get3A_2296 = arith.index_cast %get3A_2295 : i32 to index
      %get3A_2297 = arith.constant 0 : index
      %get3A_2298 = tpu.vector_load %arg6[%get3A_2296, %get3A_2297] {strides = array<i32>} : memref<128x16xi32, #tpu.memory_space<vmem>>, vector<16xi32>,
      %mul3A_2299 = arith.constant 100 : i32
      %mul3A_2300 = vector.broadcast %mul3A_2299 : i32 to vector<16xi32>
      %mul3A_2301 = arith.muli %iota3A, %mul3A_2300 : vector<16xi32>
      %mul3A_2302 = arith.constant 10 : i32
      %mul3A_2303 = vector.broadcast %mul3A_2302 : i32 to vector<16xi32>
      %mul3A_2304 = arith.muli %get3A_2298, %mul3A_2303 : vector<16xi32>
      %add3A_2305 = arith.addi %mul3A_2301, %mul3A_2304 : vector<16xi32>
      %add3A_2306 = arith.addi %add3A_2305, %get3A_2294 : vector<16xi32>
      tpu.vector_store_idx %arg8[%add3A_2306], %broadcast_in_dim3A_1 {add = true} : memref<1600xf32, #tpu.memory_space<vmem>>[vector<16xi32>], vector<16xf32>,
      %get3A_2307 = arith.constant 49 : i32
      %get3A_2308 = arith.index_cast %get3A_2307 : i32 to index
      %get3A_2309 = arith.constant 0 : index
      %get3A_2310 = tpu.vector_load %arg7[%get3A_2308, %get3A_2309] {strides = array<i32>} : memref<128x16xi32, #tpu.memory_space<vmem>>, vector<16xi32>,
      %get3A_2311 = arith.constant 113 : i32
      %get3A_2312 = arith.index_cast %get3A_2311 : i32 to index
      %get3A_2313 = arith.constant 0 : index
      %get3A_2314 = tpu.vector_load %arg7[%get3A_2312, %get3A_2313] {strides = array<i32>} : memref<128x16xi32, #tpu.memory_space<vmem>>, vector<16xi32>,
      %mul3A_2315 = arith.constant 256 : i32
      %mul3A_2316 = vector.broadcast %mul3A_2315 : i32 to vector<16xi32>
      %mul3A_2317 = arith.muli %iota3A, %mul3A_2316 : vector<16xi32>
      %mul3A_2318 = arith.constant 16 : i32
      %mul3A_2319 = vector.broadcast %mul3A_2318 : i32 to vector<16xi32>
      %mul3A_2320 = arith.muli %get3A_2314, %mul3A_2319 : vector<16xi32>
      %add3A_2321 = arith.addi %mul3A_2317, %mul3A_2320 : vector<16xi32>
      %add3A_2322 = arith.addi %add3A_2321, %get3A_2310 : vector<16xi32>
      tpu.vector_store_idx %arg9[%add3A_2322], %broadcast_in_dim3A_1 {add = true} : memref<4096xf32, #tpu.memory_space<vmem>>[vector<16xi32>], vector<16xf32>,
      %get3A_2323 = arith.constant 50 : i32
      %get3A_2324 = arith.index_cast %get3A_2323 : i32 to index
      %get3A_2325 = arith.constant 0 : index
      %get3A_2326 = tpu.vector_load %arg6[%get3A_2324, %get3A_2325] {strides = array<i32>} : memref<128x16xi32, #tpu.memory_space<vmem>>, vector<16xi32>,
      %get3A_2327 = arith.constant 114 : i32
      %get3A_2328 = arith.index_cast %get3A_2327 : i32 to index
      %get3A_2329 = arith.constant 0 : index
      %get3A_2330 = tpu.vector_load %arg6[%get3A_2328, %get3A_2329] {strides = array<i32>} : memref<128x16xi32, #tpu.memory_space<vmem>>, vector<16xi32>,
      %mul3A_2331 = arith.constant 100 : i32
      %mul3A_2332 = vector.broadcast %mul3A_2331 : i32 to vector<16xi32>
      %mul3A_2333 = arith.muli %iota3A, %mul3A_2332 : vector<16xi32>
      %mul3A_2334 = arith.constant 10 : i32
      %mul3A_2335 = vector.broadcast %mul3A_2334 : i32 to vector<16xi32>
      %mul3A_2336 = arith.muli %get3A_2330, %mul3A_2335 : vector<16xi32>
      %add3A_2337 = arith.addi %mul3A_2333, %mul3A_2336 : vector<16xi32>
      %add3A_2338 = arith.addi %add3A_2337, %get3A_2326 : vector<16xi32>
      tpu.vector_store_idx %arg8[%add3A_2338], %broadcast_in_dim3A_1 {add = true} : memref<1600xf32, #tpu.memory_space<vmem>>[vector<16xi32>], vector<16xf32>,
      %get3A_2339 = arith.constant 50 : i32
      %get3A_2340 = arith.index_cast %get3A_2339 : i32 to index
      %get3A_2341 = arith.constant 0 : index
      %get3A_2342 = tpu.vector_load %arg7[%get3A_2340, %get3A_2341] {strides = array<i32>} : memref<128x16xi32, #tpu.memory_space<vmem>>, vector<16xi32>,
      %get3A_2343 = arith.constant 114 : i32
      %get3A_2344 = arith.index_cast %get3A_2343 : i32 to index
      %get3A_2345 = arith.constant 0 : index
      %get3A_2346 = tpu.vector_load %arg7[%get3A_2344, %get3A_2345] {strides = array<i32>} : memref<128x16xi32, #tpu.memory_space<vmem>>, vector<16xi32>,
      %mul3A_2347 = arith.constant 256 : i32
      %mul3A_2348 = vector.broadcast %mul3A_2347 : i32 to vector<16xi32>
      %mul3A_2349 = arith.muli %iota3A, %mul3A_2348 : vector<16xi32>
      %mul3A_2350 = arith.constant 16 : i32
      %mul3A_2351 = vector.broadcast %mul3A_2350 : i32 to vector<16xi32>
      %mul3A_2352 = arith.muli %get3A_2346, %mul3A_2351 : vector<16xi32>
      %add3A_2353 = arith.addi %mul3A_2349, %mul3A_2352 : vector<16xi32>
      %add3A_2354 = arith.addi %add3A_2353, %get3A_2342 : vector<16xi32>
      tpu.vector_store_idx %arg9[%add3A_2354], %broadcast_in_dim3A_1 {add = true} : memref<4096xf32, #tpu.memory_space<vmem>>[vector<16xi32>], vector<16xf32>,
      %get3A_2355 = arith.constant 51 : i32
      %get3A_2356 = arith.index_cast %get3A_2355 : i32 to index
      %get3A_2357 = arith.constant 0 : index
      %get3A_2358 = tpu.vector_load %arg6[%get3A_2356, %get3A_2357] {strides = array<i32>} : memref<128x16xi32, #tpu.memory_space<vmem>>, vector<16xi32>,
      %get3A_2359 = arith.constant 115 : i32
      %get3A_2360 = arith.index_cast %get3A_2359 : i32 to index
      %get3A_2361 = arith.constant 0 : index
      %get3A_2362 = tpu.vector_load %arg6[%get3A_2360, %get3A_2361] {strides = array<i32>} : memref<128x16xi32, #tpu.memory_space<vmem>>, vector<16xi32>,
      %mul3A_2363 = arith.constant 100 : i32
      %mul3A_2364 = vector.broadcast %mul3A_2363 : i32 to vector<16xi32>
      %mul3A_2365 = arith.muli %iota3A, %mul3A_2364 : vector<16xi32>
      %mul3A_2366 = arith.constant 10 : i32
      %mul3A_2367 = vector.broadcast %mul3A_2366 : i32 to vector<16xi32>
      %mul3A_2368 = arith.muli %get3A_2362, %mul3A_2367 : vector<16xi32>
      %add3A_2369 = arith.addi %mul3A_2365, %mul3A_2368 : vector<16xi32>
      %add3A_2370 = arith.addi %add3A_2369, %get3A_2358 : vector<16xi32>
      tpu.vector_store_idx %arg8[%add3A_2370], %broadcast_in_dim3A_1 {add = true} : memref<1600xf32, #tpu.memory_space<vmem>>[vector<16xi32>], vector<16xf32>,
      %get3A_2371 = arith.constant 51 : i32
      %get3A_2372 = arith.index_cast %get3A_2371 : i32 to index
      %get3A_2373 = arith.constant 0 : index
      %get3A_2374 = tpu.vector_load %arg7[%get3A_2372, %get3A_2373] {strides = array<i32>} : memref<128x16xi32, #tpu.memory_space<vmem>>, vector<16xi32>,
      %get3A_2375 = arith.constant 115 : i32
      %get3A_2376 = arith.index_cast %get3A_2375 : i32 to index
      %get3A_2377 = arith.constant 0 : index
      %get3A_2378 = tpu.vector_load %arg7[%get3A_2376, %get3A_2377] {strides = array<i32>} : memref<128x16xi32, #tpu.memory_space<vmem>>, vector<16xi32>,
      %mul3A_2379 = arith.constant 256 : i32
      %mul3A_2380 = vector.broadcast %mul3A_2379 : i32 to vector<16xi32>
      %mul3A_2381 = arith.muli %iota3A, %mul3A_2380 : vector<16xi32>
      %mul3A_2382 = arith.constant 16 : i32
      %mul3A_2383 = vector.broadcast %mul3A_2382 : i32 to vector<16xi32>
      %mul3A_2384 = arith.muli %get3A_2378, %mul3A_2383 : vector<16xi32>
      %add3A_2385 = arith.addi %mul3A_2381, %mul3A_2384 : vector<16xi32>
      %add3A_2386 = arith.addi %add3A_2385, %get3A_2374 : vector<16xi32>
      tpu.vector_store_idx %arg9[%add3A_2386], %broadcast_in_dim3A_1 {add = true} : memref<4096xf32, #tpu.memory_space<vmem>>[vector<16xi32>], vector<16xf32>,
      %get3A_2387 = arith.constant 52 : i32
      %get3A_2388 = arith.index_cast %get3A_2387 : i32 to index
      %get3A_2389 = arith.constant 0 : index
      %get3A_2390 = tpu.vector_load %arg6[%get3A_2388, %get3A_2389] {strides = array<i32>} : memref<128x16xi32, #tpu.memory_space<vmem>>, vector<16xi32>,
      %get3A_2391 = arith.constant 116 : i32
      %get3A_2392 = arith.index_cast %get3A_2391 : i32 to index
      %get3A_2393 = arith.constant 0 : index
      %get3A_2394 = tpu.vector_load %arg6[%get3A_2392, %get3A_2393] {strides = array<i32>} : memref<128x16xi32, #tpu.memory_space<vmem>>, vector<16xi32>,
      %mul3A_2395 = arith.constant 100 : i32
      %mul3A_2396 = vector.broadcast %mul3A_2395 : i32 to vector<16xi32>
      %mul3A_2397 = arith.muli %iota3A, %mul3A_2396 : vector<16xi32>
      %mul3A_2398 = arith.constant 10 : i32
      %mul3A_2399 = vector.broadcast %mul3A_2398 : i32 to vector<16xi32>
      %mul3A_2400 = arith.muli %get3A_2394, %mul3A_2399 : vector<16xi32>
      %add3A_2401 = arith.addi %mul3A_2397, %mul3A_2400 : vector<16xi32>
      %add3A_2402 = arith.addi %add3A_2401, %get3A_2390 : vector<16xi32>
      tpu.vector_store_idx %arg8[%add3A_2402], %broadcast_in_dim3A_1 {add = true} : memref<1600xf32, #tpu.memory_space<vmem>>[vector<16xi32>], vector<16xf32>,
      %get3A_2403 = arith.constant 52 : i32
      %get3A_2404 = arith.index_cast %get3A_2403 : i32 to index
      %get3A_2405 = arith.constant 0 : index
      %get3A_2406 = tpu.vector_load %arg7[%get3A_2404, %get3A_2405] {strides = array<i32>} : memref<128x16xi32, #tpu.memory_space<vmem>>, vector<16xi32>,
      %get3A_2407 = arith.constant 116 : i32
      %get3A_2408 = arith.index_cast %get3A_2407 : i32 to index
      %get3A_2409 = arith.constant 0 : index
      %get3A_2410 = tpu.vector_load %arg7[%get3A_2408, %get3A_2409] {strides = array<i32>} : memref<128x16xi32, #tpu.memory_space<vmem>>, vector<16xi32>,
      %mul3A_2411 = arith.constant 256 : i32
      %mul3A_2412 = vector.broadcast %mul3A_2411 : i32 to vector<16xi32>
      %mul3A_2413 = arith.muli %iota3A, %mul3A_2412 : vector<16xi32>
      %mul3A_2414 = arith.constant 16 : i32
      %mul3A_2415 = vector.broadcast %mul3A_2414 : i32 to vector<16xi32>
      %mul3A_2416 = arith.muli %get3A_2410, %mul3A_2415 : vector<16xi32>
      %add3A_2417 = arith.addi %mul3A_2413, %mul3A_2416 : vector<16xi32>
      %add3A_2418 = arith.addi %add3A_2417, %get3A_2406 : vector<16xi32>
      tpu.vector_store_idx %arg9[%add3A_2418], %broadcast_in_dim3A_1 {add = true} : memref<4096xf32, #tpu.memory_space<vmem>>[vector<16xi32>], vector<16xf32>,
      %get3A_2419 = arith.constant 53 : i32
      %get3A_2420 = arith.index_cast %get3A_2419 : i32 to index
      %get3A_2421 = arith.constant 0 : index
      %get3A_2422 = tpu.vector_load %arg6[%get3A_2420, %get3A_2421] {strides = array<i32>} : memref<128x16xi32, #tpu.memory_space<vmem>>, vector<16xi32>,
      %get3A_2423 = arith.constant 117 : i32
      %get3A_2424 = arith.index_cast %get3A_2423 : i32 to index
      %get3A_2425 = arith.constant 0 : index
      %get3A_2426 = tpu.vector_load %arg6[%get3A_2424, %get3A_2425] {strides = array<i32>} : memref<128x16xi32, #tpu.memory_space<vmem>>, vector<16xi32>,
      %mul3A_2427 = arith.constant 100 : i32
      %mul3A_2428 = vector.broadcast %mul3A_2427 : i32 to vector<16xi32>
      %mul3A_2429 = arith.muli %iota3A, %mul3A_2428 : vector<16xi32>
      %mul3A_2430 = arith.constant 10 : i32
      %mul3A_2431 = vector.broadcast %mul3A_2430 : i32 to vector<16xi32>
      %mul3A_2432 = arith.muli %get3A_2426, %mul3A_2431 : vector<16xi32>
      %add3A_2433 = arith.addi %mul3A_2429, %mul3A_2432 : vector<16xi32>
      %add3A_2434 = arith.addi %add3A_2433, %get3A_2422 : vector<16xi32>
      tpu.vector_store_idx %arg8[%add3A_2434], %broadcast_in_dim3A_1 {add = true} : memref<1600xf32, #tpu.memory_space<vmem>>[vector<16xi32>], vector<16xf32>,
      %get3A_2435 = arith.constant 53 : i32
      %get3A_2436 = arith.index_cast %get3A_2435 : i32 to index
      %get3A_2437 = arith.constant 0 : index
      %get3A_2438 = tpu.vector_load %arg7[%get3A_2436, %get3A_2437] {strides = array<i32>} : memref<128x16xi32, #tpu.memory_space<vmem>>, vector<16xi32>,
      %get3A_2439 = arith.constant 117 : i32
      %get3A_2440 = arith.index_cast %get3A_2439 : i32 to index
      %get3A_2441 = arith.constant 0 : index
      %get3A_2442 = tpu.vector_load %arg7[%get3A_2440, %get3A_2441] {strides = array<i32>} : memref<128x16xi32, #tpu.memory_space<vmem>>, vector<16xi32>,
      %mul3A_2443 = arith.constant 256 : i32
      %mul3A_2444 = vector.broadcast %mul3A_2443 : i32 to vector<16xi32>
      %mul3A_2445 = arith.muli %iota3A, %mul3A_2444 : vector<16xi32>
      %mul3A_2446 = arith.constant 16 : i32
      %mul3A_2447 = vector.broadcast %mul3A_2446 : i32 to vector<16xi32>
      %mul3A_2448 = arith.muli %get3A_2442, %mul3A_2447 : vector<16xi32>
      %add3A_2449 = arith.addi %mul3A_2445, %mul3A_2448 : vector<16xi32>
      %add3A_2450 = arith.addi %add3A_2449, %get3A_2438 : vector<16xi32>
      tpu.vector_store_idx %arg9[%add3A_2450], %broadcast_in_dim3A_1 {add = true} : memref<4096xf32, #tpu.memory_space<vmem>>[vector<16xi32>], vector<16xf32>,
      %get3A_2451 = arith.constant 54 : i32
      %get3A_2452 = arith.index_cast %get3A_2451 : i32 to index
      %get3A_2453 = arith.constant 0 : index
      %get3A_2454 = tpu.vector_load %arg6[%get3A_2452, %get3A_2453] {strides = array<i32>} : memref<128x16xi32, #tpu.memory_space<vmem>>, vector<16xi32>,
      %get3A_2455 = arith.constant 118 : i32
      %get3A_2456 = arith.index_cast %get3A_2455 : i32 to index
      %get3A_2457 = arith.constant 0 : index
      %get3A_2458 = tpu.vector_load %arg6[%get3A_2456, %get3A_2457] {strides = array<i32>} : memref<128x16xi32, #tpu.memory_space<vmem>>, vector<16xi32>,
      %mul3A_2459 = arith.constant 100 : i32
      %mul3A_2460 = vector.broadcast %mul3A_2459 : i32 to vector<16xi32>
      %mul3A_2461 = arith.muli %iota3A, %mul3A_2460 : vector<16xi32>
      %mul3A_2462 = arith.constant 10 : i32
      %mul3A_2463 = vector.broadcast %mul3A_2462 : i32 to vector<16xi32>
      %mul3A_2464 = arith.muli %get3A_2458, %mul3A_2463 : vector<16xi32>
      %add3A_2465 = arith.addi %mul3A_2461, %mul3A_2464 : vector<16xi32>
      %add3A_2466 = arith.addi %add3A_2465, %get3A_2454 : vector<16xi32>
      tpu.vector_store_idx %arg8[%add3A_2466], %broadcast_in_dim3A_1 {add = true} : memref<1600xf32, #tpu.memory_space<vmem>>[vector<16xi32>], vector<16xf32>,
      %get3A_2467 = arith.constant 54 : i32
      %get3A_2468 = arith.index_cast %get3A_2467 : i32 to index
      %get3A_2469 = arith.constant 0 : index
      %get3A_2470 = tpu.vector_load %arg7[%get3A_2468, %get3A_2469] {strides = array<i32>} : memref<128x16xi32, #tpu.memory_space<vmem>>, vector<16xi32>,
      %get3A_2471 = arith.constant 118 : i32
      %get3A_2472 = arith.index_cast %get3A_2471 : i32 to index
      %get3A_2473 = arith.constant 0 : index
      %get3A_2474 = tpu.vector_load %arg7[%get3A_2472, %get3A_2473] {strides = array<i32>} : memref<128x16xi32, #tpu.memory_space<vmem>>, vector<16xi32>,
      %mul3A_2475 = arith.constant 256 : i32
      %mul3A_2476 = vector.broadcast %mul3A_2475 : i32 to vector<16xi32>
      %mul3A_2477 = arith.muli %iota3A, %mul3A_2476 : vector<16xi32>
      %mul3A_2478 = arith.constant 16 : i32
      %mul3A_2479 = vector.broadcast %mul3A_2478 : i32 to vector<16xi32>
      %mul3A_2480 = arith.muli %get3A_2474, %mul3A_2479 : vector<16xi32>
      %add3A_2481 = arith.addi %mul3A_2477, %mul3A_2480 : vector<16xi32>
      %add3A_2482 = arith.addi %add3A_2481, %get3A_2470 : vector<16xi32>
      tpu.vector_store_idx %arg9[%add3A_2482], %broadcast_in_dim3A_1 {add = true} : memref<4096xf32, #tpu.memory_space<vmem>>[vector<16xi32>], vector<16xf32>,
      %get3A_2483 = arith.constant 55 : i32
      %get3A_2484 = arith.index_cast %get3A_2483 : i32 to index
      %get3A_2485 = arith.constant 0 : index
      %get3A_2486 = tpu.vector_load %arg6[%get3A_2484, %get3A_2485] {strides = array<i32>} : memref<128x16xi32, #tpu.memory_space<vmem>>, vector<16xi32>,
      %get3A_2487 = arith.constant 119 : i32
      %get3A_2488 = arith.index_cast %get3A_2487 : i32 to index
      %get3A_2489 = arith.constant 0 : index
      %get3A_2490 = tpu.vector_load %arg6[%get3A_2488, %get3A_2489] {strides = array<i32>} : memref<128x16xi32, #tpu.memory_space<vmem>>, vector<16xi32>,
      %mul3A_2491 = arith.constant 100 : i32
      %mul3A_2492 = vector.broadcast %mul3A_2491 : i32 to vector<16xi32>
      %mul3A_2493 = arith.muli %iota3A, %mul3A_2492 : vector<16xi32>
      %mul3A_2494 = arith.constant 10 : i32
      %mul3A_2495 = vector.broadcast %mul3A_2494 : i32 to vector<16xi32>
      %mul3A_2496 = arith.muli %get3A_2490, %mul3A_2495 : vector<16xi32>
      %add3A_2497 = arith.addi %mul3A_2493, %mul3A_2496 : vector<16xi32>
      %add3A_2498 = arith.addi %add3A_2497, %get3A_2486 : vector<16xi32>
      tpu.vector_store_idx %arg8[%add3A_2498], %broadcast_in_dim3A_1 {add = true} : memref<1600xf32, #tpu.memory_space<vmem>>[vector<16xi32>], vector<16xf32>,
      %get3A_2499 = arith.constant 55 : i32
      %get3A_2500 = arith.index_cast %get3A_2499 : i32 to index
      %get3A_2501 = arith.constant 0 : index
      %get3A_2502 = tpu.vector_load %arg7[%get3A_2500, %get3A_2501] {strides = array<i32>} : memref<128x16xi32, #tpu.memory_space<vmem>>, vector<16xi32>,
      %get3A_2503 = arith.constant 119 : i32
      %get3A_2504 = arith.index_cast %get3A_2503 : i32 to index
      %get3A_2505 = arith.constant 0 : index
      %get3A_2506 = tpu.vector_load %arg7[%get3A_2504, %get3A_2505] {strides = array<i32>} : memref<128x16xi32, #tpu.memory_space<vmem>>, vector<16xi32>,
      %mul3A_2507 = arith.constant 256 : i32
      %mul3A_2508 = vector.broadcast %mul3A_2507 : i32 to vector<16xi32>
      %mul3A_2509 = arith.muli %iota3A, %mul3A_2508 : vector<16xi32>
      %mul3A_2510 = arith.constant 16 : i32
      %mul3A_2511 = vector.broadcast %mul3A_2510 : i32 to vector<16xi32>
      %mul3A_2512 = arith.muli %get3A_2506, %mul3A_2511 : vector<16xi32>
      %add3A_2513 = arith.addi %mul3A_2509, %mul3A_2512 : vector<16xi32>
      %add3A_2514 = arith.addi %add3A_2513, %get3A_2502 : vector<16xi32>
      tpu.vector_store_idx %arg9[%add3A_2514], %broadcast_in_dim3A_1 {add = true} : memref<4096xf32, #tpu.memory_space<vmem>>[vector<16xi32>], vector<16xf32>,
      %get3A_2515 = arith.constant 56 : i32
      %get3A_2516 = arith.index_cast %get3A_2515 : i32 to index
      %get3A_2517 = arith.constant 0 : index
      %get3A_2518 = tpu.vector_load %arg6[%get3A_2516, %get3A_2517] {strides = array<i32>} : memref<128x16xi32, #tpu.memory_space<vmem>>, vector<16xi32>,
      %get3A_2519 = arith.constant 120 : i32
      %get3A_2520 = arith.index_cast %get3A_2519 : i32 to index
      %get3A_2521 = arith.constant 0 : index
      %get3A_2522 = tpu.vector_load %arg6[%get3A_2520, %get3A_2521] {strides = array<i32>} : memref<128x16xi32, #tpu.memory_space<vmem>>, vector<16xi32>,
      %mul3A_2523 = arith.constant 100 : i32
      %mul3A_2524 = vector.broadcast %mul3A_2523 : i32 to vector<16xi32>
      %mul3A_2525 = arith.muli %iota3A, %mul3A_2524 : vector<16xi32>
      %mul3A_2526 = arith.constant 10 : i32
      %mul3A_2527 = vector.broadcast %mul3A_2526 : i32 to vector<16xi32>
      %mul3A_2528 = arith.muli %get3A_2522, %mul3A_2527 : vector<16xi32>
      %add3A_2529 = arith.addi %mul3A_2525, %mul3A_2528 : vector<16xi32>
      %add3A_2530 = arith.addi %add3A_2529, %get3A_2518 : vector<16xi32>
      tpu.vector_store_idx %arg8[%add3A_2530], %broadcast_in_dim3A_1 {add = true} : memref<1600xf32, #tpu.memory_space<vmem>>[vector<16xi32>], vector<16xf32>,
      %get3A_2531 = arith.constant 56 : i32
      %get3A_2532 = arith.index_cast %get3A_2531 : i32 to index
      %get3A_2533 = arith.constant 0 : index
      %get3A_2534 = tpu.vector_load %arg7[%get3A_2532, %get3A_2533] {strides = array<i32>} : memref<128x16xi32, #tpu.memory_space<vmem>>, vector<16xi32>,
      %get3A_2535 = arith.constant 120 : i32
      %get3A_2536 = arith.index_cast %get3A_2535 : i32 to index
      %get3A_2537 = arith.constant 0 : index
      %get3A_2538 = tpu.vector_load %arg7[%get3A_2536, %get3A_2537] {strides = array<i32>} : memref<128x16xi32, #tpu.memory_space<vmem>>, vector<16xi32>,
      %mul3A_2539 = arith.constant 256 : i32
      %mul3A_2540 = vector.broadcast %mul3A_2539 : i32 to vector<16xi32>
      %mul3A_2541 = arith.muli %iota3A, %mul3A_2540 : vector<16xi32>
      %mul3A_2542 = arith.constant 16 : i32
      %mul3A_2543 = vector.broadcast %mul3A_2542 : i32 to vector<16xi32>
      %mul3A_2544 = arith.muli %get3A_2538, %mul3A_2543 : vector<16xi32>
      %add3A_2545 = arith.addi %mul3A_2541, %mul3A_2544 : vector<16xi32>
      %add3A_2546 = arith.addi %add3A_2545, %get3A_2534 : vector<16xi32>
      tpu.vector_store_idx %arg9[%add3A_2546], %broadcast_in_dim3A_1 {add = true} : memref<4096xf32, #tpu.memory_space<vmem>>[vector<16xi32>], vector<16xf32>,
      %get3A_2547 = arith.constant 57 : i32
      %get3A_2548 = arith.index_cast %get3A_2547 : i32 to index
      %get3A_2549 = arith.constant 0 : index
      %get3A_2550 = tpu.vector_load %arg6[%get3A_2548, %get3A_2549] {strides = array<i32>} : memref<128x16xi32, #tpu.memory_space<vmem>>, vector<16xi32>,
      %get3A_2551 = arith.constant 121 : i32
      %get3A_2552 = arith.index_cast %get3A_2551 : i32 to index
      %get3A_2553 = arith.constant 0 : index
      %get3A_2554 = tpu.vector_load %arg6[%get3A_2552, %get3A_2553] {strides = array<i32>} : memref<128x16xi32, #tpu.memory_space<vmem>>, vector<16xi32>,
      %mul3A_2555 = arith.constant 100 : i32
      %mul3A_2556 = vector.broadcast %mul3A_2555 : i32 to vector<16xi32>
      %mul3A_2557 = arith.muli %iota3A, %mul3A_2556 : vector<16xi32>
      %mul3A_2558 = arith.constant 10 : i32
      %mul3A_2559 = vector.broadcast %mul3A_2558 : i32 to vector<16xi32>
      %mul3A_2560 = arith.muli %get3A_2554, %mul3A_2559 : vector<16xi32>
      %add3A_2561 = arith.addi %mul3A_2557, %mul3A_2560 : vector<16xi32>
      %add3A_2562 = arith.addi %add3A_2561, %get3A_2550 : vector<16xi32>
      tpu.vector_store_idx %arg8[%add3A_2562], %broadcast_in_dim3A_1 {add = true} : memref<1600xf32, #tpu.memory_space<vmem>>[vector<16xi32>], vector<16xf32>,
      %get3A_2563 = arith.constant 57 : i32
      %get3A_2564 = arith.index_cast %get3A_2563 : i32 to index
      %get3A_2565 = arith.constant 0 : index
      %get3A_2566 = tpu.vector_load %arg7[%get3A_2564, %get3A_2565] {strides = array<i32>} : memref<128x16xi32, #tpu.memory_space<vmem>>, vector<16xi32>,
      %get3A_2567 = arith.constant 121 : i32
      %get3A_2568 = arith.index_cast %get3A_2567 : i32 to index
      %get3A_2569 = arith.constant 0 : index
      %get3A_2570 = tpu.vector_load %arg7[%get3A_2568, %get3A_2569] {strides = array<i32>} : memref<128x16xi32, #tpu.memory_space<vmem>>, vector<16xi32>,
      %mul3A_2571 = arith.constant 256 : i32
      %mul3A_2572 = vector.broadcast %mul3A_2571 : i32 to vector<16xi32>
      %mul3A_2573 = arith.muli %iota3A, %mul3A_2572 : vector<16xi32>
      %mul3A_2574 = arith.constant 16 : i32
      %mul3A_2575 = vector.broadcast %mul3A_2574 : i32 to vector<16xi32>
      %mul3A_2576 = arith.muli %get3A_2570, %mul3A_2575 : vector<16xi32>
      %add3A_2577 = arith.addi %mul3A_2573, %mul3A_2576 : vector<16xi32>
      %add3A_2578 = arith.addi %add3A_2577, %get3A_2566 : vector<16xi32>
      tpu.vector_store_idx %arg9[%add3A_2578], %broadcast_in_dim3A_1 {add = true} : memref<4096xf32, #tpu.memory_space<vmem>>[vector<16xi32>], vector<16xf32>,
      %get3A_2579 = arith.constant 58 : i32
      %get3A_2580 = arith.index_cast %get3A_2579 : i32 to index
      %get3A_2581 = arith.constant 0 : index
      %get3A_2582 = tpu.vector_load %arg6[%get3A_2580, %get3A_2581] {strides = array<i32>} : memref<128x16xi32, #tpu.memory_space<vmem>>, vector<16xi32>,
      %get3A_2583 = arith.constant 122 : i32
      %get3A_2584 = arith.index_cast %get3A_2583 : i32 to index
      %get3A_2585 = arith.constant 0 : index
      %get3A_2586 = tpu.vector_load %arg6[%get3A_2584, %get3A_2585] {strides = array<i32>} : memref<128x16xi32, #tpu.memory_space<vmem>>, vector<16xi32>,
      %mul3A_2587 = arith.constant 100 : i32
      %mul3A_2588 = vector.broadcast %mul3A_2587 : i32 to vector<16xi32>
      %mul3A_2589 = arith.muli %iota3A, %mul3A_2588 : vector<16xi32>
      %mul3A_2590 = arith.constant 10 : i32
      %mul3A_2591 = vector.broadcast %mul3A_2590 : i32 to vector<16xi32>
      %mul3A_2592 = arith.muli %get3A_2586, %mul3A_2591 : vector<16xi32>
      %add3A_2593 = arith.addi %mul3A_2589, %mul3A_2592 : vector<16xi32>
      %add3A_2594 = arith.addi %add3A_2593, %get3A_2582 : vector<16xi32>
      tpu.vector_store_idx %arg8[%add3A_2594], %broadcast_in_dim3A_1 {add = true} : memref<1600xf32, #tpu.memory_space<vmem>>[vector<16xi32>], vector<16xf32>,
      %get3A_2595 = arith.constant 58 : i32
      %get3A_2596 = arith.index_cast %get3A_2595 : i32 to index
      %get3A_2597 = arith.constant 0 : index
      %get3A_2598 = tpu.vector_load %arg7[%get3A_2596, %get3A_2597] {strides = array<i32>} : memref<128x16xi32, #tpu.memory_space<vmem>>, vector<16xi32>,
      %get3A_2599 = arith.constant 122 : i32
      %get3A_2600 = arith.index_cast %get3A_2599 : i32 to index
      %get3A_2601 = arith.constant 0 : index
      %get3A_2602 = tpu.vector_load %arg7[%get3A_2600, %get3A_2601] {strides = array<i32>} : memref<128x16xi32, #tpu.memory_space<vmem>>, vector<16xi32>,
      %mul3A_2603 = arith.constant 256 : i32
      %mul3A_2604 = vector.broadcast %mul3A_2603 : i32 to vector<16xi32>
      %mul3A_2605 = arith.muli %iota3A, %mul3A_2604 : vector<16xi32>
      %mul3A_2606 = arith.constant 16 : i32
      %mul3A_2607 = vector.broadcast %mul3A_2606 : i32 to vector<16xi32>
      %mul3A_2608 = arith.muli %get3A_2602, %mul3A_2607 : vector<16xi32>
      %add3A_2609 = arith.addi %mul3A_2605, %mul3A_2608 : vector<16xi32>
      %add3A_2610 = arith.addi %add3A_2609, %get3A_2598 : vector<16xi32>
      tpu.vector_store_idx %arg9[%add3A_2610], %broadcast_in_dim3A_1 {add = true} : memref<4096xf32, #tpu.memory_space<vmem>>[vector<16xi32>], vector<16xf32>,
      %get3A_2611 = arith.constant 59 : i32
      %get3A_2612 = arith.index_cast %get3A_2611 : i32 to index
      %get3A_2613 = arith.constant 0 : index
      %get3A_2614 = tpu.vector_load %arg6[%get3A_2612, %get3A_2613] {strides = array<i32>} : memref<128x16xi32, #tpu.memory_space<vmem>>, vector<16xi32>,
      %get3A_2615 = arith.constant 123 : i32
      %get3A_2616 = arith.index_cast %get3A_2615 : i32 to index
      %get3A_2617 = arith.constant 0 : index
      %get3A_2618 = tpu.vector_load %arg6[%get3A_2616, %get3A_2617] {strides = array<i32>} : memref<128x16xi32, #tpu.memory_space<vmem>>, vector<16xi32>,
      %mul3A_2619 = arith.constant 100 : i32
      %mul3A_2620 = vector.broadcast %mul3A_2619 : i32 to vector<16xi32>
      %mul3A_2621 = arith.muli %iota3A, %mul3A_2620 : vector<16xi32>
      %mul3A_2622 = arith.constant 10 : i32
      %mul3A_2623 = vector.broadcast %mul3A_2622 : i32 to vector<16xi32>
      %mul3A_2624 = arith.muli %get3A_2618, %mul3A_2623 : vector<16xi32>
      %add3A_2625 = arith.addi %mul3A_2621, %mul3A_2624 : vector<16xi32>
      %add3A_2626 = arith.addi %add3A_2625, %get3A_2614 : vector<16xi32>
      tpu.vector_store_idx %arg8[%add3A_2626], %broadcast_in_dim3A_1 {add = true} : memref<1600xf32, #tpu.memory_space<vmem>>[vector<16xi32>], vector<16xf32>,
      %get3A_2627 = arith.constant 59 : i32
      %get3A_2628 = arith.index_cast %get3A_2627 : i32 to index
      %get3A_2629 = arith.constant 0 : index
      %get3A_2630 = tpu.vector_load %arg7[%get3A_2628, %get3A_2629] {strides = array<i32>} : memref<128x16xi32, #tpu.memory_space<vmem>>, vector<16xi32>,
      %get3A_2631 = arith.constant 123 : i32
      %get3A_2632 = arith.index_cast %get3A_2631 : i32 to index
      %get3A_2633 = arith.constant 0 : index
      %get3A_2634 = tpu.vector_load %arg7[%get3A_2632, %get3A_2633] {strides = array<i32>} : memref<128x16xi32, #tpu.memory_space<vmem>>, vector<16xi32>,
      %mul3A_2635 = arith.constant 256 : i32
      %mul3A_2636 = vector.broadcast %mul3A_2635 : i32 to vector<16xi32>
      %mul3A_2637 = arith.muli %iota3A, %mul3A_2636 : vector<16xi32>
      %mul3A_2638 = arith.constant 16 : i32
      %mul3A_2639 = vector.broadcast %mul3A_2638 : i32 to vector<16xi32>
      %mul3A_2640 = arith.muli %get3A_2634, %mul3A_2639 : vector<16xi32>
      %add3A_2641 = arith.addi %mul3A_2637, %mul3A_2640 : vector<16xi32>
      %add3A_2642 = arith.addi %add3A_2641, %get3A_2630 : vector<16xi32>
      tpu.vector_store_idx %arg9[%add3A_2642], %broadcast_in_dim3A_1 {add = true} : memref<4096xf32, #tpu.memory_space<vmem>>[vector<16xi32>], vector<16xf32>,
      %get3A_2643 = arith.constant 60 : i32
      %get3A_2644 = arith.index_cast %get3A_2643 : i32 to index
      %get3A_2645 = arith.constant 0 : index
      %get3A_2646 = tpu.vector_load %arg6[%get3A_2644, %get3A_2645] {strides = array<i32>} : memref<128x16xi32, #tpu.memory_space<vmem>>, vector<16xi32>,
      %get3A_2647 = arith.constant 124 : i32
      %get3A_2648 = arith.index_cast %get3A_2647 : i32 to index
      %get3A_2649 = arith.constant 0 : index
      %get3A_2650 = tpu.vector_load %arg6[%get3A_2648, %get3A_2649] {strides = array<i32>} : memref<128x16xi32, #tpu.memory_space<vmem>>, vector<16xi32>,
      %mul3A_2651 = arith.constant 100 : i32
      %mul3A_2652 = vector.broadcast %mul3A_2651 : i32 to vector<16xi32>
      %mul3A_2653 = arith.muli %iota3A, %mul3A_2652 : vector<16xi32>
      %mul3A_2654 = arith.constant 10 : i32
      %mul3A_2655 = vector.broadcast %mul3A_2654 : i32 to vector<16xi32>
      %mul3A_2656 = arith.muli %get3A_2650, %mul3A_2655 : vector<16xi32>
      %add3A_2657 = arith.addi %mul3A_2653, %mul3A_2656 : vector<16xi32>
      %add3A_2658 = arith.addi %add3A_2657, %get3A_2646 : vector<16xi32>
      tpu.vector_store_idx %arg8[%add3A_2658], %broadcast_in_dim3A_1 {add = true} : memref<1600xf32, #tpu.memory_space<vmem>>[vector<16xi32>], vector<16xf32>,
      %get3A_2659 = arith.constant 60 : i32
      %get3A_2660 = arith.index_cast %get3A_2659 : i32 to index
      %get3A_2661 = arith.constant 0 : index
      %get3A_2662 = tpu.vector_load %arg7[%get3A_2660, %get3A_2661] {strides = array<i32>} : memref<128x16xi32, #tpu.memory_space<vmem>>, vector<16xi32>,
      %get3A_2663 = arith.constant 124 : i32
      %get3A_2664 = arith.index_cast %get3A_2663 : i32 to index
      %get3A_2665 = arith.constant 0 : index
      %get3A_2666 = tpu.vector_load %arg7[%get3A_2664, %get3A_2665] {strides = array<i32>} : memref<128x16xi32, #tpu.memory_space<vmem>>, vector<16xi32>,
      %mul3A_2667 = arith.constant 256 : i32
      %mul3A_2668 = vector.broadcast %mul3A_2667 : i32 to vector<16xi32>
      %mul3A_2669 = arith.muli %iota3A, %mul3A_2668 : vector<16xi32>
      %mul3A_2670 = arith.constant 16 : i32
      %mul3A_2671 = vector.broadcast %mul3A_2670 : i32 to vector<16xi32>
      %mul3A_2672 = arith.muli %get3A_2666, %mul3A_2671 : vector<16xi32>
      %add3A_2673 = arith.addi %mul3A_2669, %mul3A_2672 : vector<16xi32>
      %add3A_2674 = arith.addi %add3A_2673, %get3A_2662 : vector<16xi32>
      tpu.vector_store_idx %arg9[%add3A_2674], %broadcast_in_dim3A_1 {add = true} : memref<4096xf32, #tpu.memory_space<vmem>>[vector<16xi32>], vector<16xf32>,
      %get3A_2675 = arith.constant 61 : i32
      %get3A_2676 = arith.index_cast %get3A_2675 : i32 to index
      %get3A_2677 = arith.constant 0 : index
      %get3A_2678 = tpu.vector_load %arg6[%get3A_2676, %get3A_2677] {strides = array<i32>} : memref<128x16xi32, #tpu.memory_space<vmem>>, vector<16xi32>,
      %get3A_2679 = arith.constant 125 : i32
      %get3A_2680 = arith.index_cast %get3A_2679 : i32 to index
      %get3A_2681 = arith.constant 0 : index
      %get3A_2682 = tpu.vector_load %arg6[%get3A_2680, %get3A_2681] {strides = array<i32>} : memref<128x16xi32, #tpu.memory_space<vmem>>, vector<16xi32>,
      %mul3A_2683 = arith.constant 100 : i32
      %mul3A_2684 = vector.broadcast %mul3A_2683 : i32 to vector<16xi32>
      %mul3A_2685 = arith.muli %iota3A, %mul3A_2684 : vector<16xi32>
      %mul3A_2686 = arith.constant 10 : i32
      %mul3A_2687 = vector.broadcast %mul3A_2686 : i32 to vector<16xi32>
      %mul3A_2688 = arith.muli %get3A_2682, %mul3A_2687 : vector<16xi32>
      %add3A_2689 = arith.addi %mul3A_2685, %mul3A_2688 : vector<16xi32>
      %add3A_2690 = arith.addi %add3A_2689, %get3A_2678 : vector<16xi32>
      tpu.vector_store_idx %arg8[%add3A_2690], %broadcast_in_dim3A_1 {add = true} : memref<1600xf32, #tpu.memory_space<vmem>>[vector<16xi32>], vector<16xf32>,
      %get3A_2691 = arith.constant 61 : i32
      %get3A_2692 = arith.index_cast %get3A_2691 : i32 to index
      %get3A_2693 = arith.constant 0 : index
      %get3A_2694 = tpu.vector_load %arg7[%get3A_2692, %get3A_2693] {strides = array<i32>} : memref<128x16xi32, #tpu.memory_space<vmem>>, vector<16xi32>,
      %get3A_2695 = arith.constant 125 : i32
      %get3A_2696 = arith.index_cast %get3A_2695 : i32 to index
      %get3A_2697 = arith.constant 0 : index
      %get3A_2698 = tpu.vector_load %arg7[%get3A_2696, %get3A_2697] {strides = array<i32>} : memref<128x16xi32, #tpu.memory_space<vmem>>, vector<16xi32>,
      %mul3A_2699 = arith.constant 256 : i32
      %mul3A_2700 = vector.broadcast %mul3A_2699 : i32 to vector<16xi32>
      %mul3A_2701 = arith.muli %iota3A, %mul3A_2700 : vector<16xi32>
      %mul3A_2702 = arith.constant 16 : i32
      %mul3A_2703 = vector.broadcast %mul3A_2702 : i32 to vector<16xi32>
      %mul3A_2704 = arith.muli %get3A_2698, %mul3A_2703 : vector<16xi32>
      %add3A_2705 = arith.addi %mul3A_2701, %mul3A_2704 : vector<16xi32>
      %add3A_2706 = arith.addi %add3A_2705, %get3A_2694 : vector<16xi32>
      tpu.vector_store_idx %arg9[%add3A_2706], %broadcast_in_dim3A_1 {add = true} : memref<4096xf32, #tpu.memory_space<vmem>>[vector<16xi32>], vector<16xf32>,
      %get3A_2707 = arith.constant 62 : i32
      %get3A_2708 = arith.index_cast %get3A_2707 : i32 to index
      %get3A_2709 = arith.constant 0 : index
      %get3A_2710 = tpu.vector_load %arg6[%get3A_2708, %get3A_2709] {strides = array<i32>} : memref<128x16xi32, #tpu.memory_space<vmem>>, vector<16xi32>,
      %get3A_2711 = arith.constant 126 : i32
      %get3A_2712 = arith.index_cast %get3A_2711 : i32 to index
      %get3A_2713 = arith.constant 0 : index
      %get3A_2714 = tpu.vector_load %arg6[%get3A_2712, %get3A_2713] {strides = array<i32>} : memref<128x16xi32, #tpu.memory_space<vmem>>, vector<16xi32>,
      %mul3A_2715 = arith.constant 100 : i32
      %mul3A_2716 = vector.broadcast %mul3A_2715 : i32 to vector<16xi32>
      %mul3A_2717 = arith.muli %iota3A, %mul3A_2716 : vector<16xi32>
      %mul3A_2718 = arith.constant 10 : i32
      %mul3A_2719 = vector.broadcast %mul3A_2718 : i32 to vector<16xi32>
      %mul3A_2720 = arith.muli %get3A_2714, %mul3A_2719 : vector<16xi32>
      %add3A_2721 = arith.addi %mul3A_2717, %mul3A_2720 : vector<16xi32>
      %add3A_2722 = arith.addi %add3A_2721, %get3A_2710 : vector<16xi32>
      tpu.vector_store_idx %arg8[%add3A_2722], %broadcast_in_dim3A_1 {add = true} : memref<1600xf32, #tpu.memory_space<vmem>>[vector<16xi32>], vector<16xf32>,
      %get3A_2723 = arith.constant 62 : i32
      %get3A_2724 = arith.index_cast %get3A_2723 : i32 to index
      %get3A_2725 = arith.constant 0 : index
      %get3A_2726 = tpu.vector_load %arg7[%get3A_2724, %get3A_2725] {strides = array<i32>} : memref<128x16xi32, #tpu.memory_space<vmem>>, vector<16xi32>,
      %get3A_2727 = arith.constant 126 : i32
      %get3A_2728 = arith.index_cast %get3A_2727 : i32 to index
      %get3A_2729 = arith.constant 0 : index
      %get3A_2730 = tpu.vector_load %arg7[%get3A_2728, %get3A_2729] {strides = array<i32>} : memref<128x16xi32, #tpu.memory_space<vmem>>, vector<16xi32>,
      %mul3A_2731 = arith.constant 256 : i32
      %mul3A_2732 = vector.broadcast %mul3A_2731 : i32 to vector<16xi32>
      %mul3A_2733 = arith.muli %iota3A, %mul3A_2732 : vector<16xi32>
      %mul3A_2734 = arith.constant 16 : i32
      %mul3A_2735 = vector.broadcast %mul3A_2734 : i32 to vector<16xi32>
      %mul3A_2736 = arith.muli %get3A_2730, %mul3A_2735 : vector<16xi32>
      %add3A_2737 = arith.addi %mul3A_2733, %mul3A_2736 : vector<16xi32>
      %add3A_2738 = arith.addi %add3A_2737, %get3A_2726 : vector<16xi32>
      tpu.vector_store_idx %arg9[%add3A_2738], %broadcast_in_dim3A_1 {add = true} : memref<4096xf32, #tpu.memory_space<vmem>>[vector<16xi32>], vector<16xf32>,
      %get3A_2739 = arith.constant 63 : i32
      %get3A_2740 = arith.index_cast %get3A_2739 : i32 to index
      %get3A_2741 = arith.constant 0 : index
      %get3A_2742 = tpu.vector_load %arg6[%get3A_2740, %get3A_2741] {strides = array<i32>} : memref<128x16xi32, #tpu.memory_space<vmem>>, vector<16xi32>,
      %get3A_2743 = arith.constant 127 : i32
      %get3A_2744 = arith.index_cast %get3A_2743 : i32 to index
      %get3A_2745 = arith.constant 0 : index
      %get3A_2746 = tpu.vector_load %arg6[%get3A_2744, %get3A_2745] {strides = array<i32>} : memref<128x16xi32, #tpu.memory_space<vmem>>, vector<16xi32>,
      %mul3A_2747 = arith.constant 100 : i32
      %mul3A_2748 = vector.broadcast %mul3A_2747 : i32 to vector<16xi32>
      %mul3A_2749 = arith.muli %iota3A, %mul3A_2748 : vector<16xi32>
      %mul3A_2750 = arith.constant 10 : i32
      %mul3A_2751 = vector.broadcast %mul3A_2750 : i32 to vector<16xi32>
      %mul3A_2752 = arith.muli %get3A_2746, %mul3A_2751 : vector<16xi32>
      %add3A_2753 = arith.addi %mul3A_2749, %mul3A_2752 : vector<16xi32>
      %add3A_2754 = arith.addi %add3A_2753, %get3A_2742 : vector<16xi32>
      tpu.vector_store_idx %arg8[%add3A_2754], %broadcast_in_dim3A_1 {add = true} : memref<1600xf32, #tpu.memory_space<vmem>>[vector<16xi32>], vector<16xf32>,
      %get3A_2755 = arith.constant 63 : i32
      %get3A_2756 = arith.index_cast %get3A_2755 : i32 to index
      %get3A_2757 = arith.constant 0 : index
      %get3A_2758 = tpu.vector_load %arg7[%get3A_2756, %get3A_2757] {strides = array<i32>} : memref<128x16xi32, #tpu.memory_space<vmem>>, vector<16xi32>,
      %get3A_2759 = arith.constant 127 : i32
      %get3A_2760 = arith.index_cast %get3A_2759 : i32 to index
      %get3A_2761 = arith.constant 0 : index
      %get3A_2762 = tpu.vector_load %arg7[%get3A_2760, %get3A_2761] {strides = array<i32>} : memref<128x16xi32, #tpu.memory_space<vmem>>, vector<16xi32>,
      %mul3A_2763 = arith.constant 256 : i32
      %mul3A_2764 = vector.broadcast %mul3A_2763 : i32 to vector<16xi32>
      %mul3A_2765 = arith.muli %iota3A, %mul3A_2764 : vector<16xi32>
      %mul3A_2766 = arith.constant 16 : i32
      %mul3A_2767 = vector.broadcast %mul3A_2766 : i32 to vector<16xi32>
      %mul3A_2768 = arith.muli %get3A_2762, %mul3A_2767 : vector<16xi32>
      %add3A_2769 = arith.addi %mul3A_2765, %mul3A_2768 : vector<16xi32>
      %add3A_2770 = arith.addi %add3A_2769, %get3A_2758 : vector<16xi32>
      tpu.vector_store_idx %arg9[%add3A_2770], %broadcast_in_dim3A_1 {add = true} : memref<4096xf32, #tpu.memory_space<vmem>>[vector<16xi32>], vector<16xf32>,
      %mul3A_2771 = arith.constant 16 : i32
      %mul3A_2772 = arith.muli %add3A_12, %mul3A_2771 : i32
      %mul3A_2773 = arith.constant 100 : i32
      %mul3A_2774 = arith.muli %mul3A_2772, %mul3A_2773 : i32
      "tpu.region"() ({
        %run_scoped3A = tpu.sem_alloc : memref<!tpu.dma_semaphore, #tpu.memory_space<semaphore_mem>>
        %dma_start3A = tpu.memref_slice %arg4[%mul3A_2774] : memref<819200xf32, #tpu.memory_space<hbm>> -> memref<1600xf32, #tpu.memory_space<hbm>>
        %dma_start3A_2779 = tpu.memref_slice %arg4[%mul3A_2774] : memref<819200xf32, #tpu.memory_space<hbm>> -> memref<1600xf32, #tpu.memory_space<hbm>>
        tpu.enqueue_dma source(%arg8 : memref<1600xf32, #tpu.memory_space<vmem>>) target(%dma_start3A_2779 : memref<1600xf32, #tpu.memory_space<hbm>>) target_semaphore(%run_scoped3A : memref<!tpu.dma_semaphore, #tpu.memory_space<semaphore_mem>>)
        %dma_wait3A = tpu.memref_slice %arg4[%mul3A_2774] : memref<819200xf32, #tpu.memory_space<hbm>> -> memref<1600xf32, #tpu.memory_space<hbm>>
        %dma_wait3A_2780 = tpu.memref_slice %arg4[%mul3A_2774] : memref<819200xf32, #tpu.memory_space<hbm>> -> memref<1600xf32, #tpu.memory_space<hbm>>
        tpu.wait_dma2 semaphore(%run_scoped3A : memref<!tpu.dma_semaphore, #tpu.memory_space<semaphore_mem>>) src(%arg8 : memref<1600xf32, #tpu.memory_space<vmem>>) dst(%dma_wait3A_2780 : memref<1600xf32, #tpu.memory_space<hbm>>)
        tpu.yield
      }) : () -> ()
      %mul3A_2775 = arith.constant 16 : i32
      %mul3A_2776 = arith.muli %add3A_12, %mul3A_2775 : i32
      %mul3A_2777 = arith.constant 256 : i32
      %mul3A_2778 = arith.muli %mul3A_2776, %mul3A_2777 : i32
      "tpu.region"() ({
        %run_scoped3A = tpu.sem_alloc : memref<!tpu.dma_semaphore, #tpu.memory_space<semaphore_mem>>
        %dma_start3A = tpu.memref_slice %arg5[%mul3A_2778] : memref<2097152xf32, #tpu.memory_space<hbm>> -> memref<4096xf32, #tpu.memory_space<hbm>>
        %dma_start3A_2779 = tpu.memref_slice %arg5[%mul3A_2778] : memref<2097152xf32, #tpu.memory_space<hbm>> -> memref<4096xf32, #tpu.memory_space<hbm>>
        tpu.enqueue_dma source(%arg9 : memref<4096xf32, #tpu.memory_space<vmem>>) target(%dma_start3A_2779 : memref<4096xf32, #tpu.memory_space<hbm>>) target_semaphore(%run_scoped3A : memref<!tpu.dma_semaphore, #tpu.memory_space<semaphore_mem>>)
        %dma_wait3A = tpu.memref_slice %arg5[%mul3A_2778] : memref<2097152xf32, #tpu.memory_space<hbm>> -> memref<4096xf32, #tpu.memory_space<hbm>>
        %dma_wait3A_2780 = tpu.memref_slice %arg5[%mul3A_2778] : memref<2097152xf32, #tpu.memory_space<hbm>> -> memref<4096xf32, #tpu.memory_space<hbm>>
        tpu.wait_dma2 semaphore(%run_scoped3A : memref<!tpu.dma_semaphore, #tpu.memory_space<semaphore_mem>>) src(%arg9 : memref<4096xf32, #tpu.memory_space<vmem>>) dst(%dma_wait3A_2780 : memref<4096xf32, #tpu.memory_space<hbm>>)
        tpu.yield
      }) : () -> ()
    }
    %scan3A_8 = arith.constant 16 : i32
    return
  }
}

module attributes {stable_mosaic.version = 14 : i64} {
  func.func @_fwd_kernel(%arg0: i32, %arg1: memref<64x10x2xf32, #tpu.memory_space<vmem>>, %arg2: memref<64x100xf32, #tpu.memory_space<vmem>>, %arg3: memref<64x16x3xf32, #tpu.memory_space<vmem>>, %arg4: memref<64x256xf32, #tpu.memory_space<vmem>>, %arg5: memref<64x6xf32, #tpu.memory_space<vmem>>, %arg6: memref<2x64xf32, #tpu.memory_space<vmem>>, %arg7: memref<1x64xf32, #tpu.memory_space<vmem>>, %arg8: memref<2x64xf32, #tpu.memory_space<vmem>>, %arg9: memref<64x64xf32, #tpu.memory_space<vmem>>, %arg10: memref<1x64xf32, #tpu.memory_space<vmem>>, %arg11: memref<64x64xf32, #tpu.memory_space<vmem>>, %arg12: memref<1x64xf32, #tpu.memory_space<vmem>>, %arg13: memref<1x64xf32, #tpu.memory_space<vmem>>, %arg14: memref<1x64xf32, #tpu.memory_space<vmem>>, %arg15: memref<1x64xf32, #tpu.memory_space<vmem>>, %arg16: memref<64x64xf32, #tpu.memory_space<vmem>>, %arg17: memref<1x64xf32, #tpu.memory_space<vmem>>, %arg18: memref<3x64xf32, #tpu.memory_space<vmem>>, %arg19: memref<1x64xf32, #tpu.memory_space<vmem>>, %arg20: memref<3x64xf32, #tpu.memory_space<vmem>>, %arg21: memref<64x64xf32, #tpu.memory_space<vmem>>, %arg22: memref<1x64xf32, #tpu.memory_space<vmem>>, %arg23: memref<64x64xf32, #tpu.memory_space<vmem>>, %arg24: memref<1x64xf32, #tpu.memory_space<vmem>>, %arg25: memref<1x64xf32, #tpu.memory_space<vmem>>, %arg26: memref<1x64xf32, #tpu.memory_space<vmem>>, %arg27: memref<1x64xf32, #tpu.memory_space<vmem>>, %arg28: memref<64x64xf32, #tpu.memory_space<vmem>>, %arg29: memref<1x64xf32, #tpu.memory_space<vmem>>, %arg30: memref<64x64xf32, #tpu.memory_space<vmem>>, %arg31: memref<64x64xf32, #tpu.memory_space<vmem>>, %arg32: memref<64x64xf32, #tpu.memory_space<vmem>>, %arg33: memref<64x64xf32, #tpu.memory_space<vmem>>, %arg34: memref<1x64xf32, #tpu.memory_space<vmem>>, %arg35: memref<1x64xf32, #tpu.memory_space<vmem>>, %arg36: memref<1x64xf32, #tpu.memory_space<vmem>>, %arg37: memref<1x6xf32, #tpu.memory_space<vmem>>, %arg38: memref<1x6xf32, #tpu.memory_space<vmem>>, %arg39: memref<1x1xf32, #tpu.memory_space<vmem>>, %arg40: memref<1x64xf32, #tpu.memory_space<vmem>>, %arg41: memref<1x64xf32, #tpu.memory_space<vmem>>, %arg42: memref<1x6xf32, #tpu.memory_space<vmem>>, %arg43: memref<1x6xf32, #tpu.memory_space<vmem>>, %arg44: memref<1x1xf32, #tpu.memory_space<vmem>>, %arg45: memref<1x64xf32, #tpu.memory_space<vmem>>, %arg46: memref<1x1xf32, #tpu.memory_space<vmem>>, %arg47: memref<129x64xf32, #tpu.memory_space<vmem>>, %arg48: memref<1x64xf32, #tpu.memory_space<vmem>>, %arg49: memref<1x64xf32, #tpu.memory_space<vmem>>, %arg50: memref<1x1xf32, #tpu.memory_space<vmem>>, %arg51: memref<45x10xf32, #tpu.memory_space<vmem>>, %arg52: memref<45x10xf32, #tpu.memory_space<vmem>>, %arg53: memref<64x56xf32, #tpu.memory_space<vmem>>, %arg54: memref<64x1xf32, #tpu.memory_space<vmem>>) attributes {dimension_semantics = [#tpu.dimension_semantics<arbitrary>], iteration_bounds = array<i64: 128>, scalar_prefetch = 0 : i64, scratch_operands = 0 : i64, tpu.core_type = #tpu.core_type<tc>, window_params = [{transform_indices = @transform_0, window_bounds = array<i64: 64, 10, 2>}, {transform_indices = @transform_1, window_bounds = array<i64: 64, 100>}, {transform_indices = @transform_2, window_bounds = array<i64: 64, 16, 3>}, {transform_indices = @transform_3, window_bounds = array<i64: 64, 256>}, {transform_indices = @transform_4, window_bounds = array<i64: 64, 6>}, {pipeline_mode = #tpu.pipeline_mode<synchronous>, transform_indices = @transform_5, window_bounds = array<i64: 2, 64>}, {pipeline_mode = #tpu.pipeline_mode<synchronous>, transform_indices = @transform_6, window_bounds = array<i64: 1, 64>}, {pipeline_mode = #tpu.pipeline_mode<synchronous>, transform_indices = @transform_7, window_bounds = array<i64: 2, 64>}, {pipeline_mode = #tpu.pipeline_mode<synchronous>, transform_indices = @transform_8, window_bounds = array<i64: 64, 64>}, {pipeline_mode = #tpu.pipeline_mode<synchronous>, transform_indices = @transform_9, window_bounds = array<i64: 1, 64>}, {pipeline_mode = #tpu.pipeline_mode<synchronous>, transform_indices = @transform_10, window_bounds = array<i64: 64, 64>}, {pipeline_mode = #tpu.pipeline_mode<synchronous>, transform_indices = @transform_11, window_bounds = array<i64: 1, 64>}, {pipeline_mode = #tpu.pipeline_mode<synchronous>, transform_indices = @transform_12, window_bounds = array<i64: 1, 64>}, {pipeline_mode = #tpu.pipeline_mode<synchronous>, transform_indices = @transform_13, window_bounds = array<i64: 1, 64>}, {pipeline_mode = #tpu.pipeline_mode<synchronous>, transform_indices = @transform_14, window_bounds = array<i64: 1, 64>}, {pipeline_mode = #tpu.pipeline_mode<synchronous>, transform_indices = @transform_15, window_bounds = array<i64: 64, 64>}, {pipeline_mode = #tpu.pipeline_mode<synchronous>, transform_indices = @transform_16, window_bounds = array<i64: 1, 64>}, {pipeline_mode = #tpu.pipeline_mode<synchronous>, transform_indices = @transform_17, window_bounds = array<i64: 3, 64>}, {pipeline_mode = #tpu.pipeline_mode<synchronous>, transform_indices = @transform_18, window_bounds = array<i64: 1, 64>}, {pipeline_mode = #tpu.pipeline_mode<synchronous>, transform_indices = @transform_19, window_bounds = array<i64: 3, 64>}, {pipeline_mode = #tpu.pipeline_mode<synchronous>, transform_indices = @transform_20, window_bounds = array<i64: 64, 64>}, {pipeline_mode = #tpu.pipeline_mode<synchronous>, transform_indices = @transform_21, window_bounds = array<i64: 1, 64>}, {pipeline_mode = #tpu.pipeline_mode<synchronous>, transform_indices = @transform_22, window_bounds = array<i64: 64, 64>}, {pipeline_mode = #tpu.pipeline_mode<synchronous>, transform_indices = @transform_23, window_bounds = array<i64: 1, 64>}, {pipeline_mode = #tpu.pipeline_mode<synchronous>, transform_indices = @transform_24, window_bounds = array<i64: 1, 64>}, {pipeline_mode = #tpu.pipeline_mode<synchronous>, transform_indices = @transform_25, window_bounds = array<i64: 1, 64>}, {pipeline_mode = #tpu.pipeline_mode<synchronous>, transform_indices = @transform_26, window_bounds = array<i64: 1, 64>}, {pipeline_mode = #tpu.pipeline_mode<synchronous>, transform_indices = @transform_27, window_bounds = array<i64: 64, 64>}, {pipeline_mode = #tpu.pipeline_mode<synchronous>, transform_indices = @transform_28, window_bounds = array<i64: 1, 64>}, {pipeline_mode = #tpu.pipeline_mode<synchronous>, transform_indices = @transform_29, window_bounds = array<i64: 64, 64>}, {pipeline_mode = #tpu.pipeline_mode<synchronous>, transform_indices = @transform_30, window_bounds = array<i64: 64, 64>}, {pipeline_mode = #tpu.pipeline_mode<synchronous>, transform_indices = @transform_31, window_bounds = array<i64: 64, 64>}, {pipeline_mode = #tpu.pipeline_mode<synchronous>, transform_indices = @transform_32, window_bounds = array<i64: 64, 64>}, {pipeline_mode = #tpu.pipeline_mode<synchronous>, transform_indices = @transform_33, window_bounds = array<i64: 1, 64>}, {pipeline_mode = #tpu.pipeline_mode<synchronous>, transform_indices = @transform_34, window_bounds = array<i64: 1, 64>}, {pipeline_mode = #tpu.pipeline_mode<synchronous>, transform_indices = @transform_35, window_bounds = array<i64: 1, 64>}, {pipeline_mode = #tpu.pipeline_mode<synchronous>, transform_indices = @transform_36, window_bounds = array<i64: 1, 6>}, {pipeline_mode = #tpu.pipeline_mode<synchronous>, transform_indices = @transform_37, window_bounds = array<i64: 1, 6>}, {pipeline_mode = #tpu.pipeline_mode<synchronous>, transform_indices = @transform_38, window_bounds = array<i64: 1, 1>}, {pipeline_mode = #tpu.pipeline_mode<synchronous>, transform_indices = @transform_39, window_bounds = array<i64: 1, 64>}, {pipeline_mode = #tpu.pipeline_mode<synchronous>, transform_indices = @transform_40, window_bounds = array<i64: 1, 64>}, {pipeline_mode = #tpu.pipeline_mode<synchronous>, transform_indices = @transform_41, window_bounds = array<i64: 1, 6>}, {pipeline_mode = #tpu.pipeline_mode<synchronous>, transform_indices = @transform_42, window_bounds = array<i64: 1, 6>}, {pipeline_mode = #tpu.pipeline_mode<synchronous>, transform_indices = @transform_43, window_bounds = array<i64: 1, 1>}, {pipeline_mode = #tpu.pipeline_mode<synchronous>, transform_indices = @transform_44, window_bounds = array<i64: 1, 64>}, {pipeline_mode = #tpu.pipeline_mode<synchronous>, transform_indices = @transform_45, window_bounds = array<i64: 1, 1>}, {pipeline_mode = #tpu.pipeline_mode<synchronous>, transform_indices = @transform_46, window_bounds = array<i64: 129, 64>}, {pipeline_mode = #tpu.pipeline_mode<synchronous>, transform_indices = @transform_47, window_bounds = array<i64: 1, 64>}, {pipeline_mode = #tpu.pipeline_mode<synchronous>, transform_indices = @transform_48, window_bounds = array<i64: 1, 64>}, {pipeline_mode = #tpu.pipeline_mode<synchronous>, transform_indices = @transform_49, window_bounds = array<i64: 1, 1>}, {pipeline_mode = #tpu.pipeline_mode<synchronous>, transform_indices = @transform_50, window_bounds = array<i64: 45, 10>}, {pipeline_mode = #tpu.pipeline_mode<synchronous>, transform_indices = @transform_51, window_bounds = array<i64: 45, 10>}, {transform_indices = @transform_52, window_bounds = array<i64: 64, 56>}, {transform_indices = @transform_53, window_bounds = array<i64: 64, 1>}]} {
    %get3A = arith.constant 0 : index
    %get3A_0 = arith.constant 0 : index
    %get3A_1 = arith.constant 0 : index
    %get3A_2 = vector.load %arg1[%get3A, %get3A_0, %get3A_1] : memref<64x10x2xf32, #tpu.memory_space<vmem>>, vector<64x10x2xf32>
    %get3A_3 = arith.constant 0 : index
    %get3A_4 = arith.constant 0 : index
    %get3A_5 = arith.constant 0 : index
    %get3A_6 = vector.load %arg3[%get3A_3, %get3A_4, %get3A_5] : memref<64x16x3xf32, #tpu.memory_space<vmem>>, vector<64x16x3xf32>
    %get3A_7 = arith.constant 0 : index
    %get3A_8 = arith.constant 0 : index
    %get3A_9 = vector.load %arg5[%get3A_7, %get3A_8] : memref<64x6xf32, #tpu.memory_space<vmem>>, vector<64x6xf32>
    %get3A_10 = arith.constant 0 : index
    %get3A_11 = arith.constant 0 : index
    %get3A_12 = vector.load %arg6[%get3A_10, %get3A_11] : memref<2x64xf32, #tpu.memory_space<vmem>>, vector<2x64xf32>
    %get3A_13 = arith.constant 0 : index
    %get3A_14 = arith.constant 0 : index
    %get3A_15 = vector.load %arg7[%get3A_13, %get3A_14] : memref<1x64xf32, #tpu.memory_space<vmem>>, vector<1x64xf32>
    %get3A_16 = arith.constant 0 : index
    %get3A_17 = arith.constant 0 : index
    %get3A_18 = vector.load %arg8[%get3A_16, %get3A_17] : memref<2x64xf32, #tpu.memory_space<vmem>>, vector<2x64xf32>
    %get3A_19 = arith.constant 0 : index
    %get3A_20 = arith.constant 0 : index
    %get3A_21 = vector.load %arg9[%get3A_19, %get3A_20] : memref<64x64xf32, #tpu.memory_space<vmem>>, vector<64x64xf32>
    %get3A_22 = arith.constant 0 : index
    %get3A_23 = arith.constant 0 : index
    %get3A_24 = vector.load %arg10[%get3A_22, %get3A_23] : memref<1x64xf32, #tpu.memory_space<vmem>>, vector<1x64xf32>
    %get3A_25 = arith.constant 0 : index
    %get3A_26 = arith.constant 0 : index
    %get3A_27 = vector.load %arg11[%get3A_25, %get3A_26] : memref<64x64xf32, #tpu.memory_space<vmem>>, vector<64x64xf32>
    %get3A_28 = arith.constant 0 : index
    %get3A_29 = arith.constant 0 : index
    %get3A_30 = vector.load %arg12[%get3A_28, %get3A_29] : memref<1x64xf32, #tpu.memory_space<vmem>>, vector<1x64xf32>
    %get3A_31 = arith.constant 0 : index
    %get3A_32 = arith.constant 0 : index
    %get3A_33 = vector.load %arg13[%get3A_31, %get3A_32] : memref<1x64xf32, #tpu.memory_space<vmem>>, vector<1x64xf32>
    %get3A_34 = arith.constant 0 : index
    %get3A_35 = arith.constant 0 : index
    %get3A_36 = vector.load %arg14[%get3A_34, %get3A_35] : memref<1x64xf32, #tpu.memory_space<vmem>>, vector<1x64xf32>
    %get3A_37 = arith.constant 0 : index
    %get3A_38 = arith.constant 0 : index
    %get3A_39 = vector.load %arg15[%get3A_37, %get3A_38] : memref<1x64xf32, #tpu.memory_space<vmem>>, vector<1x64xf32>
    %get3A_40 = arith.constant 0 : index
    %get3A_41 = arith.constant 0 : index
    %get3A_42 = vector.load %arg16[%get3A_40, %get3A_41] : memref<64x64xf32, #tpu.memory_space<vmem>>, vector<64x64xf32>
    %get3A_43 = arith.constant 0 : index
    %get3A_44 = arith.constant 0 : index
    %get3A_45 = vector.load %arg17[%get3A_43, %get3A_44] : memref<1x64xf32, #tpu.memory_space<vmem>>, vector<1x64xf32>
    %get3A_46 = arith.constant 0 : index
    %get3A_47 = arith.constant 0 : index
    %get3A_48 = vector.load %arg2[%get3A_46, %get3A_47] : memref<64x100xf32, #tpu.memory_space<vmem>>, vector<64x100xf32>
    %reshape3A = vector.shape_cast %get3A_48 : vector<64x100xf32> to vector<64x10x10xf32>
    %reduce_sum3A = arith.constant dense<0.000000e+00> : vector<64x10xf32>
    %reduce_sum3A_49 = vector.multi_reduction <add>, %reshape3A, %reduce_sum3A [2] : vector<64x10x10xf32> to vector<64x10xf32>
    %broadcast_in_dim3A = vector.shape_cast %reduce_sum3A_49 : vector<64x10xf32> to vector<64x10x1xf32>
    %max3A = arith.constant 1.000000e+00 : f32
    %max3A_50 = vector.broadcast %max3A : f32 to vector<64x10x1xf32>
    %max3A_51 = arith.maximumf %broadcast_in_dim3A, %max3A_50 : vector<64x10x1xf32>
    %div3A = arith.constant 1.000000e+00 : f32
    %div3A_52 = vector.broadcast %div3A : f32 to vector<64x10x1xf32>
    %div3A_53 = arith.divf %div3A_52, %max3A_51 : vector<64x10x1xf32>
    %mul3A = vector.broadcast %div3A_53 : vector<64x10x1xf32> to vector<64x10x10xf32>
    %mul3A_54 = arith.mulf %reshape3A, %mul3A : vector<64x10x10xf32>
    %reshape3A_55 = vector.shape_cast %get3A_2 : vector<64x10x2xf32> to vector<640x2xf32>
    %dot_general3A = arith.constant dense<0.000000e+00> : vector<640x64xf32>
    %dot_general3A_56 = tpu.matmul %reshape3A_55, %get3A_12, %dot_general3A {dimension_numbers = #tpu.dot_dimension_numbers<[1], [0], [0], [1], [0, 0, 1, 1], [], []>, transpose_lhs_hint = false} : vector<640x2xf32>, vector<2x64xf32>, vector<640x64xf32> -> vector<640x64xf32>
    %reshape3A_57 = vector.shape_cast %dot_general3A_56 : vector<640x64xf32> to vector<64x10x64xf32>
    %dot_general3A_58 = arith.constant dense<0.000000e+00> : vector<640x64xf32>
    %dot_general3A_59 = tpu.matmul %reshape3A_55, %get3A_18, %dot_general3A_58 {dimension_numbers = #tpu.dot_dimension_numbers<[1], [0], [0], [1], [0, 0, 1, 1], [], []>, transpose_lhs_hint = false} : vector<640x2xf32>, vector<2x64xf32>, vector<640x64xf32> -> vector<640x64xf32>
    %reshape3A_60 = vector.shape_cast %dot_general3A_59 : vector<640x64xf32> to vector<64x10x64xf32>
    %dot_general3A_61 = arith.constant dense<0.000000e+00> : vector<64x10x64xf32>
    %dot_general3A_62 = tpu.matmul %mul3A_54, %reshape3A_57, %dot_general3A_61 {dimension_numbers = #tpu.dot_dimension_numbers<[2], [1], [1], [2], [0, 0, 0, 1, 1, 2], [0], [0]>, transpose_lhs_hint = false} : vector<64x10x10xf32>, vector<64x10x64xf32>, vector<64x10x64xf32> -> vector<64x10x64xf32>
    %broadcast_in_dim3A_63 = vector.shape_cast %get3A_15 : vector<1x64xf32> to vector<1x1x64xf32>
    %add3A = vector.broadcast %broadcast_in_dim3A_63 : vector<1x1x64xf32> to vector<64x10x64xf32>
    %add3A_64 = arith.addf %dot_general3A_62, %add3A : vector<64x10x64xf32>
    %add3A_65 = arith.addf %add3A_64, %reshape3A_60 : vector<64x10x64xf32>
    %reduce_sum3A_66 = arith.constant dense<0.000000e+00> : vector<64x10xf32>
    %reduce_sum3A_67 = vector.multi_reduction <add>, %add3A_65, %reduce_sum3A_66 [2] : vector<64x10x64xf32> to vector<64x10xf32>
    %broadcast_in_dim3A_68 = vector.shape_cast %reduce_sum3A_67 : vector<64x10xf32> to vector<64x10x1xf32>
    %div3A_69 = arith.constant 6.400000e+01 : f32
    %div3A_70 = vector.broadcast %div3A_69 : f32 to vector<64x10x1xf32>
    %div3A_71 = arith.divf %broadcast_in_dim3A_68, %div3A_70 : vector<64x10x1xf32>
    %jit3A = arith.constant 0 : i32
    %reduce_sum3A_72 = arith.constant dense<0.000000e+00> : vector<64x10xf32>
    %reduce_sum3A_73 = vector.multi_reduction <add>, %add3A_65, %reduce_sum3A_72 [2] : vector<64x10x64xf32> to vector<64x10xf32>
    %broadcast_in_dim3A_74 = vector.shape_cast %reduce_sum3A_73 : vector<64x10xf32> to vector<64x10x1xf32>
    %div3A_75 = arith.constant 6.400000e+01 : f32
    %div3A_76 = vector.broadcast %div3A_75 : f32 to vector<64x10x1xf32>
    %div3A_77 = arith.divf %broadcast_in_dim3A_74, %div3A_76 : vector<64x10x1xf32>
    %sub3A = vector.broadcast %div3A_77 : vector<64x10x1xf32> to vector<64x10x64xf32>
    %sub3A_78 = arith.subf %add3A_65, %sub3A : vector<64x10x64xf32>
    %square3A = arith.mulf %sub3A_78, %sub3A_78 : vector<64x10x64xf32>
    %convert_element_type3A = arith.sitofp %jit3A : i32 to f32
    %sub3A_79 = arith.constant 6.400000e+01 : f32
    %sub3A_80 = arith.subf %sub3A_79, %convert_element_type3A : f32
    %reduce_sum3A_81 = arith.constant dense<0.000000e+00> : vector<64x10xf32>
    %reduce_sum3A_82 = vector.multi_reduction <add>, %square3A, %reduce_sum3A_81 [2] : vector<64x10x64xf32> to vector<64x10xf32>
    %broadcast_in_dim3A_83 = vector.shape_cast %reduce_sum3A_82 : vector<64x10xf32> to vector<64x10x1xf32>
    %div3A_84 = vector.broadcast %sub3A_80 : f32 to vector<64x10x1xf32>
    %div3A_85 = arith.divf %broadcast_in_dim3A_83, %div3A_84 : vector<64x10x1xf32>
    %gt3A = arith.constant 0.000000e+00 : f32
    %gt3A_86 = arith.cmpf ogt, %sub3A_80, %gt3A : f32
    %jit3A_87 = arith.constant 0x7FC00000 : f32
    %broadcast_in_dim3A_88 = vector.broadcast %jit3A_87 : f32 to vector<64x10x1xf32>
    %select_n3A = arith.select %gt3A_86, %div3A_85, %broadcast_in_dim3A_88 : vector<64x10x1xf32>
    %sub3A_89 = vector.broadcast %div3A_71 : vector<64x10x1xf32> to vector<64x10x64xf32>
    %sub3A_90 = arith.subf %add3A_65, %sub3A_89 : vector<64x10x64xf32>
    %add3A_91 = arith.constant 9.99999974E-6 : f32
    %add3A_92 = vector.broadcast %add3A_91 : f32 to vector<64x10x1xf32>
    %add3A_93 = arith.addf %select_n3A, %add3A_92 : vector<64x10x1xf32>
    %sqrt3A = math.sqrt %add3A_93 : vector<64x10x1xf32>
    %div3A_94 = vector.broadcast %sqrt3A : vector<64x10x1xf32> to vector<64x10x64xf32>
    %div3A_95 = arith.divf %sub3A_90, %div3A_94 : vector<64x10x64xf32>
    %broadcast_in_dim3A_96 = vector.shape_cast %get3A_30 : vector<1x64xf32> to vector<1x1x64xf32>
    %mul3A_97 = vector.broadcast %broadcast_in_dim3A_96 : vector<1x1x64xf32> to vector<64x10x64xf32>
    %mul3A_98 = arith.mulf %div3A_95, %mul3A_97 : vector<64x10x64xf32>
    %broadcast_in_dim3A_99 = vector.shape_cast %get3A_33 : vector<1x64xf32> to vector<1x1x64xf32>
    %add3A_100 = vector.broadcast %broadcast_in_dim3A_99 : vector<1x1x64xf32> to vector<64x10x64xf32>
    %add3A_101 = arith.addf %mul3A_98, %add3A_100 : vector<64x10x64xf32>
    %max3A_102 = arith.constant 0.000000e+00 : f32
    %max3A_103 = vector.broadcast %max3A_102 : f32 to vector<64x10x64xf32>
    %max3A_104 = arith.maximumf %add3A_101, %max3A_103 : vector<64x10x64xf32>
    %reshape3A_105 = vector.shape_cast %max3A_104 : vector<64x10x64xf32> to vector<640x64xf32>
    %dot_general3A_106 = arith.constant dense<0.000000e+00> : vector<640x64xf32>
    %dot_general3A_107 = tpu.matmul %reshape3A_105, %get3A_21, %dot_general3A_106 {dimension_numbers = #tpu.dot_dimension_numbers<[1], [0], [0], [1], [0, 0, 1, 1], [], []>, transpose_lhs_hint = false} : vector<640x64xf32>, vector<64x64xf32>, vector<640x64xf32> -> vector<640x64xf32>
    %reshape3A_108 = vector.shape_cast %dot_general3A_107 : vector<640x64xf32> to vector<64x10x64xf32>
    %dot_general3A_109 = arith.constant dense<0.000000e+00> : vector<640x64xf32>
    %dot_general3A_110 = tpu.matmul %reshape3A_105, %get3A_27, %dot_general3A_109 {dimension_numbers = #tpu.dot_dimension_numbers<[1], [0], [0], [1], [0, 0, 1, 1], [], []>, transpose_lhs_hint = false} : vector<640x64xf32>, vector<64x64xf32>, vector<640x64xf32> -> vector<640x64xf32>
    %reshape3A_111 = vector.shape_cast %dot_general3A_110 : vector<640x64xf32> to vector<64x10x64xf32>
    %dot_general3A_112 = arith.constant dense<0.000000e+00> : vector<64x10x64xf32>
    %dot_general3A_113 = tpu.matmul %mul3A_54, %reshape3A_108, %dot_general3A_112 {dimension_numbers = #tpu.dot_dimension_numbers<[2], [1], [1], [2], [0, 0, 0, 1, 1, 2], [0], [0]>, transpose_lhs_hint = false} : vector<64x10x10xf32>, vector<64x10x64xf32>, vector<64x10x64xf32> -> vector<64x10x64xf32>
    %broadcast_in_dim3A_114 = vector.shape_cast %get3A_24 : vector<1x64xf32> to vector<1x1x64xf32>
    %add3A_115 = vector.broadcast %broadcast_in_dim3A_114 : vector<1x1x64xf32> to vector<64x10x64xf32>
    %add3A_116 = arith.addf %dot_general3A_113, %add3A_115 : vector<64x10x64xf32>
    %add3A_117 = arith.addf %add3A_116, %reshape3A_111 : vector<64x10x64xf32>
    %reduce_sum3A_118 = arith.constant dense<0.000000e+00> : vector<64x10xf32>
    %reduce_sum3A_119 = vector.multi_reduction <add>, %add3A_117, %reduce_sum3A_118 [2] : vector<64x10x64xf32> to vector<64x10xf32>
    %broadcast_in_dim3A_120 = vector.shape_cast %reduce_sum3A_119 : vector<64x10xf32> to vector<64x10x1xf32>
    %div3A_121 = arith.constant 6.400000e+01 : f32
    %div3A_122 = vector.broadcast %div3A_121 : f32 to vector<64x10x1xf32>
    %div3A_123 = arith.divf %broadcast_in_dim3A_120, %div3A_122 : vector<64x10x1xf32>
    %jit3A_124 = arith.constant 0 : i32
    %reduce_sum3A_125 = arith.constant dense<0.000000e+00> : vector<64x10xf32>
    %reduce_sum3A_126 = vector.multi_reduction <add>, %add3A_117, %reduce_sum3A_125 [2] : vector<64x10x64xf32> to vector<64x10xf32>
    %broadcast_in_dim3A_127 = vector.shape_cast %reduce_sum3A_126 : vector<64x10xf32> to vector<64x10x1xf32>
    %div3A_128 = arith.constant 6.400000e+01 : f32
    %div3A_129 = vector.broadcast %div3A_128 : f32 to vector<64x10x1xf32>
    %div3A_130 = arith.divf %broadcast_in_dim3A_127, %div3A_129 : vector<64x10x1xf32>
    %sub3A_131 = vector.broadcast %div3A_130 : vector<64x10x1xf32> to vector<64x10x64xf32>
    %sub3A_132 = arith.subf %add3A_117, %sub3A_131 : vector<64x10x64xf32>
    %square3A_133 = arith.mulf %sub3A_132, %sub3A_132 : vector<64x10x64xf32>
    %convert_element_type3A_134 = arith.sitofp %jit3A_124 : i32 to f32
    %sub3A_135 = arith.constant 6.400000e+01 : f32
    %sub3A_136 = arith.subf %sub3A_135, %convert_element_type3A_134 : f32
    %reduce_sum3A_137 = arith.constant dense<0.000000e+00> : vector<64x10xf32>
    %reduce_sum3A_138 = vector.multi_reduction <add>, %square3A_133, %reduce_sum3A_137 [2] : vector<64x10x64xf32> to vector<64x10xf32>
    %broadcast_in_dim3A_139 = vector.shape_cast %reduce_sum3A_138 : vector<64x10xf32> to vector<64x10x1xf32>
    %div3A_140 = vector.broadcast %sub3A_136 : f32 to vector<64x10x1xf32>
    %div3A_141 = arith.divf %broadcast_in_dim3A_139, %div3A_140 : vector<64x10x1xf32>
    %gt3A_142 = arith.constant 0.000000e+00 : f32
    %gt3A_143 = arith.cmpf ogt, %sub3A_136, %gt3A_142 : f32
    %jit3A_144 = arith.constant 0x7FC00000 : f32
    %broadcast_in_dim3A_145 = vector.broadcast %jit3A_144 : f32 to vector<64x10x1xf32>
    %select_n3A_146 = arith.select %gt3A_143, %div3A_141, %broadcast_in_dim3A_145 : vector<64x10x1xf32>
    %sub3A_147 = vector.broadcast %div3A_123 : vector<64x10x1xf32> to vector<64x10x64xf32>
    %sub3A_148 = arith.subf %add3A_117, %sub3A_147 : vector<64x10x64xf32>
    %add3A_149 = arith.constant 9.99999974E-6 : f32
    %add3A_150 = vector.broadcast %add3A_149 : f32 to vector<64x10x1xf32>
    %add3A_151 = arith.addf %select_n3A_146, %add3A_150 : vector<64x10x1xf32>
    %sqrt3A_152 = math.sqrt %add3A_151 : vector<64x10x1xf32>
    %div3A_153 = vector.broadcast %sqrt3A_152 : vector<64x10x1xf32> to vector<64x10x64xf32>
    %div3A_154 = arith.divf %sub3A_148, %div3A_153 : vector<64x10x64xf32>
    %broadcast_in_dim3A_155 = vector.shape_cast %get3A_36 : vector<1x64xf32> to vector<1x1x64xf32>
    %mul3A_156 = vector.broadcast %broadcast_in_dim3A_155 : vector<1x1x64xf32> to vector<64x10x64xf32>
    %mul3A_157 = arith.mulf %div3A_154, %mul3A_156 : vector<64x10x64xf32>
    %broadcast_in_dim3A_158 = vector.shape_cast %get3A_39 : vector<1x64xf32> to vector<1x1x64xf32>
    %add3A_159 = vector.broadcast %broadcast_in_dim3A_158 : vector<1x1x64xf32> to vector<64x10x64xf32>
    %add3A_160 = arith.addf %mul3A_157, %add3A_159 : vector<64x10x64xf32>
    %max3A_161 = arith.constant 0.000000e+00 : f32
    %max3A_162 = vector.broadcast %max3A_161 : f32 to vector<64x10x64xf32>
    %max3A_163 = arith.maximumf %add3A_160, %max3A_162 : vector<64x10x64xf32>
    %reshape3A_164 = vector.shape_cast %max3A_163 : vector<64x10x64xf32> to vector<640x64xf32>
    %dot_general3A_165 = arith.constant dense<0.000000e+00> : vector<640x64xf32>
    %dot_general3A_166 = tpu.matmul %reshape3A_164, %get3A_42, %dot_general3A_165 {dimension_numbers = #tpu.dot_dimension_numbers<[1], [0], [0], [1], [0, 0, 1, 1], [], []>, transpose_lhs_hint = false} : vector<640x64xf32>, vector<64x64xf32>, vector<640x64xf32> -> vector<640x64xf32>
    %add3A_167 = vector.broadcast %get3A_45 : vector<1x64xf32> to vector<640x64xf32>
    %add3A_168 = arith.addf %dot_general3A_166, %add3A_167 : vector<640x64xf32>
    %reshape3A_169 = vector.shape_cast %add3A_168 : vector<640x64xf32> to vector<64x10x64xf32>
    %get3A_170 = arith.constant 0 : index
    %get3A_171 = arith.constant 0 : index
    %get3A_172 = vector.load %arg18[%get3A_170, %get3A_171] : memref<3x64xf32, #tpu.memory_space<vmem>>, vector<3x64xf32>
    %get3A_173 = arith.constant 0 : index
    %get3A_174 = arith.constant 0 : index
    %get3A_175 = vector.load %arg19[%get3A_173, %get3A_174] : memref<1x64xf32, #tpu.memory_space<vmem>>, vector<1x64xf32>
    %get3A_176 = arith.constant 0 : index
    %get3A_177 = arith.constant 0 : index
    %get3A_178 = vector.load %arg20[%get3A_176, %get3A_177] : memref<3x64xf32, #tpu.memory_space<vmem>>, vector<3x64xf32>
    %get3A_179 = arith.constant 0 : index
    %get3A_180 = arith.constant 0 : index
    %get3A_181 = vector.load %arg21[%get3A_179, %get3A_180] : memref<64x64xf32, #tpu.memory_space<vmem>>, vector<64x64xf32>
    %get3A_182 = arith.constant 0 : index
    %get3A_183 = arith.constant 0 : index
    %get3A_184 = vector.load %arg22[%get3A_182, %get3A_183] : memref<1x64xf32, #tpu.memory_space<vmem>>, vector<1x64xf32>
    %get3A_185 = arith.constant 0 : index
    %get3A_186 = arith.constant 0 : index
    %get3A_187 = vector.load %arg23[%get3A_185, %get3A_186] : memref<64x64xf32, #tpu.memory_space<vmem>>, vector<64x64xf32>
    %get3A_188 = arith.constant 0 : index
    %get3A_189 = arith.constant 0 : index
    %get3A_190 = vector.load %arg24[%get3A_188, %get3A_189] : memref<1x64xf32, #tpu.memory_space<vmem>>, vector<1x64xf32>
    %get3A_191 = arith.constant 0 : index
    %get3A_192 = arith.constant 0 : index
    %get3A_193 = vector.load %arg25[%get3A_191, %get3A_192] : memref<1x64xf32, #tpu.memory_space<vmem>>, vector<1x64xf32>
    %get3A_194 = arith.constant 0 : index
    %get3A_195 = arith.constant 0 : index
    %get3A_196 = vector.load %arg26[%get3A_194, %get3A_195] : memref<1x64xf32, #tpu.memory_space<vmem>>, vector<1x64xf32>
    %get3A_197 = arith.constant 0 : index
    %get3A_198 = arith.constant 0 : index
    %get3A_199 = vector.load %arg27[%get3A_197, %get3A_198] : memref<1x64xf32, #tpu.memory_space<vmem>>, vector<1x64xf32>
    %get3A_200 = arith.constant 0 : index
    %get3A_201 = arith.constant 0 : index
    %get3A_202 = vector.load %arg28[%get3A_200, %get3A_201] : memref<64x64xf32, #tpu.memory_space<vmem>>, vector<64x64xf32>
    %get3A_203 = arith.constant 0 : index
    %get3A_204 = arith.constant 0 : index
    %get3A_205 = vector.load %arg29[%get3A_203, %get3A_204] : memref<1x64xf32, #tpu.memory_space<vmem>>, vector<1x64xf32>
    %get3A_206 = arith.constant 0 : index
    %get3A_207 = arith.constant 0 : index
    %get3A_208 = vector.load %arg4[%get3A_206, %get3A_207] : memref<64x256xf32, #tpu.memory_space<vmem>>, vector<64x256xf32>
    %reshape3A_209 = vector.shape_cast %get3A_208 : vector<64x256xf32> to vector<64x16x16xf32>
    %reduce_sum3A_210 = arith.constant dense<0.000000e+00> : vector<64x16xf32>
    %reduce_sum3A_211 = vector.multi_reduction <add>, %reshape3A_209, %reduce_sum3A_210 [2] : vector<64x16x16xf32> to vector<64x16xf32>
    %broadcast_in_dim3A_212 = vector.shape_cast %reduce_sum3A_211 : vector<64x16xf32> to vector<64x16x1xf32>
    %max3A_213 = arith.constant 1.000000e+00 : f32
    %max3A_214 = vector.broadcast %max3A_213 : f32 to vector<64x16x1xf32>
    %max3A_215 = arith.maximumf %broadcast_in_dim3A_212, %max3A_214 : vector<64x16x1xf32>
    %div3A_216 = arith.constant 1.000000e+00 : f32
    %div3A_217 = vector.broadcast %div3A_216 : f32 to vector<64x16x1xf32>
    %div3A_218 = arith.divf %div3A_217, %max3A_215 : vector<64x16x1xf32>
    %mul3A_219 = vector.broadcast %div3A_218 : vector<64x16x1xf32> to vector<64x16x16xf32>
    %mul3A_220 = arith.mulf %reshape3A_209, %mul3A_219 : vector<64x16x16xf32>
    %reshape3A_221 = vector.shape_cast %get3A_6 : vector<64x16x3xf32> to vector<1024x3xf32>
    %dot_general3A_222 = arith.constant dense<0.000000e+00> : vector<1024x64xf32>
    %dot_general3A_223 = tpu.matmul %reshape3A_221, %get3A_172, %dot_general3A_222 {dimension_numbers = #tpu.dot_dimension_numbers<[1], [0], [0], [1], [0, 0, 1, 1], [], []>, transpose_lhs_hint = false} : vector<1024x3xf32>, vector<3x64xf32>, vector<1024x64xf32> -> vector<1024x64xf32>
    %reshape3A_224 = vector.shape_cast %dot_general3A_223 : vector<1024x64xf32> to vector<64x16x64xf32>
    %dot_general3A_225 = arith.constant dense<0.000000e+00> : vector<1024x64xf32>
    %dot_general3A_226 = tpu.matmul %reshape3A_221, %get3A_178, %dot_general3A_225 {dimension_numbers = #tpu.dot_dimension_numbers<[1], [0], [0], [1], [0, 0, 1, 1], [], []>, transpose_lhs_hint = false} : vector<1024x3xf32>, vector<3x64xf32>, vector<1024x64xf32> -> vector<1024x64xf32>
    %reshape3A_227 = vector.shape_cast %dot_general3A_226 : vector<1024x64xf32> to vector<64x16x64xf32>
    %dot_general3A_228 = arith.constant dense<0.000000e+00> : vector<64x16x64xf32>
    %dot_general3A_229 = tpu.matmul %mul3A_220, %reshape3A_224, %dot_general3A_228 {dimension_numbers = #tpu.dot_dimension_numbers<[2], [1], [1], [2], [0, 0, 0, 1, 1, 2], [0], [0]>, transpose_lhs_hint = false} : vector<64x16x16xf32>, vector<64x16x64xf32>, vector<64x16x64xf32> -> vector<64x16x64xf32>
    %broadcast_in_dim3A_230 = vector.shape_cast %get3A_175 : vector<1x64xf32> to vector<1x1x64xf32>
    %add3A_231 = vector.broadcast %broadcast_in_dim3A_230 : vector<1x1x64xf32> to vector<64x16x64xf32>
    %add3A_232 = arith.addf %dot_general3A_229, %add3A_231 : vector<64x16x64xf32>
    %add3A_233 = arith.addf %add3A_232, %reshape3A_227 : vector<64x16x64xf32>
    %reduce_sum3A_234 = arith.constant dense<0.000000e+00> : vector<64x16xf32>
    %reduce_sum3A_235 = vector.multi_reduction <add>, %add3A_233, %reduce_sum3A_234 [2] : vector<64x16x64xf32> to vector<64x16xf32>
    %broadcast_in_dim3A_236 = vector.shape_cast %reduce_sum3A_235 : vector<64x16xf32> to vector<64x16x1xf32>
    %div3A_237 = arith.constant 6.400000e+01 : f32
    %div3A_238 = vector.broadcast %div3A_237 : f32 to vector<64x16x1xf32>
    %div3A_239 = arith.divf %broadcast_in_dim3A_236, %div3A_238 : vector<64x16x1xf32>
    %jit3A_240 = arith.constant 0 : i32
    %reduce_sum3A_241 = arith.constant dense<0.000000e+00> : vector<64x16xf32>
    %reduce_sum3A_242 = vector.multi_reduction <add>, %add3A_233, %reduce_sum3A_241 [2] : vector<64x16x64xf32> to vector<64x16xf32>
    %broadcast_in_dim3A_243 = vector.shape_cast %reduce_sum3A_242 : vector<64x16xf32> to vector<64x16x1xf32>
    %div3A_244 = arith.constant 6.400000e+01 : f32
    %div3A_245 = vector.broadcast %div3A_244 : f32 to vector<64x16x1xf32>
    %div3A_246 = arith.divf %broadcast_in_dim3A_243, %div3A_245 : vector<64x16x1xf32>
    %sub3A_247 = vector.broadcast %div3A_246 : vector<64x16x1xf32> to vector<64x16x64xf32>
    %sub3A_248 = arith.subf %add3A_233, %sub3A_247 : vector<64x16x64xf32>
    %square3A_249 = arith.mulf %sub3A_248, %sub3A_248 : vector<64x16x64xf32>
    %convert_element_type3A_250 = arith.sitofp %jit3A_240 : i32 to f32
    %sub3A_251 = arith.constant 6.400000e+01 : f32
    %sub3A_252 = arith.subf %sub3A_251, %convert_element_type3A_250 : f32
    %reduce_sum3A_253 = arith.constant dense<0.000000e+00> : vector<64x16xf32>
    %reduce_sum3A_254 = vector.multi_reduction <add>, %square3A_249, %reduce_sum3A_253 [2] : vector<64x16x64xf32> to vector<64x16xf32>
    %broadcast_in_dim3A_255 = vector.shape_cast %reduce_sum3A_254 : vector<64x16xf32> to vector<64x16x1xf32>
    %div3A_256 = vector.broadcast %sub3A_252 : f32 to vector<64x16x1xf32>
    %div3A_257 = arith.divf %broadcast_in_dim3A_255, %div3A_256 : vector<64x16x1xf32>
    %gt3A_258 = arith.constant 0.000000e+00 : f32
    %gt3A_259 = arith.cmpf ogt, %sub3A_252, %gt3A_258 : f32
    %jit3A_260 = arith.constant 0x7FC00000 : f32
    %broadcast_in_dim3A_261 = vector.broadcast %jit3A_260 : f32 to vector<64x16x1xf32>
    %select_n3A_262 = arith.select %gt3A_259, %div3A_257, %broadcast_in_dim3A_261 : vector<64x16x1xf32>
    %sub3A_263 = vector.broadcast %div3A_239 : vector<64x16x1xf32> to vector<64x16x64xf32>
    %sub3A_264 = arith.subf %add3A_233, %sub3A_263 : vector<64x16x64xf32>
    %add3A_265 = arith.constant 9.99999974E-6 : f32
    %add3A_266 = vector.broadcast %add3A_265 : f32 to vector<64x16x1xf32>
    %add3A_267 = arith.addf %select_n3A_262, %add3A_266 : vector<64x16x1xf32>
    %sqrt3A_268 = math.sqrt %add3A_267 : vector<64x16x1xf32>
    %div3A_269 = vector.broadcast %sqrt3A_268 : vector<64x16x1xf32> to vector<64x16x64xf32>
    %div3A_270 = arith.divf %sub3A_264, %div3A_269 : vector<64x16x64xf32>
    %broadcast_in_dim3A_271 = vector.shape_cast %get3A_190 : vector<1x64xf32> to vector<1x1x64xf32>
    %mul3A_272 = vector.broadcast %broadcast_in_dim3A_271 : vector<1x1x64xf32> to vector<64x16x64xf32>
    %mul3A_273 = arith.mulf %div3A_270, %mul3A_272 : vector<64x16x64xf32>
    %broadcast_in_dim3A_274 = vector.shape_cast %get3A_193 : vector<1x64xf32> to vector<1x1x64xf32>
    %add3A_275 = vector.broadcast %broadcast_in_dim3A_274 : vector<1x1x64xf32> to vector<64x16x64xf32>
    %add3A_276 = arith.addf %mul3A_273, %add3A_275 : vector<64x16x64xf32>
    %max3A_277 = arith.constant 0.000000e+00 : f32
    %max3A_278 = vector.broadcast %max3A_277 : f32 to vector<64x16x64xf32>
    %max3A_279 = arith.maximumf %add3A_276, %max3A_278 : vector<64x16x64xf32>
    %reshape3A_280 = vector.shape_cast %max3A_279 : vector<64x16x64xf32> to vector<1024x64xf32>
    %dot_general3A_281 = arith.constant dense<0.000000e+00> : vector<1024x64xf32>
    %dot_general3A_282 = tpu.matmul %reshape3A_280, %get3A_181, %dot_general3A_281 {dimension_numbers = #tpu.dot_dimension_numbers<[1], [0], [0], [1], [0, 0, 1, 1], [], []>, transpose_lhs_hint = false} : vector<1024x64xf32>, vector<64x64xf32>, vector<1024x64xf32> -> vector<1024x64xf32>
    %reshape3A_283 = vector.shape_cast %dot_general3A_282 : vector<1024x64xf32> to vector<64x16x64xf32>
    %dot_general3A_284 = arith.constant dense<0.000000e+00> : vector<1024x64xf32>
    %dot_general3A_285 = tpu.matmul %reshape3A_280, %get3A_187, %dot_general3A_284 {dimension_numbers = #tpu.dot_dimension_numbers<[1], [0], [0], [1], [0, 0, 1, 1], [], []>, transpose_lhs_hint = false} : vector<1024x64xf32>, vector<64x64xf32>, vector<1024x64xf32> -> vector<1024x64xf32>
    %reshape3A_286 = vector.shape_cast %dot_general3A_285 : vector<1024x64xf32> to vector<64x16x64xf32>
    %dot_general3A_287 = arith.constant dense<0.000000e+00> : vector<64x16x64xf32>
    %dot_general3A_288 = tpu.matmul %mul3A_220, %reshape3A_283, %dot_general3A_287 {dimension_numbers = #tpu.dot_dimension_numbers<[2], [1], [1], [2], [0, 0, 0, 1, 1, 2], [0], [0]>, transpose_lhs_hint = false} : vector<64x16x16xf32>, vector<64x16x64xf32>, vector<64x16x64xf32> -> vector<64x16x64xf32>
    %broadcast_in_dim3A_289 = vector.shape_cast %get3A_184 : vector<1x64xf32> to vector<1x1x64xf32>
    %add3A_290 = vector.broadcast %broadcast_in_dim3A_289 : vector<1x1x64xf32> to vector<64x16x64xf32>
    %add3A_291 = arith.addf %dot_general3A_288, %add3A_290 : vector<64x16x64xf32>
    %add3A_292 = arith.addf %add3A_291, %reshape3A_286 : vector<64x16x64xf32>
    %reduce_sum3A_293 = arith.constant dense<0.000000e+00> : vector<64x16xf32>
    %reduce_sum3A_294 = vector.multi_reduction <add>, %add3A_292, %reduce_sum3A_293 [2] : vector<64x16x64xf32> to vector<64x16xf32>
    %broadcast_in_dim3A_295 = vector.shape_cast %reduce_sum3A_294 : vector<64x16xf32> to vector<64x16x1xf32>
    %div3A_296 = arith.constant 6.400000e+01 : f32
    %div3A_297 = vector.broadcast %div3A_296 : f32 to vector<64x16x1xf32>
    %div3A_298 = arith.divf %broadcast_in_dim3A_295, %div3A_297 : vector<64x16x1xf32>
    %jit3A_299 = arith.constant 0 : i32
    %reduce_sum3A_300 = arith.constant dense<0.000000e+00> : vector<64x16xf32>
    %reduce_sum3A_301 = vector.multi_reduction <add>, %add3A_292, %reduce_sum3A_300 [2] : vector<64x16x64xf32> to vector<64x16xf32>
    %broadcast_in_dim3A_302 = vector.shape_cast %reduce_sum3A_301 : vector<64x16xf32> to vector<64x16x1xf32>
    %div3A_303 = arith.constant 6.400000e+01 : f32
    %div3A_304 = vector.broadcast %div3A_303 : f32 to vector<64x16x1xf32>
    %div3A_305 = arith.divf %broadcast_in_dim3A_302, %div3A_304 : vector<64x16x1xf32>
    %sub3A_306 = vector.broadcast %div3A_305 : vector<64x16x1xf32> to vector<64x16x64xf32>
    %sub3A_307 = arith.subf %add3A_292, %sub3A_306 : vector<64x16x64xf32>
    %square3A_308 = arith.mulf %sub3A_307, %sub3A_307 : vector<64x16x64xf32>
    %convert_element_type3A_309 = arith.sitofp %jit3A_299 : i32 to f32
    %sub3A_310 = arith.constant 6.400000e+01 : f32
    %sub3A_311 = arith.subf %sub3A_310, %convert_element_type3A_309 : f32
    %reduce_sum3A_312 = arith.constant dense<0.000000e+00> : vector<64x16xf32>
    %reduce_sum3A_313 = vector.multi_reduction <add>, %square3A_308, %reduce_sum3A_312 [2] : vector<64x16x64xf32> to vector<64x16xf32>
    %broadcast_in_dim3A_314 = vector.shape_cast %reduce_sum3A_313 : vector<64x16xf32> to vector<64x16x1xf32>
    %div3A_315 = vector.broadcast %sub3A_311 : f32 to vector<64x16x1xf32>
    %div3A_316 = arith.divf %broadcast_in_dim3A_314, %div3A_315 : vector<64x16x1xf32>
    %gt3A_317 = arith.constant 0.000000e+00 : f32
    %gt3A_318 = arith.cmpf ogt, %sub3A_311, %gt3A_317 : f32
    %jit3A_319 = arith.constant 0x7FC00000 : f32
    %broadcast_in_dim3A_320 = vector.broadcast %jit3A_319 : f32 to vector<64x16x1xf32>
    %select_n3A_321 = arith.select %gt3A_318, %div3A_316, %broadcast_in_dim3A_320 : vector<64x16x1xf32>
    %sub3A_322 = vector.broadcast %div3A_298 : vector<64x16x1xf32> to vector<64x16x64xf32>
    %sub3A_323 = arith.subf %add3A_292, %sub3A_322 : vector<64x16x64xf32>
    %add3A_324 = arith.constant 9.99999974E-6 : f32
    %add3A_325 = vector.broadcast %add3A_324 : f32 to vector<64x16x1xf32>
    %add3A_326 = arith.addf %select_n3A_321, %add3A_325 : vector<64x16x1xf32>
    %sqrt3A_327 = math.sqrt %add3A_326 : vector<64x16x1xf32>
    %div3A_328 = vector.broadcast %sqrt3A_327 : vector<64x16x1xf32> to vector<64x16x64xf32>
    %div3A_329 = arith.divf %sub3A_323, %div3A_328 : vector<64x16x64xf32>
    %broadcast_in_dim3A_330 = vector.shape_cast %get3A_196 : vector<1x64xf32> to vector<1x1x64xf32>
    %mul3A_331 = vector.broadcast %broadcast_in_dim3A_330 : vector<1x1x64xf32> to vector<64x16x64xf32>
    %mul3A_332 = arith.mulf %div3A_329, %mul3A_331 : vector<64x16x64xf32>
    %broadcast_in_dim3A_333 = vector.shape_cast %get3A_199 : vector<1x64xf32> to vector<1x1x64xf32>
    %add3A_334 = vector.broadcast %broadcast_in_dim3A_333 : vector<1x1x64xf32> to vector<64x16x64xf32>
    %add3A_335 = arith.addf %mul3A_332, %add3A_334 : vector<64x16x64xf32>
    %max3A_336 = arith.constant 0.000000e+00 : f32
    %max3A_337 = vector.broadcast %max3A_336 : f32 to vector<64x16x64xf32>
    %max3A_338 = arith.maximumf %add3A_335, %max3A_337 : vector<64x16x64xf32>
    %reshape3A_339 = vector.shape_cast %max3A_338 : vector<64x16x64xf32> to vector<1024x64xf32>
    %dot_general3A_340 = arith.constant dense<0.000000e+00> : vector<1024x64xf32>
    %dot_general3A_341 = tpu.matmul %reshape3A_339, %get3A_202, %dot_general3A_340 {dimension_numbers = #tpu.dot_dimension_numbers<[1], [0], [0], [1], [0, 0, 1, 1], [], []>, transpose_lhs_hint = false} : vector<1024x64xf32>, vector<64x64xf32>, vector<1024x64xf32> -> vector<1024x64xf32>
    %add3A_342 = vector.broadcast %get3A_205 : vector<1x64xf32> to vector<1024x64xf32>
    %add3A_343 = arith.addf %dot_general3A_341, %add3A_342 : vector<1024x64xf32>
    %reshape3A_344 = vector.shape_cast %add3A_343 : vector<1024x64xf32> to vector<64x16x64xf32>
    %abs3A = math.absf %get3A_2 : vector<64x10x2xf32>
    %reduce_sum3A_345 = arith.constant dense<0.000000e+00> : vector<64x10xf32>
    %reduce_sum3A_346 = vector.multi_reduction <add>, %abs3A, %reduce_sum3A_345 [2] : vector<64x10x2xf32> to vector<64x10xf32>
    %broadcast_in_dim3A_347 = vector.shape_cast %reduce_sum3A_346 : vector<64x10xf32> to vector<64x10x1xf32>
    %gt3A_348 = arith.constant 0.000000e+00 : f32
    %gt3A_349 = vector.broadcast %gt3A_348 : f32 to vector<64x10x1xf32>
    %gt3A_350 = arith.cmpf ogt, %broadcast_in_dim3A_347, %gt3A_349 : vector<64x10x1xf32>
    %convert_element_type3A_351 = arith.extui %gt3A_350 : vector<64x10x1xi1> to vector<64x10x1xi32>
    %convert_element_type3A_352 = arith.sitofp %convert_element_type3A_351 : vector<64x10x1xi32> to vector<64x10x1xf32>
    %mul3A_353 = vector.broadcast %convert_element_type3A_352 : vector<64x10x1xf32> to vector<64x10x64xf32>
    %mul3A_354 = arith.mulf %reshape3A_169, %mul3A_353 : vector<64x10x64xf32>
    %reshape3A_355 = vector.shape_cast %mul3A_354 : vector<64x10x64xf32> to vector<640x64xf32>
    %reshape3A_356 = vector.shape_cast %reshape3A_344 : vector<64x16x64xf32> to vector<1024x64xf32>
    %get3A_357 = arith.constant 0 : index
    %get3A_358 = arith.constant 0 : index
    %get3A_359 = vector.load %arg30[%get3A_357, %get3A_358] : memref<64x64xf32, #tpu.memory_space<vmem>>, vector<64x64xf32>
    %dot_general3A_360 = arith.constant dense<0.000000e+00> : vector<640x64xf32>
    %dot_general3A_361 = tpu.matmul %reshape3A_355, %get3A_359, %dot_general3A_360 {dimension_numbers = #tpu.dot_dimension_numbers<[1], [0], [0], [1], [0, 0, 1, 1], [], []>, transpose_lhs_hint = false} : vector<640x64xf32>, vector<64x64xf32>, vector<640x64xf32> -> vector<640x64xf32>
    %reshape3A_362 = vector.shape_cast %dot_general3A_361 : vector<640x64xf32> to vector<64x10x64xf32>
    %get3A_363 = arith.constant 0 : index
    %get3A_364 = arith.constant 0 : index
    %get3A_365 = vector.load %arg31[%get3A_363, %get3A_364] : memref<64x64xf32, #tpu.memory_space<vmem>>, vector<64x64xf32>
    %dot_general3A_366 = arith.constant dense<0.000000e+00> : vector<1024x64xf32>
    %dot_general3A_367 = tpu.matmul %reshape3A_356, %get3A_365, %dot_general3A_366 {dimension_numbers = #tpu.dot_dimension_numbers<[1], [0], [0], [1], [0, 0, 1, 1], [], []>, transpose_lhs_hint = false} : vector<1024x64xf32>, vector<64x64xf32>, vector<1024x64xf32> -> vector<1024x64xf32>
    %reshape3A_368 = vector.shape_cast %dot_general3A_367 : vector<1024x64xf32> to vector<64x16x64xf32>
    %get3A_369 = arith.constant 0 : index
    %get3A_370 = arith.constant 0 : index
    %get3A_371 = vector.load %arg32[%get3A_369, %get3A_370] : memref<64x64xf32, #tpu.memory_space<vmem>>, vector<64x64xf32>
    %dot_general3A_372 = arith.constant dense<0.000000e+00> : vector<1024x64xf32>
    %dot_general3A_373 = tpu.matmul %reshape3A_356, %get3A_371, %dot_general3A_372 {dimension_numbers = #tpu.dot_dimension_numbers<[1], [0], [0], [1], [0, 0, 1, 1], [], []>, transpose_lhs_hint = false} : vector<1024x64xf32>, vector<64x64xf32>, vector<1024x64xf32> -> vector<1024x64xf32>
    %reshape3A_374 = vector.shape_cast %dot_general3A_373 : vector<1024x64xf32> to vector<64x16x64xf32>
    %dot_general3A_375 = arith.constant dense<0.000000e+00> : vector<64x10x16xf32>
    %dot_general3A_376 = tpu.matmul %reshape3A_362, %reshape3A_368, %dot_general3A_375 {dimension_numbers = #tpu.dot_dimension_numbers<[2], [2], [1], [1], [0, 0, 0, 1, 1, 1], [0], [0]>, transpose_lhs_hint = false} : vector<64x10x64xf32>, vector<64x16x64xf32>, vector<64x10x16xf32> -> vector<64x10x16xf32>
    %mul3A_377 = arith.constant 1.250000e-01 : f32
    %mul3A_378 = vector.broadcast %mul3A_377 : f32 to vector<64x10x16xf32>
    %mul3A_379 = arith.mulf %dot_general3A_376, %mul3A_378 : vector<64x10x16xf32>
    %reduce_max3A = arith.constant dense<0xFF800000> : vector<64x10xf32>
    %reduce_max3A_380 = vector.multi_reduction <maximumf>, %mul3A_379, %reduce_max3A [2] : vector<64x10x16xf32> to vector<64x10xf32>
    %broadcast_in_dim3A_381 = vector.shape_cast %reduce_max3A_380 : vector<64x10xf32> to vector<64x10x1xf32>
    %sub3A_382 = vector.broadcast %broadcast_in_dim3A_381 : vector<64x10x1xf32> to vector<64x10x16xf32>
    %sub3A_383 = arith.subf %mul3A_379, %sub3A_382 : vector<64x10x16xf32>
    %exp3A = math.exp %sub3A_383 : vector<64x10x16xf32>
    %reduce_sum3A_384 = arith.constant dense<0.000000e+00> : vector<64x10xf32>
    %reduce_sum3A_385 = vector.multi_reduction <add>, %exp3A, %reduce_sum3A_384 [2] : vector<64x10x16xf32> to vector<64x10xf32>
    %broadcast_in_dim3A_386 = vector.shape_cast %reduce_sum3A_385 : vector<64x10xf32> to vector<64x10x1xf32>
    %div3A_387 = vector.broadcast %broadcast_in_dim3A_386 : vector<64x10x1xf32> to vector<64x10x16xf32>
    %div3A_388 = arith.divf %exp3A, %div3A_387 : vector<64x10x16xf32>
    %dot_general3A_389 = arith.constant dense<0.000000e+00> : vector<64x10x64xf32>
    %dot_general3A_390 = tpu.matmul %div3A_388, %reshape3A_374, %dot_general3A_389 {dimension_numbers = #tpu.dot_dimension_numbers<[2], [1], [1], [2], [0, 0, 0, 1, 1, 2], [0], [0]>, transpose_lhs_hint = false} : vector<64x10x16xf32>, vector<64x16x64xf32>, vector<64x10x64xf32> -> vector<64x10x64xf32>
    %reshape3A_391 = vector.shape_cast %dot_general3A_390 : vector<64x10x64xf32> to vector<640x64xf32>
    %get3A_392 = arith.constant 0 : index
    %get3A_393 = arith.constant 0 : index
    %get3A_394 = vector.load %arg33[%get3A_392, %get3A_393] : memref<64x64xf32, #tpu.memory_space<vmem>>, vector<64x64xf32>
    %dot_general3A_395 = arith.constant dense<0.000000e+00> : vector<640x64xf32>
    %dot_general3A_396 = tpu.matmul %reshape3A_391, %get3A_394, %dot_general3A_395 {dimension_numbers = #tpu.dot_dimension_numbers<[1], [0], [0], [1], [0, 0, 1, 1], [], []>, transpose_lhs_hint = false} : vector<640x64xf32>, vector<64x64xf32>, vector<640x64xf32> -> vector<640x64xf32>
    %reshape3A_397 = vector.shape_cast %dot_general3A_396 : vector<640x64xf32> to vector<64x10x64xf32>
    %add3A_398 = arith.addf %mul3A_354, %reshape3A_397 : vector<64x10x64xf32>
    %get3A_399 = arith.constant 0 : index
    %get3A_400 = arith.constant 0 : index
    %get3A_401 = vector.load %arg34[%get3A_399, %get3A_400] : memref<1x64xf32, #tpu.memory_space<vmem>>, vector<1x64xf32>
    %broadcast_in_dim3A_402 = vector.shape_cast %get3A_401 : vector<1x64xf32> to vector<1x1x64xf32>
    %add3A_403 = vector.broadcast %broadcast_in_dim3A_402 : vector<1x1x64xf32> to vector<64x10x64xf32>
    %add3A_404 = arith.addf %add3A_398, %add3A_403 : vector<64x10x64xf32>
    %reduce_sum3A_405 = arith.constant dense<0.000000e+00> : vector<64x1xf32>
    %reduce_sum3A_406 = vector.multi_reduction <add>, %convert_element_type3A_352, %reduce_sum3A_405 [1] : vector<64x10x1xf32> to vector<64x1xf32>
    %max3A_407 = arith.constant 1.000000e+00 : f32
    %max3A_408 = vector.broadcast %max3A_407 : f32 to vector<64x1xf32>
    %max3A_409 = arith.maximumf %reduce_sum3A_406, %max3A_408 : vector<64x1xf32>
    %reduce_sum3A_410 = arith.constant dense<0.000000e+00> : vector<64x64xf32>
    %reduce_sum3A_411 = vector.multi_reduction <add>, %add3A_404, %reduce_sum3A_410 [1] : vector<64x10x64xf32> to vector<64x64xf32>
    %div3A_412 = vector.broadcast %max3A_409 : vector<64x1xf32> to vector<64x64xf32>
    %div3A_413 = arith.divf %reduce_sum3A_411, %div3A_412 : vector<64x64xf32>
    %reduce_sum3A_414 = arith.constant dense<0.000000e+00> : vector<64x64xf32>
    %reduce_sum3A_415 = vector.multi_reduction <add>, %reshape3A_344, %reduce_sum3A_414 [1] : vector<64x16x64xf32> to vector<64x64xf32>
    %mul3A_416 = arith.constant 6.250000e-02 : f32
    %mul3A_417 = vector.broadcast %mul3A_416 : f32 to vector<64x64xf32>
    %mul3A_418 = arith.mulf %reduce_sum3A_415, %mul3A_417 : vector<64x64xf32>
    %reduce_min3A = arith.constant dense<0x7F800000> : vector<64x3xf32>
    %reduce_min3A_419 = vector.multi_reduction <minimumf>, %get3A_6, %reduce_min3A [1] : vector<64x16x3xf32> to vector<64x3xf32>
    %reduce_sum3A_420 = arith.constant dense<0.000000e+00> : vector<64x3xf32>
    %reduce_sum3A_421 = vector.multi_reduction <add>, %get3A_6, %reduce_sum3A_420 [1] : vector<64x16x3xf32> to vector<64x3xf32>
    %mul3A_422 = arith.constant 6.250000e-02 : f32
    %mul3A_423 = vector.broadcast %mul3A_422 : f32 to vector<64x3xf32>
    %mul3A_424 = arith.mulf %reduce_sum3A_421, %mul3A_423 : vector<64x3xf32>
    %get3A_425 = arith.constant 0 : index
    %get3A_426 = arith.constant 0 : index
    %get3A_427 = vector.load %arg35[%get3A_425, %get3A_426] : memref<1x64xf32, #tpu.memory_space<vmem>>, vector<1x64xf32>
    %mul3A_428 = vector.broadcast %get3A_427 : vector<1x64xf32> to vector<64x64xf32>
    %mul3A_429 = arith.mulf %div3A_413, %mul3A_428 : vector<64x64xf32>
    %reduce_sum3A_430 = arith.constant dense<0.000000e+00> : vector<64xf32>
    %reduce_sum3A_431 = vector.multi_reduction <add>, %mul3A_429, %reduce_sum3A_430 [1] : vector<64x64xf32> to vector<64xf32>
    %broadcast_in_dim3A_432 = vector.shape_cast %reduce_sum3A_431 : vector<64xf32> to vector<64x1xf32>
    %get3A_433 = arith.constant 0 : index
    %get3A_434 = arith.constant 0 : index
    %get3A_435 = vector.load %arg36[%get3A_433, %get3A_434] : memref<1x64xf32, #tpu.memory_space<vmem>>, vector<1x64xf32>
    %mul3A_436 = vector.broadcast %get3A_435 : vector<1x64xf32> to vector<64x64xf32>
    %mul3A_437 = arith.mulf %mul3A_418, %mul3A_436 : vector<64x64xf32>
    %reduce_sum3A_438 = arith.constant dense<0.000000e+00> : vector<64xf32>
    %reduce_sum3A_439 = vector.multi_reduction <add>, %mul3A_437, %reduce_sum3A_438 [1] : vector<64x64xf32> to vector<64xf32>
    %broadcast_in_dim3A_440 = vector.shape_cast %reduce_sum3A_439 : vector<64xf32> to vector<64x1xf32>
    %add3A_441 = arith.addf %broadcast_in_dim3A_432, %broadcast_in_dim3A_440 : vector<64x1xf32>
    %get3A_442 = arith.constant 0 : index
    %get3A_443 = arith.constant 0 : index
    %get3A_444 = vector.load %arg37[%get3A_442, %get3A_443] : memref<1x6xf32, #tpu.memory_space<vmem>>, vector<1x6xf32>
    %slice3A = vector.extract_strided_slice %get3A_444 {offsets = [0, 0], sizes = [1, 3], strides = [1, 1]} : vector<1x6xf32> to vector<1x3xf32>
    %mul3A_445 = vector.broadcast %slice3A : vector<1x3xf32> to vector<64x3xf32>
    %mul3A_446 = arith.mulf %reduce_min3A_419, %mul3A_445 : vector<64x3xf32>
    %reduce_sum3A_447 = arith.constant dense<0.000000e+00> : vector<64xf32>
    %reduce_sum3A_448 = vector.multi_reduction <add>, %mul3A_446, %reduce_sum3A_447 [1] : vector<64x3xf32> to vector<64xf32>
    %broadcast_in_dim3A_449 = vector.shape_cast %reduce_sum3A_448 : vector<64xf32> to vector<64x1xf32>
    %add3A_450 = arith.addf %add3A_441, %broadcast_in_dim3A_449 : vector<64x1xf32>
    %get3A_451 = arith.constant 0 : index
    %get3A_452 = arith.constant 0 : index
    %get3A_453 = vector.load %arg37[%get3A_451, %get3A_452] : memref<1x6xf32, #tpu.memory_space<vmem>>, vector<1x6xf32>
    %slice3A_454 = vector.extract_strided_slice %get3A_453 {offsets = [0, 3], sizes = [1, 3], strides = [1, 1]} : vector<1x6xf32> to vector<1x3xf32>
    %mul3A_455 = vector.broadcast %slice3A_454 : vector<1x3xf32> to vector<64x3xf32>
    %mul3A_456 = arith.mulf %mul3A_424, %mul3A_455 : vector<64x3xf32>
    %reduce_sum3A_457 = arith.constant dense<0.000000e+00> : vector<64xf32>
    %reduce_sum3A_458 = vector.multi_reduction <add>, %mul3A_456, %reduce_sum3A_457 [1] : vector<64x3xf32> to vector<64xf32>
    %broadcast_in_dim3A_459 = vector.shape_cast %reduce_sum3A_458 : vector<64xf32> to vector<64x1xf32>
    %add3A_460 = arith.addf %add3A_450, %broadcast_in_dim3A_459 : vector<64x1xf32>
    %get3A_461 = arith.constant 0 : index
    %get3A_462 = arith.constant 0 : index
    %get3A_463 = vector.load %arg38[%get3A_461, %get3A_462] : memref<1x6xf32, #tpu.memory_space<vmem>>, vector<1x6xf32>
    %mul3A_464 = vector.broadcast %get3A_463 : vector<1x6xf32> to vector<64x6xf32>
    %mul3A_465 = arith.mulf %get3A_9, %mul3A_464 : vector<64x6xf32>
    %reduce_sum3A_466 = arith.constant dense<0.000000e+00> : vector<64xf32>
    %reduce_sum3A_467 = vector.multi_reduction <add>, %mul3A_465, %reduce_sum3A_466 [1] : vector<64x6xf32> to vector<64xf32>
    %broadcast_in_dim3A_468 = vector.shape_cast %reduce_sum3A_467 : vector<64xf32> to vector<64x1xf32>
    %add3A_469 = arith.addf %add3A_460, %broadcast_in_dim3A_468 : vector<64x1xf32>
    %get3A_470 = arith.constant 0 : index
    %get3A_471 = arith.constant 0 : index
    %get3A_472 = vector.load %arg39[%get3A_470, %get3A_471] : memref<1x1xf32, #tpu.memory_space<vmem>>, vector<1x1xf32>
    %add3A_473 = vector.broadcast %get3A_472 : vector<1x1xf32> to vector<64x1xf32>
    %add3A_474 = arith.addf %add3A_469, %add3A_473 : vector<64x1xf32>
    %get3A_475 = arith.constant 0 : index
    %get3A_476 = arith.constant 0 : index
    %get3A_477 = vector.load %arg40[%get3A_475, %get3A_476] : memref<1x64xf32, #tpu.memory_space<vmem>>, vector<1x64xf32>
    %mul3A_478 = vector.broadcast %get3A_477 : vector<1x64xf32> to vector<64x64xf32>
    %mul3A_479 = arith.mulf %div3A_413, %mul3A_478 : vector<64x64xf32>
    %reduce_sum3A_480 = arith.constant dense<0.000000e+00> : vector<64xf32>
    %reduce_sum3A_481 = vector.multi_reduction <add>, %mul3A_479, %reduce_sum3A_480 [1] : vector<64x64xf32> to vector<64xf32>
    %broadcast_in_dim3A_482 = vector.shape_cast %reduce_sum3A_481 : vector<64xf32> to vector<64x1xf32>
    %get3A_483 = arith.constant 0 : index
    %get3A_484 = arith.constant 0 : index
    %get3A_485 = vector.load %arg41[%get3A_483, %get3A_484] : memref<1x64xf32, #tpu.memory_space<vmem>>, vector<1x64xf32>
    %mul3A_486 = vector.broadcast %get3A_485 : vector<1x64xf32> to vector<64x64xf32>
    %mul3A_487 = arith.mulf %mul3A_418, %mul3A_486 : vector<64x64xf32>
    %reduce_sum3A_488 = arith.constant dense<0.000000e+00> : vector<64xf32>
    %reduce_sum3A_489 = vector.multi_reduction <add>, %mul3A_487, %reduce_sum3A_488 [1] : vector<64x64xf32> to vector<64xf32>
    %broadcast_in_dim3A_490 = vector.shape_cast %reduce_sum3A_489 : vector<64xf32> to vector<64x1xf32>
    %add3A_491 = arith.addf %broadcast_in_dim3A_482, %broadcast_in_dim3A_490 : vector<64x1xf32>
    %get3A_492 = arith.constant 0 : index
    %get3A_493 = arith.constant 0 : index
    %get3A_494 = vector.load %arg42[%get3A_492, %get3A_493] : memref<1x6xf32, #tpu.memory_space<vmem>>, vector<1x6xf32>
    %slice3A_495 = vector.extract_strided_slice %get3A_494 {offsets = [0, 0], sizes = [1, 3], strides = [1, 1]} : vector<1x6xf32> to vector<1x3xf32>
    %mul3A_496 = vector.broadcast %slice3A_495 : vector<1x3xf32> to vector<64x3xf32>
    %mul3A_497 = arith.mulf %reduce_min3A_419, %mul3A_496 : vector<64x3xf32>
    %reduce_sum3A_498 = arith.constant dense<0.000000e+00> : vector<64xf32>
    %reduce_sum3A_499 = vector.multi_reduction <add>, %mul3A_497, %reduce_sum3A_498 [1] : vector<64x3xf32> to vector<64xf32>
    %broadcast_in_dim3A_500 = vector.shape_cast %reduce_sum3A_499 : vector<64xf32> to vector<64x1xf32>
    %add3A_501 = arith.addf %add3A_491, %broadcast_in_dim3A_500 : vector<64x1xf32>
    %get3A_502 = arith.constant 0 : index
    %get3A_503 = arith.constant 0 : index
    %get3A_504 = vector.load %arg42[%get3A_502, %get3A_503] : memref<1x6xf32, #tpu.memory_space<vmem>>, vector<1x6xf32>
    %slice3A_505 = vector.extract_strided_slice %get3A_504 {offsets = [0, 3], sizes = [1, 3], strides = [1, 1]} : vector<1x6xf32> to vector<1x3xf32>
    %mul3A_506 = vector.broadcast %slice3A_505 : vector<1x3xf32> to vector<64x3xf32>
    %mul3A_507 = arith.mulf %mul3A_424, %mul3A_506 : vector<64x3xf32>
    %reduce_sum3A_508 = arith.constant dense<0.000000e+00> : vector<64xf32>
    %reduce_sum3A_509 = vector.multi_reduction <add>, %mul3A_507, %reduce_sum3A_508 [1] : vector<64x3xf32> to vector<64xf32>
    %broadcast_in_dim3A_510 = vector.shape_cast %reduce_sum3A_509 : vector<64xf32> to vector<64x1xf32>
    %add3A_511 = arith.addf %add3A_501, %broadcast_in_dim3A_510 : vector<64x1xf32>
    %get3A_512 = arith.constant 0 : index
    %get3A_513 = arith.constant 0 : index
    %get3A_514 = vector.load %arg43[%get3A_512, %get3A_513] : memref<1x6xf32, #tpu.memory_space<vmem>>, vector<1x6xf32>
    %mul3A_515 = vector.broadcast %get3A_514 : vector<1x6xf32> to vector<64x6xf32>
    %mul3A_516 = arith.mulf %get3A_9, %mul3A_515 : vector<64x6xf32>
    %reduce_sum3A_517 = arith.constant dense<0.000000e+00> : vector<64xf32>
    %reduce_sum3A_518 = vector.multi_reduction <add>, %mul3A_516, %reduce_sum3A_517 [1] : vector<64x6xf32> to vector<64xf32>
    %broadcast_in_dim3A_519 = vector.shape_cast %reduce_sum3A_518 : vector<64xf32> to vector<64x1xf32>
    %add3A_520 = arith.addf %add3A_511, %broadcast_in_dim3A_519 : vector<64x1xf32>
    %get3A_521 = arith.constant 0 : index
    %get3A_522 = arith.constant 0 : index
    %get3A_523 = vector.load %arg44[%get3A_521, %get3A_522] : memref<1x1xf32, #tpu.memory_space<vmem>>, vector<1x1xf32>
    %add3A_524 = vector.broadcast %get3A_523 : vector<1x1xf32> to vector<64x1xf32>
    %add3A_525 = arith.addf %add3A_520, %add3A_524 : vector<64x1xf32>
    %swap3A = arith.constant 0 : index
    %swap3A_526 = arith.constant 0 : index
    %swap3A_527 = vector.load %arg54[%swap3A, %swap3A_526] : memref<64x1xf32, #tpu.memory_space<vmem>>, vector<64x1xf32>
    tpu.vector_store %arg54[%swap3A, %swap3A_526], %add3A_525 {strides = array<i32>} : memref<64x1xf32, #tpu.memory_space<vmem>>, vector<64x1xf32>,
    %swap3A_528 = arith.constant 0 : index
    %swap3A_529 = arith.constant 0 : index
    %swap3A_530 = vector.load %arg53[%swap3A_528, %swap3A_529] : memref<64x56xf32, #tpu.memory_space<vmem>>, vector<64x1xf32>
    tpu.vector_store %arg53[%swap3A_528, %swap3A_529], %add3A_474 {strides = array<i32>} : memref<64x56xf32, #tpu.memory_space<vmem>>, vector<64x1xf32>,
    %get3A_531 = arith.constant 0 : index
    %get3A_532 = arith.constant 0 : index
    %get3A_533 = vector.load %arg45[%get3A_531, %get3A_532] : memref<1x64xf32, #tpu.memory_space<vmem>>, vector<1x64xf32>
    %broadcast_in_dim3A_534 = vector.shape_cast %get3A_533 : vector<1x64xf32> to vector<1x1x64xf32>
    %mul3A_535 = vector.broadcast %broadcast_in_dim3A_534 : vector<1x1x64xf32> to vector<64x10x64xf32>
    %mul3A_536 = arith.mulf %add3A_404, %mul3A_535 : vector<64x10x64xf32>
    %reduce_sum3A_537 = arith.constant dense<0.000000e+00> : vector<64x10xf32>
    %reduce_sum3A_538 = vector.multi_reduction <add>, %mul3A_536, %reduce_sum3A_537 [2] : vector<64x10x64xf32> to vector<64x10xf32>
    %get3A_539 = arith.constant 0 : index
    %get3A_540 = arith.constant 0 : index
    %get3A_541 = vector.load %arg46[%get3A_539, %get3A_540] : memref<1x1xf32, #tpu.memory_space<vmem>>, vector<1x1xf32>
    %add3A_542 = vector.broadcast %get3A_541 : vector<1x1xf32> to vector<64x10xf32>
    %add3A_543 = arith.addf %reduce_sum3A_538, %add3A_542 : vector<64x10xf32>
    %swap3A_544 = arith.constant 0 : index
    %swap3A_545 = arith.constant 1 : index
    %swap3A_546 = vector.load %arg53[%swap3A_544, %swap3A_545] : memref<64x56xf32, #tpu.memory_space<vmem>>, vector<64x10xf32>
    tpu.vector_store %arg53[%swap3A_544, %swap3A_545], %add3A_543 {strides = array<i32>} : memref<64x56xf32, #tpu.memory_space<vmem>>, vector<64x10xf32>,
    %get3A_547 = arith.constant 0 : index
    %get3A_548 = arith.constant 0 : index
    %get3A_549 = vector.load %arg47[%get3A_547, %get3A_548] : memref<129x64xf32, #tpu.memory_space<vmem>>, vector<129x64xf32>
    %reshape3A_550 = vector.shape_cast %add3A_404 : vector<64x10x64xf32> to vector<640x64xf32>
    %slice3A_551 = vector.extract_strided_slice %get3A_549 {offsets = [0, 0], sizes = [64, 64], strides = [1, 1]} : vector<129x64xf32> to vector<64x64xf32>
    %dot_general3A_552 = arith.constant dense<0.000000e+00> : vector<640x64xf32>
    %dot_general3A_553 = tpu.matmul %reshape3A_550, %slice3A_551, %dot_general3A_552 {dimension_numbers = #tpu.dot_dimension_numbers<[1], [0], [0], [1], [0, 0, 1, 1], [], []>, transpose_lhs_hint = false} : vector<640x64xf32>, vector<64x64xf32>, vector<640x64xf32> -> vector<640x64xf32>
    %reshape3A_554 = vector.shape_cast %dot_general3A_553 : vector<640x64xf32> to vector<64x10x64xf32>
    %slice3A_555 = vector.extract_strided_slice %get3A_549 {offsets = [64, 0], sizes = [64, 64], strides = [1, 1]} : vector<129x64xf32> to vector<64x64xf32>
    %dot_general3A_556 = arith.constant dense<0.000000e+00> : vector<640x64xf32>
    %dot_general3A_557 = tpu.matmul %reshape3A_550, %slice3A_555, %dot_general3A_556 {dimension_numbers = #tpu.dot_dimension_numbers<[1], [0], [0], [1], [0, 0, 1, 1], [], []>, transpose_lhs_hint = false} : vector<640x64xf32>, vector<64x64xf32>, vector<640x64xf32> -> vector<640x64xf32>
    %reshape3A_558 = vector.shape_cast %dot_general3A_557 : vector<640x64xf32> to vector<64x10x64xf32>
    %slice3A_559 = vector.extract_strided_slice %get3A_549 {offsets = [128, 0], sizes = [1, 64], strides = [1, 1]} : vector<129x64xf32> to vector<1x64xf32>
    %get3A_560 = arith.constant 0 : index
    %get3A_561 = arith.constant 0 : index
    %get3A_562 = vector.load %arg51[%get3A_560, %get3A_561] : memref<45x10xf32, #tpu.memory_space<vmem>>, vector<45x10xf32>
    %broadcast_in_dim3A_563 = vector.shape_cast %get3A_562 : vector<45x10xf32> to vector<1x45x10xf32>
    %broadcast_in_dim3A_564 = vector.shape_cast %broadcast_in_dim3A_563 : vector<1x45x10xf32> to vector<1x45x10xf32>
    %broadcast_in_dim3A_565 = vector.broadcast %broadcast_in_dim3A_564 : vector<1x45x10xf32> to vector<64x45x10xf32>
    %get3A_566 = arith.constant 0 : index
    %get3A_567 = arith.constant 0 : index
    %get3A_568 = vector.load %arg52[%get3A_566, %get3A_567] : memref<45x10xf32, #tpu.memory_space<vmem>>, vector<45x10xf32>
    %broadcast_in_dim3A_569 = vector.shape_cast %get3A_568 : vector<45x10xf32> to vector<1x45x10xf32>
    %broadcast_in_dim3A_570 = vector.shape_cast %broadcast_in_dim3A_569 : vector<1x45x10xf32> to vector<1x45x10xf32>
    %broadcast_in_dim3A_571 = vector.broadcast %broadcast_in_dim3A_570 : vector<1x45x10xf32> to vector<64x45x10xf32>
    %dot_general3A_572 = arith.constant dense<0.000000e+00> : vector<64x45x16xf32>
    %dot_general3A_573 = tpu.matmul %broadcast_in_dim3A_565, %div3A_388, %dot_general3A_572 {dimension_numbers = #tpu.dot_dimension_numbers<[2], [1], [1], [2], [0, 0, 0, 1, 1, 2], [0], [0]>, transpose_lhs_hint = false} : vector<64x45x10xf32>, vector<64x10x16xf32>, vector<64x45x16xf32> -> vector<64x45x16xf32>
    %dot_general3A_574 = arith.constant dense<0.000000e+00> : vector<64x45x16xf32>
    %dot_general3A_575 = tpu.matmul %broadcast_in_dim3A_571, %div3A_388, %dot_general3A_574 {dimension_numbers = #tpu.dot_dimension_numbers<[2], [1], [1], [2], [0, 0, 0, 1, 1, 2], [0], [0]>, transpose_lhs_hint = false} : vector<64x45x10xf32>, vector<64x10x16xf32>, vector<64x45x16xf32> -> vector<64x45x16xf32>
    %mul3A_576 = arith.mulf %dot_general3A_573, %dot_general3A_575 : vector<64x45x16xf32>
    %reduce_sum3A_577 = arith.constant dense<0.000000e+00> : vector<64x45xf32>
    %reduce_sum3A_578 = vector.multi_reduction <add>, %mul3A_576, %reduce_sum3A_577 [2] : vector<64x45x16xf32> to vector<64x45xf32>
    %broadcast_in_dim3A_579 = vector.shape_cast %reduce_sum3A_578 : vector<64x45xf32> to vector<64x45x1xf32>
    %dot_general3A_580 = arith.constant dense<0.000000e+00> : vector<64x45x64xf32>
    %dot_general3A_581 = tpu.matmul %broadcast_in_dim3A_565, %reshape3A_554, %dot_general3A_580 {dimension_numbers = #tpu.dot_dimension_numbers<[2], [1], [1], [2], [0, 0, 0, 1, 1, 2], [0], [0]>, transpose_lhs_hint = false} : vector<64x45x10xf32>, vector<64x10x64xf32>, vector<64x45x64xf32> -> vector<64x45x64xf32>
    %dot_general3A_582 = arith.constant dense<0.000000e+00> : vector<64x45x64xf32>
    %dot_general3A_583 = tpu.matmul %broadcast_in_dim3A_571, %reshape3A_558, %dot_general3A_582 {dimension_numbers = #tpu.dot_dimension_numbers<[2], [1], [1], [2], [0, 0, 0, 1, 1, 2], [0], [0]>, transpose_lhs_hint = false} : vector<64x45x10xf32>, vector<64x10x64xf32>, vector<64x45x64xf32> -> vector<64x45x64xf32>
    %add3A_584 = arith.addf %dot_general3A_581, %dot_general3A_583 : vector<64x45x64xf32>
    %broadcast_in_dim3A_585 = vector.shape_cast %slice3A_559 : vector<1x64xf32> to vector<1x1x64xf32>
    %mul3A_586 = vector.broadcast %broadcast_in_dim3A_579 : vector<64x45x1xf32> to vector<64x45x64xf32>
    %mul3A_587 = vector.broadcast %broadcast_in_dim3A_585 : vector<1x1x64xf32> to vector<64x45x64xf32>
    %mul3A_588 = arith.mulf %mul3A_586, %mul3A_587 : vector<64x45x64xf32>
    %add3A_589 = arith.addf %add3A_584, %mul3A_588 : vector<64x45x64xf32>
    %get3A_590 = arith.constant 0 : index
    %get3A_591 = arith.constant 0 : index
    %get3A_592 = vector.load %arg48[%get3A_590, %get3A_591] : memref<1x64xf32, #tpu.memory_space<vmem>>, vector<1x64xf32>
    %broadcast_in_dim3A_593 = vector.shape_cast %get3A_592 : vector<1x64xf32> to vector<1x1x64xf32>
    %add3A_594 = vector.broadcast %broadcast_in_dim3A_593 : vector<1x1x64xf32> to vector<64x45x64xf32>
    %add3A_595 = arith.addf %add3A_589, %add3A_594 : vector<64x45x64xf32>
    %max3A_596 = arith.constant 0.000000e+00 : f32
    %max3A_597 = vector.broadcast %max3A_596 : f32 to vector<64x45x64xf32>
    %max3A_598 = arith.maximumf %add3A_595, %max3A_597 : vector<64x45x64xf32>
    %get3A_599 = arith.constant 0 : index
    %get3A_600 = arith.constant 0 : index
    %get3A_601 = vector.load %arg49[%get3A_599, %get3A_600] : memref<1x64xf32, #tpu.memory_space<vmem>>, vector<1x64xf32>
    %broadcast_in_dim3A_602 = vector.shape_cast %get3A_601 : vector<1x64xf32> to vector<1x1x64xf32>
    %mul3A_603 = vector.broadcast %broadcast_in_dim3A_602 : vector<1x1x64xf32> to vector<64x45x64xf32>
    %mul3A_604 = arith.mulf %max3A_598, %mul3A_603 : vector<64x45x64xf32>
    %reduce_sum3A_605 = arith.constant dense<0.000000e+00> : vector<64x45xf32>
    %reduce_sum3A_606 = vector.multi_reduction <add>, %mul3A_604, %reduce_sum3A_605 [2] : vector<64x45x64xf32> to vector<64x45xf32>
    %get3A_607 = arith.constant 0 : index
    %get3A_608 = arith.constant 0 : index
    %get3A_609 = vector.load %arg50[%get3A_607, %get3A_608] : memref<1x1xf32, #tpu.memory_space<vmem>>, vector<1x1xf32>
    %add3A_610 = vector.broadcast %get3A_609 : vector<1x1xf32> to vector<64x45xf32>
    %add3A_611 = arith.addf %reduce_sum3A_606, %add3A_610 : vector<64x45xf32>
    %swap3A_612 = arith.constant 0 : index
    %swap3A_613 = arith.constant 11 : index
    %swap3A_614 = vector.load %arg53[%swap3A_612, %swap3A_613] : memref<64x56xf32, #tpu.memory_space<vmem>>, vector<64x45xf32>
    tpu.vector_store %arg53[%swap3A_612, %swap3A_613], %add3A_611 {strides = array<i32>} : memref<64x56xf32, #tpu.memory_space<vmem>>, vector<64x45xf32>,
    return
  }
  func.func @transform_0(%arg0: i32) -> (i32, i32, i32) {
    %c0_i32 = arith.constant 0 : i32
    %c0_i32_0 = arith.constant 0 : i32
    %c0_i32_1 = arith.constant 0 : i32
    return %arg0, %c0_i32, %c0_i32_0 : i32, i32, i32
  }
  func.func @transform_1(%arg0: i32) -> (i32, i32) {
    %c0_i32 = arith.constant 0 : i32
    %c0_i32_0 = arith.constant 0 : i32
    return %arg0, %c0_i32 : i32, i32
  }
  func.func @transform_2(%arg0: i32) -> (i32, i32, i32) {
    %c0_i32 = arith.constant 0 : i32
    %c0_i32_0 = arith.constant 0 : i32
    %c0_i32_1 = arith.constant 0 : i32
    return %arg0, %c0_i32, %c0_i32_0 : i32, i32, i32
  }
  func.func @transform_3(%arg0: i32) -> (i32, i32) {
    %c0_i32 = arith.constant 0 : i32
    %c0_i32_0 = arith.constant 0 : i32
    return %arg0, %c0_i32 : i32, i32
  }
  func.func @transform_4(%arg0: i32) -> (i32, i32) {
    %c0_i32 = arith.constant 0 : i32
    %c0_i32_0 = arith.constant 0 : i32
    return %arg0, %c0_i32 : i32, i32
  }
  func.func @transform_5(%arg0: i32) -> (i32, i32) {
    %c0_i32 = arith.constant 0 : i32
    %c0_i32_0 = arith.constant 0 : i32
    %c0_i32_1 = arith.constant 0 : i32
    return %c0_i32, %c0_i32_0 : i32, i32
  }
  func.func @transform_6(%arg0: i32) -> (i32, i32) {
    %c0_i32 = arith.constant 0 : i32
    %c0_i32_0 = arith.constant 0 : i32
    %c0_i32_1 = arith.constant 0 : i32
    return %c0_i32, %c0_i32_0 : i32, i32
  }
  func.func @transform_7(%arg0: i32) -> (i32, i32) {
    %c0_i32 = arith.constant 0 : i32
    %c0_i32_0 = arith.constant 0 : i32
    %c0_i32_1 = arith.constant 0 : i32
    return %c0_i32, %c0_i32_0 : i32, i32
  }
  func.func @transform_8(%arg0: i32) -> (i32, i32) {
    %c0_i32 = arith.constant 0 : i32
    %c0_i32_0 = arith.constant 0 : i32
    %c0_i32_1 = arith.constant 0 : i32
    return %c0_i32, %c0_i32_0 : i32, i32
  }
  func.func @transform_9(%arg0: i32) -> (i32, i32) {
    %c0_i32 = arith.constant 0 : i32
    %c0_i32_0 = arith.constant 0 : i32
    %c0_i32_1 = arith.constant 0 : i32
    return %c0_i32, %c0_i32_0 : i32, i32
  }
  func.func @transform_10(%arg0: i32) -> (i32, i32) {
    %c0_i32 = arith.constant 0 : i32
    %c0_i32_0 = arith.constant 0 : i32
    %c0_i32_1 = arith.constant 0 : i32
    return %c0_i32, %c0_i32_0 : i32, i32
  }
  func.func @transform_11(%arg0: i32) -> (i32, i32) {
    %c0_i32 = arith.constant 0 : i32
    %c0_i32_0 = arith.constant 0 : i32
    %c0_i32_1 = arith.constant 0 : i32
    return %c0_i32, %c0_i32_0 : i32, i32
  }
  func.func @transform_12(%arg0: i32) -> (i32, i32) {
    %c0_i32 = arith.constant 0 : i32
    %c0_i32_0 = arith.constant 0 : i32
    %c0_i32_1 = arith.constant 0 : i32
    return %c0_i32, %c0_i32_0 : i32, i32
  }
  func.func @transform_13(%arg0: i32) -> (i32, i32) {
    %c0_i32 = arith.constant 0 : i32
    %c0_i32_0 = arith.constant 0 : i32
    %c0_i32_1 = arith.constant 0 : i32
    return %c0_i32, %c0_i32_0 : i32, i32
  }
  func.func @transform_14(%arg0: i32) -> (i32, i32) {
    %c0_i32 = arith.constant 0 : i32
    %c0_i32_0 = arith.constant 0 : i32
    %c0_i32_1 = arith.constant 0 : i32
    return %c0_i32, %c0_i32_0 : i32, i32
  }
  func.func @transform_15(%arg0: i32) -> (i32, i32) {
    %c0_i32 = arith.constant 0 : i32
    %c0_i32_0 = arith.constant 0 : i32
    %c0_i32_1 = arith.constant 0 : i32
    return %c0_i32, %c0_i32_0 : i32, i32
  }
  func.func @transform_16(%arg0: i32) -> (i32, i32) {
    %c0_i32 = arith.constant 0 : i32
    %c0_i32_0 = arith.constant 0 : i32
    %c0_i32_1 = arith.constant 0 : i32
    return %c0_i32, %c0_i32_0 : i32, i32
  }
  func.func @transform_17(%arg0: i32) -> (i32, i32) {
    %c0_i32 = arith.constant 0 : i32
    %c0_i32_0 = arith.constant 0 : i32
    %c0_i32_1 = arith.constant 0 : i32
    return %c0_i32, %c0_i32_0 : i32, i32
  }
  func.func @transform_18(%arg0: i32) -> (i32, i32) {
    %c0_i32 = arith.constant 0 : i32
    %c0_i32_0 = arith.constant 0 : i32
    %c0_i32_1 = arith.constant 0 : i32
    return %c0_i32, %c0_i32_0 : i32, i32
  }
  func.func @transform_19(%arg0: i32) -> (i32, i32) {
    %c0_i32 = arith.constant 0 : i32
    %c0_i32_0 = arith.constant 0 : i32
    %c0_i32_1 = arith.constant 0 : i32
    return %c0_i32, %c0_i32_0 : i32, i32
  }
  func.func @transform_20(%arg0: i32) -> (i32, i32) {
    %c0_i32 = arith.constant 0 : i32
    %c0_i32_0 = arith.constant 0 : i32
    %c0_i32_1 = arith.constant 0 : i32
    return %c0_i32, %c0_i32_0 : i32, i32
  }
  func.func @transform_21(%arg0: i32) -> (i32, i32) {
    %c0_i32 = arith.constant 0 : i32
    %c0_i32_0 = arith.constant 0 : i32
    %c0_i32_1 = arith.constant 0 : i32
    return %c0_i32, %c0_i32_0 : i32, i32
  }
  func.func @transform_22(%arg0: i32) -> (i32, i32) {
    %c0_i32 = arith.constant 0 : i32
    %c0_i32_0 = arith.constant 0 : i32
    %c0_i32_1 = arith.constant 0 : i32
    return %c0_i32, %c0_i32_0 : i32, i32
  }
  func.func @transform_23(%arg0: i32) -> (i32, i32) {
    %c0_i32 = arith.constant 0 : i32
    %c0_i32_0 = arith.constant 0 : i32
    %c0_i32_1 = arith.constant 0 : i32
    return %c0_i32, %c0_i32_0 : i32, i32
  }
  func.func @transform_24(%arg0: i32) -> (i32, i32) {
    %c0_i32 = arith.constant 0 : i32
    %c0_i32_0 = arith.constant 0 : i32
    %c0_i32_1 = arith.constant 0 : i32
    return %c0_i32, %c0_i32_0 : i32, i32
  }
  func.func @transform_25(%arg0: i32) -> (i32, i32) {
    %c0_i32 = arith.constant 0 : i32
    %c0_i32_0 = arith.constant 0 : i32
    %c0_i32_1 = arith.constant 0 : i32
    return %c0_i32, %c0_i32_0 : i32, i32
  }
  func.func @transform_26(%arg0: i32) -> (i32, i32) {
    %c0_i32 = arith.constant 0 : i32
    %c0_i32_0 = arith.constant 0 : i32
    %c0_i32_1 = arith.constant 0 : i32
    return %c0_i32, %c0_i32_0 : i32, i32
  }
  func.func @transform_27(%arg0: i32) -> (i32, i32) {
    %c0_i32 = arith.constant 0 : i32
    %c0_i32_0 = arith.constant 0 : i32
    %c0_i32_1 = arith.constant 0 : i32
    return %c0_i32, %c0_i32_0 : i32, i32
  }
  func.func @transform_28(%arg0: i32) -> (i32, i32) {
    %c0_i32 = arith.constant 0 : i32
    %c0_i32_0 = arith.constant 0 : i32
    %c0_i32_1 = arith.constant 0 : i32
    return %c0_i32, %c0_i32_0 : i32, i32
  }
  func.func @transform_29(%arg0: i32) -> (i32, i32) {
    %c0_i32 = arith.constant 0 : i32
    %c0_i32_0 = arith.constant 0 : i32
    %c0_i32_1 = arith.constant 0 : i32
    return %c0_i32, %c0_i32_0 : i32, i32
  }
  func.func @transform_30(%arg0: i32) -> (i32, i32) {
    %c0_i32 = arith.constant 0 : i32
    %c0_i32_0 = arith.constant 0 : i32
    %c0_i32_1 = arith.constant 0 : i32
    return %c0_i32, %c0_i32_0 : i32, i32
  }
  func.func @transform_31(%arg0: i32) -> (i32, i32) {
    %c0_i32 = arith.constant 0 : i32
    %c0_i32_0 = arith.constant 0 : i32
    %c0_i32_1 = arith.constant 0 : i32
    return %c0_i32, %c0_i32_0 : i32, i32
  }
  func.func @transform_32(%arg0: i32) -> (i32, i32) {
    %c0_i32 = arith.constant 0 : i32
    %c0_i32_0 = arith.constant 0 : i32
    %c0_i32_1 = arith.constant 0 : i32
    return %c0_i32, %c0_i32_0 : i32, i32
  }
  func.func @transform_33(%arg0: i32) -> (i32, i32) {
    %c0_i32 = arith.constant 0 : i32
    %c0_i32_0 = arith.constant 0 : i32
    %c0_i32_1 = arith.constant 0 : i32
    return %c0_i32, %c0_i32_0 : i32, i32
  }
  func.func @transform_34(%arg0: i32) -> (i32, i32) {
    %c0_i32 = arith.constant 0 : i32
    %c0_i32_0 = arith.constant 0 : i32
    %c0_i32_1 = arith.constant 0 : i32
    return %c0_i32, %c0_i32_0 : i32, i32
  }
  func.func @transform_35(%arg0: i32) -> (i32, i32) {
    %c0_i32 = arith.constant 0 : i32
    %c0_i32_0 = arith.constant 0 : i32
    %c0_i32_1 = arith.constant 0 : i32
    return %c0_i32, %c0_i32_0 : i32, i32
  }
  func.func @transform_36(%arg0: i32) -> (i32, i32) {
    %c0_i32 = arith.constant 0 : i32
    %c0_i32_0 = arith.constant 0 : i32
    %c0_i32_1 = arith.constant 0 : i32
    return %c0_i32, %c0_i32_0 : i32, i32
  }
  func.func @transform_37(%arg0: i32) -> (i32, i32) {
    %c0_i32 = arith.constant 0 : i32
    %c0_i32_0 = arith.constant 0 : i32
    %c0_i32_1 = arith.constant 0 : i32
    return %c0_i32, %c0_i32_0 : i32, i32
  }
  func.func @transform_38(%arg0: i32) -> (i32, i32) {
    %c0_i32 = arith.constant 0 : i32
    %c0_i32_0 = arith.constant 0 : i32
    %c0_i32_1 = arith.constant 0 : i32
    return %c0_i32, %c0_i32_0 : i32, i32
  }
  func.func @transform_39(%arg0: i32) -> (i32, i32) {
    %c0_i32 = arith.constant 0 : i32
    %c0_i32_0 = arith.constant 0 : i32
    %c0_i32_1 = arith.constant 0 : i32
    return %c0_i32, %c0_i32_0 : i32, i32
  }
  func.func @transform_40(%arg0: i32) -> (i32, i32) {
    %c0_i32 = arith.constant 0 : i32
    %c0_i32_0 = arith.constant 0 : i32
    %c0_i32_1 = arith.constant 0 : i32
    return %c0_i32, %c0_i32_0 : i32, i32
  }
  func.func @transform_41(%arg0: i32) -> (i32, i32) {
    %c0_i32 = arith.constant 0 : i32
    %c0_i32_0 = arith.constant 0 : i32
    %c0_i32_1 = arith.constant 0 : i32
    return %c0_i32, %c0_i32_0 : i32, i32
  }
  func.func @transform_42(%arg0: i32) -> (i32, i32) {
    %c0_i32 = arith.constant 0 : i32
    %c0_i32_0 = arith.constant 0 : i32
    %c0_i32_1 = arith.constant 0 : i32
    return %c0_i32, %c0_i32_0 : i32, i32
  }
  func.func @transform_43(%arg0: i32) -> (i32, i32) {
    %c0_i32 = arith.constant 0 : i32
    %c0_i32_0 = arith.constant 0 : i32
    %c0_i32_1 = arith.constant 0 : i32
    return %c0_i32, %c0_i32_0 : i32, i32
  }
  func.func @transform_44(%arg0: i32) -> (i32, i32) {
    %c0_i32 = arith.constant 0 : i32
    %c0_i32_0 = arith.constant 0 : i32
    %c0_i32_1 = arith.constant 0 : i32
    return %c0_i32, %c0_i32_0 : i32, i32
  }
  func.func @transform_45(%arg0: i32) -> (i32, i32) {
    %c0_i32 = arith.constant 0 : i32
    %c0_i32_0 = arith.constant 0 : i32
    %c0_i32_1 = arith.constant 0 : i32
    return %c0_i32, %c0_i32_0 : i32, i32
  }
  func.func @transform_46(%arg0: i32) -> (i32, i32) {
    %c0_i32 = arith.constant 0 : i32
    %c0_i32_0 = arith.constant 0 : i32
    %c0_i32_1 = arith.constant 0 : i32
    return %c0_i32, %c0_i32_0 : i32, i32
  }
  func.func @transform_47(%arg0: i32) -> (i32, i32) {
    %c0_i32 = arith.constant 0 : i32
    %c0_i32_0 = arith.constant 0 : i32
    %c0_i32_1 = arith.constant 0 : i32
    return %c0_i32, %c0_i32_0 : i32, i32
  }
  func.func @transform_48(%arg0: i32) -> (i32, i32) {
    %c0_i32 = arith.constant 0 : i32
    %c0_i32_0 = arith.constant 0 : i32
    %c0_i32_1 = arith.constant 0 : i32
    return %c0_i32, %c0_i32_0 : i32, i32
  }
  func.func @transform_49(%arg0: i32) -> (i32, i32) {
    %c0_i32 = arith.constant 0 : i32
    %c0_i32_0 = arith.constant 0 : i32
    %c0_i32_1 = arith.constant 0 : i32
    return %c0_i32, %c0_i32_0 : i32, i32
  }
  func.func @transform_50(%arg0: i32) -> (i32, i32) {
    %c0_i32 = arith.constant 0 : i32
    %c0_i32_0 = arith.constant 0 : i32
    %c0_i32_1 = arith.constant 0 : i32
    return %c0_i32, %c0_i32_0 : i32, i32
  }
  func.func @transform_51(%arg0: i32) -> (i32, i32) {
    %c0_i32 = arith.constant 0 : i32
    %c0_i32_0 = arith.constant 0 : i32
    %c0_i32_1 = arith.constant 0 : i32
    return %c0_i32, %c0_i32_0 : i32, i32
  }
  func.func @transform_52(%arg0: i32) -> (i32, i32) {
    %c0_i32 = arith.constant 0 : i32
    %c0_i32_0 = arith.constant 0 : i32
    return %arg0, %c0_i32 : i32, i32
  }
  func.func @transform_53(%arg0: i32) -> (i32, i32) {
    %c0_i32 = arith.constant 0 : i32
    %c0_i32_0 = arith.constant 0 : i32
    return %arg0, %c0_i32 : i32, i32
  }
}

</mosaic_0001>

<sc_bundles>
// kernel: kernel.4.cloned.1.call-start
scs
__scs_entry_jumppad:
0x0: {  	(pc) =	sbr.rel $0x88, $3  }
0x1: {  	(tag) =	ssettag $0x0;
	lr =	simm.s32 $0x1  }
0x2: {  	[smem:$0x3F75] =	sst lr;
	_ =	strace $0xD0000000  }
0x3: {  	_ = 	snop  }
0x4: {  	_ = 	snop  }
0x5: {  	_ = 	snop  }
0x6: {  	_ = 	snop  }
0x7: {  	_ = 	snop  }
__scs_overlays_trampoline_lowered:
0x8: {  	[smem:$0x3F84] =	sst s0  }
0x9: {  	[smem:$0x3F85] =	sst s1  }
0xa: {  	[smem:$0x3F86] =	sst s2  }
0xb: {  	[smem:$0x3F87] =	sst s3  }
0xc: {  	[smem:$0x3F88] =	sst s4  }
0xd: {  	[smem:$0x3F89] =	sst s5  }
0xe: {  	[smem:$0x3F8A] =	sst s6  }
0xf: {  	[smem:$0x3F8B] =	sst s7  }
0x10: {  	[smem:$0x3F8C] =	sst s8  }
0x11: {  	[smem:$0x3F8D] =	sst s9;
	s0 =	simm.s32 @!p0 $0x0  }
0x12: {  	s1 =	sld [smem:$0x3F73];
	s0 =	simm.s32 @p0 $0x1  }
0x13: {  	[smem:$0x3F8E] =	sst s0;
	s0 =	simm.s32 @!p1 $0x0  }
0x14: {  	s2 =	sld [smem:$0x3F72];
	s0 =	simm.s32 @p1 $0x1  }
0x15: {  	[smem:$0x3F8F] =	sst s0;
	s0 =	simm.s32 @!p2 $0x0  }
0x16: {  	s3 =	sld [smem:$0x3FDB];
	s0 =	simm.s32 @p2 $0x1  }
0x17: {  	s4 =	simm.s32 $0x1BF5;
	[smem:$0x3F91] =	sst s0  }
0x18: {  	s0 =	sld [smem:$0x3F74];
	_ =	swait.ge [sflag:s4], $0x0  }
0x19: {  	s7 =	sld [smem:$0x3F75]  }
0x1a: {  	s8 =	sadd.s32 $0xFFFFE003, lr  }
0x1b: {  	s9 =	sadd.s32 $0xFFFFFEF7, lr;
	s5 =	simm.s32 $0xFFFFFFFF;
	p2 =	slt.u32 s8, $0xFFFFF086  }
0x1c: {  	p1 =	slt.u32 s9, $0xF7A;
	s5 =	simm.s32 @!p2 $0x0  }
0x1d: {  	s5 =	simm.s32 @p1 $0x1;
	p0 =	seq.s32 s7, s2  }
0x1e: {  	s7 =	smul.u32 @!p0 $0xF7A, s2;
	p2 =	seq.s32 @!p0 s5, $0x0  }
0x1f: {  	s9 =	smul.u32 $0xF7A, s1;
	s8 =	simm.s32 @!p0 $0x1BF5;
	p2 =	por !p2, p0  }
0x20: {  	[sflag:s8] =	ssyncset.s32 @!p0 $0xFFFFF086;
	s6 =	sadd.s32 @!p0 s3, s7;
	s7 =	simm.s32 @!p0 $0x108  }
0x21: {  	s3 =	sadd.s32 s3, s9;
	s6 =	sadd.s32 @!p0 $0x88, s6;
	s7 =	simm.s32 @p2 $0x1082  }
0x22: {  	[simem:s7], [sflag:s8] =	dma.local @!p0 [hbm:s6], $0xF7A  }
0x23: {  	s9 =	sor.u32 $0xD0000000, s2;
	s6 =	simm.s32 $0x108;
	_ =	swait.ge @!p0 [sflag:s8], $0x0  }
0x24: {  	s3 =	sadd.s32 $0x88, s3;
	s6 =	simm.s32 @!p1 $0x1082;
	[sflag:s4] =	ssyncset.s32 $0xFFFFF086  }
0x25: {  	[simem:s6], [sflag:s4] =	dma.local [hbm:s3], $0xF7A  }
0x26: {  	[smem:$0x3F75] =	sst s1;
	(tag) =	ssettag s2;
	_ =	strace s9  }
0x27: {  	s1 =	sld [smem:$0x3F85]  }
0x28: {  	s2 =	sld [smem:$0x3F86]  }
0x29: {  	s4 =	sld [smem:$0x3F88]  }
0x2a: {  	p0 =	seq.s32 s5, $0x0;
	s5 =	sld [smem:$0x3F89]  }
0x2b: {  	s6 =	sld [smem:$0x3F8A]  }
0x2c: {  	s7 =	sld [smem:$0x3F8B]  }
0x2d: {  	s3 =	simm.s32 $0x108;
	s8 =	sld [smem:$0x3F8C]  }
0x2e: {  	s3 =	simm.s32 @!p0 $0x1082;
	s9 =	sld [smem:$0x3F8D]  }
0x2f: {  	lr =	sadd.s32 s0, s3;
	s0 =	sld [smem:$0x3F84]  }
0x30: {  	s3 =	sld [smem:$0x3F87]  }
0x31: {  	[smem:$0x3F90] =	sst s10  }
0x32: {  	s10 =	sld [smem:$0x3F8E];
	_ =	sdelay $0x3  }
0x33: {  	p0 =	seq.s32 s10, $0x1;
	s10 =	sld [smem:$0x3F90];
	_ =	sdelay $0x3  }
0x34: {  	[smem:$0x3F90] =	sst s10  }
0x35: {  	s10 =	sld [smem:$0x3F8F];
	_ =	sdelay $0x3  }
0x36: {  	p1 =	seq.s32 s10, $0x1;
	s10 =	sld [smem:$0x3F90];
	_ =	sdelay $0x3  }
0x37: {  	[smem:$0x3F90] =	sst s10  }
0x38: {  	s10 =	sld [smem:$0x3F91]  }
0x39: {  	_ = 	snop;
	(pc) =	sbr.ind lr, $3  }
0x3a: {  	_ = 	snop  }
0x3b: {  	_ = 	snop  }
0x3c: {  	p2 =	seq.s32 s10, $0x1;
	s10 =	sld [smem:$0x3F90]  }
0x3d: {  	_ =	shalt  }
0x3e: {  	_ =	shalt  }
0x3f: {  	_ =	shalt  }
0x40: {  	_ =	shalt  }
0x41: {  	_ =	shalt  }
0x42: {  	_ =	shalt  }
0x43: {  	_ =	shalt  }
0x44: {  	_ =	shalt  }
0x45: {  	_ =	shalt  }
0x46: {  	_ =	shalt  }
0x47: {  	_ =	shalt  }
0x48: {  	_ =	shalt  }
0x49: {  	_ =	shalt  }
0x4a: {  	_ =	shalt  }
0x4b: {  	_ =	shalt  }
0x4c: {  	_ =	shalt  }
0x4d: {  	_ =	shalt  }
0x4e: {  	_ =	shalt  }
0x4f: {  	_ =	shalt  }
0x50: {  	_ =	shalt  }
0x51: {  	_ =	shalt  }
0x52: {  	_ =	shalt  }
0x53: {  	_ =	shalt  }
0x54: {  	_ =	shalt  }
0x55: {  	_ =	shalt  }
0x56: {  	_ =	shalt  }
0x57: {  	_ =	shalt  }
0x58: {  	_ =	shalt  }
0x59: {  	_ =	shalt  }
0x5a: {  	_ =	shalt  }
0x5b: {  	_ =	shalt  }
0x5c: {  	_ =	shalt  }
0x5d: {  	_ =	shalt  }
0x5e: {  	_ =	shalt  }
0x5f: {  	_ =	shalt  }
0x60: {  	_ =	shalt  }
0x61: {  	_ =	shalt  }
0x62: {  	_ =	shalt  }
0x63: {  	_ =	shalt  }
0x64: {  	_ =	shalt  }
0x65: {  	_ =	shalt  }
0x66: {  	_ =	shalt  }
0x67: {  	_ =	shalt  }
0x68: {  	_ =	shalt  }
0x69: {  	_ =	shalt  }
0x6a: {  	_ =	shalt  }
0x6b: {  	_ =	shalt  }
0x6c: {  	_ =	shalt  }
0x6d: {  	_ =	shalt  }
0x6e: {  	_ =	shalt  }
0x6f: {  	_ =	shalt  }
0x70: {  	_ =	shalt  }
0x71: {  	_ =	shalt  }
0x72: {  	_ =	shalt  }
0x73: {  	_ =	shalt  }
0x74: {  	_ =	shalt  }
0x75: {  	_ =	shalt  }
0x76: {  	_ =	shalt  }
0x77: {  	_ =	shalt  }
0x78: {  	_ =	shalt  }
0x79: {  	_ =	shalt  }
0x7a: {  	_ =	shalt  }
0x7b: {  	_ =	shalt  }
0x7c: {  	_ =	shalt  }
0x7d: {  	_ =	shalt  }
0x7e: {  	_ =	shalt  }
0x7f: {  	_ =	shalt  }
0x80: {  	_ =	shalt  }
0x81: {  	_ =	shalt  }
0x82: {  	_ =	shalt  }
0x83: {  	_ =	shalt  }
0x84: {  	_ =	shalt  }
0x85: {  	_ =	shalt  }
0x86: {  	_ =	shalt  }
0x87: {  	_ =	shalt  }
.Lfunc_end0:
.L_simem_size_0:
called_computation_lowered:
.L_overlay_start_0:
0x88: {  	s2 =	sld [smem:$0x3FD9]  }
0x89: {  	s3 =	sld [smem:$0x3FFE];
	_ =	sdelay $0x1  }
0x8a: {  	s1 =	srdreg.scid  }
0x8b: {  	s0 =	sand.u32 $0x1, s1  }
0x8c: {  	s16 =	sshll.u32 s0, $0xA;
	s2 =	sadd.s32 s3, s2  }
0x8d: {  	s2 =	sadd.s32 s2, s16  }
0x8e: {  	[smem:$0x3F9C] =	sst s2  }
0x8f: {  	_ = 	snop  }
0x90: {  	(tm) =	ssettm $0x1  }
0x91: {  	s17 =	sld [smem:$0x3FFB];
	_ =	sdelay $0x3  }
0x92: {  	_ =	strace s17  }
0x93: {  	s2 =	sld [smem:$0x3FFC];
	_ =	sdelay $0x3  }
0x94: {  	_ =	strace s2  }
0x95: {  	s2 =	sld [smem:$0x3FFD];
	_ =	sdelay $0x3  }
0x96: {  	_ =	strace s2  }
0x97: {  	_ =	strace $0x8FFFFFFF  }
0x98: {  	s18 =	sld [smem:$0x3FDB];
	_ =	sdelay $0x1  }
0x99: {  	s19 =	simm.s32 $_scs_section_size  }
0x9a: {  	s4 =	simm.s32 $_size__tile_overlayer_lowered;
	s5 =	simm.s32 $_tile_overlayer_lowered  }
0x9b: {  	s22 =	simm.s32 $0x1BFF;
	s21 =	sshll.u32 s5, $0x1;
	s2 =	sadd.s32 s19, s18  }
0x9c: {  	s6 =	simm.s32 $0x0;
	s20 =	sshll.u32 s4, $0x1;
	s4 =	sadd.s32 s21, s2  }
0x9d: {  	[timem:s6], [sflag:s22] =	dma.local [hbm:s4], s20  }
0x9e: {  	_ =	swait.ge [sflag:s22], s20  }
0x9f: {  	s3 =	ssub.s32 $0x0, s20;
	[sflag:s22] =	ssyncset.done $0x0  }
0xa0: {  	[sflag:s22] =	ssyncadd.s32 s3;
	_ =	sdelay $0x1  }
0xa1: {  	s23 =	simm.s32 $0x1B8B  }
0xa2: {  	_ =	swait.ge [sflag:s23], $0x1  }
0xa3: {  	[sflag:s23] =	ssyncset.done $0x0  }
0xa4: {  	s25 =	simm.s32 $0x1B8E;
	s24 =	sld [smem:$0x3FFE];
	[sflag:s23] =	ssyncadd.s32 $0xFFFFFFFF  }
0xa5: {  	s26 =	simm.s32 $execute0_lowered;
	[smem:$0x3FD2] =	sst s25  }
0xa6: {  	s4 =	sshll.u32 s26, $0x1;
	_ =	strace $0x80000046;
	[dreg:$0x1] =	wrdreg $0xFFFFFFFF  }
0xa7: {  	s28 =	simm.s32 $_size_execute0_lowered;
	s2 =	sadd.s32 s2, s4;
	[dreg:$0x0] =	wrdreg $0x0  }
0xa8: {  	s4 =	sshll.u32 s28, $0x1;
	[dreg:$0x2] =	wrdreg s2  }
0xa9: {  	[dreg:$0x3] =	wrdreg s4  }
0xaa: {  	[dreg:$0x4] =	wrdreg $0xC0  }
0xab: {  	_ =	task [dreg:s6], $0x5FFFF  }
0xac: {  	[dreg:$0x1] =	wrdreg $0xFFFFFFFF  }
0xad: {  	[dreg:$0x0] =	wrdreg $0x60  }
0xae: {  	[dreg:$0x2] =	wrdreg s24  }
0xaf: {  	[dreg:$0x3] =	wrdreg $0x9  }
0xb0: {  	_ =	task.clear_ibuf [dreg:s6], $0x4FFFF;
	_ =	strace $0x90000046  }
0xb1: {  	s29 =	simm.s32 $0x9;
	_ =	strace $0x80000048  }
0xb2: {  	_ =	swait.ge [sflag:s29], $0x1  }
0xb3: {  	[sflag:s29] =	ssyncadd.s32 $0xFFFFFFFF  }
0xb4: {  	_ =	strace $0x90000048  }
0xb5: {  	_ =	sfence  }
0xb6: {  	s30 =	sld [smem:$0x0];
	_ =	sdelay $0x2  }
0xb7: {  	s31 =	sshll.u32 s1, $0xD;
	s1 =	sshrl.u32 s1, $0x2  }
0xb8: {  	s3 =	sand.u32 $0x4000, s31;
	s1 =	sadd.s32 s1, s30  }
0xb9: {  	s0 =	sor.u32 s3, s0;
	s1 =	sshll.u32 s1, $0x11  }
0xba: {  	s0 =	sor.u32 s1, s0  }
0xbb: {  	s0 =	sadd.s32 $0x8F2B, s0  }
0xbc: {  	[sflag:s0] =	ssyncadd.remote.s32 $0x1  }
0xbd: {  	_ =	sfence.sel $0xFFFF  }
0xbe: {  	[dreg:$0x0] =	wrdreg $0xFFFFFFFF;
	(pc) =	sbr.abs _section_cstart, $3  }
0xbf: {  	[dreg:$0x1] =	wrdreg $0xFFFFFFFF  }
0xc0: {  	_ =	task.clear_ibuf [dreg:s6], $0x2FFFF;
	_ =	strace $0x9FFFFFFF  }
0xc1: {  	(tm) =	ssettm $0x7FFFFFFF  }
tec
execute0_lowered:
.L_overlay_start_1:
0x0: {  	(tag) =	ssettag $0x1  }
0x1: {  	s3 =	rddreg [dreg:$0x0]  }
0x2: {  	s0 =	rddreg [dreg:$0x1];
	s2 =	simm.s32 $0x0  }
0x3: {  	s1 =	stileid.u32;
	s4 =	srdreg.scid;
	s11 =	simm.s32 $0x8680  }
0x4: {  	s12 =	simm.s32 $0x0;
	[smem:$0x7FF] =	sst s2;
	s5 =	sshll.u32 s1, $0x10  }
0x5: {  	s6 =	smul.u32 $0x1900, s1;
	s4 =	sand.u32 $0x1, s4;
	s25 =	sshll.u32 s1, $0xE  }
0x6: {  	_ =	strace $0x80000047;
	s5 =	sadd.s32 s5, s3;
	s7 =	ssub.s32 $0x2, s4  }
0x7: {  	s28 =	sshll.u32 s4, $0xD;
	s29 =	sshll.u32 s4, $0xF;
	s10 =	smul.u32 $0xC80, s4  }
0x8: {  	s8 =	sadd.s32 s6, s3;
	s9 =	sshrl.u32 s7, $0x1;
	s3 =	sadd.s32 s25, s3  }
0x9: {  	s30 =	sadd.s32 s29, s5;
	s26 =	ssub.s32 s7, s9;
	s7 =	sadd.s32 s28, s3  }
0xa: {  	s5 =	sadd.s32 $0x6000, s30;
	s6 =	sadd.s32 $0x106000, s30;
	s31 =	sadd.s32 s10, s8  }
0xb: {  	v0 =	vimm.f32 $0.0e+00;
	v3 =	vlaneseq.u32;
	s8 =	simm.s32 $0x1;
	s9 =	simm.s32 $0x4000;
	s10 =	simm.s32 $0x8000  }
0xc: {  	v2 =	vimm.f32 $1.000000000e+00;
	v1 =	vmul.u32 $0x64, v3;
	v3 =	vmul.u32 $0x100, v3;
	s3 =	smax.u32 s26, $0x1;
	s4 =	sadd.s32 $0x21F000, s7;
	s7 =	sadd.s32 $0x206000, s31  }
.LBB2_1:
0xd: {  	s13 =	smov.u32 s7;
	s14 =	smov.u32 s4;
	s15 =	simm.s32 $0x0  }
.LBB2_2:
0xe: {  	s16 =	sadd.s32 s15, s6  }
0xf: {  	[tilespmem:s2], [sflag:$0x1] =	stream.linear.gather [hbm4b:s16+s2], $0x4000, $0x38;
	[tilespmem:$0x9680] =	vst v63  }
0x10: {  	_ =	swait.ge [sflag:s8], $0x4000  }
0x11: {  	[sflag:s8] =	ssyncset.done $0x0  }
0x12: {  	s31 =	sadd.s32 s15, s5;
	[sflag:s8] =	ssyncadd.s32 $0xFFFFC000  }
0x13: {  	[tilespmem:s9], [sflag:$0x1] =	stream.linear.gather [hbm4b:s31+s2], $0x4000, $0x38;
	[tilespmem:$0x9680] =	vst v63  }
0x14: {  	_ =	swait.ge [sflag:s8], $0x4000  }
0x15: {  	[sflag:s8] =	ssyncset.done $0x0  }
0x16: {  	[sflag:s8] =	ssyncadd.s32 $0xFFFFC000  }
0x17: {  	[tilespmem:$0x8000] =	vst v0  }
0x18: {  	[tilespmem:$0x8010] =	vst v0  }
0x19: {  	[tilespmem:$0x8020] =	vst v0  }
0x1a: {  	[tilespmem:$0x8030] =	vst v0  }
0x1b: {  	[tilespmem:$0x8040] =	vst v0  }
0x1c: {  	[tilespmem:$0x8050] =	vst v0  }
0x1d: {  	[tilespmem:$0x8060] =	vst v0  }
0x1e: {  	[tilespmem:$0x8070] =	vst v0  }
0x1f: {  	[tilespmem:$0x8080] =	vst v0  }
0x20: {  	[tilespmem:$0x8090] =	vst v0  }
0x21: {  	[tilespmem:$0x80A0] =	vst v0  }
0x22: {  	[tilespmem:$0x80B0] =	vst v0  }
0x23: {  	[tilespmem:$0x80C0] =	vst v0  }
0x24: {  	[tilespmem:$0x80D0] =	vst v0  }
0x25: {  	[tilespmem:$0x80E0] =	vst v0  }
0x26: {  	[tilespmem:$0x80F0] =	vst v0  }
0x27: {  	[tilespmem:$0x8100] =	vst v0  }
0x28: {  	[tilespmem:$0x8110] =	vst v0  }
0x29: {  	[tilespmem:$0x8120] =	vst v0  }
0x2a: {  	[tilespmem:$0x8130] =	vst v0  }
0x2b: {  	[tilespmem:$0x8140] =	vst v0  }
0x2c: {  	[tilespmem:$0x8150] =	vst v0  }
0x2d: {  	[tilespmem:$0x8160] =	vst v0  }
0x2e: {  	[tilespmem:$0x8170] =	vst v0  }
0x2f: {  	[tilespmem:$0x8180] =	vst v0  }
0x30: {  	[tilespmem:$0x8190] =	vst v0  }
0x31: {  	[tilespmem:$0x81A0] =	vst v0  }
0x32: {  	[tilespmem:$0x81B0] =	vst v0  }
0x33: {  	[tilespmem:$0x81C0] =	vst v0  }
0x34: {  	[tilespmem:$0x81D0] =	vst v0  }
0x35: {  	[tilespmem:$0x81E0] =	vst v0  }
0x36: {  	[tilespmem:$0x81F0] =	vst v0  }
0x37: {  	[tilespmem:$0x8200] =	vst v0  }
0x38: {  	[tilespmem:$0x8210] =	vst v0  }
0x39: {  	[tilespmem:$0x8220] =	vst v0  }
0x3a: {  	[tilespmem:$0x8230] =	vst v0  }
0x3b: {  	[tilespmem:$0x8240] =	vst v0  }
0x3c: {  	[tilespmem:$0x8250] =	vst v0  }
0x3d: {  	[tilespmem:$0x8260] =	vst v0  }
0x3e: {  	[tilespmem:$0x8270] =	vst v0  }
0x3f: {  	[tilespmem:$0x8280] =	vst v0  }
0x40: {  	[tilespmem:$0x8290] =	vst v0  }
0x41: {  	[tilespmem:$0x82A0] =	vst v0  }
0x42: {  	[tilespmem:$0x82B0] =	vst v0  }
0x43: {  	[tilespmem:$0x82C0] =	vst v0  }
0x44: {  	[tilespmem:$0x82D0] =	vst v0  }
0x45: {  	[tilespmem:$0x82E0] =	vst v0  }
0x46: {  	[tilespmem:$0x82F0] =	vst v0  }
0x47: {  	[tilespmem:$0x8300] =	vst v0  }
0x48: {  	[tilespmem:$0x8310] =	vst v0  }
0x49: {  	[tilespmem:$0x8320] =	vst v0  }
0x4a: {  	[tilespmem:$0x8330] =	vst v0  }
0x4b: {  	[tilespmem:$0x8340] =	vst v0  }
0x4c: {  	[tilespmem:$0x8350] =	vst v0  }
0x4d: {  	[tilespmem:$0x8360] =	vst v0  }
0x4e: {  	[tilespmem:$0x8370] =	vst v0  }
0x4f: {  	[tilespmem:$0x8380] =	vst v0  }
0x50: {  	[tilespmem:$0x8390] =	vst v0  }
0x51: {  	[tilespmem:$0x83A0] =	vst v0  }
0x52: {  	[tilespmem:$0x83B0] =	vst v0  }
0x53: {  	[tilespmem:$0x83C0] =	vst v0  }
0x54: {  	[tilespmem:$0x83D0] =	vst v0  }
0x55: {  	[tilespmem:$0x83E0] =	vst v0  }
0x56: {  	[tilespmem:$0x83F0] =	vst v0  }
0x57: {  	[tilespmem:$0x8400] =	vst v0  }
0x58: {  	[tilespmem:$0x8410] =	vst v0  }
0x59: {  	[tilespmem:$0x8420] =	vst v0  }
0x5a: {  	[tilespmem:$0x8430] =	vst v0  }
0x5b: {  	[tilespmem:$0x8440] =	vst v0  }
0x5c: {  	[tilespmem:$0x8450] =	vst v0  }
0x5d: {  	[tilespmem:$0x8460] =	vst v0  }
0x5e: {  	[tilespmem:$0x8470] =	vst v0  }
0x5f: {  	[tilespmem:$0x8480] =	vst v0  }
0x60: {  	[tilespmem:$0x8490] =	vst v0  }
0x61: {  	[tilespmem:$0x84A0] =	vst v0  }
0x62: {  	[tilespmem:$0x84B0] =	vst v0  }
0x63: {  	[tilespmem:$0x84C0] =	vst v0  }
0x64: {  	[tilespmem:$0x84D0] =	vst v0  }
0x65: {  	[tilespmem:$0x84E0] =	vst v0  }
0x66: {  	[tilespmem:$0x84F0] =	vst v0  }
0x67: {  	[tilespmem:$0x8500] =	vst v0  }
0x68: {  	[tilespmem:$0x8510] =	vst v0  }
0x69: {  	[tilespmem:$0x8520] =	vst v0  }
0x6a: {  	[tilespmem:$0x8530] =	vst v0  }
0x6b: {  	[tilespmem:$0x8540] =	vst v0  }
0x6c: {  	[tilespmem:$0x8550] =	vst v0  }
0x6d: {  	[tilespmem:$0x8560] =	vst v0  }
0x6e: {  	[tilespmem:$0x8570] =	vst v0  }
0x6f: {  	[tilespmem:$0x8580] =	vst v0  }
0x70: {  	[tilespmem:$0x8590] =	vst v0  }
0x71: {  	[tilespmem:$0x85A0] =	vst v0  }
0x72: {  	[tilespmem:$0x85B0] =	vst v0  }
0x73: {  	[tilespmem:$0x85C0] =	vst v0  }
0x74: {  	[tilespmem:$0x85D0] =	vst v0  }
0x75: {  	[tilespmem:$0x85E0] =	vst v0  }
0x76: {  	[tilespmem:$0x85F0] =	vst v0  }
0x77: {  	[tilespmem:$0x8600] =	vst v0  }
0x78: {  	[tilespmem:$0x8610] =	vst v0  }
0x79: {  	[tilespmem:$0x8620] =	vst v0  }
0x7a: {  	[tilespmem:$0x8630] =	vst v0  }
0x7b: {  	[tilespmem:$0x8680] =	vst v0  }
0x7c: {  	[tilespmem:$0x8690] =	vst v0  }
0x7d: {  	[tilespmem:$0x86A0] =	vst v0  }
0x7e: {  	[tilespmem:$0x86B0] =	vst v0  }
0x7f: {  	[tilespmem:$0x86C0] =	vst v0  }
0x80: {  	[tilespmem:$0x86D0] =	vst v0  }
0x81: {  	[tilespmem:$0x86E0] =	vst v0  }
0x82: {  	[tilespmem:$0x86F0] =	vst v0  }
0x83: {  	[tilespmem:$0x8700] =	vst v0  }
0x84: {  	[tilespmem:$0x8710] =	vst v0  }
0x85: {  	[tilespmem:$0x8720] =	vst v0  }
0x86: {  	[tilespmem:$0x8730] =	vst v0  }
0x87: {  	[tilespmem:$0x8740] =	vst v0  }
0x88: {  	[tilespmem:$0x8750] =	vst v0  }
0x89: {  	[tilespmem:$0x8760] =	vst v0  }
0x8a: {  	[tilespmem:$0x8770] =	vst v0  }
0x8b: {  	[tilespmem:$0x8780] =	vst v0  }
0x8c: {  	[tilespmem:$0x8790] =	vst v0  }
0x8d: {  	[tilespmem:$0x87A0] =	vst v0  }
0x8e: {  	[tilespmem:$0x87B0] =	vst v0  }
0x8f: {  	[tilespmem:$0x87C0] =	vst v0  }
0x90: {  	[tilespmem:$0x87D0] =	vst v0  }
0x91: {  	[tilespmem:$0x87E0] =	vst v0  }
0x92: {  	[tilespmem:$0x87F0] =	vst v0  }
0x93: {  	[tilespmem:$0x8800] =	vst v0  }
0x94: {  	[tilespmem:$0x8810] =	vst v0  }
0x95: {  	[tilespmem:$0x8820] =	vst v0  }
0x96: {  	[tilespmem:$0x8830] =	vst v0  }
0x97: {  	[tilespmem:$0x8840] =	vst v0  }
0x98: {  	[tilespmem:$0x8850] =	vst v0  }
0x99: {  	[tilespmem:$0x8860] =	vst v0  }
0x9a: {  	[tilespmem:$0x8870] =	vst v0  }
0x9b: {  	[tilespmem:$0x8880] =	vst v0  }
0x9c: {  	[tilespmem:$0x8890] =	vst v0  }
0x9d: {  	[tilespmem:$0x88A0] =	vst v0  }
0x9e: {  	[tilespmem:$0x88B0] =	vst v0  }
0x9f: {  	[tilespmem:$0x88C0] =	vst v0  }
0xa0: {  	[tilespmem:$0x88D0] =	vst v0  }
0xa1: {  	[tilespmem:$0x88E0] =	vst v0  }
0xa2: {  	[tilespmem:$0x88F0] =	vst v0  }
0xa3: {  	[tilespmem:$0x8900] =	vst v0  }
0xa4: {  	[tilespmem:$0x8910] =	vst v0  }
0xa5: {  	[tilespmem:$0x8920] =	vst v0  }
0xa6: {  	[tilespmem:$0x8930] =	vst v0  }
0xa7: {  	[tilespmem:$0x8940] =	vst v0  }
0xa8: {  	[tilespmem:$0x8950] =	vst v0  }
0xa9: {  	[tilespmem:$0x8960] =	vst v0  }
0xaa: {  	[tilespmem:$0x8970] =	vst v0  }
0xab: {  	[tilespmem:$0x8980] =	vst v0  }
0xac: {  	[tilespmem:$0x8990] =	vst v0  }
0xad: {  	[tilespmem:$0x89A0] =	vst v0  }
0xae: {  	[tilespmem:$0x89B0] =	vst v0  }
0xaf: {  	[tilespmem:$0x89C0] =	vst v0  }
0xb0: {  	[tilespmem:$0x89D0] =	vst v0  }
0xb1: {  	[tilespmem:$0x89E0] =	vst v0  }
0xb2: {  	[tilespmem:$0x89F0] =	vst v0  }
0xb3: {  	[tilespmem:$0x8A00] =	vst v0  }
0xb4: {  	[tilespmem:$0x8A10] =	vst v0  }
0xb5: {  	[tilespmem:$0x8A20] =	vst v0  }
0xb6: {  	[tilespmem:$0x8A30] =	vst v0  }
0xb7: {  	[tilespmem:$0x8A40] =	vst v0  }
0xb8: {  	[tilespmem:$0x8A50] =	vst v0  }
0xb9: {  	[tilespmem:$0x8A60] =	vst v0  }
0xba: {  	[tilespmem:$0x8A70] =	vst v0  }
0xbb: {  	[tilespmem:$0x8A80] =	vst v0  }
0xbc: {  	[tilespmem:$0x8A90] =	vst v0  }
0xbd: {  	[tilespmem:$0x8AA0] =	vst v0  }
0xbe: {  	[tilespmem:$0x8AB0] =	vst v0  }
0xbf: {  	[tilespmem:$0x8AC0] =	vst v0  }
0xc0: {  	[tilespmem:$0x8AD0] =	vst v0  }
0xc1: {  	[tilespmem:$0x8AE0] =	vst v0  }
0xc2: {  	[tilespmem:$0x8AF0] =	vst v0  }
0xc3: {  	[tilespmem:$0x8B00] =	vst v0  }
0xc4: {  	[tilespmem:$0x8B10] =	vst v0  }
0xc5: {  	[tilespmem:$0x8B20] =	vst v0  }
0xc6: {  	[tilespmem:$0x8B30] =	vst v0  }
0xc7: {  	[tilespmem:$0x8B40] =	vst v0  }
0xc8: {  	[tilespmem:$0x8B50] =	vst v0  }
0xc9: {  	[tilespmem:$0x8B60] =	vst v0  }
0xca: {  	[tilespmem:$0x8B70] =	vst v0  }
0xcb: {  	[tilespmem:$0x8B80] =	vst v0  }
0xcc: {  	[tilespmem:$0x8B90] =	vst v0  }
0xcd: {  	[tilespmem:$0x8BA0] =	vst v0  }
0xce: {  	[tilespmem:$0x8BB0] =	vst v0  }
0xcf: {  	[tilespmem:$0x8BC0] =	vst v0  }
0xd0: {  	[tilespmem:$0x8BD0] =	vst v0  }
0xd1: {  	[tilespmem:$0x8BE0] =	vst v0  }
0xd2: {  	[tilespmem:$0x8BF0] =	vst v0  }
0xd3: {  	[tilespmem:$0x8C00] =	vst v0  }
0xd4: {  	[tilespmem:$0x8C10] =	vst v0  }
0xd5: {  	[tilespmem:$0x8C20] =	vst v0  }
0xd6: {  	[tilespmem:$0x8C30] =	vst v0  }
0xd7: {  	[tilespmem:$0x8C40] =	vst v0  }
0xd8: {  	[tilespmem:$0x8C50] =	vst v0  }
0xd9: {  	[tilespmem:$0x8C60] =	vst v0  }
0xda: {  	[tilespmem:$0x8C70] =	vst v0  }
0xdb: {  	[tilespmem:$0x8C80] =	vst v0  }
0xdc: {  	[tilespmem:$0x8C90] =	vst v0  }
0xdd: {  	[tilespmem:$0x8CA0] =	vst v0  }
0xde: {  	[tilespmem:$0x8CB0] =	vst v0  }
0xdf: {  	[tilespmem:$0x8CC0] =	vst v0  }
0xe0: {  	[tilespmem:$0x8CD0] =	vst v0  }
0xe1: {  	[tilespmem:$0x8CE0] =	vst v0  }
0xe2: {  	[tilespmem:$0x8CF0] =	vst v0  }
0xe3: {  	[tilespmem:$0x8D00] =	vst v0  }
0xe4: {  	[tilespmem:$0x8D10] =	vst v0  }
0xe5: {  	[tilespmem:$0x8D20] =	vst v0  }
0xe6: {  	[tilespmem:$0x8D30] =	vst v0  }
0xe7: {  	[tilespmem:$0x8D40] =	vst v0  }
0xe8: {  	[tilespmem:$0x8D50] =	vst v0  }
0xe9: {  	[tilespmem:$0x8D60] =	vst v0  }
0xea: {  	[tilespmem:$0x8D70] =	vst v0  }
0xeb: {  	[tilespmem:$0x8D80] =	vst v0  }
0xec: {  	[tilespmem:$0x8D90] =	vst v0  }
0xed: {  	[tilespmem:$0x8DA0] =	vst v0  }
0xee: {  	[tilespmem:$0x8DB0] =	vst v0  }
0xef: {  	[tilespmem:$0x8DC0] =	vst v0  }
0xf0: {  	[tilespmem:$0x8DD0] =	vst v0  }
0xf1: {  	[tilespmem:$0x8DE0] =	vst v0  }
0xf2: {  	[tilespmem:$0x8DF0] =	vst v0  }
0xf3: {  	[tilespmem:$0x8E00] =	vst v0  }
0xf4: {  	[tilespmem:$0x8E10] =	vst v0  }
0xf5: {  	[tilespmem:$0x8E20] =	vst v0  }
0xf6: {  	[tilespmem:$0x8E30] =	vst v0  }
0xf7: {  	[tilespmem:$0x8E40] =	vst v0  }
0xf8: {  	[tilespmem:$0x8E50] =	vst v0  }
0xf9: {  	[tilespmem:$0x8E60] =	vst v0  }
0xfa: {  	[tilespmem:$0x8E70] =	vst v0  }
0xfb: {  	[tilespmem:$0x8E80] =	vst v0  }
0xfc: {  	[tilespmem:$0x8E90] =	vst v0  }
0xfd: {  	[tilespmem:$0x8EA0] =	vst v0  }
0xfe: {  	[tilespmem:$0x8EB0] =	vst v0  }
0xff: {  	[tilespmem:$0x8EC0] =	vst v0  }
0x100: {  	[tilespmem:$0x8ED0] =	vst v0  }
0x101: {  	[tilespmem:$0x8EE0] =	vst v0  }
0x102: {  	[tilespmem:$0x8EF0] =	vst v0  }
0x103: {  	[tilespmem:$0x8F00] =	vst v0  }
0x104: {  	[tilespmem:$0x8F10] =	vst v0  }
0x105: {  	[tilespmem:$0x8F20] =	vst v0  }
0x106: {  	[tilespmem:$0x8F30] =	vst v0  }
0x107: {  	[tilespmem:$0x8F40] =	vst v0  }
0x108: {  	[tilespmem:$0x8F50] =	vst v0  }
0x109: {  	[tilespmem:$0x8F60] =	vst v0  }
0x10a: {  	[tilespmem:$0x8F70] =	vst v0  }
0x10b: {  	[tilespmem:$0x8F80] =	vst v0  }
0x10c: {  	[tilespmem:$0x8F90] =	vst v0  }
0x10d: {  	[tilespmem:$0x8FA0] =	vst v0  }
0x10e: {  	[tilespmem:$0x8FB0] =	vst v0  }
0x10f: {  	[tilespmem:$0x8FC0] =	vst v0  }
0x110: {  	[tilespmem:$0x8FD0] =	vst v0  }
0x111: {  	[tilespmem:$0x8FE0] =	vst v0  }
0x112: {  	[tilespmem:$0x8FF0] =	vst v0  }
0x113: {  	[tilespmem:$0x9000] =	vst v0  }
0x114: {  	[tilespmem:$0x9010] =	vst v0  }
0x115: {  	[tilespmem:$0x9020] =	vst v0  }
0x116: {  	[tilespmem:$0x9030] =	vst v0  }
0x117: {  	[tilespmem:$0x9040] =	vst v0  }
0x118: {  	[tilespmem:$0x9050] =	vst v0  }
0x119: {  	[tilespmem:$0x9060] =	vst v0  }
0x11a: {  	[tilespmem:$0x9070] =	vst v0  }
0x11b: {  	[tilespmem:$0x9080] =	vst v0  }
0x11c: {  	[tilespmem:$0x9090] =	vst v0  }
0x11d: {  	[tilespmem:$0x90A0] =	vst v0  }
0x11e: {  	[tilespmem:$0x90B0] =	vst v0  }
0x11f: {  	[tilespmem:$0x90C0] =	vst v0  }
0x120: {  	[tilespmem:$0x90D0] =	vst v0  }
0x121: {  	[tilespmem:$0x90E0] =	vst v0  }
0x122: {  	[tilespmem:$0x90F0] =	vst v0  }
0x123: {  	[tilespmem:$0x9100] =	vst v0  }
0x124: {  	[tilespmem:$0x9110] =	vst v0  }
0x125: {  	[tilespmem:$0x9120] =	vst v0  }
0x126: {  	[tilespmem:$0x9130] =	vst v0  }
0x127: {  	[tilespmem:$0x9140] =	vst v0  }
0x128: {  	[tilespmem:$0x9150] =	vst v0  }
0x129: {  	[tilespmem:$0x9160] =	vst v0  }
0x12a: {  	[tilespmem:$0x9170] =	vst v0  }
0x12b: {  	[tilespmem:$0x9180] =	vst v0  }
0x12c: {  	[tilespmem:$0x9190] =	vst v0  }
0x12d: {  	[tilespmem:$0x91A0] =	vst v0  }
0x12e: {  	[tilespmem:$0x91B0] =	vst v0  }
0x12f: {  	[tilespmem:$0x91C0] =	vst v0  }
0x130: {  	[tilespmem:$0x91D0] =	vst v0  }
0x131: {  	[tilespmem:$0x91E0] =	vst v0  }
0x132: {  	[tilespmem:$0x91F0] =	vst v0  }
0x133: {  	[tilespmem:$0x9200] =	vst v0  }
0x134: {  	[tilespmem:$0x9210] =	vst v0  }
0x135: {  	[tilespmem:$0x9220] =	vst v0  }
0x136: {  	[tilespmem:$0x9230] =	vst v0  }
0x137: {  	[tilespmem:$0x9240] =	vst v0  }
0x138: {  	[tilespmem:$0x9250] =	vst v0  }
0x139: {  	[tilespmem:$0x9260] =	vst v0  }
0x13a: {  	[tilespmem:$0x9270] =	vst v0  }
0x13b: {  	[tilespmem:$0x9280] =	vst v0  }
0x13c: {  	[tilespmem:$0x9290] =	vst v0  }
0x13d: {  	[tilespmem:$0x92A0] =	vst v0  }
0x13e: {  	[tilespmem:$0x92B0] =	vst v0  }
0x13f: {  	[tilespmem:$0x92C0] =	vst v0  }
0x140: {  	[tilespmem:$0x92D0] =	vst v0  }
0x141: {  	[tilespmem:$0x92E0] =	vst v0  }
0x142: {  	[tilespmem:$0x92F0] =	vst v0  }
0x143: {  	[tilespmem:$0x9300] =	vst v0  }
0x144: {  	[tilespmem:$0x9310] =	vst v0  }
0x145: {  	[tilespmem:$0x9320] =	vst v0  }
0x146: {  	[tilespmem:$0x9330] =	vst v0  }
0x147: {  	[tilespmem:$0x9340] =	vst v0  }
0x148: {  	[tilespmem:$0x9350] =	vst v0  }
0x149: {  	[tilespmem:$0x9360] =	vst v0  }
0x14a: {  	[tilespmem:$0x9370] =	vst v0  }
0x14b: {  	[tilespmem:$0x9380] =	vst v0  }
0x14c: {  	[tilespmem:$0x9390] =	vst v0  }
0x14d: {  	[tilespmem:$0x93A0] =	vst v0  }
0x14e: {  	[tilespmem:$0x93B0] =	vst v0  }
0x14f: {  	[tilespmem:$0x93C0] =	vst v0  }
0x150: {  	[tilespmem:$0x93D0] =	vst v0  }
0x151: {  	[tilespmem:$0x93E0] =	vst v0  }
0x152: {  	[tilespmem:$0x93F0] =	vst v0  }
0x153: {  	[tilespmem:$0x9400] =	vst v0  }
0x154: {  	[tilespmem:$0x9410] =	vst v0  }
0x155: {  	[tilespmem:$0x9420] =	vst v0  }
0x156: {  	[tilespmem:$0x9430] =	vst v0  }
0x157: {  	[tilespmem:$0x9440] =	vst v0  }
0x158: {  	[tilespmem:$0x9450] =	vst v0  }
0x159: {  	[tilespmem:$0x9460] =	vst v0  }
0x15a: {  	[tilespmem:$0x9470] =	vst v0  }
0x15b: {  	[tilespmem:$0x9480] =	vst v0  }
0x15c: {  	[tilespmem:$0x9490] =	vst v0  }
0x15d: {  	[tilespmem:$0x94A0] =	vst v0  }
0x15e: {  	[tilespmem:$0x94B0] =	vst v0  }
0x15f: {  	[tilespmem:$0x94C0] =	vst v0  }
0x160: {  	[tilespmem:$0x94D0] =	vst v0  }
0x161: {  	[tilespmem:$0x94E0] =	vst v0  }
0x162: {  	[tilespmem:$0x94F0] =	vst v0  }
0x163: {  	[tilespmem:$0x9500] =	vst v0  }
0x164: {  	[tilespmem:$0x9510] =	vst v0  }
0x165: {  	[tilespmem:$0x9520] =	vst v0  }
0x166: {  	[tilespmem:$0x9530] =	vst v0  }
0x167: {  	[tilespmem:$0x9540] =	vst v0  }
0x168: {  	[tilespmem:$0x9550] =	vst v0  }
0x169: {  	[tilespmem:$0x9560] =	vst v0  }
0x16a: {  	[tilespmem:$0x9570] =	vst v0  }
0x16b: {  	[tilespmem:$0x9580] =	vst v0  }
0x16c: {  	[tilespmem:$0x9590] =	vst v0  }
0x16d: {  	[tilespmem:$0x95A0] =	vst v0  }
0x16e: {  	[tilespmem:$0x95B0] =	vst v0;
	v4 =	vld [tilespmem:$0x2000]  }
0x16f: {  	[tilespmem:$0x95C0] =	vst v0  }
0x170: {  	[tilespmem:$0x95D0] =	vst v0;
	v5 =	vld [tilespmem:$0x0]  }
0x171: {  	[tilespmem:$0x95E0] =	vst v0  }
0x172: {  	[tilespmem:$0x95F0] =	vst v0  }
0x173: {  	[tilespmem:$0x9600] =	vst v0;
	v4 =	vmul.u32 $0xA, v4  }
0x174: {  	[tilespmem:$0x9610] =	vst v0  }
0x175: {  	[tilespmem:$0x9620] =	vst v0;
	v4 =	vadd.s32 v4, v5  }
0x176: {  	[tilespmem:$0x9630] =	vst v0;
	v4 =	vadd.s32 v1, v4  }
0x177: {  	[tilespmem:$0x9640] =	vst v0  }
0x178: {  	[tilespmem:$0x9650] =	vst v0  }
0x179: {  	[tilespmem:$0x9660] =	vst v0  }
0x17a: {  	[tilespmem:$0x9670] =	vst v0  }
0x17b: {  	[tilespmem:v4+s10+$0x0] =	vst.idx.add.f32.msk $0xffff, v2  }
0x17c: {  	v4 =	vld [tilespmem:$0x6000]  }
0x17d: {  	v5 =	vld [tilespmem:$0x4000];
	_ =	sdelay $0x3  }
0x17e: {  	v4 =	vshll.u32 v4, $0x4  }
0x17f: {  	v4 =	vadd.s32 v4, v5  }
0x180: {  	v4 =	vadd.s32 v3, v4;
	_ =	sdelay $0x4  }
0x181: {  	[tilespmem:v4+s11+$0x0] =	vst.idx.add.f32.msk $0xffff, v2  }
0x182: {  	v4 =	vld [tilespmem:$0x2080];
	_ =	sdelay $0x1  }
0x183: {  	v5 =	vld [tilespmem:$0x80];
	_ =	sdelay $0x2  }
0x184: {  	v4 =	vmul.u32 $0xA, v4;
	_ =	sdelay $0x1  }
0x185: {  	v4 =	vadd.s32 v4, v5  }
0x186: {  	v4 =	vadd.s32 v1, v4;
	_ =	sdelay $0x4  }
0x187: {  	[tilespmem:v4+s10+$0x0] =	vst.idx.add.f32.msk $0xffff, v2  }
0x188: {  	v4 =	vld [tilespmem:$0x6080]  }
0x189: {  	v5 =	vld [tilespmem:$0x4080];
	_ =	sdelay $0x3  }
0x18a: {  	v4 =	vshll.u32 v4, $0x4  }
0x18b: {  	v4 =	vadd.s32 v4, v5  }
0x18c: {  	v4 =	vadd.s32 v3, v4;
	_ =	sdelay $0x4  }
0x18d: {  	[tilespmem:v4+s11+$0x0] =	vst.idx.add.f32.msk $0xffff, v2  }
0x18e: {  	v4 =	vld [tilespmem:$0x2100];
	_ =	sdelay $0x1  }
0x18f: {  	v5 =	vld [tilespmem:$0x100];
	_ =	sdelay $0x2  }
0x190: {  	v4 =	vmul.u32 $0xA, v4;
	_ =	sdelay $0x1  }
0x191: {  	v4 =	vadd.s32 v4, v5  }
0x192: {  	v4 =	vadd.s32 v1, v4;
	_ =	sdelay $0x4  }
0x193: {  	[tilespmem:v4+s10+$0x0] =	vst.idx.add.f32.msk $0xffff, v2  }
0x194: {  	v4 =	vld [tilespmem:$0x6100]  }
0x195: {  	v5 =	vld [tilespmem:$0x4100];
	_ =	sdelay $0x3  }
0x196: {  	v4 =	vshll.u32 v4, $0x4  }
0x197: {  	v4 =	vadd.s32 v4, v5  }
0x198: {  	v4 =	vadd.s32 v3, v4;
	_ =	sdelay $0x4  }
0x199: {  	[tilespmem:v4+s11+$0x0] =	vst.idx.add.f32.msk $0xffff, v2  }
0x19a: {  	v4 =	vld [tilespmem:$0x2180];
	_ =	sdelay $0x1  }
0x19b: {  	v5 =	vld [tilespmem:$0x180];
	_ =	sdelay $0x2  }
0x19c: {  	v4 =	vmul.u32 $0xA, v4;
	_ =	sdelay $0x1  }
0x19d: {  	v4 =	vadd.s32 v4, v5  }
0x19e: {  	v4 =	vadd.s32 v1, v4;
	_ =	sdelay $0x4  }
0x19f: {  	[tilespmem:v4+s10+$0x0] =	vst.idx.add.f32.msk $0xffff, v2  }
0x1a0: {  	v4 =	vld [tilespmem:$0x6180]  }
0x1a1: {  	v5 =	vld [tilespmem:$0x4180];
	_ =	sdelay $0x3  }
0x1a2: {  	v4 =	vshll.u32 v4, $0x4  }
0x1a3: {  	v4 =	vadd.s32 v4, v5  }
0x1a4: {  	v4 =	vadd.s32 v3, v4;
	_ =	sdelay $0x4  }
0x1a5: {  	[tilespmem:v4+s11+$0x0] =	vst.idx.add.f32.msk $0xffff, v2  }
0x1a6: {  	v4 =	vld [tilespmem:$0x2200];
	_ =	sdelay $0x1  }
0x1a7: {  	v5 =	vld [tilespmem:$0x200];
	_ =	sdelay $0x2  }
0x1a8: {  	v4 =	vmul.u32 $0xA, v4;
	_ =	sdelay $0x1  }
0x1a9: {  	v4 =	vadd.s32 v4, v5  }
0x1aa: {  	v4 =	vadd.s32 v1, v4;
	_ =	sdelay $0x4  }
0x1ab: {  	[tilespmem:v4+s10+$0x0] =	vst.idx.add.f32.msk $0xffff, v2  }
0x1ac: {  	v4 =	vld [tilespmem:$0x6200]  }
0x1ad: {  	v5 =	vld [tilespmem:$0x4200];
	_ =	sdelay $0x3  }
0x1ae: {  	v4 =	vshll.u32 v4, $0x4  }
0x1af: {  	v4 =	vadd.s32 v4, v5  }
0x1b0: {  	v4 =	vadd.s32 v3, v4;
	_ =	sdelay $0x4  }
0x1b1: {  	[tilespmem:v4+s11+$0x0] =	vst.idx.add.f32.msk $0xffff, v2  }
0x1b2: {  	v4 =	vld [tilespmem:$0x2280];
	_ =	sdelay $0x1  }
0x1b3: {  	v5 =	vld [tilespmem:$0x280];
	_ =	sdelay $0x2  }
0x1b4: {  	v4 =	vmul.u32 $0xA, v4;
	_ =	sdelay $0x1  }
0x1b5: {  	v4 =	vadd.s32 v4, v5  }
0x1b6: {  	v4 =	vadd.s32 v1, v4;
	_ =	sdelay $0x4  }
0x1b7: {  	[tilespmem:v4+s10+$0x0] =	vst.idx.add.f32.msk $0xffff, v2  }
0x1b8: {  	v4 =	vld [tilespmem:$0x6280]  }
0x1b9: {  	v5 =	vld [tilespmem:$0x4280];
	_ =	sdelay $0x3  }
0x1ba: {  	v4 =	vshll.u32 v4, $0x4  }
0x1bb: {  	v4 =	vadd.s32 v4, v5  }
0x1bc: {  	v4 =	vadd.s32 v3, v4;
	_ =	sdelay $0x4  }
0x1bd: {  	[tilespmem:v4+s11+$0x0] =	vst.idx.add.f32.msk $0xffff, v2  }
0x1be: {  	v4 =	vld [tilespmem:$0x2300];
	_ =	sdelay $0x1  }
0x1bf: {  	v5 =	vld [tilespmem:$0x300];
	_ =	sdelay $0x2  }
0x1c0: {  	v4 =	vmul.u32 $0xA, v4;
	_ =	sdelay $0x1  }
0x1c1: {  	v4 =	vadd.s32 v4, v5  }
0x1c2: {  	v4 =	vadd.s32 v1, v4;
	_ =	sdelay $0x4  }
0x1c3: {  	[tilespmem:v4+s10+$0x0] =	vst.idx.add.f32.msk $0xffff, v2  }
0x1c4: {  	v4 =	vld [tilespmem:$0x6300]  }
0x1c5: {  	v5 =	vld [tilespmem:$0x4300];
	_ =	sdelay $0x3  }
0x1c6: {  	v4 =	vshll.u32 v4, $0x4  }
0x1c7: {  	v4 =	vadd.s32 v4, v5  }
0x1c8: {  	v4 =	vadd.s32 v3, v4;
	_ =	sdelay $0x4  }
0x1c9: {  	[tilespmem:v4+s11+$0x0] =	vst.idx.add.f32.msk $0xffff, v2  }
0x1ca: {  	v4 =	vld [tilespmem:$0x2380];
	_ =	sdelay $0x1  }
0x1cb: {  	v5 =	vld [tilespmem:$0x380];
	_ =	sdelay $0x2  }
0x1cc: {  	v4 =	vmul.u32 $0xA, v4;
	_ =	sdelay $0x1  }
0x1cd: {  	v4 =	vadd.s32 v4, v5  }
0x1ce: {  	v4 =	vadd.s32 v1, v4;
	_ =	sdelay $0x4  }
0x1cf: {  	[tilespmem:v4+s10+$0x0] =	vst.idx.add.f32.msk $0xffff, v2  }
0x1d0: {  	v4 =	vld [tilespmem:$0x6380]  }
0x1d1: {  	v5 =	vld [tilespmem:$0x4380];
	_ =	sdelay $0x3  }
0x1d2: {  	v4 =	vshll.u32 v4, $0x4  }
0x1d3: {  	v4 =	vadd.s32 v4, v5  }
0x1d4: {  	v4 =	vadd.s32 v3, v4;
	_ =	sdelay $0x4  }
0x1d5: {  	[tilespmem:v4+s11+$0x0] =	vst.idx.add.f32.msk $0xffff, v2  }
0x1d6: {  	v4 =	vld [tilespmem:$0x2400];
	_ =	sdelay $0x1  }
0x1d7: {  	v5 =	vld [tilespmem:$0x400];
	_ =	sdelay $0x2  }
0x1d8: {  	v4 =	vmul.u32 $0xA, v4;
	_ =	sdelay $0x1  }
0x1d9: {  	v4 =	vadd.s32 v4, v5  }
0x1da: {  	v4 =	vadd.s32 v1, v4;
	_ =	sdelay $0x4  }
0x1db: {  	[tilespmem:v4+s10+$0x0] =	vst.idx.add.f32.msk $0xffff, v2  }
0x1dc: {  	v4 =	vld [tilespmem:$0x6400]  }
0x1dd: {  	v5 =	vld [tilespmem:$0x4400];
	_ =	sdelay $0x3  }
0x1de: {  	v4 =	vshll.u32 v4, $0x4  }
0x1df: {  	v4 =	vadd.s32 v4, v5  }
0x1e0: {  	v4 =	vadd.s32 v3, v4;
	_ =	sdelay $0x4  }
0x1e1: {  	[tilespmem:v4+s11+$0x0] =	vst.idx.add.f32.msk $0xffff, v2  }
0x1e2: {  	v4 =	vld [tilespmem:$0x2480];
	_ =	sdelay $0x1  }
0x1e3: {  	v5 =	vld [tilespmem:$0x480];
	_ =	sdelay $0x2  }
0x1e4: {  	v4 =	vmul.u32 $0xA, v4;
	_ =	sdelay $0x1  }
0x1e5: {  	v4 =	vadd.s32 v4, v5  }
0x1e6: {  	v4 =	vadd.s32 v1, v4;
	_ =	sdelay $0x4  }
0x1e7: {  	[tilespmem:v4+s10+$0x0] =	vst.idx.add.f32.msk $0xffff, v2  }
0x1e8: {  	v4 =	vld [tilespmem:$0x6480]  }
0x1e9: {  	v5 =	vld [tilespmem:$0x4480];
	_ =	sdelay $0x3  }
0x1ea: {  	v4 =	vshll.u32 v4, $0x4  }
0x1eb: {  	v4 =	vadd.s32 v4, v5  }
0x1ec: {  	v4 =	vadd.s32 v3, v4;
	_ =	sdelay $0x4  }
0x1ed: {  	[tilespmem:v4+s11+$0x0] =	vst.idx.add.f32.msk $0xffff, v2  }
0x1ee: {  	v4 =	vld [tilespmem:$0x2500];
	_ =	sdelay $0x1  }
0x1ef: {  	v5 =	vld [tilespmem:$0x500];
	_ =	sdelay $0x2  }
0x1f0: {  	v4 =	vmul.u32 $0xA, v4;
	_ =	sdelay $0x1  }
0x1f1: {  	v4 =	vadd.s32 v4, v5  }
0x1f2: {  	v4 =	vadd.s32 v1, v4;
	_ =	sdelay $0x4  }
0x1f3: {  	[tilespmem:v4+s10+$0x0] =	vst.idx.add.f32.msk $0xffff, v2  }
0x1f4: {  	v4 =	vld [tilespmem:$0x6500]  }
0x1f5: {  	v5 =	vld [tilespmem:$0x4500];
	_ =	sdelay $0x3  }
0x1f6: {  	v4 =	vshll.u32 v4, $0x4  }
0x1f7: {  	v4 =	vadd.s32 v4, v5  }
0x1f8: {  	v4 =	vadd.s32 v3, v4;
	_ =	sdelay $0x4  }
0x1f9: {  	[tilespmem:v4+s11+$0x0] =	vst.idx.add.f32.msk $0xffff, v2  }
0x1fa: {  	v4 =	vld [tilespmem:$0x2580];
	_ =	sdelay $0x1  }
0x1fb: {  	v5 =	vld [tilespmem:$0x580];
	_ =	sdelay $0x2  }
0x1fc: {  	v4 =	vmul.u32 $0xA, v4;
	_ =	sdelay $0x1  }
0x1fd: {  	v4 =	vadd.s32 v4, v5  }
0x1fe: {  	v4 =	vadd.s32 v1, v4;
	_ =	sdelay $0x4  }
0x1ff: {  	[tilespmem:v4+s10+$0x0] =	vst.idx.add.f32.msk $0xffff, v2  }
0x200: {  	v4 =	vld [tilespmem:$0x6580]  }
0x201: {  	v5 =	vld [tilespmem:$0x4580];
	_ =	sdelay $0x3  }
0x202: {  	v4 =	vshll.u32 v4, $0x4  }
0x203: {  	v4 =	vadd.s32 v4, v5  }
0x204: {  	v4 =	vadd.s32 v3, v4;
	_ =	sdelay $0x4  }
0x205: {  	[tilespmem:v4+s11+$0x0] =	vst.idx.add.f32.msk $0xffff, v2  }
0x206: {  	v4 =	vld [tilespmem:$0x2600];
	_ =	sdelay $0x1  }
0x207: {  	v5 =	vld [tilespmem:$0x600];
	_ =	sdelay $0x2  }
0x208: {  	v4 =	vmul.u32 $0xA, v4;
	_ =	sdelay $0x1  }
0x209: {  	v4 =	vadd.s32 v4, v5  }
0x20a: {  	v4 =	vadd.s32 v1, v4;
	_ =	sdelay $0x4  }
0x20b: {  	[tilespmem:v4+s10+$0x0] =	vst.idx.add.f32.msk $0xffff, v2  }
0x20c: {  	v4 =	vld [tilespmem:$0x6600]  }
0x20d: {  	v5 =	vld [tilespmem:$0x4600];
	_ =	sdelay $0x3  }
0x20e: {  	v4 =	vshll.u32 v4, $0x4  }
0x20f: {  	v4 =	vadd.s32 v4, v5  }
0x210: {  	v4 =	vadd.s32 v3, v4;
	_ =	sdelay $0x4  }
0x211: {  	[tilespmem:v4+s11+$0x0] =	vst.idx.add.f32.msk $0xffff, v2  }
0x212: {  	v4 =	vld [tilespmem:$0x2680];
	_ =	sdelay $0x1  }
0x213: {  	v5 =	vld [tilespmem:$0x680];
	_ =	sdelay $0x2  }
0x214: {  	v4 =	vmul.u32 $0xA, v4;
	_ =	sdelay $0x1  }
0x215: {  	v4 =	vadd.s32 v4, v5  }
0x216: {  	v4 =	vadd.s32 v1, v4;
	_ =	sdelay $0x4  }
0x217: {  	[tilespmem:v4+s10+$0x0] =	vst.idx.add.f32.msk $0xffff, v2  }
0x218: {  	v4 =	vld [tilespmem:$0x6680]  }
0x219: {  	v5 =	vld [tilespmem:$0x4680];
	_ =	sdelay $0x3  }
0x21a: {  	v4 =	vshll.u32 v4, $0x4  }
0x21b: {  	v4 =	vadd.s32 v4, v5  }
0x21c: {  	v4 =	vadd.s32 v3, v4;
	_ =	sdelay $0x4  }
0x21d: {  	[tilespmem:v4+s11+$0x0] =	vst.idx.add.f32.msk $0xffff, v2  }
0x21e: {  	v4 =	vld [tilespmem:$0x2700];
	_ =	sdelay $0x1  }
0x21f: {  	v5 =	vld [tilespmem:$0x700];
	_ =	sdelay $0x2  }
0x220: {  	v4 =	vmul.u32 $0xA, v4;
	_ =	sdelay $0x1  }
0x221: {  	v4 =	vadd.s32 v4, v5  }
0x222: {  	v4 =	vadd.s32 v1, v4;
	_ =	sdelay $0x4  }
0x223: {  	[tilespmem:v4+s10+$0x0] =	vst.idx.add.f32.msk $0xffff, v2  }
0x224: {  	v4 =	vld [tilespmem:$0x6700]  }
0x225: {  	v5 =	vld [tilespmem:$0x4700];
	_ =	sdelay $0x3  }
0x226: {  	v4 =	vshll.u32 v4, $0x4  }
0x227: {  	v4 =	vadd.s32 v4, v5  }
0x228: {  	v4 =	vadd.s32 v3, v4;
	_ =	sdelay $0x4  }
0x229: {  	[tilespmem:v4+s11+$0x0] =	vst.idx.add.f32.msk $0xffff, v2  }
0x22a: {  	v4 =	vld [tilespmem:$0x2780];
	_ =	sdelay $0x1  }
0x22b: {  	v5 =	vld [tilespmem:$0x780];
	_ =	sdelay $0x2  }
0x22c: {  	v4 =	vmul.u32 $0xA, v4;
	_ =	sdelay $0x1  }
0x22d: {  	v4 =	vadd.s32 v4, v5  }
0x22e: {  	v4 =	vadd.s32 v1, v4;
	_ =	sdelay $0x4  }
0x22f: {  	[tilespmem:v4+s10+$0x0] =	vst.idx.add.f32.msk $0xffff, v2  }
0x230: {  	v4 =	vld [tilespmem:$0x6780]  }
0x231: {  	v5 =	vld [tilespmem:$0x4780];
	_ =	sdelay $0x3  }
0x232: {  	v4 =	vshll.u32 v4, $0x4  }
0x233: {  	v4 =	vadd.s32 v4, v5  }
0x234: {  	v4 =	vadd.s32 v3, v4;
	_ =	sdelay $0x4  }
0x235: {  	[tilespmem:v4+s11+$0x0] =	vst.idx.add.f32.msk $0xffff, v2  }
0x236: {  	v4 =	vld [tilespmem:$0x2800];
	_ =	sdelay $0x1  }
0x237: {  	v5 =	vld [tilespmem:$0x800];
	_ =	sdelay $0x2  }
0x238: {  	v4 =	vmul.u32 $0xA, v4;
	_ =	sdelay $0x1  }
0x239: {  	v4 =	vadd.s32 v4, v5  }
0x23a: {  	v4 =	vadd.s32 v1, v4;
	_ =	sdelay $0x4  }
0x23b: {  	[tilespmem:v4+s10+$0x0] =	vst.idx.add.f32.msk $0xffff, v2  }
0x23c: {  	v4 =	vld [tilespmem:$0x6800]  }
0x23d: {  	v5 =	vld [tilespmem:$0x4800];
	_ =	sdelay $0x3  }
0x23e: {  	v4 =	vshll.u32 v4, $0x4  }
0x23f: {  	v4 =	vadd.s32 v4, v5  }
0x240: {  	v4 =	vadd.s32 v3, v4;
	_ =	sdelay $0x4  }
0x241: {  	[tilespmem:v4+s11+$0x0] =	vst.idx.add.f32.msk $0xffff, v2  }
0x242: {  	v4 =	vld [tilespmem:$0x2880];
	_ =	sdelay $0x1  }
0x243: {  	v5 =	vld [tilespmem:$0x880];
	_ =	sdelay $0x2  }
0x244: {  	v4 =	vmul.u32 $0xA, v4;
	_ =	sdelay $0x1  }
0x245: {  	v4 =	vadd.s32 v4, v5  }
0x246: {  	v4 =	vadd.s32 v1, v4;
	_ =	sdelay $0x4  }
0x247: {  	[tilespmem:v4+s10+$0x0] =	vst.idx.add.f32.msk $0xffff, v2  }
0x248: {  	v4 =	vld [tilespmem:$0x6880]  }
0x249: {  	v5 =	vld [tilespmem:$0x4880];
	_ =	sdelay $0x3  }
0x24a: {  	v4 =	vshll.u32 v4, $0x4  }
0x24b: {  	v4 =	vadd.s32 v4, v5  }
0x24c: {  	v4 =	vadd.s32 v3, v4;
	_ =	sdelay $0x4  }
0x24d: {  	[tilespmem:v4+s11+$0x0] =	vst.idx.add.f32.msk $0xffff, v2  }
0x24e: {  	v4 =	vld [tilespmem:$0x2900];
	_ =	sdelay $0x1  }
0x24f: {  	v5 =	vld [tilespmem:$0x900];
	_ =	sdelay $0x2  }
0x250: {  	v4 =	vmul.u32 $0xA, v4;
	_ =	sdelay $0x1  }
0x251: {  	v4 =	vadd.s32 v4, v5  }
0x252: {  	v4 =	vadd.s32 v1, v4;
	_ =	sdelay $0x4  }
0x253: {  	[tilespmem:v4+s10+$0x0] =	vst.idx.add.f32.msk $0xffff, v2  }
0x254: {  	v4 =	vld [tilespmem:$0x6900]  }
0x255: {  	v5 =	vld [tilespmem:$0x4900];
	_ =	sdelay $0x3  }
0x256: {  	v4 =	vshll.u32 v4, $0x4  }
0x257: {  	v4 =	vadd.s32 v4, v5  }
0x258: {  	v4 =	vadd.s32 v3, v4;
	_ =	sdelay $0x4  }
0x259: {  	[tilespmem:v4+s11+$0x0] =	vst.idx.add.f32.msk $0xffff, v2  }
0x25a: {  	v4 =	vld [tilespmem:$0x2980];
	_ =	sdelay $0x1  }
0x25b: {  	v5 =	vld [tilespmem:$0x980];
	_ =	sdelay $0x2  }
0x25c: {  	v4 =	vmul.u32 $0xA, v4;
	_ =	sdelay $0x1  }
0x25d: {  	v4 =	vadd.s32 v4, v5  }
0x25e: {  	v4 =	vadd.s32 v1, v4;
	_ =	sdelay $0x4  }
0x25f: {  	[tilespmem:v4+s10+$0x0] =	vst.idx.add.f32.msk $0xffff, v2  }
0x260: {  	v4 =	vld [tilespmem:$0x6980]  }
0x261: {  	v5 =	vld [tilespmem:$0x4980];
	_ =	sdelay $0x3  }
0x262: {  	v4 =	vshll.u32 v4, $0x4  }
0x263: {  	v4 =	vadd.s32 v4, v5  }
0x264: {  	v4 =	vadd.s32 v3, v4;
	_ =	sdelay $0x4  }
0x265: {  	[tilespmem:v4+s11+$0x0] =	vst.idx.add.f32.msk $0xffff, v2  }
0x266: {  	v4 =	vld [tilespmem:$0x2A00];
	_ =	sdelay $0x1  }
0x267: {  	v5 =	vld [tilespmem:$0xA00];
	_ =	sdelay $0x2  }
0x268: {  	v4 =	vmul.u32 $0xA, v4;
	_ =	sdelay $0x1  }
0x269: {  	v4 =	vadd.s32 v4, v5  }
0x26a: {  	v4 =	vadd.s32 v1, v4;
	_ =	sdelay $0x4  }
0x26b: {  	[tilespmem:v4+s10+$0x0] =	vst.idx.add.f32.msk $0xffff, v2  }
0x26c: {  	v4 =	vld [tilespmem:$0x6A00]  }
0x26d: {  	v5 =	vld [tilespmem:$0x4A00];
	_ =	sdelay $0x3  }
0x26e: {  	v4 =	vshll.u32 v4, $0x4  }
0x26f: {  	v4 =	vadd.s32 v4, v5  }
0x270: {  	v4 =	vadd.s32 v3, v4;
	_ =	sdelay $0x4  }
0x271: {  	[tilespmem:v4+s11+$0x0] =	vst.idx.add.f32.msk $0xffff, v2  }
0x272: {  	v4 =	vld [tilespmem:$0x2A80];
	_ =	sdelay $0x1  }
0x273: {  	v5 =	vld [tilespmem:$0xA80];
	_ =	sdelay $0x2  }
0x274: {  	v4 =	vmul.u32 $0xA, v4;
	_ =	sdelay $0x1  }
0x275: {  	v4 =	vadd.s32 v4, v5  }
0x276: {  	v4 =	vadd.s32 v1, v4;
	_ =	sdelay $0x4  }
0x277: {  	[tilespmem:v4+s10+$0x0] =	vst.idx.add.f32.msk $0xffff, v2  }
0x278: {  	v4 =	vld [tilespmem:$0x6A80]  }
0x279: {  	v5 =	vld [tilespmem:$0x4A80];
	_ =	sdelay $0x3  }
0x27a: {  	v4 =	vshll.u32 v4, $0x4  }
0x27b: {  	v4 =	vadd.s32 v4, v5  }
0x27c: {  	v4 =	vadd.s32 v3, v4;
	_ =	sdelay $0x4  }
0x27d: {  	[tilespmem:v4+s11+$0x0] =	vst.idx.add.f32.msk $0xffff, v2  }
0x27e: {  	v4 =	vld [tilespmem:$0x2B00];
	_ =	sdelay $0x1  }
0x27f: {  	v5 =	vld [tilespmem:$0xB00];
	_ =	sdelay $0x2  }
0x280: {  	v4 =	vmul.u32 $0xA, v4;
	_ =	sdelay $0x1  }
0x281: {  	v4 =	vadd.s32 v4, v5  }
0x282: {  	v4 =	vadd.s32 v1, v4;
	_ =	sdelay $0x4  }
0x283: {  	[tilespmem:v4+s10+$0x0] =	vst.idx.add.f32.msk $0xffff, v2  }
0x284: {  	v4 =	vld [tilespmem:$0x6B00]  }
0x285: {  	v5 =	vld [tilespmem:$0x4B00];
	_ =	sdelay $0x3  }
0x286: {  	v4 =	vshll.u32 v4, $0x4  }
0x287: {  	v4 =	vadd.s32 v4, v5  }
0x288: {  	v4 =	vadd.s32 v3, v4;
	_ =	sdelay $0x4  }
0x289: {  	[tilespmem:v4+s11+$0x0] =	vst.idx.add.f32.msk $0xffff, v2  }
0x28a: {  	v4 =	vld [tilespmem:$0x2B80];
	_ =	sdelay $0x1  }
0x28b: {  	v5 =	vld [tilespmem:$0xB80];
	_ =	sdelay $0x2  }
0x28c: {  	v4 =	vmul.u32 $0xA, v4;
	_ =	sdelay $0x1  }
0x28d: {  	v4 =	vadd.s32 v4, v5  }
0x28e: {  	v4 =	vadd.s32 v1, v4;
	_ =	sdelay $0x4  }
0x28f: {  	[tilespmem:v4+s10+$0x0] =	vst.idx.add.f32.msk $0xffff, v2  }
0x290: {  	v4 =	vld [tilespmem:$0x6B80]  }
0x291: {  	v5 =	vld [tilespmem:$0x4B80];
	_ =	sdelay $0x3  }
0x292: {  	v4 =	vshll.u32 v4, $0x4  }
0x293: {  	v4 =	vadd.s32 v4, v5  }
0x294: {  	v4 =	vadd.s32 v3, v4;
	_ =	sdelay $0x4  }
0x295: {  	[tilespmem:v4+s11+$0x0] =	vst.idx.add.f32.msk $0xffff, v2  }
0x296: {  	v4 =	vld [tilespmem:$0x2C00];
	_ =	sdelay $0x1  }
0x297: {  	v5 =	vld [tilespmem:$0xC00];
	_ =	sdelay $0x2  }
0x298: {  	v4 =	vmul.u32 $0xA, v4;
	_ =	sdelay $0x1  }
0x299: {  	v4 =	vadd.s32 v4, v5  }
0x29a: {  	v4 =	vadd.s32 v1, v4;
	_ =	sdelay $0x4  }
0x29b: {  	[tilespmem:v4+s10+$0x0] =	vst.idx.add.f32.msk $0xffff, v2  }
0x29c: {  	v4 =	vld [tilespmem:$0x6C00]  }
0x29d: {  	v5 =	vld [tilespmem:$0x4C00];
	_ =	sdelay $0x3  }
0x29e: {  	v4 =	vshll.u32 v4, $0x4  }
0x29f: {  	v4 =	vadd.s32 v4, v5  }
0x2a0: {  	v4 =	vadd.s32 v3, v4;
	_ =	sdelay $0x4  }
0x2a1: {  	[tilespmem:v4+s11+$0x0] =	vst.idx.add.f32.msk $0xffff, v2  }
0x2a2: {  	v4 =	vld [tilespmem:$0x2C80];
	_ =	sdelay $0x1  }
0x2a3: {  	v5 =	vld [tilespmem:$0xC80];
	_ =	sdelay $0x2  }
0x2a4: {  	v4 =	vmul.u32 $0xA, v4;
	_ =	sdelay $0x1  }
0x2a5: {  	v4 =	vadd.s32 v4, v5  }
0x2a6: {  	v4 =	vadd.s32 v1, v4;
	_ =	sdelay $0x4  }
0x2a7: {  	[tilespmem:v4+s10+$0x0] =	vst.idx.add.f32.msk $0xffff, v2  }
0x2a8: {  	v4 =	vld [tilespmem:$0x6C80]  }
0x2a9: {  	v5 =	vld [tilespmem:$0x4C80];
	_ =	sdelay $0x3  }
0x2aa: {  	v4 =	vshll.u32 v4, $0x4  }
0x2ab: {  	v4 =	vadd.s32 v4, v5  }
0x2ac: {  	v4 =	vadd.s32 v3, v4;
	_ =	sdelay $0x4  }
0x2ad: {  	[tilespmem:v4+s11+$0x0] =	vst.idx.add.f32.msk $0xffff, v2  }
0x2ae: {  	v4 =	vld [tilespmem:$0x2D00];
	_ =	sdelay $0x1  }
0x2af: {  	v5 =	vld [tilespmem:$0xD00];
	_ =	sdelay $0x2  }
0x2b0: {  	v4 =	vmul.u32 $0xA, v4;
	_ =	sdelay $0x1  }
0x2b1: {  	v4 =	vadd.s32 v4, v5  }
0x2b2: {  	v4 =	vadd.s32 v1, v4;
	_ =	sdelay $0x4  }
0x2b3: {  	[tilespmem:v4+s10+$0x0] =	vst.idx.add.f32.msk $0xffff, v2  }
0x2b4: {  	v4 =	vld [tilespmem:$0x6D00]  }
0x2b5: {  	v5 =	vld [tilespmem:$0x4D00];
	_ =	sdelay $0x3  }
0x2b6: {  	v4 =	vshll.u32 v4, $0x4  }
0x2b7: {  	v4 =	vadd.s32 v4, v5  }
0x2b8: {  	v4 =	vadd.s32 v3, v4;
	_ =	sdelay $0x4  }
0x2b9: {  	[tilespmem:v4+s11+$0x0] =	vst.idx.add.f32.msk $0xffff, v2  }
0x2ba: {  	v4 =	vld [tilespmem:$0x2D80];
	_ =	sdelay $0x1  }
0x2bb: {  	v5 =	vld [tilespmem:$0xD80];
	_ =	sdelay $0x2  }
0x2bc: {  	v4 =	vmul.u32 $0xA, v4;
	_ =	sdelay $0x1  }
0x2bd: {  	v4 =	vadd.s32 v4, v5  }
0x2be: {  	v4 =	vadd.s32 v1, v4;
	_ =	sdelay $0x4  }
0x2bf: {  	[tilespmem:v4+s10+$0x0] =	vst.idx.add.f32.msk $0xffff, v2  }
0x2c0: {  	v4 =	vld [tilespmem:$0x6D80]  }
0x2c1: {  	v5 =	vld [tilespmem:$0x4D80];
	_ =	sdelay $0x3  }
0x2c2: {  	v4 =	vshll.u32 v4, $0x4  }
0x2c3: {  	v4 =	vadd.s32 v4, v5  }
0x2c4: {  	v4 =	vadd.s32 v3, v4;
	_ =	sdelay $0x4  }
0x2c5: {  	[tilespmem:v4+s11+$0x0] =	vst.idx.add.f32.msk $0xffff, v2  }
0x2c6: {  	v4 =	vld [tilespmem:$0x2E00];
	_ =	sdelay $0x1  }
0x2c7: {  	v5 =	vld [tilespmem:$0xE00];
	_ =	sdelay $0x2  }
0x2c8: {  	v4 =	vmul.u32 $0xA, v4;
	_ =	sdelay $0x1  }
0x2c9: {  	v4 =	vadd.s32 v4, v5  }
0x2ca: {  	v4 =	vadd.s32 v1, v4;
	_ =	sdelay $0x4  }
0x2cb: {  	[tilespmem:v4+s10+$0x0] =	vst.idx.add.f32.msk $0xffff, v2  }
0x2cc: {  	v4 =	vld [tilespmem:$0x6E00]  }
0x2cd: {  	v5 =	vld [tilespmem:$0x4E00];
	_ =	sdelay $0x3  }
0x2ce: {  	v4 =	vshll.u32 v4, $0x4  }
0x2cf: {  	v4 =	vadd.s32 v4, v5  }
0x2d0: {  	v4 =	vadd.s32 v3, v4;
	_ =	sdelay $0x4  }
0x2d1: {  	[tilespmem:v4+s11+$0x0] =	vst.idx.add.f32.msk $0xffff, v2  }
0x2d2: {  	v4 =	vld [tilespmem:$0x2E80];
	_ =	sdelay $0x1  }
0x2d3: {  	v5 =	vld [tilespmem:$0xE80];
	_ =	sdelay $0x2  }
0x2d4: {  	v4 =	vmul.u32 $0xA, v4;
	_ =	sdelay $0x1  }
0x2d5: {  	v4 =	vadd.s32 v4, v5  }
0x2d6: {  	v4 =	vadd.s32 v1, v4;
	_ =	sdelay $0x4  }
0x2d7: {  	[tilespmem:v4+s10+$0x0] =	vst.idx.add.f32.msk $0xffff, v2  }
0x2d8: {  	v4 =	vld [tilespmem:$0x6E80]  }
0x2d9: {  	v5 =	vld [tilespmem:$0x4E80];
	_ =	sdelay $0x3  }
0x2da: {  	v4 =	vshll.u32 v4, $0x4  }
0x2db: {  	v4 =	vadd.s32 v4, v5  }
0x2dc: {  	v4 =	vadd.s32 v3, v4;
	_ =	sdelay $0x4  }
0x2dd: {  	[tilespmem:v4+s11+$0x0] =	vst.idx.add.f32.msk $0xffff, v2  }
0x2de: {  	v4 =	vld [tilespmem:$0x2F00];
	_ =	sdelay $0x1  }
0x2df: {  	v5 =	vld [tilespmem:$0xF00];
	_ =	sdelay $0x2  }
0x2e0: {  	v4 =	vmul.u32 $0xA, v4;
	_ =	sdelay $0x1  }
0x2e1: {  	v4 =	vadd.s32 v4, v5  }
0x2e2: {  	v4 =	vadd.s32 v1, v4;
	_ =	sdelay $0x4  }
0x2e3: {  	[tilespmem:v4+s10+$0x0] =	vst.idx.add.f32.msk $0xffff, v2  }
0x2e4: {  	v4 =	vld [tilespmem:$0x6F00]  }
0x2e5: {  	v5 =	vld [tilespmem:$0x4F00];
	_ =	sdelay $0x3  }
0x2e6: {  	v4 =	vshll.u32 v4, $0x4  }
0x2e7: {  	v4 =	vadd.s32 v4, v5  }
0x2e8: {  	v4 =	vadd.s32 v3, v4;
	_ =	sdelay $0x4  }
0x2e9: {  	[tilespmem:v4+s11+$0x0] =	vst.idx.add.f32.msk $0xffff, v2  }
0x2ea: {  	v4 =	vld [tilespmem:$0x2F80];
	_ =	sdelay $0x1  }
0x2eb: {  	v5 =	vld [tilespmem:$0xF80];
	_ =	sdelay $0x2  }
0x2ec: {  	v4 =	vmul.u32 $0xA, v4;
	_ =	sdelay $0x1  }
0x2ed: {  	v4 =	vadd.s32 v4, v5  }
0x2ee: {  	v4 =	vadd.s32 v1, v4;
	_ =	sdelay $0x4  }
0x2ef: {  	[tilespmem:v4+s10+$0x0] =	vst.idx.add.f32.msk $0xffff, v2  }
0x2f0: {  	v4 =	vld [tilespmem:$0x6F80]  }
0x2f1: {  	v5 =	vld [tilespmem:$0x4F80];
	_ =	sdelay $0x3  }
0x2f2: {  	v4 =	vshll.u32 v4, $0x4  }
0x2f3: {  	v4 =	vadd.s32 v4, v5  }
0x2f4: {  	v4 =	vadd.s32 v3, v4;
	_ =	sdelay $0x4  }
0x2f5: {  	[tilespmem:v4+s11+$0x0] =	vst.idx.add.f32.msk $0xffff, v2  }
0x2f6: {  	v4 =	vld [tilespmem:$0x3000];
	_ =	sdelay $0x1  }
0x2f7: {  	v5 =	vld [tilespmem:$0x1000];
	_ =	sdelay $0x2  }
0x2f8: {  	v4 =	vmul.u32 $0xA, v4;
	_ =	sdelay $0x1  }
0x2f9: {  	v4 =	vadd.s32 v4, v5  }
0x2fa: {  	v4 =	vadd.s32 v1, v4;
	_ =	sdelay $0x4  }
0x2fb: {  	[tilespmem:v4+s10+$0x0] =	vst.idx.add.f32.msk $0xffff, v2  }
0x2fc: {  	v4 =	vld [tilespmem:$0x7000]  }
0x2fd: {  	v5 =	vld [tilespmem:$0x5000];
	_ =	sdelay $0x3  }
0x2fe: {  	v4 =	vshll.u32 v4, $0x4  }
0x2ff: {  	v4 =	vadd.s32 v4, v5  }
0x300: {  	v4 =	vadd.s32 v3, v4;
	_ =	sdelay $0x4  }
0x301: {  	[tilespmem:v4+s11+$0x0] =	vst.idx.add.f32.msk $0xffff, v2  }
0x302: {  	v4 =	vld [tilespmem:$0x3080];
	_ =	sdelay $0x1  }
0x303: {  	v5 =	vld [tilespmem:$0x1080];
	_ =	sdelay $0x2  }
0x304: {  	v4 =	vmul.u32 $0xA, v4;
	_ =	sdelay $0x1  }
0x305: {  	v4 =	vadd.s32 v4, v5  }
0x306: {  	v4 =	vadd.s32 v1, v4;
	_ =	sdelay $0x4  }
0x307: {  	[tilespmem:v4+s10+$0x0] =	vst.idx.add.f32.msk $0xffff, v2  }
0x308: {  	v4 =	vld [tilespmem:$0x7080]  }
0x309: {  	v5 =	vld [tilespmem:$0x5080];
	_ =	sdelay $0x3  }
0x30a: {  	v4 =	vshll.u32 v4, $0x4  }
0x30b: {  	v4 =	vadd.s32 v4, v5  }
0x30c: {  	v4 =	vadd.s32 v3, v4;
	_ =	sdelay $0x4  }
0x30d: {  	[tilespmem:v4+s11+$0x0] =	vst.idx.add.f32.msk $0xffff, v2  }
0x30e: {  	v4 =	vld [tilespmem:$0x3100];
	_ =	sdelay $0x1  }
0x30f: {  	v5 =	vld [tilespmem:$0x1100];
	_ =	sdelay $0x2  }
0x310: {  	v4 =	vmul.u32 $0xA, v4;
	_ =	sdelay $0x1  }
0x311: {  	v4 =	vadd.s32 v4, v5  }
0x312: {  	v4 =	vadd.s32 v1, v4;
	_ =	sdelay $0x4  }
0x313: {  	[tilespmem:v4+s10+$0x0] =	vst.idx.add.f32.msk $0xffff, v2  }
0x314: {  	v4 =	vld [tilespmem:$0x7100]  }
0x315: {  	v5 =	vld [tilespmem:$0x5100];
	_ =	sdelay $0x3  }
0x316: {  	v4 =	vshll.u32 v4, $0x4  }
0x317: {  	v4 =	vadd.s32 v4, v5  }
0x318: {  	v4 =	vadd.s32 v3, v4;
	_ =	sdelay $0x4  }
0x319: {  	[tilespmem:v4+s11+$0x0] =	vst.idx.add.f32.msk $0xffff, v2  }
0x31a: {  	v4 =	vld [tilespmem:$0x3180];
	_ =	sdelay $0x1  }
0x31b: {  	v5 =	vld [tilespmem:$0x1180];
	_ =	sdelay $0x2  }
0x31c: {  	v4 =	vmul.u32 $0xA, v4;
	_ =	sdelay $0x1  }
0x31d: {  	v4 =	vadd.s32 v4, v5  }
0x31e: {  	v4 =	vadd.s32 v1, v4;
	_ =	sdelay $0x4  }
0x31f: {  	[tilespmem:v4+s10+$0x0] =	vst.idx.add.f32.msk $0xffff, v2  }
0x320: {  	v4 =	vld [tilespmem:$0x7180]  }
0x321: {  	v5 =	vld [tilespmem:$0x5180];
	_ =	sdelay $0x3  }
0x322: {  	v4 =	vshll.u32 v4, $0x4  }
0x323: {  	v4 =	vadd.s32 v4, v5  }
0x324: {  	v4 =	vadd.s32 v3, v4;
	_ =	sdelay $0x4  }
0x325: {  	[tilespmem:v4+s11+$0x0] =	vst.idx.add.f32.msk $0xffff, v2  }
0x326: {  	v4 =	vld [tilespmem:$0x3200];
	_ =	sdelay $0x1  }
0x327: {  	v5 =	vld [tilespmem:$0x1200];
	_ =	sdelay $0x2  }
0x328: {  	v4 =	vmul.u32 $0xA, v4;
	_ =	sdelay $0x1  }
0x329: {  	v4 =	vadd.s32 v4, v5  }
0x32a: {  	v4 =	vadd.s32 v1, v4;
	_ =	sdelay $0x4  }
0x32b: {  	[tilespmem:v4+s10+$0x0] =	vst.idx.add.f32.msk $0xffff, v2  }
0x32c: {  	v4 =	vld [tilespmem:$0x7200]  }
0x32d: {  	v5 =	vld [tilespmem:$0x5200];
	_ =	sdelay $0x3  }
0x32e: {  	v4 =	vshll.u32 v4, $0x4  }
0x32f: {  	v4 =	vadd.s32 v4, v5  }
0x330: {  	v4 =	vadd.s32 v3, v4;
	_ =	sdelay $0x4  }
0x331: {  	[tilespmem:v4+s11+$0x0] =	vst.idx.add.f32.msk $0xffff, v2  }
0x332: {  	v4 =	vld [tilespmem:$0x3280];
	_ =	sdelay $0x1  }
0x333: {  	v5 =	vld [tilespmem:$0x1280];
	_ =	sdelay $0x2  }
0x334: {  	v4 =	vmul.u32 $0xA, v4;
	_ =	sdelay $0x1  }
0x335: {  	v4 =	vadd.s32 v4, v5  }
0x336: {  	v4 =	vadd.s32 v1, v4;
	_ =	sdelay $0x4  }
0x337: {  	[tilespmem:v4+s10+$0x0] =	vst.idx.add.f32.msk $0xffff, v2  }
0x338: {  	v4 =	vld [tilespmem:$0x7280]  }
0x339: {  	v5 =	vld [tilespmem:$0x5280];
	_ =	sdelay $0x3  }
0x33a: {  	v4 =	vshll.u32 v4, $0x4  }
0x33b: {  	v4 =	vadd.s32 v4, v5  }
0x33c: {  	v4 =	vadd.s32 v3, v4;
	_ =	sdelay $0x4  }
0x33d: {  	[tilespmem:v4+s11+$0x0] =	vst.idx.add.f32.msk $0xffff, v2  }
0x33e: {  	v4 =	vld [tilespmem:$0x3300];
	_ =	sdelay $0x1  }
0x33f: {  	v5 =	vld [tilespmem:$0x1300];
	_ =	sdelay $0x2  }
0x340: {  	v4 =	vmul.u32 $0xA, v4;
	_ =	sdelay $0x1  }
0x341: {  	v4 =	vadd.s32 v4, v5  }
0x342: {  	v4 =	vadd.s32 v1, v4;
	_ =	sdelay $0x4  }
0x343: {  	[tilespmem:v4+s10+$0x0] =	vst.idx.add.f32.msk $0xffff, v2  }
0x344: {  	v4 =	vld [tilespmem:$0x7300]  }
0x345: {  	v5 =	vld [tilespmem:$0x5300];
	_ =	sdelay $0x3  }
0x346: {  	v4 =	vshll.u32 v4, $0x4  }
0x347: {  	v4 =	vadd.s32 v4, v5  }
0x348: {  	v4 =	vadd.s32 v3, v4;
	_ =	sdelay $0x4  }
0x349: {  	[tilespmem:v4+s11+$0x0] =	vst.idx.add.f32.msk $0xffff, v2  }
0x34a: {  	v4 =	vld [tilespmem:$0x3380];
	_ =	sdelay $0x1  }
0x34b: {  	v5 =	vld [tilespmem:$0x1380];
	_ =	sdelay $0x2  }
0x34c: {  	v4 =	vmul.u32 $0xA, v4;
	_ =	sdelay $0x1  }
0x34d: {  	v4 =	vadd.s32 v4, v5  }
0x34e: {  	v4 =	vadd.s32 v1, v4;
	_ =	sdelay $0x4  }
0x34f: {  	[tilespmem:v4+s10+$0x0] =	vst.idx.add.f32.msk $0xffff, v2  }
0x350: {  	v4 =	vld [tilespmem:$0x7380]  }
0x351: {  	v5 =	vld [tilespmem:$0x5380];
	_ =	sdelay $0x3  }
0x352: {  	v4 =	vshll.u32 v4, $0x4  }
0x353: {  	v4 =	vadd.s32 v4, v5  }
0x354: {  	v4 =	vadd.s32 v3, v4;
	_ =	sdelay $0x4  }
0x355: {  	[tilespmem:v4+s11+$0x0] =	vst.idx.add.f32.msk $0xffff, v2  }
0x356: {  	v4 =	vld [tilespmem:$0x3400];
	_ =	sdelay $0x1  }
0x357: {  	v5 =	vld [tilespmem:$0x1400];
	_ =	sdelay $0x2  }
0x358: {  	v4 =	vmul.u32 $0xA, v4;
	_ =	sdelay $0x1  }
0x359: {  	v4 =	vadd.s32 v4, v5  }
0x35a: {  	v4 =	vadd.s32 v1, v4;
	_ =	sdelay $0x4  }
0x35b: {  	[tilespmem:v4+s10+$0x0] =	vst.idx.add.f32.msk $0xffff, v2  }
0x35c: {  	v4 =	vld [tilespmem:$0x7400]  }
0x35d: {  	v5 =	vld [tilespmem:$0x5400];
	_ =	sdelay $0x3  }
0x35e: {  	v4 =	vshll.u32 v4, $0x4  }
0x35f: {  	v4 =	vadd.s32 v4, v5  }
0x360: {  	v4 =	vadd.s32 v3, v4;
	_ =	sdelay $0x4  }
0x361: {  	[tilespmem:v4+s11+$0x0] =	vst.idx.add.f32.msk $0xffff, v2  }
0x362: {  	v4 =	vld [tilespmem:$0x3480];
	_ =	sdelay $0x1  }
0x363: {  	v5 =	vld [tilespmem:$0x1480];
	_ =	sdelay $0x2  }
0x364: {  	v4 =	vmul.u32 $0xA, v4;
	_ =	sdelay $0x1  }
0x365: {  	v4 =	vadd.s32 v4, v5  }
0x366: {  	v4 =	vadd.s32 v1, v4;
	_ =	sdelay $0x4  }
0x367: {  	[tilespmem:v4+s10+$0x0] =	vst.idx.add.f32.msk $0xffff, v2  }
0x368: {  	v4 =	vld [tilespmem:$0x7480]  }
0x369: {  	v5 =	vld [tilespmem:$0x5480];
	_ =	sdelay $0x3  }
0x36a: {  	v4 =	vshll.u32 v4, $0x4  }
0x36b: {  	v4 =	vadd.s32 v4, v5  }
0x36c: {  	v4 =	vadd.s32 v3, v4;
	_ =	sdelay $0x4  }
0x36d: {  	[tilespmem:v4+s11+$0x0] =	vst.idx.add.f32.msk $0xffff, v2  }
0x36e: {  	v4 =	vld [tilespmem:$0x3500];
	_ =	sdelay $0x1  }
0x36f: {  	v5 =	vld [tilespmem:$0x1500];
	_ =	sdelay $0x2  }
0x370: {  	v4 =	vmul.u32 $0xA, v4;
	_ =	sdelay $0x1  }
0x371: {  	v4 =	vadd.s32 v4, v5  }
0x372: {  	v4 =	vadd.s32 v1, v4;
	_ =	sdelay $0x4  }
0x373: {  	[tilespmem:v4+s10+$0x0] =	vst.idx.add.f32.msk $0xffff, v2  }
0x374: {  	v4 =	vld [tilespmem:$0x7500]  }
0x375: {  	v5 =	vld [tilespmem:$0x5500];
	_ =	sdelay $0x3  }
0x376: {  	v4 =	vshll.u32 v4, $0x4  }
0x377: {  	v4 =	vadd.s32 v4, v5  }
0x378: {  	v4 =	vadd.s32 v3, v4;
	_ =	sdelay $0x4  }
0x379: {  	[tilespmem:v4+s11+$0x0] =	vst.idx.add.f32.msk $0xffff, v2  }
0x37a: {  	v4 =	vld [tilespmem:$0x3580];
	_ =	sdelay $0x1  }
0x37b: {  	v5 =	vld [tilespmem:$0x1580];
	_ =	sdelay $0x2  }
0x37c: {  	v4 =	vmul.u32 $0xA, v4;
	_ =	sdelay $0x1  }
0x37d: {  	v4 =	vadd.s32 v4, v5  }
0x37e: {  	v4 =	vadd.s32 v1, v4;
	_ =	sdelay $0x4  }
0x37f: {  	[tilespmem:v4+s10+$0x0] =	vst.idx.add.f32.msk $0xffff, v2  }
0x380: {  	v4 =	vld [tilespmem:$0x7580]  }
0x381: {  	v5 =	vld [tilespmem:$0x5580];
	_ =	sdelay $0x3  }
0x382: {  	v4 =	vshll.u32 v4, $0x4  }
0x383: {  	v4 =	vadd.s32 v4, v5  }
0x384: {  	v4 =	vadd.s32 v3, v4;
	_ =	sdelay $0x4  }
0x385: {  	[tilespmem:v4+s11+$0x0] =	vst.idx.add.f32.msk $0xffff, v2  }
0x386: {  	v4 =	vld [tilespmem:$0x3600];
	_ =	sdelay $0x1  }
0x387: {  	v5 =	vld [tilespmem:$0x1600];
	_ =	sdelay $0x2  }
0x388: {  	v4 =	vmul.u32 $0xA, v4;
	_ =	sdelay $0x1  }
0x389: {  	v4 =	vadd.s32 v4, v5  }
0x38a: {  	v4 =	vadd.s32 v1, v4;
	_ =	sdelay $0x4  }
0x38b: {  	[tilespmem:v4+s10+$0x0] =	vst.idx.add.f32.msk $0xffff, v2  }
0x38c: {  	v4 =	vld [tilespmem:$0x7600]  }
0x38d: {  	v5 =	vld [tilespmem:$0x5600];
	_ =	sdelay $0x3  }
0x38e: {  	v4 =	vshll.u32 v4, $0x4  }
0x38f: {  	v4 =	vadd.s32 v4, v5  }
0x390: {  	v4 =	vadd.s32 v3, v4;
	_ =	sdelay $0x4  }
0x391: {  	[tilespmem:v4+s11+$0x0] =	vst.idx.add.f32.msk $0xffff, v2  }
0x392: {  	v4 =	vld [tilespmem:$0x3680];
	_ =	sdelay $0x1  }
0x393: {  	v5 =	vld [tilespmem:$0x1680];
	_ =	sdelay $0x2  }
0x394: {  	v4 =	vmul.u32 $0xA, v4;
	_ =	sdelay $0x1  }
0x395: {  	v4 =	vadd.s32 v4, v5  }
0x396: {  	v4 =	vadd.s32 v1, v4;
	_ =	sdelay $0x4  }
0x397: {  	[tilespmem:v4+s10+$0x0] =	vst.idx.add.f32.msk $0xffff, v2  }
0x398: {  	v4 =	vld [tilespmem:$0x7680]  }
0x399: {  	v5 =	vld [tilespmem:$0x5680];
	_ =	sdelay $0x3  }
0x39a: {  	v4 =	vshll.u32 v4, $0x4  }
0x39b: {  	v4 =	vadd.s32 v4, v5  }
0x39c: {  	v4 =	vadd.s32 v3, v4;
	_ =	sdelay $0x4  }
0x39d: {  	[tilespmem:v4+s11+$0x0] =	vst.idx.add.f32.msk $0xffff, v2  }
0x39e: {  	v4 =	vld [tilespmem:$0x3700];
	_ =	sdelay $0x1  }
0x39f: {  	v5 =	vld [tilespmem:$0x1700];
	_ =	sdelay $0x2  }
0x3a0: {  	v4 =	vmul.u32 $0xA, v4;
	_ =	sdelay $0x1  }
0x3a1: {  	v4 =	vadd.s32 v4, v5  }
0x3a2: {  	v4 =	vadd.s32 v1, v4;
	_ =	sdelay $0x4  }
0x3a3: {  	[tilespmem:v4+s10+$0x0] =	vst.idx.add.f32.msk $0xffff, v2  }
0x3a4: {  	v4 =	vld [tilespmem:$0x7700]  }
0x3a5: {  	v5 =	vld [tilespmem:$0x5700];
	_ =	sdelay $0x3  }
0x3a6: {  	v4 =	vshll.u32 v4, $0x4  }
0x3a7: {  	v4 =	vadd.s32 v4, v5  }
0x3a8: {  	v4 =	vadd.s32 v3, v4;
	_ =	sdelay $0x4  }
0x3a9: {  	[tilespmem:v4+s11+$0x0] =	vst.idx.add.f32.msk $0xffff, v2  }
0x3aa: {  	v4 =	vld [tilespmem:$0x3780];
	_ =	sdelay $0x1  }
0x3ab: {  	v5 =	vld [tilespmem:$0x1780];
	_ =	sdelay $0x2  }
0x3ac: {  	v4 =	vmul.u32 $0xA, v4;
	_ =	sdelay $0x1  }
0x3ad: {  	v4 =	vadd.s32 v4, v5  }
0x3ae: {  	v4 =	vadd.s32 v1, v4;
	_ =	sdelay $0x4  }
0x3af: {  	[tilespmem:v4+s10+$0x0] =	vst.idx.add.f32.msk $0xffff, v2  }
0x3b0: {  	v4 =	vld [tilespmem:$0x7780]  }
0x3b1: {  	v5 =	vld [tilespmem:$0x5780];
	_ =	sdelay $0x3  }
0x3b2: {  	v4 =	vshll.u32 v4, $0x4  }
0x3b3: {  	v4 =	vadd.s32 v4, v5  }
0x3b4: {  	v4 =	vadd.s32 v3, v4;
	_ =	sdelay $0x4  }
0x3b5: {  	[tilespmem:v4+s11+$0x0] =	vst.idx.add.f32.msk $0xffff, v2  }
0x3b6: {  	v4 =	vld [tilespmem:$0x3800];
	_ =	sdelay $0x1  }
0x3b7: {  	v5 =	vld [tilespmem:$0x1800];
	_ =	sdelay $0x2  }
0x3b8: {  	v4 =	vmul.u32 $0xA, v4;
	_ =	sdelay $0x1  }
0x3b9: {  	v4 =	vadd.s32 v4, v5  }
0x3ba: {  	v4 =	vadd.s32 v1, v4;
	_ =	sdelay $0x4  }
0x3bb: {  	[tilespmem:v4+s10+$0x0] =	vst.idx.add.f32.msk $0xffff, v2  }
0x3bc: {  	v4 =	vld [tilespmem:$0x7800]  }
0x3bd: {  	v5 =	vld [tilespmem:$0x5800];
	_ =	sdelay $0x3  }
0x3be: {  	v4 =	vshll.u32 v4, $0x4  }
0x3bf: {  	v4 =	vadd.s32 v4, v5  }
0x3c0: {  	v4 =	vadd.s32 v3, v4;
	_ =	sdelay $0x4  }
0x3c1: {  	[tilespmem:v4+s11+$0x0] =	vst.idx.add.f32.msk $0xffff, v2  }
0x3c2: {  	v4 =	vld [tilespmem:$0x3880];
	_ =	sdelay $0x1  }
0x3c3: {  	v5 =	vld [tilespmem:$0x1880];
	_ =	sdelay $0x2  }
0x3c4: {  	v4 =	vmul.u32 $0xA, v4;
	_ =	sdelay $0x1  }
0x3c5: {  	v4 =	vadd.s32 v4, v5  }
0x3c6: {  	v4 =	vadd.s32 v1, v4;
	_ =	sdelay $0x4  }
0x3c7: {  	[tilespmem:v4+s10+$0x0] =	vst.idx.add.f32.msk $0xffff, v2  }
0x3c8: {  	v4 =	vld [tilespmem:$0x7880]  }
0x3c9: {  	v5 =	vld [tilespmem:$0x5880];
	_ =	sdelay $0x3  }
0x3ca: {  	v4 =	vshll.u32 v4, $0x4  }
0x3cb: {  	v4 =	vadd.s32 v4, v5  }
0x3cc: {  	v4 =	vadd.s32 v3, v4;
	_ =	sdelay $0x4  }
0x3cd: {  	[tilespmem:v4+s11+$0x0] =	vst.idx.add.f32.msk $0xffff, v2  }
0x3ce: {  	v4 =	vld [tilespmem:$0x3900];
	_ =	sdelay $0x1  }
0x3cf: {  	v5 =	vld [tilespmem:$0x1900];
	_ =	sdelay $0x2  }
0x3d0: {  	v4 =	vmul.u32 $0xA, v4;
	_ =	sdelay $0x1  }
0x3d1: {  	v4 =	vadd.s32 v4, v5  }
0x3d2: {  	v4 =	vadd.s32 v1, v4;
	_ =	sdelay $0x4  }
0x3d3: {  	[tilespmem:v4+s10+$0x0] =	vst.idx.add.f32.msk $0xffff, v2  }
0x3d4: {  	v4 =	vld [tilespmem:$0x7900]  }
0x3d5: {  	v5 =	vld [tilespmem:$0x5900];
	_ =	sdelay $0x3  }
0x3d6: {  	v4 =	vshll.u32 v4, $0x4  }
0x3d7: {  	v4 =	vadd.s32 v4, v5  }
0x3d8: {  	v4 =	vadd.s32 v3, v4;
	_ =	sdelay $0x4  }
0x3d9: {  	[tilespmem:v4+s11+$0x0] =	vst.idx.add.f32.msk $0xffff, v2  }
0x3da: {  	v4 =	vld [tilespmem:$0x3980];
	_ =	sdelay $0x1  }
0x3db: {  	v5 =	vld [tilespmem:$0x1980];
	_ =	sdelay $0x2  }
0x3dc: {  	v4 =	vmul.u32 $0xA, v4;
	_ =	sdelay $0x1  }
0x3dd: {  	v4 =	vadd.s32 v4, v5  }
0x3de: {  	v4 =	vadd.s32 v1, v4;
	_ =	sdelay $0x4  }
0x3df: {  	[tilespmem:v4+s10+$0x0] =	vst.idx.add.f32.msk $0xffff, v2  }
0x3e0: {  	v4 =	vld [tilespmem:$0x7980]  }
0x3e1: {  	v5 =	vld [tilespmem:$0x5980];
	_ =	sdelay $0x3  }
0x3e2: {  	v4 =	vshll.u32 v4, $0x4  }
0x3e3: {  	v4 =	vadd.s32 v4, v5  }
0x3e4: {  	v4 =	vadd.s32 v3, v4;
	_ =	sdelay $0x4  }
0x3e5: {  	[tilespmem:v4+s11+$0x0] =	vst.idx.add.f32.msk $0xffff, v2  }
0x3e6: {  	v4 =	vld [tilespmem:$0x3A00];
	_ =	sdelay $0x1  }
0x3e7: {  	v5 =	vld [tilespmem:$0x1A00];
	_ =	sdelay $0x2  }
0x3e8: {  	v4 =	vmul.u32 $0xA, v4;
	_ =	sdelay $0x1  }
0x3e9: {  	v4 =	vadd.s32 v4, v5  }
0x3ea: {  	v4 =	vadd.s32 v1, v4;
	_ =	sdelay $0x4  }
0x3eb: {  	[tilespmem:v4+s10+$0x0] =	vst.idx.add.f32.msk $0xffff, v2  }
0x3ec: {  	v4 =	vld [tilespmem:$0x7A00]  }
0x3ed: {  	v5 =	vld [tilespmem:$0x5A00];
	_ =	sdelay $0x3  }
0x3ee: {  	v4 =	vshll.u32 v4, $0x4  }
0x3ef: {  	v4 =	vadd.s32 v4, v5  }
0x3f0: {  	v4 =	vadd.s32 v3, v4;
	_ =	sdelay $0x4  }
0x3f1: {  	[tilespmem:v4+s11+$0x0] =	vst.idx.add.f32.msk $0xffff, v2  }
0x3f2: {  	v4 =	vld [tilespmem:$0x3A80];
	_ =	sdelay $0x1  }
0x3f3: {  	v5 =	vld [tilespmem:$0x1A80];
	_ =	sdelay $0x2  }
0x3f4: {  	v4 =	vmul.u32 $0xA, v4;
	_ =	sdelay $0x1  }
0x3f5: {  	v4 =	vadd.s32 v4, v5  }
0x3f6: {  	v4 =	vadd.s32 v1, v4;
	_ =	sdelay $0x4  }
0x3f7: {  	[tilespmem:v4+s10+$0x0] =	vst.idx.add.f32.msk $0xffff, v2  }
0x3f8: {  	v4 =	vld [tilespmem:$0x7A80]  }
0x3f9: {  	v5 =	vld [tilespmem:$0x5A80];
	_ =	sdelay $0x3  }
0x3fa: {  	v4 =	vshll.u32 v4, $0x4  }
0x3fb: {  	v4 =	vadd.s32 v4, v5  }
0x3fc: {  	v4 =	vadd.s32 v3, v4;
	_ =	sdelay $0x4  }
0x3fd: {  	[tilespmem:v4+s11+$0x0] =	vst.idx.add.f32.msk $0xffff, v2  }
0x3fe: {  	v4 =	vld [tilespmem:$0x3B00];
	_ =	sdelay $0x1  }
0x3ff: {  	v5 =	vld [tilespmem:$0x1B00];
	_ =	sdelay $0x2  }
0x400: {  	v4 =	vmul.u32 $0xA, v4;
	_ =	sdelay $0x1  }
0x401: {  	v4 =	vadd.s32 v4, v5  }
0x402: {  	v4 =	vadd.s32 v1, v4;
	_ =	sdelay $0x4  }
0x403: {  	[tilespmem:v4+s10+$0x0] =	vst.idx.add.f32.msk $0xffff, v2  }
0x404: {  	v4 =	vld [tilespmem:$0x7B00]  }
0x405: {  	v5 =	vld [tilespmem:$0x5B00];
	_ =	sdelay $0x3  }
0x406: {  	v4 =	vshll.u32 v4, $0x4  }
0x407: {  	v4 =	vadd.s32 v4, v5  }
0x408: {  	v4 =	vadd.s32 v3, v4;
	_ =	sdelay $0x4  }
0x409: {  	[tilespmem:v4+s11+$0x0] =	vst.idx.add.f32.msk $0xffff, v2  }
0x40a: {  	v4 =	vld [tilespmem:$0x3B80];
	_ =	sdelay $0x1  }
0x40b: {  	v5 =	vld [tilespmem:$0x1B80];
	_ =	sdelay $0x2  }
0x40c: {  	v4 =	vmul.u32 $0xA, v4;
	_ =	sdelay $0x1  }
0x40d: {  	v4 =	vadd.s32 v4, v5  }
0x40e: {  	v4 =	vadd.s32 v1, v4;
	_ =	sdelay $0x4  }
0x40f: {  	[tilespmem:v4+s10+$0x0] =	vst.idx.add.f32.msk $0xffff, v2  }
0x410: {  	v4 =	vld [tilespmem:$0x7B80]  }
0x411: {  	v5 =	vld [tilespmem:$0x5B80];
	_ =	sdelay $0x3  }
0x412: {  	v4 =	vshll.u32 v4, $0x4  }
0x413: {  	v4 =	vadd.s32 v4, v5  }
0x414: {  	v4 =	vadd.s32 v3, v4;
	_ =	sdelay $0x4  }
0x415: {  	[tilespmem:v4+s11+$0x0] =	vst.idx.add.f32.msk $0xffff, v2  }
0x416: {  	v4 =	vld [tilespmem:$0x3C00];
	_ =	sdelay $0x1  }
0x417: {  	v5 =	vld [tilespmem:$0x1C00];
	_ =	sdelay $0x2  }
0x418: {  	v4 =	vmul.u32 $0xA, v4;
	_ =	sdelay $0x1  }
0x419: {  	v4 =	vadd.s32 v4, v5  }
0x41a: {  	v4 =	vadd.s32 v1, v4;
	_ =	sdelay $0x4  }
0x41b: {  	[tilespmem:v4+s10+$0x0] =	vst.idx.add.f32.msk $0xffff, v2  }
0x41c: {  	v4 =	vld [tilespmem:$0x7C00]  }
0x41d: {  	v5 =	vld [tilespmem:$0x5C00];
	_ =	sdelay $0x3  }
0x41e: {  	v4 =	vshll.u32 v4, $0x4  }
0x41f: {  	v4 =	vadd.s32 v4, v5  }
0x420: {  	v4 =	vadd.s32 v3, v4;
	_ =	sdelay $0x4  }
0x421: {  	[tilespmem:v4+s11+$0x0] =	vst.idx.add.f32.msk $0xffff, v2  }
0x422: {  	v4 =	vld [tilespmem:$0x3C80];
	_ =	sdelay $0x1  }
0x423: {  	v5 =	vld [tilespmem:$0x1C80];
	_ =	sdelay $0x2  }
0x424: {  	v4 =	vmul.u32 $0xA, v4;
	_ =	sdelay $0x1  }
0x425: {  	v4 =	vadd.s32 v4, v5  }
0x426: {  	v4 =	vadd.s32 v1, v4;
	_ =	sdelay $0x4  }
0x427: {  	[tilespmem:v4+s10+$0x0] =	vst.idx.add.f32.msk $0xffff, v2  }
0x428: {  	v4 =	vld [tilespmem:$0x7C80]  }
0x429: {  	v5 =	vld [tilespmem:$0x5C80];
	_ =	sdelay $0x3  }
0x42a: {  	v4 =	vshll.u32 v4, $0x4  }
0x42b: {  	v4 =	vadd.s32 v4, v5  }
0x42c: {  	v4 =	vadd.s32 v3, v4;
	_ =	sdelay $0x4  }
0x42d: {  	[tilespmem:v4+s11+$0x0] =	vst.idx.add.f32.msk $0xffff, v2  }
0x42e: {  	v4 =	vld [tilespmem:$0x3D00];
	_ =	sdelay $0x1  }
0x42f: {  	v5 =	vld [tilespmem:$0x1D00];
	_ =	sdelay $0x2  }
0x430: {  	v4 =	vmul.u32 $0xA, v4;
	_ =	sdelay $0x1  }
0x431: {  	v4 =	vadd.s32 v4, v5  }
0x432: {  	v4 =	vadd.s32 v1, v4;
	_ =	sdelay $0x4  }
0x433: {  	[tilespmem:v4+s10+$0x0] =	vst.idx.add.f32.msk $0xffff, v2  }
0x434: {  	v4 =	vld [tilespmem:$0x7D00]  }
0x435: {  	v5 =	vld [tilespmem:$0x5D00];
	_ =	sdelay $0x3  }
0x436: {  	v4 =	vshll.u32 v4, $0x4  }
0x437: {  	v4 =	vadd.s32 v4, v5  }
0x438: {  	v4 =	vadd.s32 v3, v4;
	_ =	sdelay $0x4  }
0x439: {  	[tilespmem:v4+s11+$0x0] =	vst.idx.add.f32.msk $0xffff, v2  }
0x43a: {  	v4 =	vld [tilespmem:$0x3D80];
	_ =	sdelay $0x1  }
0x43b: {  	v5 =	vld [tilespmem:$0x1D80];
	_ =	sdelay $0x2  }
0x43c: {  	v4 =	vmul.u32 $0xA, v4;
	_ =	sdelay $0x1  }
0x43d: {  	v4 =	vadd.s32 v4, v5  }
0x43e: {  	v4 =	vadd.s32 v1, v4;
	_ =	sdelay $0x4  }
0x43f: {  	[tilespmem:v4+s10+$0x0] =	vst.idx.add.f32.msk $0xffff, v2  }
0x440: {  	v4 =	vld [tilespmem:$0x7D80]  }
0x441: {  	v5 =	vld [tilespmem:$0x5D80];
	_ =	sdelay $0x3  }
0x442: {  	v4 =	vshll.u32 v4, $0x4  }
0x443: {  	v4 =	vadd.s32 v4, v5  }
0x444: {  	v4 =	vadd.s32 v3, v4;
	_ =	sdelay $0x4  }
0x445: {  	[tilespmem:v4+s11+$0x0] =	vst.idx.add.f32.msk $0xffff, v2  }
0x446: {  	v4 =	vld [tilespmem:$0x3E00];
	_ =	sdelay $0x1  }
0x447: {  	v5 =	vld [tilespmem:$0x1E00];
	_ =	sdelay $0x2  }
0x448: {  	v4 =	vmul.u32 $0xA, v4;
	_ =	sdelay $0x1  }
0x449: {  	v4 =	vadd.s32 v4, v5  }
0x44a: {  	v4 =	vadd.s32 v1, v4;
	_ =	sdelay $0x4  }
0x44b: {  	[tilespmem:v4+s10+$0x0] =	vst.idx.add.f32.msk $0xffff, v2  }
0x44c: {  	v4 =	vld [tilespmem:$0x7E00]  }
0x44d: {  	v5 =	vld [tilespmem:$0x5E00];
	_ =	sdelay $0x3  }
0x44e: {  	v4 =	vshll.u32 v4, $0x4  }
0x44f: {  	v4 =	vadd.s32 v4, v5  }
0x450: {  	v4 =	vadd.s32 v3, v4;
	_ =	sdelay $0x4  }
0x451: {  	[tilespmem:v4+s11+$0x0] =	vst.idx.add.f32.msk $0xffff, v2  }
0x452: {  	v4 =	vld [tilespmem:$0x3E80];
	_ =	sdelay $0x1  }
0x453: {  	v5 =	vld [tilespmem:$0x1E80];
	_ =	sdelay $0x2  }
0x454: {  	v4 =	vmul.u32 $0xA, v4;
	_ =	sdelay $0x1  }
0x455: {  	v4 =	vadd.s32 v4, v5  }
0x456: {  	v4 =	vadd.s32 v1, v4;
	_ =	sdelay $0x4  }
0x457: {  	[tilespmem:v4+s10+$0x0] =	vst.idx.add.f32.msk $0xffff, v2  }
0x458: {  	v4 =	vld [tilespmem:$0x7E80]  }
0x459: {  	v5 =	vld [tilespmem:$0x5E80];
	_ =	sdelay $0x3  }
0x45a: {  	v4 =	vshll.u32 v4, $0x4  }
0x45b: {  	v4 =	vadd.s32 v4, v5  }
0x45c: {  	v4 =	vadd.s32 v3, v4;
	_ =	sdelay $0x4  }
0x45d: {  	[tilespmem:v4+s11+$0x0] =	vst.idx.add.f32.msk $0xffff, v2  }
0x45e: {  	v4 =	vld [tilespmem:$0x3F00];
	_ =	sdelay $0x1  }
0x45f: {  	v5 =	vld [tilespmem:$0x1F00];
	_ =	sdelay $0x2  }
0x460: {  	v4 =	vmul.u32 $0xA, v4;
	_ =	sdelay $0x1  }
0x461: {  	v4 =	vadd.s32 v4, v5  }
0x462: {  	v4 =	vadd.s32 v1, v4;
	_ =	sdelay $0x4  }
0x463: {  	[tilespmem:v4+s10+$0x0] =	vst.idx.add.f32.msk $0xffff, v2  }
0x464: {  	v4 =	vld [tilespmem:$0x7F00]  }
0x465: {  	v5 =	vld [tilespmem:$0x5F00];
	_ =	sdelay $0x3  }
0x466: {  	v4 =	vshll.u32 v4, $0x4  }
0x467: {  	v4 =	vadd.s32 v4, v5  }
0x468: {  	v4 =	vadd.s32 v3, v4;
	_ =	sdelay $0x4  }
0x469: {  	[tilespmem:v4+s11+$0x0] =	vst.idx.add.f32.msk $0xffff, v2  }
0x46a: {  	v4 =	vld [tilespmem:$0x3F80];
	_ =	sdelay $0x1  }
0x46b: {  	v5 =	vld [tilespmem:$0x1F80];
	_ =	sdelay $0x2  }
0x46c: {  	v4 =	vmul.u32 $0xA, v4;
	_ =	sdelay $0x1  }
0x46d: {  	v4 =	vadd.s32 v4, v5  }
0x46e: {  	v4 =	vadd.s32 v1, v4;
	_ =	sdelay $0x4  }
0x46f: {  	[tilespmem:v4+s10+$0x0] =	vst.idx.add.f32.msk $0xffff, v2  }
0x470: {  	v4 =	vld [tilespmem:$0x7F80]  }
0x471: {  	v5 =	vld [tilespmem:$0x5F80];
	_ =	sdelay $0x3  }
0x472: {  	v4 =	vshll.u32 v4, $0x4  }
0x473: {  	v4 =	vadd.s32 v4, v5  }
0x474: {  	v4 =	vadd.s32 v3, v4;
	_ =	sdelay $0x4  }
0x475: {  	[tilespmem:v4+s11+$0x0] =	vst.idx.add.f32.msk $0xffff, v2  }
0x476: {  	[hbm4b:s13+s2] =	stream.linear.scatter [tilespmem:s10], [sflag:$0x1], $0x640, $0x38;
	[tilespmem:$0x9680] =	vst v63  }
0x477: {  	_ =	swait.ge [sflag:s8], $0x640  }
0x478: {  	p0 =	sne.s32 s15, $0x7800;
	[sflag:s8] =	ssyncset.done $0x0  }
.Ltmp0:
0x479: {  	[sflag:s8] =	ssyncadd.s32 $0xFFFFF9C0;
	(pc) =	sbr.rel @p0 .LBB2_2-.Ltmp0, $4  }
0x47a: {  	[hbm4b:s14+s2] =	stream.linear.scatter [tilespmem:s11], [sflag:$0x1], $0x1000, $0x38;
	[tilespmem:$0x9680] =	vst v63  }
0x47b: {  	_ =	swait.ge [sflag:s8], $0x1000  }
0x47c: {  	s15 =	sadd.s32 $0x800, s15;
	[sflag:s8] =	ssyncset.done $0x0  }
0x47d: {  	s13 =	sadd.s32 $0xC8, s13;
	s14 =	sadd.s32 $0x200, s14;
	[sflag:s8] =	ssyncadd.s32 $0xFFFFF000  }
0x47e: {  	s12 =	sadd.s32 $0x1, s12  }
0x47f: {  	p0 =	sne.s32 s12, s3  }
.Ltmp1:
0x480: {  	_ = 	snop;
	(pc) =	sbr.rel @p0 .LBB2_1-.Ltmp1, $1  }
0x481: {  	_ =	sdelay $0x3  }
0x482: {  	_ =	sfence.sel $0x180000  }
0x483: {  	[bflag:$0x0] =	sbarrier.arrive $0xFFFF  }
0x484: {  	p0 =	sne.s32 s1, $0x0;
	_ =	strace $0x90000047  }
0x485: {  	s0 =	sadd.s32 @!p0 $0x100000, s0;
	[bflag:$0x2] =	sbarrier.arrive $0xFFFF  }
0x486: {  	[sflag:s0] =	ssyncadd.tile.s32 @!p0 $0x1;
	_ =	shalt  }
.Lfunc_end2:
_tile_overlayer_lowered:
.L_overlay_start_2:
0x487: {  	(tag) =	ssettag $0x2  }
0x488: {  	s0 =	rddreg [dreg:$0x0];
	s2 =	stileid.u32  }
0x489: {  	s1 =	rddreg [dreg:$0x1];
	p0 =	sne.s32 s2, $0x0  }
0x48a: {  	s3 =	rddreg [dreg:$0x2];
	[bflag:$0x3] =	sbarrier.arrive $0xFFFF;
	s2 =	simm.s32 @!p0 $0x1C01  }
0x48b: {  	[timem:s3], [sflag:s2] =	dma.local @!p0 [hbm:s0], s1  }
0x48c: {  	s0 =	simm.s32 @!p0 $0x1  }
0x48d: {  	_ =	swait.ge @!p0 [sflag:s0], s1  }
0x48e: {  	s1 =	ssub.s32 @!p0 $0x0, s1;
	[sflag:s0] =	ssyncset.done @!p0 $0x0  }
0x48f: {  	[sflag:s0] =	ssyncadd.s32 @!p0 s1  }
0x490: {  	[bflag:$0x3] =	sbarrier.arrive $0xFFFF  }
0x491: {  	_ =	shalt  }

</sc_bundles>
